<compile_context>
chip_gen: v7x
topology: tpu7x:2x2x1
jax: 0.10.2.dev20260603
libtpu: 0.0.44.dev20260713+nightly
codegen_flags: <defaults>
</compile_context>

<pallas_src>
import functools

import jax
import jax.numpy as jnp
from jax import lax
from jax.experimental import pallas as pl
from jax.experimental.pallas import tpu as pltpu
from jax.experimental.pallas import tpu_sc as plsc

NSLOT = 10
NFEAT = 11
XCOL = 32
TROW = 128
IDX_MINOR = 64


@functools.cache
def _build(B, V, D, DOUT):
    NC, NS = 2, 16
    NW = NC * NS
    BPW = B // NW
    CC = 32
    NCH = BPW // CC
    NP = NCH // 2
    NG = (CC * NSLOT) // IDX_MINOR
    IPW = (BPW * NSLOT) // IDX_MINOR
    ND = D // 16

    mesh = plsc.VectorSubcoreMesh(core_axis_name="c", subcore_axis_name="s")

    @functools.partial(
        pl.kernel,
        mesh=mesh,
        compiler_params=pltpu.CompilerParams(
            use_tc_tiling_on_sc=False, needs_layout_passes=False),
        out_type=jax.ShapeDtypeStruct((B, DOUT), jnp.float32),
        scratch_types=[
            pltpu.VMEM((BPW, XCOL), jnp.float32),
            pltpu.VMEM((IPW, IDX_MINOR), jnp.int32),
            pltpu.VMEM((2, CC * NSLOT, TROW), jnp.float32),
            pltpu.VMEM((2, CC, DOUT), jnp.float32),
            pltpu.VMEM((NFEAT, D), jnp.float32),
            pltpu.SemaphoreType.DMA,
            pltpu.SemaphoreType.DMA,
            pltpu.SemaphoreType.DMA,
            pltpu.SemaphoreType.DMA,
        ],
    )
    def enc(x_hbm, table_hbm, wl_hbm, out_hbm,
            x_v, idx_v, rows_v, out_v, wl_v, gsem0, gsem1, osem0, osem1):
        wid = lax.axis_index("s") * NC + lax.axis_index("c")
        base = wid * BPW
        gsems = [gsem0, gsem1]
        osems = [osem0, osem1]
        pltpu.sync_copy(x_hbm.at[pl.ds(base, BPW)], x_v)
        pltpu.sync_copy(wl_hbm, wl_v)

        lane = lax.iota(jnp.int32, 16)

        def extract_body(g, carry):
            for h in range(IDX_MINOR // 16):
                p = g * IDX_MINOR + h * 16 + lane
                r = p // NSLOT
                c = 2 * (p - NSLOT * r)
                vals = plsc.load_gather(x_v, [r, c])
                idx_v[g, pl.ds(h * 16, 16)] = vals.astype(jnp.int32)
            return carry

        lax.fori_loop(0, IPW, extract_body, 0, unroll=2)

        wcol = 1 + 2 * lane
        xcol = jnp.minimum(20 + lane, XCOL - 1)

        def gather_descs(ci, buf):
            return [
                pltpu.make_async_copy(
                    table_hbm.at[idx_v.at[ci * NG + g]],
                    rows_v.at[buf].at[pl.ds(g * IDX_MINOR, IDX_MINOR)],
                    gsems[buf],
                )
                for g in range(NG)
            ]

        def fire_gathers(ci, buf):
            for d in gather_descs(ci, buf):
                d.start()

        def out_desc(ci, buf):
            return pltpu.make_async_copy(
                out_v.at[buf], out_hbm.at[pl.ds(base + ci * CC, CC)], osems[buf])

        def compute_chunk(ci, buf):
            def row_body(i, carry):
                row = ci * CC + i
                rsplat = jnp.full((16,), row, jnp.int32)
                wrow = plsc.load_gather(x_v, [rsplat, wcol])
                xrow = plsc.load_gather(x_v, [rsplat, xcol])
                r0 = i * NSLOT
                w0 = wrow[0]
                accs = [w0 * rows_v[buf, r0, pl.ds(d * 16, 16)] for d in range(ND)]
                for j in range(1, NSLOT):
                    wgt = wrow[j]
                    r = r0 + j
                    for d in range(ND):
                        accs[d] = accs[d] + wgt * rows_v[buf, r, pl.ds(d * 16, 16)]
                x0 = xrow[0]
                lins = [x0 * wl_v[0, pl.ds(d * 16, 16)] for d in range(ND)]
                for k in range(1, NFEAT):
                    xk = xrow[k]
                    for d in range(ND):
                        lins[d] = lins[d] + xk * wl_v[k, pl.ds(d * 16, 16)]
                for d in range(ND):
                    out_v[buf, i, pl.ds(d * 16, 16)] = accs[d]
                    out_v[buf, i, pl.ds(D + d * 16, 16)] = lins[d]
                return carry

            lax.fori_loop(0, CC, row_body, 0, unroll=2)

        fire_gathers(0, 0)

        def pair_body(cp, carry):
            c0 = 2 * cp
            c1 = c0 + 1
            fire_gathers(c1, 1)
            for d in gather_descs(c0, 0):
                d.wait()

            @pl.when(cp >= 1)
            def _():
                out_desc(c0 - 2, 0).wait()

            compute_chunk(c0, 0)
            out_desc(c0, 0).start()

            @pl.when(cp < NP - 1)
            def _():
                fire_gathers(c0 + 2, 0)

            for d in gather_descs(c1, 1):
                d.wait()

            @pl.when(cp >= 1)
            def _():
                out_desc(c1 - 2, 1).wait()

            compute_chunk(c1, 1)
            out_desc(c1, 1).start()
            return carry

        lax.fori_loop(0, NP, pair_body, 0)
        out_desc(NCH - 2, 0).wait()
        out_desc(NCH - 1, 1).wait()

    return enc


def kernel(x, table, W_lin):
    B = x.shape[0]
    V, D = table.shape
    DOUT = D + W_lin.shape[0]
    xp = jnp.pad(x, ((0, 0), (0, XCOL - x.shape[1])))
    tp = jnp.pad(table, ((0, 0), (0, TROW - D)))
    w_pre = (W_lin.T * (1.0 / 255.0)).astype(jnp.float32)
    enc = _build(B, V, D, DOUT)
    return enc(xp, tp, w_pre)

# --- scband reference (transcript-rebuilt; emitter-appended) ---
"""Pipeline reference for scband-vector-encoding-21818433864032 (READ-ONLY COPY).

The authoritative reference and input builder live on the scoring server;
editing this copy changes nothing except your own understanding.
"""

import jax, jax.numpy as jnp
import numpy as np

VOCAB = 100000
EMB = 64
OUT = 128
B = 16384

def setup_inputs(seed: int = 0) -> dict:
    key = jax.random.key(seed)
    k1, k2, k3 = jax.random.split(key, 3)
    # x packs: cols 0,2,...,18 = embedding indices; cols 1,3,...,19 = per-slot weights;
    # cols 20..30 = 11 raw dense features (divided by 255 in forward).
    x = jax.random.randint(k1, (B, 31), 0, VOCAB).astype(jnp.float32)
    table = jax.random.normal(k2, (VOCAB, EMB), dtype=jnp.float32) * 0.02
    # torch nn.Linear(11, OUT-EMB, bias=False) weight shape: [OUT-EMB, 11]
    W_lin = jax.random.normal(k3, (OUT - EMB, 11), dtype=jnp.float32) * (1.0 / np.sqrt(11.0))
    return {"x": x, "table": table, "W_lin": W_lin}

def reference(x, table, W_lin):
    # 10 gathers: idx = x[:, 2i].long(), weight = x[:, 2i+1]
    idx = jax.lax.stop_gradient(x[:, 0:20:2]).astype(jnp.int32)   # [B, 10]
    w = x[:, 1:20:2]                                              # [B, 10]
    emb = jnp.take(table, idx, axis=0) * w[..., None]             # [B, 10, EMB]
    summed = jnp.sum(emb, axis=-2)                                # [B, EMB]
    lin = jnp.dot(x[:, 20:31] / 255.0, W_lin.T)                   # [B, OUT-EMB]
    return jnp.concatenate([summed, lin], axis=-1)                # [B, OUT]

if __name__ == "__main__":
    import jax
    _d = setup_inputs()
    print(jax.jit(kernel)(*tuple(_d.values())))

</pallas_src>

<mosaic_0001>
#map = affine_map<(d0, d1) -> (0, 0)>
module attributes {stable_mosaic.version = 14 : i64} {
  func.func @enc(%arg0: i32, %arg1: i32, %arg2: memref<16384x32xf32, #tpu.memory_space<hbm>>, %arg3: memref<100000x128xf32, #tpu.memory_space<hbm>>, %arg4: memref<11x64xf32, #tpu.memory_space<hbm>>, %arg5: memref<16384x128xf32, #tpu.memory_space<hbm>>, %arg6: memref<512x32xf32, #tpu.memory_space<vmem>>, %arg7: memref<80x64xi32, #tpu.memory_space<vmem>>, %arg8: memref<2x320x128xf32, #tpu.memory_space<vmem>>, %arg9: memref<2x32x128xf32, #tpu.memory_space<vmem>>, %arg10: memref<11x64xf32, #tpu.memory_space<vmem>>, %arg11: memref<!tpu.dma_semaphore, #tpu.memory_space<semaphore_mem>>, %arg12: memref<!tpu.dma_semaphore, #tpu.memory_space<semaphore_mem>>, %arg13: memref<!tpu.dma_semaphore, #tpu.memory_space<semaphore_mem>>, %arg14: memref<!tpu.dma_semaphore, #tpu.memory_space<semaphore_mem>>) attributes {dimension_semantics = [#tpu.dimension_semantics<core_parallel>, #tpu.dimension_semantics<subcore_parallel>], iteration_bounds = array<i64: 2, 16>, scalar_prefetch = 0 : i64, scratch_operands = 9 : i64, tpu.core_type = #tpu.core_type<sc_vector_subcore>, window_params = [{transform_indices = #map}, {transform_indices = #map}, {transform_indices = #map}, {transform_indices = #map}]} {
    %mul3A = arith.constant 2 : i32
    %mul3A_0 = arith.muli %arg1, %mul3A : i32
    %add3A = arith.addi %mul3A_0, %arg0 : i32
    %mul3A_1 = arith.constant 512 : i32
    %mul3A_2 = arith.muli %add3A, %mul3A_1 : i32
    "tpu.region"() ({
      %run_scoped3A = tpu.sem_alloc : memref<!tpu.dma_semaphore, #tpu.memory_space<semaphore_mem>>
      %dma_start3A_128 = arith.constant 0 : i32
      %dma_start3A_129 = tpu.memref_slice %arg2[%mul3A_2, %dma_start3A_128] : memref<16384x32xf32, #tpu.memory_space<hbm>> -> memref<512x32xf32, #tpu.memory_space<hbm>>
      %dma_start3A_130 = arith.constant 0 : i32
      %dma_start3A_131 = tpu.memref_slice %arg2[%mul3A_2, %dma_start3A_130] : memref<16384x32xf32, #tpu.memory_space<hbm>> -> memref<512x32xf32, #tpu.memory_space<hbm>>
      tpu.enqueue_dma source(%dma_start3A_131 : memref<512x32xf32, #tpu.memory_space<hbm>>) target(%arg6 : memref<512x32xf32, #tpu.memory_space<vmem>>) target_semaphore(%run_scoped3A : memref<!tpu.dma_semaphore, #tpu.memory_space<semaphore_mem>>)
      %dma_wait3A_132 = arith.constant 0 : i32
      %dma_wait3A_133 = tpu.memref_slice %arg2[%mul3A_2, %dma_wait3A_132] : memref<16384x32xf32, #tpu.memory_space<hbm>> -> memref<512x32xf32, #tpu.memory_space<hbm>>
      %dma_wait3A_134 = arith.constant 0 : i32
      %dma_wait3A_135 = tpu.memref_slice %arg2[%mul3A_2, %dma_wait3A_134] : memref<16384x32xf32, #tpu.memory_space<hbm>> -> memref<512x32xf32, #tpu.memory_space<hbm>>
      tpu.wait_dma2 semaphore(%run_scoped3A : memref<!tpu.dma_semaphore, #tpu.memory_space<semaphore_mem>>) src(%dma_wait3A_135 : memref<512x32xf32, #tpu.memory_space<hbm>>) dst(%arg6 : memref<512x32xf32, #tpu.memory_space<vmem>>)
      tpu.yield
    }) : () -> ()
    "tpu.region"() ({
      %run_scoped3A = tpu.sem_alloc : memref<!tpu.dma_semaphore, #tpu.memory_space<semaphore_mem>>
      tpu.enqueue_dma source(%arg4 : memref<11x64xf32, #tpu.memory_space<hbm>>) target(%arg10 : memref<11x64xf32, #tpu.memory_space<vmem>>) target_semaphore(%run_scoped3A : memref<!tpu.dma_semaphore, #tpu.memory_space<semaphore_mem>>)
      tpu.wait_dma2 semaphore(%run_scoped3A : memref<!tpu.dma_semaphore, #tpu.memory_space<semaphore_mem>>) src(%arg4 : memref<11x64xf32, #tpu.memory_space<hbm>>) dst(%arg10 : memref<11x64xf32, #tpu.memory_space<vmem>>)
      tpu.yield
    }) : () -> ()
    %iota3A = tpu.iota {dimensions = array<i32: 0>} : vector<16xi32>
    %scan3A = arith.constant 0 : i32
    %scan3A_3 = arith.constant 0 : i32
    %scan3A_4 = arith.constant 80 : i32
    %scan3A_5 = arith.addi %scan3A_3, %scan3A_4 : i32
    %scan3A_6 = arith.constant 2 : i32
    scf.for %scan3A_128 = %scan3A_3 to %scan3A_5 step %scan3A_6  : i32 {
      %mul3A_129 = arith.constant 64 : i32
      %mul3A_130 = arith.muli %scan3A_128, %mul3A_129 : i32
      %add3A_131 = arith.constant 0 : i32
      %add3A_132 = arith.addi %mul3A_130, %add3A_131 : i32
      %add3A_133 = vector.broadcast %add3A_132 : i32 to vector<16xi32>
      %add3A_134 = arith.addi %add3A_133, %iota3A : vector<16xi32>
      %jit3A = arith.constant 10 : i32
      %div3A = vector.broadcast %jit3A : i32 to vector<16xi32>
      %div3A_135 = arith.divsi %add3A_134, %div3A : vector<16xi32>
      %sign3A = arith.constant 0 : i32
      %sign3A_136 = vector.broadcast %sign3A : i32 to vector<16xi32>
      %sign3A_137 = arith.cmpi sgt, %add3A_134, %sign3A_136 : vector<16xi32>
      %sign3A_138 = arith.extui %sign3A_137 : vector<16xi1> to vector<16xi32>
      %sign3A_139 = arith.constant 0 : i32
      %sign3A_140 = vector.broadcast %sign3A_139 : i32 to vector<16xi32>
      %sign3A_141 = arith.cmpi slt, %add3A_134, %sign3A_140 : vector<16xi32>
      %sign3A_142 = arith.extui %sign3A_141 : vector<16xi1> to vector<16xi32>
      %sign3A_143 = arith.subi %sign3A_138, %sign3A_142 : vector<16xi32>
      %sign3A_144 = arith.constant 0 : i32
      %sign3A_145 = arith.cmpi sgt, %jit3A, %sign3A_144 : i32
      %sign3A_146 = arith.extui %sign3A_145 : i1 to i32
      %sign3A_147 = arith.constant 0 : i32
      %sign3A_148 = arith.cmpi slt, %jit3A, %sign3A_147 : i32
      %sign3A_149 = arith.extui %sign3A_148 : i1 to i32
      %sign3A_150 = arith.subi %sign3A_146, %sign3A_149 : i32
      %ne3A = vector.broadcast %sign3A_150 : i32 to vector<16xi32>
      %ne3A_151 = arith.cmpi ne, %sign3A_143, %ne3A : vector<16xi32>
      %rem3A = vector.broadcast %jit3A : i32 to vector<16xi32>
      %rem3A_152 = arith.remsi %add3A_134, %rem3A : vector<16xi32>
      %ne3A_153 = arith.constant 0 : i32
      %ne3A_154 = vector.broadcast %ne3A_153 : i32 to vector<16xi32>
      %ne3A_155 = arith.cmpi ne, %rem3A_152, %ne3A_154 : vector<16xi32>
      %and3A = arith.andi %ne3A_151, %ne3A_155 : vector<16xi1>
      %sub3A = arith.constant 1 : i32
      %sub3A_156 = vector.broadcast %sub3A : i32 to vector<16xi32>
      %sub3A_157 = arith.subi %div3A_135, %sub3A_156 : vector<16xi32>
      %select_n3A = arith.select %and3A, %sub3A_157, %div3A_135 : vector<16xi1>, vector<16xi32>
      %mul3A_158 = arith.constant 10 : i32
      %mul3A_159 = vector.broadcast %mul3A_158 : i32 to vector<16xi32>
      %mul3A_160 = arith.muli %mul3A_159, %select_n3A : vector<16xi32>
      %sub3A_161 = arith.subi %add3A_134, %mul3A_160 : vector<16xi32>
      %mul3A_162 = arith.constant 2 : i32
      %mul3A_163 = vector.broadcast %mul3A_162 : i32 to vector<16xi32>
      %mul3A_164 = arith.muli %mul3A_163, %sub3A_161 : vector<16xi32>
      %gather3A = tpu.vector_load_idx %arg6[%select_n3A, %mul3A_164] : memref<512x32xf32, #tpu.memory_space<vmem>>[vector<16xi32>, vector<16xi32>], vector<16xf32>,
      %convert_element_type3A = arith.fptosi %gather3A : vector<16xf32> to vector<16xi32>
      %swap3A = arith.index_cast %scan3A_128 : i32 to index
      %swap3A_165 = arith.constant 0 : index
      %swap3A_166 = tpu.vector_load %arg7[%swap3A, %swap3A_165] {strides = array<i32>} : memref<80x64xi32, #tpu.memory_space<vmem>>, vector<16xi32>,
      tpu.vector_store %arg7[%swap3A, %swap3A_165], %convert_element_type3A {strides = array<i32>} : memref<80x64xi32, #tpu.memory_space<vmem>>, vector<16xi32>,
      %mul3A_167 = arith.constant 64 : i32
      %mul3A_168 = arith.muli %scan3A_128, %mul3A_167 : i32
      %add3A_169 = arith.constant 16 : i32
      %add3A_170 = arith.addi %mul3A_168, %add3A_169 : i32
      %add3A_171 = vector.broadcast %add3A_170 : i32 to vector<16xi32>
      %add3A_172 = arith.addi %add3A_171, %iota3A : vector<16xi32>
      %jit3A_173 = arith.constant 10 : i32
      %div3A_174 = vector.broadcast %jit3A_173 : i32 to vector<16xi32>
      %div3A_175 = arith.divsi %add3A_172, %div3A_174 : vector<16xi32>
      %sign3A_176 = arith.constant 0 : i32
      %sign3A_177 = vector.broadcast %sign3A_176 : i32 to vector<16xi32>
      %sign3A_178 = arith.cmpi sgt, %add3A_172, %sign3A_177 : vector<16xi32>
      %sign3A_179 = arith.extui %sign3A_178 : vector<16xi1> to vector<16xi32>
      %sign3A_180 = arith.constant 0 : i32
      %sign3A_181 = vector.broadcast %sign3A_180 : i32 to vector<16xi32>
      %sign3A_182 = arith.cmpi slt, %add3A_172, %sign3A_181 : vector<16xi32>
      %sign3A_183 = arith.extui %sign3A_182 : vector<16xi1> to vector<16xi32>
      %sign3A_184 = arith.subi %sign3A_179, %sign3A_183 : vector<16xi32>
      %sign3A_185 = arith.constant 0 : i32
      %sign3A_186 = arith.cmpi sgt, %jit3A_173, %sign3A_185 : i32
      %sign3A_187 = arith.extui %sign3A_186 : i1 to i32
      %sign3A_188 = arith.constant 0 : i32
      %sign3A_189 = arith.cmpi slt, %jit3A_173, %sign3A_188 : i32
      %sign3A_190 = arith.extui %sign3A_189 : i1 to i32
      %sign3A_191 = arith.subi %sign3A_187, %sign3A_190 : i32
      %ne3A_192 = vector.broadcast %sign3A_191 : i32 to vector<16xi32>
      %ne3A_193 = arith.cmpi ne, %sign3A_184, %ne3A_192 : vector<16xi32>
      %rem3A_194 = vector.broadcast %jit3A_173 : i32 to vector<16xi32>
      %rem3A_195 = arith.remsi %add3A_172, %rem3A_194 : vector<16xi32>
      %ne3A_196 = arith.constant 0 : i32
      %ne3A_197 = vector.broadcast %ne3A_196 : i32 to vector<16xi32>
      %ne3A_198 = arith.cmpi ne, %rem3A_195, %ne3A_197 : vector<16xi32>
      %and3A_199 = arith.andi %ne3A_193, %ne3A_198 : vector<16xi1>
      %sub3A_200 = arith.constant 1 : i32
      %sub3A_201 = vector.broadcast %sub3A_200 : i32 to vector<16xi32>
      %sub3A_202 = arith.subi %div3A_175, %sub3A_201 : vector<16xi32>
      %select_n3A_203 = arith.select %and3A_199, %sub3A_202, %div3A_175 : vector<16xi1>, vector<16xi32>
      %mul3A_204 = arith.constant 10 : i32
      %mul3A_205 = vector.broadcast %mul3A_204 : i32 to vector<16xi32>
      %mul3A_206 = arith.muli %mul3A_205, %select_n3A_203 : vector<16xi32>
      %sub3A_207 = arith.subi %add3A_172, %mul3A_206 : vector<16xi32>
      %mul3A_208 = arith.constant 2 : i32
      %mul3A_209 = vector.broadcast %mul3A_208 : i32 to vector<16xi32>
      %mul3A_210 = arith.muli %mul3A_209, %sub3A_207 : vector<16xi32>
      %gather3A_211 = tpu.vector_load_idx %arg6[%select_n3A_203, %mul3A_210] : memref<512x32xf32, #tpu.memory_space<vmem>>[vector<16xi32>, vector<16xi32>], vector<16xf32>,
      %convert_element_type3A_212 = arith.fptosi %gather3A_211 : vector<16xf32> to vector<16xi32>
      %swap3A_213 = arith.index_cast %scan3A_128 : i32 to index
      %swap3A_214 = arith.constant 16 : index
      %swap3A_215 = tpu.vector_load %arg7[%swap3A_213, %swap3A_214] {strides = array<i32>} : memref<80x64xi32, #tpu.memory_space<vmem>>, vector<16xi32>,
      tpu.vector_store %arg7[%swap3A_213, %swap3A_214], %convert_element_type3A_212 {strides = array<i32>} : memref<80x64xi32, #tpu.memory_space<vmem>>, vector<16xi32>,
      %mul3A_216 = arith.constant 64 : i32
      %mul3A_217 = arith.muli %scan3A_128, %mul3A_216 : i32
      %add3A_218 = arith.constant 32 : i32
      %add3A_219 = arith.addi %mul3A_217, %add3A_218 : i32
      %add3A_220 = vector.broadcast %add3A_219 : i32 to vector<16xi32>
      %add3A_221 = arith.addi %add3A_220, %iota3A : vector<16xi32>
      %jit3A_222 = arith.constant 10 : i32
      %div3A_223 = vector.broadcast %jit3A_222 : i32 to vector<16xi32>
      %div3A_224 = arith.divsi %add3A_221, %div3A_223 : vector<16xi32>
      %sign3A_225 = arith.constant 0 : i32
      %sign3A_226 = vector.broadcast %sign3A_225 : i32 to vector<16xi32>
      %sign3A_227 = arith.cmpi sgt, %add3A_221, %sign3A_226 : vector<16xi32>
      %sign3A_228 = arith.extui %sign3A_227 : vector<16xi1> to vector<16xi32>
      %sign3A_229 = arith.constant 0 : i32
      %sign3A_230 = vector.broadcast %sign3A_229 : i32 to vector<16xi32>
      %sign3A_231 = arith.cmpi slt, %add3A_221, %sign3A_230 : vector<16xi32>
      %sign3A_232 = arith.extui %sign3A_231 : vector<16xi1> to vector<16xi32>
      %sign3A_233 = arith.subi %sign3A_228, %sign3A_232 : vector<16xi32>
      %sign3A_234 = arith.constant 0 : i32
      %sign3A_235 = arith.cmpi sgt, %jit3A_222, %sign3A_234 : i32
      %sign3A_236 = arith.extui %sign3A_235 : i1 to i32
      %sign3A_237 = arith.constant 0 : i32
      %sign3A_238 = arith.cmpi slt, %jit3A_222, %sign3A_237 : i32
      %sign3A_239 = arith.extui %sign3A_238 : i1 to i32
      %sign3A_240 = arith.subi %sign3A_236, %sign3A_239 : i32
      %ne3A_241 = vector.broadcast %sign3A_240 : i32 to vector<16xi32>
      %ne3A_242 = arith.cmpi ne, %sign3A_233, %ne3A_241 : vector<16xi32>
      %rem3A_243 = vector.broadcast %jit3A_222 : i32 to vector<16xi32>
      %rem3A_244 = arith.remsi %add3A_221, %rem3A_243 : vector<16xi32>
      %ne3A_245 = arith.constant 0 : i32
      %ne3A_246 = vector.broadcast %ne3A_245 : i32 to vector<16xi32>
      %ne3A_247 = arith.cmpi ne, %rem3A_244, %ne3A_246 : vector<16xi32>
      %and3A_248 = arith.andi %ne3A_242, %ne3A_247 : vector<16xi1>
      %sub3A_249 = arith.constant 1 : i32
      %sub3A_250 = vector.broadcast %sub3A_249 : i32 to vector<16xi32>
      %sub3A_251 = arith.subi %div3A_224, %sub3A_250 : vector<16xi32>
      %select_n3A_252 = arith.select %and3A_248, %sub3A_251, %div3A_224 : vector<16xi1>, vector<16xi32>
      %mul3A_253 = arith.constant 10 : i32
      %mul3A_254 = vector.broadcast %mul3A_253 : i32 to vector<16xi32>
      %mul3A_255 = arith.muli %mul3A_254, %select_n3A_252 : vector<16xi32>
      %sub3A_256 = arith.subi %add3A_221, %mul3A_255 : vector<16xi32>
      %mul3A_257 = arith.constant 2 : i32
      %mul3A_258 = vector.broadcast %mul3A_257 : i32 to vector<16xi32>
      %mul3A_259 = arith.muli %mul3A_258, %sub3A_256 : vector<16xi32>
      %gather3A_260 = tpu.vector_load_idx %arg6[%select_n3A_252, %mul3A_259] : memref<512x32xf32, #tpu.memory_space<vmem>>[vector<16xi32>, vector<16xi32>], vector<16xf32>,
      %convert_element_type3A_261 = arith.fptosi %gather3A_260 : vector<16xf32> to vector<16xi32>
      %swap3A_262 = arith.index_cast %scan3A_128 : i32 to index
      %swap3A_263 = arith.constant 32 : index
      %swap3A_264 = tpu.vector_load %arg7[%swap3A_262, %swap3A_263] {strides = array<i32>} : memref<80x64xi32, #tpu.memory_space<vmem>>, vector<16xi32>,
      tpu.vector_store %arg7[%swap3A_262, %swap3A_263], %convert_element_type3A_261 {strides = array<i32>} : memref<80x64xi32, #tpu.memory_space<vmem>>, vector<16xi32>,
      %mul3A_265 = arith.constant 64 : i32
      %mul3A_266 = arith.muli %scan3A_128, %mul3A_265 : i32
      %add3A_267 = arith.constant 48 : i32
      %add3A_268 = arith.addi %mul3A_266, %add3A_267 : i32
      %add3A_269 = vector.broadcast %add3A_268 : i32 to vector<16xi32>
      %add3A_270 = arith.addi %add3A_269, %iota3A : vector<16xi32>
      %jit3A_271 = arith.constant 10 : i32
      %div3A_272 = vector.broadcast %jit3A_271 : i32 to vector<16xi32>
      %div3A_273 = arith.divsi %add3A_270, %div3A_272 : vector<16xi32>
      %sign3A_274 = arith.constant 0 : i32
      %sign3A_275 = vector.broadcast %sign3A_274 : i32 to vector<16xi32>
      %sign3A_276 = arith.cmpi sgt, %add3A_270, %sign3A_275 : vector<16xi32>
      %sign3A_277 = arith.extui %sign3A_276 : vector<16xi1> to vector<16xi32>
      %sign3A_278 = arith.constant 0 : i32
      %sign3A_279 = vector.broadcast %sign3A_278 : i32 to vector<16xi32>
      %sign3A_280 = arith.cmpi slt, %add3A_270, %sign3A_279 : vector<16xi32>
      %sign3A_281 = arith.extui %sign3A_280 : vector<16xi1> to vector<16xi32>
      %sign3A_282 = arith.subi %sign3A_277, %sign3A_281 : vector<16xi32>
      %sign3A_283 = arith.constant 0 : i32
      %sign3A_284 = arith.cmpi sgt, %jit3A_271, %sign3A_283 : i32
      %sign3A_285 = arith.extui %sign3A_284 : i1 to i32
      %sign3A_286 = arith.constant 0 : i32
      %sign3A_287 = arith.cmpi slt, %jit3A_271, %sign3A_286 : i32
      %sign3A_288 = arith.extui %sign3A_287 : i1 to i32
      %sign3A_289 = arith.subi %sign3A_285, %sign3A_288 : i32
      %ne3A_290 = vector.broadcast %sign3A_289 : i32 to vector<16xi32>
      %ne3A_291 = arith.cmpi ne, %sign3A_282, %ne3A_290 : vector<16xi32>
      %rem3A_292 = vector.broadcast %jit3A_271 : i32 to vector<16xi32>
      %rem3A_293 = arith.remsi %add3A_270, %rem3A_292 : vector<16xi32>
      %ne3A_294 = arith.constant 0 : i32
      %ne3A_295 = vector.broadcast %ne3A_294 : i32 to vector<16xi32>
      %ne3A_296 = arith.cmpi ne, %rem3A_293, %ne3A_295 : vector<16xi32>
      %and3A_297 = arith.andi %ne3A_291, %ne3A_296 : vector<16xi1>
      %sub3A_298 = arith.constant 1 : i32
      %sub3A_299 = vector.broadcast %sub3A_298 : i32 to vector<16xi32>
      %sub3A_300 = arith.subi %div3A_273, %sub3A_299 : vector<16xi32>
      %select_n3A_301 = arith.select %and3A_297, %sub3A_300, %div3A_273 : vector<16xi1>, vector<16xi32>
      %mul3A_302 = arith.constant 10 : i32
      %mul3A_303 = vector.broadcast %mul3A_302 : i32 to vector<16xi32>
      %mul3A_304 = arith.muli %mul3A_303, %select_n3A_301 : vector<16xi32>
      %sub3A_305 = arith.subi %add3A_270, %mul3A_304 : vector<16xi32>
      %mul3A_306 = arith.constant 2 : i32
      %mul3A_307 = vector.broadcast %mul3A_306 : i32 to vector<16xi32>
      %mul3A_308 = arith.muli %mul3A_307, %sub3A_305 : vector<16xi32>
      %gather3A_309 = tpu.vector_load_idx %arg6[%select_n3A_301, %mul3A_308] : memref<512x32xf32, #tpu.memory_space<vmem>>[vector<16xi32>, vector<16xi32>], vector<16xf32>,
      %convert_element_type3A_310 = arith.fptosi %gather3A_309 : vector<16xf32> to vector<16xi32>
      %swap3A_311 = arith.index_cast %scan3A_128 : i32 to index
      %swap3A_312 = arith.constant 48 : index
      %swap3A_313 = tpu.vector_load %arg7[%swap3A_311, %swap3A_312] {strides = array<i32>} : memref<80x64xi32, #tpu.memory_space<vmem>>, vector<16xi32>,
      tpu.vector_store %arg7[%swap3A_311, %swap3A_312], %convert_element_type3A_310 {strides = array<i32>} : memref<80x64xi32, #tpu.memory_space<vmem>>, vector<16xi32>,
      %scan3A_314 = arith.constant 1 : i32
      %scan3A_315 = arith.addi %scan3A_128, %scan3A_314 : i32
      %mul3A_316 = arith.constant 64 : i32
      %mul3A_317 = arith.muli %scan3A_315, %mul3A_316 : i32
      %add3A_318 = arith.constant 0 : i32
      %add3A_319 = arith.addi %mul3A_317, %add3A_318 : i32
      %add3A_320 = vector.broadcast %add3A_319 : i32 to vector<16xi32>
      %add3A_321 = arith.addi %add3A_320, %iota3A : vector<16xi32>
      %jit3A_322 = arith.constant 10 : i32
      %div3A_323 = vector.broadcast %jit3A_322 : i32 to vector<16xi32>
      %div3A_324 = arith.divsi %add3A_321, %div3A_323 : vector<16xi32>
      %sign3A_325 = arith.constant 0 : i32
      %sign3A_326 = vector.broadcast %sign3A_325 : i32 to vector<16xi32>
      %sign3A_327 = arith.cmpi sgt, %add3A_321, %sign3A_326 : vector<16xi32>
      %sign3A_328 = arith.extui %sign3A_327 : vector<16xi1> to vector<16xi32>
      %sign3A_329 = arith.constant 0 : i32
      %sign3A_330 = vector.broadcast %sign3A_329 : i32 to vector<16xi32>
      %sign3A_331 = arith.cmpi slt, %add3A_321, %sign3A_330 : vector<16xi32>
      %sign3A_332 = arith.extui %sign3A_331 : vector<16xi1> to vector<16xi32>
      %sign3A_333 = arith.subi %sign3A_328, %sign3A_332 : vector<16xi32>
      %sign3A_334 = arith.constant 0 : i32
      %sign3A_335 = arith.cmpi sgt, %jit3A_322, %sign3A_334 : i32
      %sign3A_336 = arith.extui %sign3A_335 : i1 to i32
      %sign3A_337 = arith.constant 0 : i32
      %sign3A_338 = arith.cmpi slt, %jit3A_322, %sign3A_337 : i32
      %sign3A_339 = arith.extui %sign3A_338 : i1 to i32
      %sign3A_340 = arith.subi %sign3A_336, %sign3A_339 : i32
      %ne3A_341 = vector.broadcast %sign3A_340 : i32 to vector<16xi32>
      %ne3A_342 = arith.cmpi ne, %sign3A_333, %ne3A_341 : vector<16xi32>
      %rem3A_343 = vector.broadcast %jit3A_322 : i32 to vector<16xi32>
      %rem3A_344 = arith.remsi %add3A_321, %rem3A_343 : vector<16xi32>
      %ne3A_345 = arith.constant 0 : i32
      %ne3A_346 = vector.broadcast %ne3A_345 : i32 to vector<16xi32>
      %ne3A_347 = arith.cmpi ne, %rem3A_344, %ne3A_346 : vector<16xi32>
      %and3A_348 = arith.andi %ne3A_342, %ne3A_347 : vector<16xi1>
      %sub3A_349 = arith.constant 1 : i32
      %sub3A_350 = vector.broadcast %sub3A_349 : i32 to vector<16xi32>
      %sub3A_351 = arith.subi %div3A_324, %sub3A_350 : vector<16xi32>
      %select_n3A_352 = arith.select %and3A_348, %sub3A_351, %div3A_324 : vector<16xi1>, vector<16xi32>
      %mul3A_353 = arith.constant 10 : i32
      %mul3A_354 = vector.broadcast %mul3A_353 : i32 to vector<16xi32>
      %mul3A_355 = arith.muli %mul3A_354, %select_n3A_352 : vector<16xi32>
      %sub3A_356 = arith.subi %add3A_321, %mul3A_355 : vector<16xi32>
      %mul3A_357 = arith.constant 2 : i32
      %mul3A_358 = vector.broadcast %mul3A_357 : i32 to vector<16xi32>
      %mul3A_359 = arith.muli %mul3A_358, %sub3A_356 : vector<16xi32>
      %gather3A_360 = tpu.vector_load_idx %arg6[%select_n3A_352, %mul3A_359] : memref<512x32xf32, #tpu.memory_space<vmem>>[vector<16xi32>, vector<16xi32>], vector<16xf32>,
      %convert_element_type3A_361 = arith.fptosi %gather3A_360 : vector<16xf32> to vector<16xi32>
      %swap3A_362 = arith.index_cast %scan3A_315 : i32 to index
      %swap3A_363 = arith.constant 0 : index
      %swap3A_364 = tpu.vector_load %arg7[%swap3A_362, %swap3A_363] {strides = array<i32>} : memref<80x64xi32, #tpu.memory_space<vmem>>, vector<16xi32>,
      tpu.vector_store %arg7[%swap3A_362, %swap3A_363], %convert_element_type3A_361 {strides = array<i32>} : memref<80x64xi32, #tpu.memory_space<vmem>>, vector<16xi32>,
      %mul3A_365 = arith.constant 64 : i32
      %mul3A_366 = arith.muli %scan3A_315, %mul3A_365 : i32
      %add3A_367 = arith.constant 16 : i32
      %add3A_368 = arith.addi %mul3A_366, %add3A_367 : i32
      %add3A_369 = vector.broadcast %add3A_368 : i32 to vector<16xi32>
      %add3A_370 = arith.addi %add3A_369, %iota3A : vector<16xi32>
      %jit3A_371 = arith.constant 10 : i32
      %div3A_372 = vector.broadcast %jit3A_371 : i32 to vector<16xi32>
      %div3A_373 = arith.divsi %add3A_370, %div3A_372 : vector<16xi32>
      %sign3A_374 = arith.constant 0 : i32
      %sign3A_375 = vector.broadcast %sign3A_374 : i32 to vector<16xi32>
      %sign3A_376 = arith.cmpi sgt, %add3A_370, %sign3A_375 : vector<16xi32>
      %sign3A_377 = arith.extui %sign3A_376 : vector<16xi1> to vector<16xi32>
      %sign3A_378 = arith.constant 0 : i32
      %sign3A_379 = vector.broadcast %sign3A_378 : i32 to vector<16xi32>
      %sign3A_380 = arith.cmpi slt, %add3A_370, %sign3A_379 : vector<16xi32>
      %sign3A_381 = arith.extui %sign3A_380 : vector<16xi1> to vector<16xi32>
      %sign3A_382 = arith.subi %sign3A_377, %sign3A_381 : vector<16xi32>
      %sign3A_383 = arith.constant 0 : i32
      %sign3A_384 = arith.cmpi sgt, %jit3A_371, %sign3A_383 : i32
      %sign3A_385 = arith.extui %sign3A_384 : i1 to i32
      %sign3A_386 = arith.constant 0 : i32
      %sign3A_387 = arith.cmpi slt, %jit3A_371, %sign3A_386 : i32
      %sign3A_388 = arith.extui %sign3A_387 : i1 to i32
      %sign3A_389 = arith.subi %sign3A_385, %sign3A_388 : i32
      %ne3A_390 = vector.broadcast %sign3A_389 : i32 to vector<16xi32>
      %ne3A_391 = arith.cmpi ne, %sign3A_382, %ne3A_390 : vector<16xi32>
      %rem3A_392 = vector.broadcast %jit3A_371 : i32 to vector<16xi32>
      %rem3A_393 = arith.remsi %add3A_370, %rem3A_392 : vector<16xi32>
      %ne3A_394 = arith.constant 0 : i32
      %ne3A_395 = vector.broadcast %ne3A_394 : i32 to vector<16xi32>
      %ne3A_396 = arith.cmpi ne, %rem3A_393, %ne3A_395 : vector<16xi32>
      %and3A_397 = arith.andi %ne3A_391, %ne3A_396 : vector<16xi1>
      %sub3A_398 = arith.constant 1 : i32
      %sub3A_399 = vector.broadcast %sub3A_398 : i32 to vector<16xi32>
      %sub3A_400 = arith.subi %div3A_373, %sub3A_399 : vector<16xi32>
      %select_n3A_401 = arith.select %and3A_397, %sub3A_400, %div3A_373 : vector<16xi1>, vector<16xi32>
      %mul3A_402 = arith.constant 10 : i32
      %mul3A_403 = vector.broadcast %mul3A_402 : i32 to vector<16xi32>
      %mul3A_404 = arith.muli %mul3A_403, %select_n3A_401 : vector<16xi32>
      %sub3A_405 = arith.subi %add3A_370, %mul3A_404 : vector<16xi32>
      %mul3A_406 = arith.constant 2 : i32
      %mul3A_407 = vector.broadcast %mul3A_406 : i32 to vector<16xi32>
      %mul3A_408 = arith.muli %mul3A_407, %sub3A_405 : vector<16xi32>
      %gather3A_409 = tpu.vector_load_idx %arg6[%select_n3A_401, %mul3A_408] : memref<512x32xf32, #tpu.memory_space<vmem>>[vector<16xi32>, vector<16xi32>], vector<16xf32>,
      %convert_element_type3A_410 = arith.fptosi %gather3A_409 : vector<16xf32> to vector<16xi32>
      %swap3A_411 = arith.index_cast %scan3A_315 : i32 to index
      %swap3A_412 = arith.constant 16 : index
      %swap3A_413 = tpu.vector_load %arg7[%swap3A_411, %swap3A_412] {strides = array<i32>} : memref<80x64xi32, #tpu.memory_space<vmem>>, vector<16xi32>,
      tpu.vector_store %arg7[%swap3A_411, %swap3A_412], %convert_element_type3A_410 {strides = array<i32>} : memref<80x64xi32, #tpu.memory_space<vmem>>, vector<16xi32>,
      %mul3A_414 = arith.constant 64 : i32
      %mul3A_415 = arith.muli %scan3A_315, %mul3A_414 : i32
      %add3A_416 = arith.constant 32 : i32
      %add3A_417 = arith.addi %mul3A_415, %add3A_416 : i32
      %add3A_418 = vector.broadcast %add3A_417 : i32 to vector<16xi32>
      %add3A_419 = arith.addi %add3A_418, %iota3A : vector<16xi32>
      %jit3A_420 = arith.constant 10 : i32
      %div3A_421 = vector.broadcast %jit3A_420 : i32 to vector<16xi32>
      %div3A_422 = arith.divsi %add3A_419, %div3A_421 : vector<16xi32>
      %sign3A_423 = arith.constant 0 : i32
      %sign3A_424 = vector.broadcast %sign3A_423 : i32 to vector<16xi32>
      %sign3A_425 = arith.cmpi sgt, %add3A_419, %sign3A_424 : vector<16xi32>
      %sign3A_426 = arith.extui %sign3A_425 : vector<16xi1> to vector<16xi32>
      %sign3A_427 = arith.constant 0 : i32
      %sign3A_428 = vector.broadcast %sign3A_427 : i32 to vector<16xi32>
      %sign3A_429 = arith.cmpi slt, %add3A_419, %sign3A_428 : vector<16xi32>
      %sign3A_430 = arith.extui %sign3A_429 : vector<16xi1> to vector<16xi32>
      %sign3A_431 = arith.subi %sign3A_426, %sign3A_430 : vector<16xi32>
      %sign3A_432 = arith.constant 0 : i32
      %sign3A_433 = arith.cmpi sgt, %jit3A_420, %sign3A_432 : i32
      %sign3A_434 = arith.extui %sign3A_433 : i1 to i32
      %sign3A_435 = arith.constant 0 : i32
      %sign3A_436 = arith.cmpi slt, %jit3A_420, %sign3A_435 : i32
      %sign3A_437 = arith.extui %sign3A_436 : i1 to i32
      %sign3A_438 = arith.subi %sign3A_434, %sign3A_437 : i32
      %ne3A_439 = vector.broadcast %sign3A_438 : i32 to vector<16xi32>
      %ne3A_440 = arith.cmpi ne, %sign3A_431, %ne3A_439 : vector<16xi32>
      %rem3A_441 = vector.broadcast %jit3A_420 : i32 to vector<16xi32>
      %rem3A_442 = arith.remsi %add3A_419, %rem3A_441 : vector<16xi32>
      %ne3A_443 = arith.constant 0 : i32
      %ne3A_444 = vector.broadcast %ne3A_443 : i32 to vector<16xi32>
      %ne3A_445 = arith.cmpi ne, %rem3A_442, %ne3A_444 : vector<16xi32>
      %and3A_446 = arith.andi %ne3A_440, %ne3A_445 : vector<16xi1>
      %sub3A_447 = arith.constant 1 : i32
      %sub3A_448 = vector.broadcast %sub3A_447 : i32 to vector<16xi32>
      %sub3A_449 = arith.subi %div3A_422, %sub3A_448 : vector<16xi32>
      %select_n3A_450 = arith.select %and3A_446, %sub3A_449, %div3A_422 : vector<16xi1>, vector<16xi32>
      %mul3A_451 = arith.constant 10 : i32
      %mul3A_452 = vector.broadcast %mul3A_451 : i32 to vector<16xi32>
      %mul3A_453 = arith.muli %mul3A_452, %select_n3A_450 : vector<16xi32>
      %sub3A_454 = arith.subi %add3A_419, %mul3A_453 : vector<16xi32>
      %mul3A_455 = arith.constant 2 : i32
      %mul3A_456 = vector.broadcast %mul3A_455 : i32 to vector<16xi32>
      %mul3A_457 = arith.muli %mul3A_456, %sub3A_454 : vector<16xi32>
      %gather3A_458 = tpu.vector_load_idx %arg6[%select_n3A_450, %mul3A_457] : memref<512x32xf32, #tpu.memory_space<vmem>>[vector<16xi32>, vector<16xi32>], vector<16xf32>,
      %convert_element_type3A_459 = arith.fptosi %gather3A_458 : vector<16xf32> to vector<16xi32>
      %swap3A_460 = arith.index_cast %scan3A_315 : i32 to index
      %swap3A_461 = arith.constant 32 : index
      %swap3A_462 = tpu.vector_load %arg7[%swap3A_460, %swap3A_461] {strides = array<i32>} : memref<80x64xi32, #tpu.memory_space<vmem>>, vector<16xi32>,
      tpu.vector_store %arg7[%swap3A_460, %swap3A_461], %convert_element_type3A_459 {strides = array<i32>} : memref<80x64xi32, #tpu.memory_space<vmem>>, vector<16xi32>,
      %mul3A_463 = arith.constant 64 : i32
      %mul3A_464 = arith.muli %scan3A_315, %mul3A_463 : i32
      %add3A_465 = arith.constant 48 : i32
      %add3A_466 = arith.addi %mul3A_464, %add3A_465 : i32
      %add3A_467 = vector.broadcast %add3A_466 : i32 to vector<16xi32>
      %add3A_468 = arith.addi %add3A_467, %iota3A : vector<16xi32>
      %jit3A_469 = arith.constant 10 : i32
      %div3A_470 = vector.broadcast %jit3A_469 : i32 to vector<16xi32>
      %div3A_471 = arith.divsi %add3A_468, %div3A_470 : vector<16xi32>
      %sign3A_472 = arith.constant 0 : i32
      %sign3A_473 = vector.broadcast %sign3A_472 : i32 to vector<16xi32>
      %sign3A_474 = arith.cmpi sgt, %add3A_468, %sign3A_473 : vector<16xi32>
      %sign3A_475 = arith.extui %sign3A_474 : vector<16xi1> to vector<16xi32>
      %sign3A_476 = arith.constant 0 : i32
      %sign3A_477 = vector.broadcast %sign3A_476 : i32 to vector<16xi32>
      %sign3A_478 = arith.cmpi slt, %add3A_468, %sign3A_477 : vector<16xi32>
      %sign3A_479 = arith.extui %sign3A_478 : vector<16xi1> to vector<16xi32>
      %sign3A_480 = arith.subi %sign3A_475, %sign3A_479 : vector<16xi32>
      %sign3A_481 = arith.constant 0 : i32
      %sign3A_482 = arith.cmpi sgt, %jit3A_469, %sign3A_481 : i32
      %sign3A_483 = arith.extui %sign3A_482 : i1 to i32
      %sign3A_484 = arith.constant 0 : i32
      %sign3A_485 = arith.cmpi slt, %jit3A_469, %sign3A_484 : i32
      %sign3A_486 = arith.extui %sign3A_485 : i1 to i32
      %sign3A_487 = arith.subi %sign3A_483, %sign3A_486 : i32
      %ne3A_488 = vector.broadcast %sign3A_487 : i32 to vector<16xi32>
      %ne3A_489 = arith.cmpi ne, %sign3A_480, %ne3A_488 : vector<16xi32>
      %rem3A_490 = vector.broadcast %jit3A_469 : i32 to vector<16xi32>
      %rem3A_491 = arith.remsi %add3A_468, %rem3A_490 : vector<16xi32>
      %ne3A_492 = arith.constant 0 : i32
      %ne3A_493 = vector.broadcast %ne3A_492 : i32 to vector<16xi32>
      %ne3A_494 = arith.cmpi ne, %rem3A_491, %ne3A_493 : vector<16xi32>
      %and3A_495 = arith.andi %ne3A_489, %ne3A_494 : vector<16xi1>
      %sub3A_496 = arith.constant 1 : i32
      %sub3A_497 = vector.broadcast %sub3A_496 : i32 to vector<16xi32>
      %sub3A_498 = arith.subi %div3A_471, %sub3A_497 : vector<16xi32>
      %select_n3A_499 = arith.select %and3A_495, %sub3A_498, %div3A_471 : vector<16xi1>, vector<16xi32>
      %mul3A_500 = arith.constant 10 : i32
      %mul3A_501 = vector.broadcast %mul3A_500 : i32 to vector<16xi32>
      %mul3A_502 = arith.muli %mul3A_501, %select_n3A_499 : vector<16xi32>
      %sub3A_503 = arith.subi %add3A_468, %mul3A_502 : vector<16xi32>
      %mul3A_504 = arith.constant 2 : i32
      %mul3A_505 = vector.broadcast %mul3A_504 : i32 to vector<16xi32>
      %mul3A_506 = arith.muli %mul3A_505, %sub3A_503 : vector<16xi32>
      %gather3A_507 = tpu.vector_load_idx %arg6[%select_n3A_499, %mul3A_506] : memref<512x32xf32, #tpu.memory_space<vmem>>[vector<16xi32>, vector<16xi32>], vector<16xf32>,
      %convert_element_type3A_508 = arith.fptosi %gather3A_507 : vector<16xf32> to vector<16xi32>
      %swap3A_509 = arith.index_cast %scan3A_315 : i32 to index
      %swap3A_510 = arith.constant 48 : index
      %swap3A_511 = tpu.vector_load %arg7[%swap3A_509, %swap3A_510] {strides = array<i32>} : memref<80x64xi32, #tpu.memory_space<vmem>>, vector<16xi32>,
      tpu.vector_store %arg7[%swap3A_509, %swap3A_510], %convert_element_type3A_508 {strides = array<i32>} : memref<80x64xi32, #tpu.memory_space<vmem>>, vector<16xi32>,
    }
    %scan3A_7 = arith.constant 80 : i32
    %mul3A_8 = arith.constant 2 : i32
    %mul3A_9 = vector.broadcast %mul3A_8 : i32 to vector<16xi32>
    %mul3A_10 = arith.muli %mul3A_9, %iota3A : vector<16xi32>
    %add3A_11 = arith.constant 1 : i32
    %add3A_12 = vector.broadcast %add3A_11 : i32 to vector<16xi32>
    %add3A_13 = arith.addi %add3A_12, %mul3A_10 : vector<16xi32>
    %add3A_14 = arith.constant 20 : i32
    %add3A_15 = vector.broadcast %add3A_14 : i32 to vector<16xi32>
    %add3A_16 = arith.addi %add3A_15, %iota3A : vector<16xi32>
    %min3A = arith.constant 31 : i32
    %min3A_17 = vector.broadcast %min3A : i32 to vector<16xi32>
    %min3A_18 = arith.minsi %add3A_16, %min3A_17 : vector<16xi32>
    %dma_start3A = arith.constant 0 : i32
    %dma_start3A_19 = arith.constant 0 : i32
    %dma_start3A_20 = arith.constant 0 : i32
    %dma_start3A_21 = arith.constant 0 : i32
    %dma_start3A_22 = tpu.memref_slice %arg8[%dma_start3A_19, %dma_start3A_20, %dma_start3A_21] : memref<2x320x128xf32, #tpu.memory_space<vmem>> -> memref<1x320x128xf32, #tpu.memory_space<vmem>>
    %dma_start3A_23 = tpu.memref_squeeze %dma_start3A_22 : memref<1x320x128xf32, #tpu.memory_space<vmem>> -> memref<320x128xf32, #tpu.memory_space<vmem>>
    %dma_start3A_24 = arith.constant 0 : i32
    %dma_start3A_25 = arith.constant 0 : i32
    %dma_start3A_26 = tpu.memref_slice %dma_start3A_23[%dma_start3A_24, %dma_start3A_25] : memref<320x128xf32, #tpu.memory_space<vmem>> -> memref<64x128xf32, #tpu.memory_space<vmem>>
    %dma_start3A_27 = arith.constant 0 : i32
    %dma_start3A_28 = tpu.memref_slice %arg7[%dma_start3A, %dma_start3A_27] : memref<80x64xi32, #tpu.memory_space<vmem>> -> memref<1x64xi32, #tpu.memory_space<vmem>>
    %dma_start3A_29 = tpu.memref_squeeze %dma_start3A_28 : memref<1x64xi32, #tpu.memory_space<vmem>> -> memref<64xi32, #tpu.memory_space<vmem>>
    %dma_start3A_30 = arith.constant 0 : i32
    %dma_start3A_31 = arith.constant 0 : i32
    %dma_start3A_32 = tpu.memref_slice %arg3[%dma_start3A_30, %dma_start3A_31] : memref<100000x128xf32, #tpu.memory_space<hbm>> -> memref<100000x128xf32, #tpu.memory_space<hbm>>
    tpu.enqueue_indirect_dma source(%dma_start3A_32 : memref<100000x128xf32, #tpu.memory_space<hbm>>) target(%dma_start3A_26 : memref<64x128xf32, #tpu.memory_space<vmem>>) offsets(%dma_start3A_29 : memref<64xi32, #tpu.memory_space<vmem>>) semaphore(%arg11 : memref<!tpu.dma_semaphore, #tpu.memory_space<semaphore_mem>>)
    %dma_start3A_33 = arith.constant 1 : i32
    %dma_start3A_34 = arith.constant 0 : i32
    %dma_start3A_35 = arith.constant 0 : i32
    %dma_start3A_36 = arith.constant 0 : i32
    %dma_start3A_37 = tpu.memref_slice %arg8[%dma_start3A_34, %dma_start3A_35, %dma_start3A_36] : memref<2x320x128xf32, #tpu.memory_space<vmem>> -> memref<1x320x128xf32, #tpu.memory_space<vmem>>
    %dma_start3A_38 = tpu.memref_squeeze %dma_start3A_37 : memref<1x320x128xf32, #tpu.memory_space<vmem>> -> memref<320x128xf32, #tpu.memory_space<vmem>>
    %dma_start3A_39 = arith.constant 64 : i32
    %dma_start3A_40 = arith.constant 0 : i32
    %dma_start3A_41 = tpu.memref_slice %dma_start3A_38[%dma_start3A_39, %dma_start3A_40] : memref<320x128xf32, #tpu.memory_space<vmem>> -> memref<64x128xf32, #tpu.memory_space<vmem>>
    %dma_start3A_42 = arith.constant 0 : i32
    %dma_start3A_43 = tpu.memref_slice %arg7[%dma_start3A_33, %dma_start3A_42] : memref<80x64xi32, #tpu.memory_space<vmem>> -> memref<1x64xi32, #tpu.memory_space<vmem>>
    %dma_start3A_44 = tpu.memref_squeeze %dma_start3A_43 : memref<1x64xi32, #tpu.memory_space<vmem>> -> memref<64xi32, #tpu.memory_space<vmem>>
    %dma_start3A_45 = arith.constant 0 : i32
    %dma_start3A_46 = arith.constant 0 : i32
    %dma_start3A_47 = tpu.memref_slice %arg3[%dma_start3A_45, %dma_start3A_46] : memref<100000x128xf32, #tpu.memory_space<hbm>> -> memref<100000x128xf32, #tpu.memory_space<hbm>>
    tpu.enqueue_indirect_dma source(%dma_start3A_47 : memref<100000x128xf32, #tpu.memory_space<hbm>>) target(%dma_start3A_41 : memref<64x128xf32, #tpu.memory_space<vmem>>) offsets(%dma_start3A_44 : memref<64xi32, #tpu.memory_space<vmem>>) semaphore(%arg11 : memref<!tpu.dma_semaphore, #tpu.memory_space<semaphore_mem>>)
    %dma_start3A_48 = arith.constant 2 : i32
    %dma_start3A_49 = arith.constant 0 : i32
    %dma_start3A_50 = arith.constant 0 : i32
    %dma_start3A_51 = arith.constant 0 : i32
    %dma_start3A_52 = tpu.memref_slice %arg8[%dma_start3A_49, %dma_start3A_50, %dma_start3A_51] : memref<2x320x128xf32, #tpu.memory_space<vmem>> -> memref<1x320x128xf32, #tpu.memory_space<vmem>>
    %dma_start3A_53 = tpu.memref_squeeze %dma_start3A_52 : memref<1x320x128xf32, #tpu.memory_space<vmem>> -> memref<320x128xf32, #tpu.memory_space<vmem>>
    %dma_start3A_54 = arith.constant 128 : i32
    %dma_start3A_55 = arith.constant 0 : i32
    %dma_start3A_56 = tpu.memref_slice %dma_start3A_53[%dma_start3A_54, %dma_start3A_55] : memref<320x128xf32, #tpu.memory_space<vmem>> -> memref<64x128xf32, #tpu.memory_space<vmem>>
    %dma_start3A_57 = arith.constant 0 : i32
    %dma_start3A_58 = tpu.memref_slice %arg7[%dma_start3A_48, %dma_start3A_57] : memref<80x64xi32, #tpu.memory_space<vmem>> -> memref<1x64xi32, #tpu.memory_space<vmem>>
    %dma_start3A_59 = tpu.memref_squeeze %dma_start3A_58 : memref<1x64xi32, #tpu.memory_space<vmem>> -> memref<64xi32, #tpu.memory_space<vmem>>
    %dma_start3A_60 = arith.constant 0 : i32
    %dma_start3A_61 = arith.constant 0 : i32
    %dma_start3A_62 = tpu.memref_slice %arg3[%dma_start3A_60, %dma_start3A_61] : memref<100000x128xf32, #tpu.memory_space<hbm>> -> memref<100000x128xf32, #tpu.memory_space<hbm>>
    tpu.enqueue_indirect_dma source(%dma_start3A_62 : memref<100000x128xf32, #tpu.memory_space<hbm>>) target(%dma_start3A_56 : memref<64x128xf32, #tpu.memory_space<vmem>>) offsets(%dma_start3A_59 : memref<64xi32, #tpu.memory_space<vmem>>) semaphore(%arg11 : memref<!tpu.dma_semaphore, #tpu.memory_space<semaphore_mem>>)
    %dma_start3A_63 = arith.constant 3 : i32
    %dma_start3A_64 = arith.constant 0 : i32
    %dma_start3A_65 = arith.constant 0 : i32
    %dma_start3A_66 = arith.constant 0 : i32
    %dma_start3A_67 = tpu.memref_slice %arg8[%dma_start3A_64, %dma_start3A_65, %dma_start3A_66] : memref<2x320x128xf32, #tpu.memory_space<vmem>> -> memref<1x320x128xf32, #tpu.memory_space<vmem>>
    %dma_start3A_68 = tpu.memref_squeeze %dma_start3A_67 : memref<1x320x128xf32, #tpu.memory_space<vmem>> -> memref<320x128xf32, #tpu.memory_space<vmem>>
    %dma_start3A_69 = arith.constant 192 : i32
    %dma_start3A_70 = arith.constant 0 : i32
    %dma_start3A_71 = tpu.memref_slice %dma_start3A_68[%dma_start3A_69, %dma_start3A_70] : memref<320x128xf32, #tpu.memory_space<vmem>> -> memref<64x128xf32, #tpu.memory_space<vmem>>
    %dma_start3A_72 = arith.constant 0 : i32
    %dma_start3A_73 = tpu.memref_slice %arg7[%dma_start3A_63, %dma_start3A_72] : memref<80x64xi32, #tpu.memory_space<vmem>> -> memref<1x64xi32, #tpu.memory_space<vmem>>
    %dma_start3A_74 = tpu.memref_squeeze %dma_start3A_73 : memref<1x64xi32, #tpu.memory_space<vmem>> -> memref<64xi32, #tpu.memory_space<vmem>>
    %dma_start3A_75 = arith.constant 0 : i32
    %dma_start3A_76 = arith.constant 0 : i32
    %dma_start3A_77 = tpu.memref_slice %arg3[%dma_start3A_75, %dma_start3A_76] : memref<100000x128xf32, #tpu.memory_space<hbm>> -> memref<100000x128xf32, #tpu.memory_space<hbm>>
    tpu.enqueue_indirect_dma source(%dma_start3A_77 : memref<100000x128xf32, #tpu.memory_space<hbm>>) target(%dma_start3A_71 : memref<64x128xf32, #tpu.memory_space<vmem>>) offsets(%dma_start3A_74 : memref<64xi32, #tpu.memory_space<vmem>>) semaphore(%arg11 : memref<!tpu.dma_semaphore, #tpu.memory_space<semaphore_mem>>)
    %dma_start3A_78 = arith.constant 4 : i32
    %dma_start3A_79 = arith.constant 0 : i32
    %dma_start3A_80 = arith.constant 0 : i32
    %dma_start3A_81 = arith.constant 0 : i32
    %dma_start3A_82 = tpu.memref_slice %arg8[%dma_start3A_79, %dma_start3A_80, %dma_start3A_81] : memref<2x320x128xf32, #tpu.memory_space<vmem>> -> memref<1x320x128xf32, #tpu.memory_space<vmem>>
    %dma_start3A_83 = tpu.memref_squeeze %dma_start3A_82 : memref<1x320x128xf32, #tpu.memory_space<vmem>> -> memref<320x128xf32, #tpu.memory_space<vmem>>
    %dma_start3A_84 = arith.constant 256 : i32
    %dma_start3A_85 = arith.constant 0 : i32
    %dma_start3A_86 = tpu.memref_slice %dma_start3A_83[%dma_start3A_84, %dma_start3A_85] : memref<320x128xf32, #tpu.memory_space<vmem>> -> memref<64x128xf32, #tpu.memory_space<vmem>>
    %dma_start3A_87 = arith.constant 0 : i32
    %dma_start3A_88 = tpu.memref_slice %arg7[%dma_start3A_78, %dma_start3A_87] : memref<80x64xi32, #tpu.memory_space<vmem>> -> memref<1x64xi32, #tpu.memory_space<vmem>>
    %dma_start3A_89 = tpu.memref_squeeze %dma_start3A_88 : memref<1x64xi32, #tpu.memory_space<vmem>> -> memref<64xi32, #tpu.memory_space<vmem>>
    %dma_start3A_90 = arith.constant 0 : i32
    %dma_start3A_91 = arith.constant 0 : i32
    %dma_start3A_92 = tpu.memref_slice %arg3[%dma_start3A_90, %dma_start3A_91] : memref<100000x128xf32, #tpu.memory_space<hbm>> -> memref<100000x128xf32, #tpu.memory_space<hbm>>
    tpu.enqueue_indirect_dma source(%dma_start3A_92 : memref<100000x128xf32, #tpu.memory_space<hbm>>) target(%dma_start3A_86 : memref<64x128xf32, #tpu.memory_space<vmem>>) offsets(%dma_start3A_89 : memref<64xi32, #tpu.memory_space<vmem>>) semaphore(%arg11 : memref<!tpu.dma_semaphore, #tpu.memory_space<semaphore_mem>>)
    %scan3A_93 = arith.constant 0 : i32
    %scan3A_94 = arith.constant 0 : i32
    %scan3A_95 = arith.constant 8 : i32
    %scan3A_96 = arith.addi %scan3A_94, %scan3A_95 : i32
    %scan3A_97 = arith.constant 1 : i32
    scf.for %scan3A_128 = %scan3A_94 to %scan3A_96 step %scan3A_97  : i32 {
      %mul3A_129 = arith.constant 2 : i32
      %mul3A_130 = arith.muli %mul3A_129, %scan3A_128 : i32
      %add3A_131 = arith.constant 1 : i32
      %add3A_132 = arith.addi %mul3A_130, %add3A_131 : i32
      %mul3A_133 = arith.constant 5 : i32
      %mul3A_134 = arith.muli %add3A_132, %mul3A_133 : i32
      %add3A_135 = arith.constant 0 : i32
      %add3A_136 = arith.addi %mul3A_134, %add3A_135 : i32
      %mul3A_137 = arith.constant 5 : i32
      %mul3A_138 = arith.muli %add3A_132, %mul3A_137 : i32
      %add3A_139 = arith.constant 1 : i32
      %add3A_140 = arith.addi %mul3A_138, %add3A_139 : i32
      %mul3A_141 = arith.constant 5 : i32
      %mul3A_142 = arith.muli %add3A_132, %mul3A_141 : i32
      %add3A_143 = arith.constant 2 : i32
      %add3A_144 = arith.addi %mul3A_142, %add3A_143 : i32
      %mul3A_145 = arith.constant 5 : i32
      %mul3A_146 = arith.muli %add3A_132, %mul3A_145 : i32
      %add3A_147 = arith.constant 3 : i32
      %add3A_148 = arith.addi %mul3A_146, %add3A_147 : i32
      %mul3A_149 = arith.constant 5 : i32
      %mul3A_150 = arith.muli %add3A_132, %mul3A_149 : i32
      %add3A_151 = arith.constant 4 : i32
      %add3A_152 = arith.addi %mul3A_150, %add3A_151 : i32
      %dma_start3A_153 = arith.constant 1 : i32
      %dma_start3A_154 = arith.constant 0 : i32
      %dma_start3A_155 = arith.constant 0 : i32
      %dma_start3A_156 = tpu.memref_slice %arg8[%dma_start3A_153, %dma_start3A_154, %dma_start3A_155] : memref<2x320x128xf32, #tpu.memory_space<vmem>> -> memref<1x320x128xf32, #tpu.memory_space<vmem>>
      %dma_start3A_157 = tpu.memref_squeeze %dma_start3A_156 : memref<1x320x128xf32, #tpu.memory_space<vmem>> -> memref<320x128xf32, #tpu.memory_space<vmem>>
      %dma_start3A_158 = arith.constant 0 : i32
      %dma_start3A_159 = arith.constant 0 : i32
      %dma_start3A_160 = tpu.memref_slice %dma_start3A_157[%dma_start3A_158, %dma_start3A_159] : memref<320x128xf32, #tpu.memory_space<vmem>> -> memref<64x128xf32, #tpu.memory_space<vmem>>
      %dma_start3A_161 = arith.constant 0 : i32
      %dma_start3A_162 = tpu.memref_slice %arg7[%add3A_136, %dma_start3A_161] : memref<80x64xi32, #tpu.memory_space<vmem>> -> memref<1x64xi32, #tpu.memory_space<vmem>>
      %dma_start3A_163 = tpu.memref_squeeze %dma_start3A_162 : memref<1x64xi32, #tpu.memory_space<vmem>> -> memref<64xi32, #tpu.memory_space<vmem>>
      %dma_start3A_164 = arith.constant 0 : i32
      %dma_start3A_165 = arith.constant 0 : i32
      %dma_start3A_166 = tpu.memref_slice %arg3[%dma_start3A_164, %dma_start3A_165] : memref<100000x128xf32, #tpu.memory_space<hbm>> -> memref<100000x128xf32, #tpu.memory_space<hbm>>
      tpu.enqueue_indirect_dma source(%dma_start3A_166 : memref<100000x128xf32, #tpu.memory_space<hbm>>) target(%dma_start3A_160 : memref<64x128xf32, #tpu.memory_space<vmem>>) offsets(%dma_start3A_163 : memref<64xi32, #tpu.memory_space<vmem>>) semaphore(%arg12 : memref<!tpu.dma_semaphore, #tpu.memory_space<semaphore_mem>>)
      %dma_start3A_167 = arith.constant 1 : i32
      %dma_start3A_168 = arith.constant 0 : i32
      %dma_start3A_169 = arith.constant 0 : i32
      %dma_start3A_170 = tpu.memref_slice %arg8[%dma_start3A_167, %dma_start3A_168, %dma_start3A_169] : memref<2x320x128xf32, #tpu.memory_space<vmem>> -> memref<1x320x128xf32, #tpu.memory_space<vmem>>
      %dma_start3A_171 = tpu.memref_squeeze %dma_start3A_170 : memref<1x320x128xf32, #tpu.memory_space<vmem>> -> memref<320x128xf32, #tpu.memory_space<vmem>>
      %dma_start3A_172 = arith.constant 64 : i32
      %dma_start3A_173 = arith.constant 0 : i32
      %dma_start3A_174 = tpu.memref_slice %dma_start3A_171[%dma_start3A_172, %dma_start3A_173] : memref<320x128xf32, #tpu.memory_space<vmem>> -> memref<64x128xf32, #tpu.memory_space<vmem>>
      %dma_start3A_175 = arith.constant 0 : i32
      %dma_start3A_176 = tpu.memref_slice %arg7[%add3A_140, %dma_start3A_175] : memref<80x64xi32, #tpu.memory_space<vmem>> -> memref<1x64xi32, #tpu.memory_space<vmem>>
      %dma_start3A_177 = tpu.memref_squeeze %dma_start3A_176 : memref<1x64xi32, #tpu.memory_space<vmem>> -> memref<64xi32, #tpu.memory_space<vmem>>
      %dma_start3A_178 = arith.constant 0 : i32
      %dma_start3A_179 = arith.constant 0 : i32
      %dma_start3A_180 = tpu.memref_slice %arg3[%dma_start3A_178, %dma_start3A_179] : memref<100000x128xf32, #tpu.memory_space<hbm>> -> memref<100000x128xf32, #tpu.memory_space<hbm>>
      tpu.enqueue_indirect_dma source(%dma_start3A_180 : memref<100000x128xf32, #tpu.memory_space<hbm>>) target(%dma_start3A_174 : memref<64x128xf32, #tpu.memory_space<vmem>>) offsets(%dma_start3A_177 : memref<64xi32, #tpu.memory_space<vmem>>) semaphore(%arg12 : memref<!tpu.dma_semaphore, #tpu.memory_space<semaphore_mem>>)
      %dma_start3A_181 = arith.constant 1 : i32
      %dma_start3A_182 = arith.constant 0 : i32
      %dma_start3A_183 = arith.constant 0 : i32
      %dma_start3A_184 = tpu.memref_slice %arg8[%dma_start3A_181, %dma_start3A_182, %dma_start3A_183] : memref<2x320x128xf32, #tpu.memory_space<vmem>> -> memref<1x320x128xf32, #tpu.memory_space<vmem>>
      %dma_start3A_185 = tpu.memref_squeeze %dma_start3A_184 : memref<1x320x128xf32, #tpu.memory_space<vmem>> -> memref<320x128xf32, #tpu.memory_space<vmem>>
      %dma_start3A_186 = arith.constant 128 : i32
      %dma_start3A_187 = arith.constant 0 : i32
      %dma_start3A_188 = tpu.memref_slice %dma_start3A_185[%dma_start3A_186, %dma_start3A_187] : memref<320x128xf32, #tpu.memory_space<vmem>> -> memref<64x128xf32, #tpu.memory_space<vmem>>
      %dma_start3A_189 = arith.constant 0 : i32
      %dma_start3A_190 = tpu.memref_slice %arg7[%add3A_144, %dma_start3A_189] : memref<80x64xi32, #tpu.memory_space<vmem>> -> memref<1x64xi32, #tpu.memory_space<vmem>>
      %dma_start3A_191 = tpu.memref_squeeze %dma_start3A_190 : memref<1x64xi32, #tpu.memory_space<vmem>> -> memref<64xi32, #tpu.memory_space<vmem>>
      %dma_start3A_192 = arith.constant 0 : i32
      %dma_start3A_193 = arith.constant 0 : i32
      %dma_start3A_194 = tpu.memref_slice %arg3[%dma_start3A_192, %dma_start3A_193] : memref<100000x128xf32, #tpu.memory_space<hbm>> -> memref<100000x128xf32, #tpu.memory_space<hbm>>
      tpu.enqueue_indirect_dma source(%dma_start3A_194 : memref<100000x128xf32, #tpu.memory_space<hbm>>) target(%dma_start3A_188 : memref<64x128xf32, #tpu.memory_space<vmem>>) offsets(%dma_start3A_191 : memref<64xi32, #tpu.memory_space<vmem>>) semaphore(%arg12 : memref<!tpu.dma_semaphore, #tpu.memory_space<semaphore_mem>>)
      %dma_start3A_195 = arith.constant 1 : i32
      %dma_start3A_196 = arith.constant 0 : i32
      %dma_start3A_197 = arith.constant 0 : i32
      %dma_start3A_198 = tpu.memref_slice %arg8[%dma_start3A_195, %dma_start3A_196, %dma_start3A_197] : memref<2x320x128xf32, #tpu.memory_space<vmem>> -> memref<1x320x128xf32, #tpu.memory_space<vmem>>
      %dma_start3A_199 = tpu.memref_squeeze %dma_start3A_198 : memref<1x320x128xf32, #tpu.memory_space<vmem>> -> memref<320x128xf32, #tpu.memory_space<vmem>>
      %dma_start3A_200 = arith.constant 192 : i32
      %dma_start3A_201 = arith.constant 0 : i32
      %dma_start3A_202 = tpu.memref_slice %dma_start3A_199[%dma_start3A_200, %dma_start3A_201] : memref<320x128xf32, #tpu.memory_space<vmem>> -> memref<64x128xf32, #tpu.memory_space<vmem>>
      %dma_start3A_203 = arith.constant 0 : i32
      %dma_start3A_204 = tpu.memref_slice %arg7[%add3A_148, %dma_start3A_203] : memref<80x64xi32, #tpu.memory_space<vmem>> -> memref<1x64xi32, #tpu.memory_space<vmem>>
      %dma_start3A_205 = tpu.memref_squeeze %dma_start3A_204 : memref<1x64xi32, #tpu.memory_space<vmem>> -> memref<64xi32, #tpu.memory_space<vmem>>
      %dma_start3A_206 = arith.constant 0 : i32
      %dma_start3A_207 = arith.constant 0 : i32
      %dma_start3A_208 = tpu.memref_slice %arg3[%dma_start3A_206, %dma_start3A_207] : memref<100000x128xf32, #tpu.memory_space<hbm>> -> memref<100000x128xf32, #tpu.memory_space<hbm>>
      tpu.enqueue_indirect_dma source(%dma_start3A_208 : memref<100000x128xf32, #tpu.memory_space<hbm>>) target(%dma_start3A_202 : memref<64x128xf32, #tpu.memory_space<vmem>>) offsets(%dma_start3A_205 : memref<64xi32, #tpu.memory_space<vmem>>) semaphore(%arg12 : memref<!tpu.dma_semaphore, #tpu.memory_space<semaphore_mem>>)
      %dma_start3A_209 = arith.constant 1 : i32
      %dma_start3A_210 = arith.constant 0 : i32
      %dma_start3A_211 = arith.constant 0 : i32
      %dma_start3A_212 = tpu.memref_slice %arg8[%dma_start3A_209, %dma_start3A_210, %dma_start3A_211] : memref<2x320x128xf32, #tpu.memory_space<vmem>> -> memref<1x320x128xf32, #tpu.memory_space<vmem>>
      %dma_start3A_213 = tpu.memref_squeeze %dma_start3A_212 : memref<1x320x128xf32, #tpu.memory_space<vmem>> -> memref<320x128xf32, #tpu.memory_space<vmem>>
      %dma_start3A_214 = arith.constant 256 : i32
      %dma_start3A_215 = arith.constant 0 : i32
      %dma_start3A_216 = tpu.memref_slice %dma_start3A_213[%dma_start3A_214, %dma_start3A_215] : memref<320x128xf32, #tpu.memory_space<vmem>> -> memref<64x128xf32, #tpu.memory_space<vmem>>
      %dma_start3A_217 = arith.constant 0 : i32
      %dma_start3A_218 = tpu.memref_slice %arg7[%add3A_152, %dma_start3A_217] : memref<80x64xi32, #tpu.memory_space<vmem>> -> memref<1x64xi32, #tpu.memory_space<vmem>>
      %dma_start3A_219 = tpu.memref_squeeze %dma_start3A_218 : memref<1x64xi32, #tpu.memory_space<vmem>> -> memref<64xi32, #tpu.memory_space<vmem>>
      %dma_start3A_220 = arith.constant 0 : i32
      %dma_start3A_221 = arith.constant 0 : i32
      %dma_start3A_222 = tpu.memref_slice %arg3[%dma_start3A_220, %dma_start3A_221] : memref<100000x128xf32, #tpu.memory_space<hbm>> -> memref<100000x128xf32, #tpu.memory_space<hbm>>
      tpu.enqueue_indirect_dma source(%dma_start3A_222 : memref<100000x128xf32, #tpu.memory_space<hbm>>) target(%dma_start3A_216 : memref<64x128xf32, #tpu.memory_space<vmem>>) offsets(%dma_start3A_219 : memref<64xi32, #tpu.memory_space<vmem>>) semaphore(%arg12 : memref<!tpu.dma_semaphore, #tpu.memory_space<semaphore_mem>>)
      %mul3A_223 = arith.constant 5 : i32
      %mul3A_224 = arith.muli %mul3A_130, %mul3A_223 : i32
      %add3A_225 = arith.constant 0 : i32
      %add3A_226 = arith.addi %mul3A_224, %add3A_225 : i32
      %mul3A_227 = arith.constant 5 : i32
      %mul3A_228 = arith.muli %mul3A_130, %mul3A_227 : i32
      %add3A_229 = arith.constant 1 : i32
      %add3A_230 = arith.addi %mul3A_228, %add3A_229 : i32
      %mul3A_231 = arith.constant 5 : i32
      %mul3A_232 = arith.muli %mul3A_130, %mul3A_231 : i32
      %add3A_233 = arith.constant 2 : i32
      %add3A_234 = arith.addi %mul3A_232, %add3A_233 : i32
      %mul3A_235 = arith.constant 5 : i32
      %mul3A_236 = arith.muli %mul3A_130, %mul3A_235 : i32
      %add3A_237 = arith.constant 3 : i32
      %add3A_238 = arith.addi %mul3A_236, %add3A_237 : i32
      %mul3A_239 = arith.constant 5 : i32
      %mul3A_240 = arith.muli %mul3A_130, %mul3A_239 : i32
      %add3A_241 = arith.constant 4 : i32
      %add3A_242 = arith.addi %mul3A_240, %add3A_241 : i32
      %dma_wait3A_243 = arith.constant 0 : i32
      %dma_wait3A_244 = arith.constant 0 : i32
      %dma_wait3A_245 = arith.constant 0 : i32
      %dma_wait3A_246 = tpu.memref_slice %arg8[%dma_wait3A_243, %dma_wait3A_244, %dma_wait3A_245] : memref<2x320x128xf32, #tpu.memory_space<vmem>> -> memref<1x320x128xf32, #tpu.memory_space<vmem>>
      %dma_wait3A_247 = tpu.memref_squeeze %dma_wait3A_246 : memref<1x320x128xf32, #tpu.memory_space<vmem>> -> memref<320x128xf32, #tpu.memory_space<vmem>>
      %dma_wait3A_248 = arith.constant 0 : i32
      %dma_wait3A_249 = arith.constant 0 : i32
      %dma_wait3A_250 = tpu.memref_slice %dma_wait3A_247[%dma_wait3A_248, %dma_wait3A_249] : memref<320x128xf32, #tpu.memory_space<vmem>> -> memref<64x128xf32, #tpu.memory_space<vmem>>
      %dma_wait3A_251 = arith.constant 0 : i32
      %dma_wait3A_252 = tpu.memref_slice %arg7[%add3A_226, %dma_wait3A_251] : memref<80x64xi32, #tpu.memory_space<vmem>> -> memref<1x64xi32, #tpu.memory_space<vmem>>
      %dma_wait3A_253 = tpu.memref_squeeze %dma_wait3A_252 : memref<1x64xi32, #tpu.memory_space<vmem>> -> memref<64xi32, #tpu.memory_space<vmem>>
      %dma_wait3A_254 = arith.constant 0 : i32
      %dma_wait3A_255 = arith.constant 0 : i32
      %dma_wait3A_256 = tpu.memref_slice %arg3[%dma_wait3A_254, %dma_wait3A_255] : memref<100000x128xf32, #tpu.memory_space<hbm>> -> memref<100000x128xf32, #tpu.memory_space<hbm>>
      tpu.wait_indirect_dma semaphore(%arg11 : memref<!tpu.dma_semaphore, #tpu.memory_space<semaphore_mem>>) src(%dma_wait3A_256 : memref<100000x128xf32, #tpu.memory_space<hbm>>) dst(%dma_wait3A_250 : memref<64x128xf32, #tpu.memory_space<vmem>>)
      %dma_wait3A_257 = arith.constant 0 : i32
      %dma_wait3A_258 = arith.constant 0 : i32
      %dma_wait3A_259 = arith.constant 0 : i32
      %dma_wait3A_260 = tpu.memref_slice %arg8[%dma_wait3A_257, %dma_wait3A_258, %dma_wait3A_259] : memref<2x320x128xf32, #tpu.memory_space<vmem>> -> memref<1x320x128xf32, #tpu.memory_space<vmem>>
      %dma_wait3A_261 = tpu.memref_squeeze %dma_wait3A_260 : memref<1x320x128xf32, #tpu.memory_space<vmem>> -> memref<320x128xf32, #tpu.memory_space<vmem>>
      %dma_wait3A_262 = arith.constant 64 : i32
      %dma_wait3A_263 = arith.constant 0 : i32
      %dma_wait3A_264 = tpu.memref_slice %dma_wait3A_261[%dma_wait3A_262, %dma_wait3A_263] : memref<320x128xf32, #tpu.memory_space<vmem>> -> memref<64x128xf32, #tpu.memory_space<vmem>>
      %dma_wait3A_265 = arith.constant 0 : i32
      %dma_wait3A_266 = tpu.memref_slice %arg7[%add3A_230, %dma_wait3A_265] : memref<80x64xi32, #tpu.memory_space<vmem>> -> memref<1x64xi32, #tpu.memory_space<vmem>>
      %dma_wait3A_267 = tpu.memref_squeeze %dma_wait3A_266 : memref<1x64xi32, #tpu.memory_space<vmem>> -> memref<64xi32, #tpu.memory_space<vmem>>
      %dma_wait3A_268 = arith.constant 0 : i32
      %dma_wait3A_269 = arith.constant 0 : i32
      %dma_wait3A_270 = tpu.memref_slice %arg3[%dma_wait3A_268, %dma_wait3A_269] : memref<100000x128xf32, #tpu.memory_space<hbm>> -> memref<100000x128xf32, #tpu.memory_space<hbm>>
      tpu.wait_indirect_dma semaphore(%arg11 : memref<!tpu.dma_semaphore, #tpu.memory_space<semaphore_mem>>) src(%dma_wait3A_270 : memref<100000x128xf32, #tpu.memory_space<hbm>>) dst(%dma_wait3A_264 : memref<64x128xf32, #tpu.memory_space<vmem>>)
      %dma_wait3A_271 = arith.constant 0 : i32
      %dma_wait3A_272 = arith.constant 0 : i32
      %dma_wait3A_273 = arith.constant 0 : i32
      %dma_wait3A_274 = tpu.memref_slice %arg8[%dma_wait3A_271, %dma_wait3A_272, %dma_wait3A_273] : memref<2x320x128xf32, #tpu.memory_space<vmem>> -> memref<1x320x128xf32, #tpu.memory_space<vmem>>
      %dma_wait3A_275 = tpu.memref_squeeze %dma_wait3A_274 : memref<1x320x128xf32, #tpu.memory_space<vmem>> -> memref<320x128xf32, #tpu.memory_space<vmem>>
      %dma_wait3A_276 = arith.constant 128 : i32
      %dma_wait3A_277 = arith.constant 0 : i32
      %dma_wait3A_278 = tpu.memref_slice %dma_wait3A_275[%dma_wait3A_276, %dma_wait3A_277] : memref<320x128xf32, #tpu.memory_space<vmem>> -> memref<64x128xf32, #tpu.memory_space<vmem>>
      %dma_wait3A_279 = arith.constant 0 : i32
      %dma_wait3A_280 = tpu.memref_slice %arg7[%add3A_234, %dma_wait3A_279] : memref<80x64xi32, #tpu.memory_space<vmem>> -> memref<1x64xi32, #tpu.memory_space<vmem>>
      %dma_wait3A_281 = tpu.memref_squeeze %dma_wait3A_280 : memref<1x64xi32, #tpu.memory_space<vmem>> -> memref<64xi32, #tpu.memory_space<vmem>>
      %dma_wait3A_282 = arith.constant 0 : i32
      %dma_wait3A_283 = arith.constant 0 : i32
      %dma_wait3A_284 = tpu.memref_slice %arg3[%dma_wait3A_282, %dma_wait3A_283] : memref<100000x128xf32, #tpu.memory_space<hbm>> -> memref<100000x128xf32, #tpu.memory_space<hbm>>
      tpu.wait_indirect_dma semaphore(%arg11 : memref<!tpu.dma_semaphore, #tpu.memory_space<semaphore_mem>>) src(%dma_wait3A_284 : memref<100000x128xf32, #tpu.memory_space<hbm>>) dst(%dma_wait3A_278 : memref<64x128xf32, #tpu.memory_space<vmem>>)
      %dma_wait3A_285 = arith.constant 0 : i32
      %dma_wait3A_286 = arith.constant 0 : i32
      %dma_wait3A_287 = arith.constant 0 : i32
      %dma_wait3A_288 = tpu.memref_slice %arg8[%dma_wait3A_285, %dma_wait3A_286, %dma_wait3A_287] : memref<2x320x128xf32, #tpu.memory_space<vmem>> -> memref<1x320x128xf32, #tpu.memory_space<vmem>>
      %dma_wait3A_289 = tpu.memref_squeeze %dma_wait3A_288 : memref<1x320x128xf32, #tpu.memory_space<vmem>> -> memref<320x128xf32, #tpu.memory_space<vmem>>
      %dma_wait3A_290 = arith.constant 192 : i32
      %dma_wait3A_291 = arith.constant 0 : i32
      %dma_wait3A_292 = tpu.memref_slice %dma_wait3A_289[%dma_wait3A_290, %dma_wait3A_291] : memref<320x128xf32, #tpu.memory_space<vmem>> -> memref<64x128xf32, #tpu.memory_space<vmem>>
      %dma_wait3A_293 = arith.constant 0 : i32
      %dma_wait3A_294 = tpu.memref_slice %arg7[%add3A_238, %dma_wait3A_293] : memref<80x64xi32, #tpu.memory_space<vmem>> -> memref<1x64xi32, #tpu.memory_space<vmem>>
      %dma_wait3A_295 = tpu.memref_squeeze %dma_wait3A_294 : memref<1x64xi32, #tpu.memory_space<vmem>> -> memref<64xi32, #tpu.memory_space<vmem>>
      %dma_wait3A_296 = arith.constant 0 : i32
      %dma_wait3A_297 = arith.constant 0 : i32
      %dma_wait3A_298 = tpu.memref_slice %arg3[%dma_wait3A_296, %dma_wait3A_297] : memref<100000x128xf32, #tpu.memory_space<hbm>> -> memref<100000x128xf32, #tpu.memory_space<hbm>>
      tpu.wait_indirect_dma semaphore(%arg11 : memref<!tpu.dma_semaphore, #tpu.memory_space<semaphore_mem>>) src(%dma_wait3A_298 : memref<100000x128xf32, #tpu.memory_space<hbm>>) dst(%dma_wait3A_292 : memref<64x128xf32, #tpu.memory_space<vmem>>)
      %dma_wait3A_299 = arith.constant 0 : i32
      %dma_wait3A_300 = arith.constant 0 : i32
      %dma_wait3A_301 = arith.constant 0 : i32
      %dma_wait3A_302 = tpu.memref_slice %arg8[%dma_wait3A_299, %dma_wait3A_300, %dma_wait3A_301] : memref<2x320x128xf32, #tpu.memory_space<vmem>> -> memref<1x320x128xf32, #tpu.memory_space<vmem>>
      %dma_wait3A_303 = tpu.memref_squeeze %dma_wait3A_302 : memref<1x320x128xf32, #tpu.memory_space<vmem>> -> memref<320x128xf32, #tpu.memory_space<vmem>>
      %dma_wait3A_304 = arith.constant 256 : i32
      %dma_wait3A_305 = arith.constant 0 : i32
      %dma_wait3A_306 = tpu.memref_slice %dma_wait3A_303[%dma_wait3A_304, %dma_wait3A_305] : memref<320x128xf32, #tpu.memory_space<vmem>> -> memref<64x128xf32, #tpu.memory_space<vmem>>
      %dma_wait3A_307 = arith.constant 0 : i32
      %dma_wait3A_308 = tpu.memref_slice %arg7[%add3A_242, %dma_wait3A_307] : memref<80x64xi32, #tpu.memory_space<vmem>> -> memref<1x64xi32, #tpu.memory_space<vmem>>
      %dma_wait3A_309 = tpu.memref_squeeze %dma_wait3A_308 : memref<1x64xi32, #tpu.memory_space<vmem>> -> memref<64xi32, #tpu.memory_space<vmem>>
      %dma_wait3A_310 = arith.constant 0 : i32
      %dma_wait3A_311 = arith.constant 0 : i32
      %dma_wait3A_312 = tpu.memref_slice %arg3[%dma_wait3A_310, %dma_wait3A_311] : memref<100000x128xf32, #tpu.memory_space<hbm>> -> memref<100000x128xf32, #tpu.memory_space<hbm>>
      tpu.wait_indirect_dma semaphore(%arg11 : memref<!tpu.dma_semaphore, #tpu.memory_space<semaphore_mem>>) src(%dma_wait3A_312 : memref<100000x128xf32, #tpu.memory_space<hbm>>) dst(%dma_wait3A_306 : memref<64x128xf32, #tpu.memory_space<vmem>>)
      %ge3A = arith.constant 1 : i32
      %ge3A_313 = arith.cmpi sge, %scan3A_128, %ge3A : i32
      %convert_element_type3A = arith.extui %ge3A_313 : i1 to i32
      %cond3A = arith.constant 0 : i32
      %cond3A_314 = arith.cmpi ne, %convert_element_type3A, %cond3A : i32
      scf.if %cond3A_314 {
        %sub3A = arith.constant 2 : i32
        %sub3A_458 = arith.subi %mul3A_130, %sub3A : i32
        %mul3A_459 = arith.constant 32 : i32
        %mul3A_460 = arith.muli %sub3A_458, %mul3A_459 : i32
        %add3A_461 = arith.addi %mul3A_2, %mul3A_460 : i32
        %dma_wait3A_462 = arith.constant 0 : i32
        %dma_wait3A_463 = arith.constant 0 : i32
        %dma_wait3A_464 = arith.constant 0 : i32
        %dma_wait3A_465 = tpu.memref_slice %arg9[%dma_wait3A_462, %dma_wait3A_463, %dma_wait3A_464] : memref<2x32x128xf32, #tpu.memory_space<vmem>> -> memref<1x32x128xf32, #tpu.memory_space<vmem>>
        %dma_wait3A_466 = tpu.memref_squeeze %dma_wait3A_465 : memref<1x32x128xf32, #tpu.memory_space<vmem>> -> memref<32x128xf32, #tpu.memory_space<vmem>>
        %dma_wait3A_467 = arith.constant 0 : i32
        %dma_wait3A_468 = tpu.memref_slice %arg5[%add3A_461, %dma_wait3A_467] : memref<16384x128xf32, #tpu.memory_space<hbm>> -> memref<32x128xf32, #tpu.memory_space<hbm>>
        %dma_wait3A_469 = arith.constant 0 : i32
        %dma_wait3A_470 = tpu.memref_slice %arg5[%add3A_461, %dma_wait3A_469] : memref<16384x128xf32, #tpu.memory_space<hbm>> -> memref<32x128xf32, #tpu.memory_space<hbm>>
        %dma_wait3A_471 = arith.constant 0 : i32
        %dma_wait3A_472 = arith.constant 0 : i32
        %dma_wait3A_473 = tpu.memref_slice %arg9[%dma_wait3A_462, %dma_wait3A_471, %dma_wait3A_472] : memref<2x32x128xf32, #tpu.memory_space<vmem>> -> memref<1x32x128xf32, #tpu.memory_space<vmem>>
        %dma_wait3A_474 = tpu.memref_squeeze %dma_wait3A_473 : memref<1x32x128xf32, #tpu.memory_space<vmem>> -> memref<32x128xf32, #tpu.memory_space<vmem>>
        tpu.wait_dma2 semaphore(%arg13 : memref<!tpu.dma_semaphore, #tpu.memory_space<semaphore_mem>>) src(%dma_wait3A_474 : memref<32x128xf32, #tpu.memory_space<vmem>>) dst(%dma_wait3A_470 : memref<32x128xf32, #tpu.memory_space<hbm>>)
      } else {
      }
      %scan3A_315 = arith.constant 0 : i32
      %scan3A_316 = arith.constant 0 : i32
      %scan3A_317 = arith.constant 32 : i32
      %scan3A_318 = arith.addi %scan3A_316, %scan3A_317 : i32
      %scan3A_319 = arith.constant 2 : i32
      scf.for %scan3A_458 = %scan3A_316 to %scan3A_318 step %scan3A_319  : i32 {
        %mul3A_459 = arith.constant 32 : i32
        %mul3A_460 = arith.muli %mul3A_130, %mul3A_459 : i32
        %add3A_461 = arith.addi %mul3A_460, %scan3A_458 : i32
        %broadcast_in_dim3A = vector.broadcast %add3A_461 : i32 to vector<16xi32>
        %gather3A = tpu.vector_load_idx %arg6[%broadcast_in_dim3A, %add3A_13] : memref<512x32xf32, #tpu.memory_space<vmem>>[vector<16xi32>, vector<16xi32>], vector<16xf32>,
        %gather3A_462 = tpu.vector_load_idx %arg6[%broadcast_in_dim3A, %min3A_18] : memref<512x32xf32, #tpu.memory_space<vmem>>[vector<16xi32>, vector<16xi32>], vector<16xf32>,
        %mul3A_463 = arith.constant 10 : i32
        %mul3A_464 = arith.muli %scan3A_458, %mul3A_463 : i32
        %slice3A = vector.extract_strided_slice %gather3A {offsets = [0], sizes = [1], strides = [1]} : vector<16xf32> to vector<1xf32>
        %squeeze3A = vector.extract %slice3A[0] : f32 from vector<1xf32>
        %get3A = arith.constant 0 : i32
        %get3A_465 = arith.index_cast %get3A : i32 to index
        %get3A_466 = arith.index_cast %mul3A_464 : i32 to index
        %get3A_467 = arith.constant 0 : index
        %get3A_468 = tpu.vector_load %arg8[%get3A_465, %get3A_466, %get3A_467] {strides = array<i32>} : memref<2x320x128xf32, #tpu.memory_space<vmem>>, vector<16xf32>,
        %mul3A_469 = vector.broadcast %squeeze3A : f32 to vector<16xf32>
        %mul3A_470 = arith.mulf %mul3A_469, %get3A_468 : vector<16xf32>
        %get3A_471 = arith.constant 0 : i32
        %get3A_472 = arith.index_cast %get3A_471 : i32 to index
        %get3A_473 = arith.index_cast %mul3A_464 : i32 to index
        %get3A_474 = arith.constant 16 : index
        %get3A_475 = tpu.vector_load %arg8[%get3A_472, %get3A_473, %get3A_474] {strides = array<i32>} : memref<2x320x128xf32, #tpu.memory_space<vmem>>, vector<16xf32>,
        %mul3A_476 = vector.broadcast %squeeze3A : f32 to vector<16xf32>
        %mul3A_477 = arith.mulf %mul3A_476, %get3A_475 : vector<16xf32>
        %get3A_478 = arith.constant 0 : i32
        %get3A_479 = arith.index_cast %get3A_478 : i32 to index
        %get3A_480 = arith.index_cast %mul3A_464 : i32 to index
        %get3A_481 = arith.constant 32 : index
        %get3A_482 = tpu.vector_load %arg8[%get3A_479, %get3A_480, %get3A_481] {strides = array<i32>} : memref<2x320x128xf32, #tpu.memory_space<vmem>>, vector<16xf32>,
        %mul3A_483 = vector.broadcast %squeeze3A : f32 to vector<16xf32>
        %mul3A_484 = arith.mulf %mul3A_483, %get3A_482 : vector<16xf32>
        %get3A_485 = arith.constant 0 : i32
        %get3A_486 = arith.index_cast %get3A_485 : i32 to index
        %get3A_487 = arith.index_cast %mul3A_464 : i32 to index
        %get3A_488 = arith.constant 48 : index
        %get3A_489 = tpu.vector_load %arg8[%get3A_486, %get3A_487, %get3A_488] {strides = array<i32>} : memref<2x320x128xf32, #tpu.memory_space<vmem>>, vector<16xf32>,
        %mul3A_490 = vector.broadcast %squeeze3A : f32 to vector<16xf32>
        %mul3A_491 = arith.mulf %mul3A_490, %get3A_489 : vector<16xf32>
        %slice3A_492 = vector.extract_strided_slice %gather3A {offsets = [1], sizes = [1], strides = [1]} : vector<16xf32> to vector<1xf32>
        %squeeze3A_493 = vector.extract %slice3A_492[0] : f32 from vector<1xf32>
        %add3A_494 = arith.constant 1 : i32
        %add3A_495 = arith.addi %mul3A_464, %add3A_494 : i32
        %get3A_496 = arith.constant 0 : i32
        %get3A_497 = arith.index_cast %get3A_496 : i32 to index
        %get3A_498 = arith.index_cast %add3A_495 : i32 to index
        %get3A_499 = arith.constant 0 : index
        %get3A_500 = tpu.vector_load %arg8[%get3A_497, %get3A_498, %get3A_499] {strides = array<i32>} : memref<2x320x128xf32, #tpu.memory_space<vmem>>, vector<16xf32>,
        %mul3A_501 = vector.broadcast %squeeze3A_493 : f32 to vector<16xf32>
        %mul3A_502 = arith.mulf %mul3A_501, %get3A_500 : vector<16xf32>
        %add3A_503 = arith.addf %mul3A_470, %mul3A_502 : vector<16xf32>
        %get3A_504 = arith.constant 0 : i32
        %get3A_505 = arith.index_cast %get3A_504 : i32 to index
        %get3A_506 = arith.index_cast %add3A_495 : i32 to index
        %get3A_507 = arith.constant 16 : index
        %get3A_508 = tpu.vector_load %arg8[%get3A_505, %get3A_506, %get3A_507] {strides = array<i32>} : memref<2x320x128xf32, #tpu.memory_space<vmem>>, vector<16xf32>,
        %mul3A_509 = vector.broadcast %squeeze3A_493 : f32 to vector<16xf32>
        %mul3A_510 = arith.mulf %mul3A_509, %get3A_508 : vector<16xf32>
        %add3A_511 = arith.addf %mul3A_477, %mul3A_510 : vector<16xf32>
        %get3A_512 = arith.constant 0 : i32
        %get3A_513 = arith.index_cast %get3A_512 : i32 to index
        %get3A_514 = arith.index_cast %add3A_495 : i32 to index
        %get3A_515 = arith.constant 32 : index
        %get3A_516 = tpu.vector_load %arg8[%get3A_513, %get3A_514, %get3A_515] {strides = array<i32>} : memref<2x320x128xf32, #tpu.memory_space<vmem>>, vector<16xf32>,
        %mul3A_517 = vector.broadcast %squeeze3A_493 : f32 to vector<16xf32>
        %mul3A_518 = arith.mulf %mul3A_517, %get3A_516 : vector<16xf32>
        %add3A_519 = arith.addf %mul3A_484, %mul3A_518 : vector<16xf32>
        %get3A_520 = arith.constant 0 : i32
        %get3A_521 = arith.index_cast %get3A_520 : i32 to index
        %get3A_522 = arith.index_cast %add3A_495 : i32 to index
        %get3A_523 = arith.constant 48 : index
        %get3A_524 = tpu.vector_load %arg8[%get3A_521, %get3A_522, %get3A_523] {strides = array<i32>} : memref<2x320x128xf32, #tpu.memory_space<vmem>>, vector<16xf32>,
        %mul3A_525 = vector.broadcast %squeeze3A_493 : f32 to vector<16xf32>
        %mul3A_526 = arith.mulf %mul3A_525, %get3A_524 : vector<16xf32>
        %add3A_527 = arith.addf %mul3A_491, %mul3A_526 : vector<16xf32>
        %slice3A_528 = vector.extract_strided_slice %gather3A {offsets = [2], sizes = [1], strides = [1]} : vector<16xf32> to vector<1xf32>
        %squeeze3A_529 = vector.extract %slice3A_528[0] : f32 from vector<1xf32>
        %add3A_530 = arith.constant 2 : i32
        %add3A_531 = arith.addi %mul3A_464, %add3A_530 : i32
        %get3A_532 = arith.constant 0 : i32
        %get3A_533 = arith.index_cast %get3A_532 : i32 to index
        %get3A_534 = arith.index_cast %add3A_531 : i32 to index
        %get3A_535 = arith.constant 0 : index
        %get3A_536 = tpu.vector_load %arg8[%get3A_533, %get3A_534, %get3A_535] {strides = array<i32>} : memref<2x320x128xf32, #tpu.memory_space<vmem>>, vector<16xf32>,
        %mul3A_537 = vector.broadcast %squeeze3A_529 : f32 to vector<16xf32>
        %mul3A_538 = arith.mulf %mul3A_537, %get3A_536 : vector<16xf32>
        %add3A_539 = arith.addf %add3A_503, %mul3A_538 : vector<16xf32>
        %get3A_540 = arith.constant 0 : i32
        %get3A_541 = arith.index_cast %get3A_540 : i32 to index
        %get3A_542 = arith.index_cast %add3A_531 : i32 to index
        %get3A_543 = arith.constant 16 : index
        %get3A_544 = tpu.vector_load %arg8[%get3A_541, %get3A_542, %get3A_543] {strides = array<i32>} : memref<2x320x128xf32, #tpu.memory_space<vmem>>, vector<16xf32>,
        %mul3A_545 = vector.broadcast %squeeze3A_529 : f32 to vector<16xf32>
        %mul3A_546 = arith.mulf %mul3A_545, %get3A_544 : vector<16xf32>
        %add3A_547 = arith.addf %add3A_511, %mul3A_546 : vector<16xf32>
        %get3A_548 = arith.constant 0 : i32
        %get3A_549 = arith.index_cast %get3A_548 : i32 to index
        %get3A_550 = arith.index_cast %add3A_531 : i32 to index
        %get3A_551 = arith.constant 32 : index
        %get3A_552 = tpu.vector_load %arg8[%get3A_549, %get3A_550, %get3A_551] {strides = array<i32>} : memref<2x320x128xf32, #tpu.memory_space<vmem>>, vector<16xf32>,
        %mul3A_553 = vector.broadcast %squeeze3A_529 : f32 to vector<16xf32>
        %mul3A_554 = arith.mulf %mul3A_553, %get3A_552 : vector<16xf32>
        %add3A_555 = arith.addf %add3A_519, %mul3A_554 : vector<16xf32>
        %get3A_556 = arith.constant 0 : i32
        %get3A_557 = arith.index_cast %get3A_556 : i32 to index
        %get3A_558 = arith.index_cast %add3A_531 : i32 to index
        %get3A_559 = arith.constant 48 : index
        %get3A_560 = tpu.vector_load %arg8[%get3A_557, %get3A_558, %get3A_559] {strides = array<i32>} : memref<2x320x128xf32, #tpu.memory_space<vmem>>, vector<16xf32>,
        %mul3A_561 = vector.broadcast %squeeze3A_529 : f32 to vector<16xf32>
        %mul3A_562 = arith.mulf %mul3A_561, %get3A_560 : vector<16xf32>
        %add3A_563 = arith.addf %add3A_527, %mul3A_562 : vector<16xf32>
        %slice3A_564 = vector.extract_strided_slice %gather3A {offsets = [3], sizes = [1], strides = [1]} : vector<16xf32> to vector<1xf32>
        %squeeze3A_565 = vector.extract %slice3A_564[0] : f32 from vector<1xf32>
        %add3A_566 = arith.constant 3 : i32
        %add3A_567 = arith.addi %mul3A_464, %add3A_566 : i32
        %get3A_568 = arith.constant 0 : i32
        %get3A_569 = arith.index_cast %get3A_568 : i32 to index
        %get3A_570 = arith.index_cast %add3A_567 : i32 to index
        %get3A_571 = arith.constant 0 : index
        %get3A_572 = tpu.vector_load %arg8[%get3A_569, %get3A_570, %get3A_571] {strides = array<i32>} : memref<2x320x128xf32, #tpu.memory_space<vmem>>, vector<16xf32>,
        %mul3A_573 = vector.broadcast %squeeze3A_565 : f32 to vector<16xf32>
        %mul3A_574 = arith.mulf %mul3A_573, %get3A_572 : vector<16xf32>
        %add3A_575 = arith.addf %add3A_539, %mul3A_574 : vector<16xf32>
        %get3A_576 = arith.constant 0 : i32
        %get3A_577 = arith.index_cast %get3A_576 : i32 to index
        %get3A_578 = arith.index_cast %add3A_567 : i32 to index
        %get3A_579 = arith.constant 16 : index
        %get3A_580 = tpu.vector_load %arg8[%get3A_577, %get3A_578, %get3A_579] {strides = array<i32>} : memref<2x320x128xf32, #tpu.memory_space<vmem>>, vector<16xf32>,
        %mul3A_581 = vector.broadcast %squeeze3A_565 : f32 to vector<16xf32>
        %mul3A_582 = arith.mulf %mul3A_581, %get3A_580 : vector<16xf32>
        %add3A_583 = arith.addf %add3A_547, %mul3A_582 : vector<16xf32>
        %get3A_584 = arith.constant 0 : i32
        %get3A_585 = arith.index_cast %get3A_584 : i32 to index
        %get3A_586 = arith.index_cast %add3A_567 : i32 to index
        %get3A_587 = arith.constant 32 : index
        %get3A_588 = tpu.vector_load %arg8[%get3A_585, %get3A_586, %get3A_587] {strides = array<i32>} : memref<2x320x128xf32, #tpu.memory_space<vmem>>, vector<16xf32>,
        %mul3A_589 = vector.broadcast %squeeze3A_565 : f32 to vector<16xf32>
        %mul3A_590 = arith.mulf %mul3A_589, %get3A_588 : vector<16xf32>
        %add3A_591 = arith.addf %add3A_555, %mul3A_590 : vector<16xf32>
        %get3A_592 = arith.constant 0 : i32
        %get3A_593 = arith.index_cast %get3A_592 : i32 to index
        %get3A_594 = arith.index_cast %add3A_567 : i32 to index
        %get3A_595 = arith.constant 48 : index
        %get3A_596 = tpu.vector_load %arg8[%get3A_593, %get3A_594, %get3A_595] {strides = array<i32>} : memref<2x320x128xf32, #tpu.memory_space<vmem>>, vector<16xf32>,
        %mul3A_597 = vector.broadcast %squeeze3A_565 : f32 to vector<16xf32>
        %mul3A_598 = arith.mulf %mul3A_597, %get3A_596 : vector<16xf32>
        %add3A_599 = arith.addf %add3A_563, %mul3A_598 : vector<16xf32>
        %slice3A_600 = vector.extract_strided_slice %gather3A {offsets = [4], sizes = [1], strides = [1]} : vector<16xf32> to vector<1xf32>
        %squeeze3A_601 = vector.extract %slice3A_600[0] : f32 from vector<1xf32>
        %add3A_602 = arith.constant 4 : i32
        %add3A_603 = arith.addi %mul3A_464, %add3A_602 : i32
        %get3A_604 = arith.constant 0 : i32
        %get3A_605 = arith.index_cast %get3A_604 : i32 to index
        %get3A_606 = arith.index_cast %add3A_603 : i32 to index
        %get3A_607 = arith.constant 0 : index
        %get3A_608 = tpu.vector_load %arg8[%get3A_605, %get3A_606, %get3A_607] {strides = array<i32>} : memref<2x320x128xf32, #tpu.memory_space<vmem>>, vector<16xf32>,
        %mul3A_609 = vector.broadcast %squeeze3A_601 : f32 to vector<16xf32>
        %mul3A_610 = arith.mulf %mul3A_609, %get3A_608 : vector<16xf32>
        %add3A_611 = arith.addf %add3A_575, %mul3A_610 : vector<16xf32>
        %get3A_612 = arith.constant 0 : i32
        %get3A_613 = arith.index_cast %get3A_612 : i32 to index
        %get3A_614 = arith.index_cast %add3A_603 : i32 to index
        %get3A_615 = arith.constant 16 : index
        %get3A_616 = tpu.vector_load %arg8[%get3A_613, %get3A_614, %get3A_615] {strides = array<i32>} : memref<2x320x128xf32, #tpu.memory_space<vmem>>, vector<16xf32>,
        %mul3A_617 = vector.broadcast %squeeze3A_601 : f32 to vector<16xf32>
        %mul3A_618 = arith.mulf %mul3A_617, %get3A_616 : vector<16xf32>
        %add3A_619 = arith.addf %add3A_583, %mul3A_618 : vector<16xf32>
        %get3A_620 = arith.constant 0 : i32
        %get3A_621 = arith.index_cast %get3A_620 : i32 to index
        %get3A_622 = arith.index_cast %add3A_603 : i32 to index
        %get3A_623 = arith.constant 32 : index
        %get3A_624 = tpu.vector_load %arg8[%get3A_621, %get3A_622, %get3A_623] {strides = array<i32>} : memref<2x320x128xf32, #tpu.memory_space<vmem>>, vector<16xf32>,
        %mul3A_625 = vector.broadcast %squeeze3A_601 : f32 to vector<16xf32>
        %mul3A_626 = arith.mulf %mul3A_625, %get3A_624 : vector<16xf32>
        %add3A_627 = arith.addf %add3A_591, %mul3A_626 : vector<16xf32>
        %get3A_628 = arith.constant 0 : i32
        %get3A_629 = arith.index_cast %get3A_628 : i32 to index
        %get3A_630 = arith.index_cast %add3A_603 : i32 to index
        %get3A_631 = arith.constant 48 : index
        %get3A_632 = tpu.vector_load %arg8[%get3A_629, %get3A_630, %get3A_631] {strides = array<i32>} : memref<2x320x128xf32, #tpu.memory_space<vmem>>, vector<16xf32>,
        %mul3A_633 = vector.broadcast %squeeze3A_601 : f32 to vector<16xf32>
        %mul3A_634 = arith.mulf %mul3A_633, %get3A_632 : vector<16xf32>
        %add3A_635 = arith.addf %add3A_599, %mul3A_634 : vector<16xf32>
        %slice3A_636 = vector.extract_strided_slice %gather3A {offsets = [5], sizes = [1], strides = [1]} : vector<16xf32> to vector<1xf32>
        %squeeze3A_637 = vector.extract %slice3A_636[0] : f32 from vector<1xf32>
        %add3A_638 = arith.constant 5 : i32
        %add3A_639 = arith.addi %mul3A_464, %add3A_638 : i32
        %get3A_640 = arith.constant 0 : i32
        %get3A_641 = arith.index_cast %get3A_640 : i32 to index
        %get3A_642 = arith.index_cast %add3A_639 : i32 to index
        %get3A_643 = arith.constant 0 : index
        %get3A_644 = tpu.vector_load %arg8[%get3A_641, %get3A_642, %get3A_643] {strides = array<i32>} : memref<2x320x128xf32, #tpu.memory_space<vmem>>, vector<16xf32>,
        %mul3A_645 = vector.broadcast %squeeze3A_637 : f32 to vector<16xf32>
        %mul3A_646 = arith.mulf %mul3A_645, %get3A_644 : vector<16xf32>
        %add3A_647 = arith.addf %add3A_611, %mul3A_646 : vector<16xf32>
        %get3A_648 = arith.constant 0 : i32
        %get3A_649 = arith.index_cast %get3A_648 : i32 to index
        %get3A_650 = arith.index_cast %add3A_639 : i32 to index
        %get3A_651 = arith.constant 16 : index
        %get3A_652 = tpu.vector_load %arg8[%get3A_649, %get3A_650, %get3A_651] {strides = array<i32>} : memref<2x320x128xf32, #tpu.memory_space<vmem>>, vector<16xf32>,
        %mul3A_653 = vector.broadcast %squeeze3A_637 : f32 to vector<16xf32>
        %mul3A_654 = arith.mulf %mul3A_653, %get3A_652 : vector<16xf32>
        %add3A_655 = arith.addf %add3A_619, %mul3A_654 : vector<16xf32>
        %get3A_656 = arith.constant 0 : i32
        %get3A_657 = arith.index_cast %get3A_656 : i32 to index
        %get3A_658 = arith.index_cast %add3A_639 : i32 to index
        %get3A_659 = arith.constant 32 : index
        %get3A_660 = tpu.vector_load %arg8[%get3A_657, %get3A_658, %get3A_659] {strides = array<i32>} : memref<2x320x128xf32, #tpu.memory_space<vmem>>, vector<16xf32>,
        %mul3A_661 = vector.broadcast %squeeze3A_637 : f32 to vector<16xf32>
        %mul3A_662 = arith.mulf %mul3A_661, %get3A_660 : vector<16xf32>
        %add3A_663 = arith.addf %add3A_627, %mul3A_662 : vector<16xf32>
        %get3A_664 = arith.constant 0 : i32
        %get3A_665 = arith.index_cast %get3A_664 : i32 to index
        %get3A_666 = arith.index_cast %add3A_639 : i32 to index
        %get3A_667 = arith.constant 48 : index
        %get3A_668 = tpu.vector_load %arg8[%get3A_665, %get3A_666, %get3A_667] {strides = array<i32>} : memref<2x320x128xf32, #tpu.memory_space<vmem>>, vector<16xf32>,
        %mul3A_669 = vector.broadcast %squeeze3A_637 : f32 to vector<16xf32>
        %mul3A_670 = arith.mulf %mul3A_669, %get3A_668 : vector<16xf32>
        %add3A_671 = arith.addf %add3A_635, %mul3A_670 : vector<16xf32>
        %slice3A_672 = vector.extract_strided_slice %gather3A {offsets = [6], sizes = [1], strides = [1]} : vector<16xf32> to vector<1xf32>
        %squeeze3A_673 = vector.extract %slice3A_672[0] : f32 from vector<1xf32>
        %add3A_674 = arith.constant 6 : i32
        %add3A_675 = arith.addi %mul3A_464, %add3A_674 : i32
        %get3A_676 = arith.constant 0 : i32
        %get3A_677 = arith.index_cast %get3A_676 : i32 to index
        %get3A_678 = arith.index_cast %add3A_675 : i32 to index
        %get3A_679 = arith.constant 0 : index
        %get3A_680 = tpu.vector_load %arg8[%get3A_677, %get3A_678, %get3A_679] {strides = array<i32>} : memref<2x320x128xf32, #tpu.memory_space<vmem>>, vector<16xf32>,
        %mul3A_681 = vector.broadcast %squeeze3A_673 : f32 to vector<16xf32>
        %mul3A_682 = arith.mulf %mul3A_681, %get3A_680 : vector<16xf32>
        %add3A_683 = arith.addf %add3A_647, %mul3A_682 : vector<16xf32>
        %get3A_684 = arith.constant 0 : i32
        %get3A_685 = arith.index_cast %get3A_684 : i32 to index
        %get3A_686 = arith.index_cast %add3A_675 : i32 to index
        %get3A_687 = arith.constant 16 : index
        %get3A_688 = tpu.vector_load %arg8[%get3A_685, %get3A_686, %get3A_687] {strides = array<i32>} : memref<2x320x128xf32, #tpu.memory_space<vmem>>, vector<16xf32>,
        %mul3A_689 = vector.broadcast %squeeze3A_673 : f32 to vector<16xf32>
        %mul3A_690 = arith.mulf %mul3A_689, %get3A_688 : vector<16xf32>
        %add3A_691 = arith.addf %add3A_655, %mul3A_690 : vector<16xf32>
        %get3A_692 = arith.constant 0 : i32
        %get3A_693 = arith.index_cast %get3A_692 : i32 to index
        %get3A_694 = arith.index_cast %add3A_675 : i32 to index
        %get3A_695 = arith.constant 32 : index
        %get3A_696 = tpu.vector_load %arg8[%get3A_693, %get3A_694, %get3A_695] {strides = array<i32>} : memref<2x320x128xf32, #tpu.memory_space<vmem>>, vector<16xf32>,
        %mul3A_697 = vector.broadcast %squeeze3A_673 : f32 to vector<16xf32>
        %mul3A_698 = arith.mulf %mul3A_697, %get3A_696 : vector<16xf32>
        %add3A_699 = arith.addf %add3A_663, %mul3A_698 : vector<16xf32>
        %get3A_700 = arith.constant 0 : i32
        %get3A_701 = arith.index_cast %get3A_700 : i32 to index
        %get3A_702 = arith.index_cast %add3A_675 : i32 to index
        %get3A_703 = arith.constant 48 : index
        %get3A_704 = tpu.vector_load %arg8[%get3A_701, %get3A_702, %get3A_703] {strides = array<i32>} : memref<2x320x128xf32, #tpu.memory_space<vmem>>, vector<16xf32>,
        %mul3A_705 = vector.broadcast %squeeze3A_673 : f32 to vector<16xf32>
        %mul3A_706 = arith.mulf %mul3A_705, %get3A_704 : vector<16xf32>
        %add3A_707 = arith.addf %add3A_671, %mul3A_706 : vector<16xf32>
        %slice3A_708 = vector.extract_strided_slice %gather3A {offsets = [7], sizes = [1], strides = [1]} : vector<16xf32> to vector<1xf32>
        %squeeze3A_709 = vector.extract %slice3A_708[0] : f32 from vector<1xf32>
        %add3A_710 = arith.constant 7 : i32
        %add3A_711 = arith.addi %mul3A_464, %add3A_710 : i32
        %get3A_712 = arith.constant 0 : i32
        %get3A_713 = arith.index_cast %get3A_712 : i32 to index
        %get3A_714 = arith.index_cast %add3A_711 : i32 to index
        %get3A_715 = arith.constant 0 : index
        %get3A_716 = tpu.vector_load %arg8[%get3A_713, %get3A_714, %get3A_715] {strides = array<i32>} : memref<2x320x128xf32, #tpu.memory_space<vmem>>, vector<16xf32>,
        %mul3A_717 = vector.broadcast %squeeze3A_709 : f32 to vector<16xf32>
        %mul3A_718 = arith.mulf %mul3A_717, %get3A_716 : vector<16xf32>
        %add3A_719 = arith.addf %add3A_683, %mul3A_718 : vector<16xf32>
        %get3A_720 = arith.constant 0 : i32
        %get3A_721 = arith.index_cast %get3A_720 : i32 to index
        %get3A_722 = arith.index_cast %add3A_711 : i32 to index
        %get3A_723 = arith.constant 16 : index
        %get3A_724 = tpu.vector_load %arg8[%get3A_721, %get3A_722, %get3A_723] {strides = array<i32>} : memref<2x320x128xf32, #tpu.memory_space<vmem>>, vector<16xf32>,
        %mul3A_725 = vector.broadcast %squeeze3A_709 : f32 to vector<16xf32>
        %mul3A_726 = arith.mulf %mul3A_725, %get3A_724 : vector<16xf32>
        %add3A_727 = arith.addf %add3A_691, %mul3A_726 : vector<16xf32>
        %get3A_728 = arith.constant 0 : i32
        %get3A_729 = arith.index_cast %get3A_728 : i32 to index
        %get3A_730 = arith.index_cast %add3A_711 : i32 to index
        %get3A_731 = arith.constant 32 : index
        %get3A_732 = tpu.vector_load %arg8[%get3A_729, %get3A_730, %get3A_731] {strides = array<i32>} : memref<2x320x128xf32, #tpu.memory_space<vmem>>, vector<16xf32>,
        %mul3A_733 = vector.broadcast %squeeze3A_709 : f32 to vector<16xf32>
        %mul3A_734 = arith.mulf %mul3A_733, %get3A_732 : vector<16xf32>
        %add3A_735 = arith.addf %add3A_699, %mul3A_734 : vector<16xf32>
        %get3A_736 = arith.constant 0 : i32
        %get3A_737 = arith.index_cast %get3A_736 : i32 to index
        %get3A_738 = arith.index_cast %add3A_711 : i32 to index
        %get3A_739 = arith.constant 48 : index
        %get3A_740 = tpu.vector_load %arg8[%get3A_737, %get3A_738, %get3A_739] {strides = array<i32>} : memref<2x320x128xf32, #tpu.memory_space<vmem>>, vector<16xf32>,
        %mul3A_741 = vector.broadcast %squeeze3A_709 : f32 to vector<16xf32>
        %mul3A_742 = arith.mulf %mul3A_741, %get3A_740 : vector<16xf32>
        %add3A_743 = arith.addf %add3A_707, %mul3A_742 : vector<16xf32>
        %slice3A_744 = vector.extract_strided_slice %gather3A {offsets = [8], sizes = [1], strides = [1]} : vector<16xf32> to vector<1xf32>
        %squeeze3A_745 = vector.extract %slice3A_744[0] : f32 from vector<1xf32>
        %add3A_746 = arith.constant 8 : i32
        %add3A_747 = arith.addi %mul3A_464, %add3A_746 : i32
        %get3A_748 = arith.constant 0 : i32
        %get3A_749 = arith.index_cast %get3A_748 : i32 to index
        %get3A_750 = arith.index_cast %add3A_747 : i32 to index
        %get3A_751 = arith.constant 0 : index
        %get3A_752 = tpu.vector_load %arg8[%get3A_749, %get3A_750, %get3A_751] {strides = array<i32>} : memref<2x320x128xf32, #tpu.memory_space<vmem>>, vector<16xf32>,
        %mul3A_753 = vector.broadcast %squeeze3A_745 : f32 to vector<16xf32>
        %mul3A_754 = arith.mulf %mul3A_753, %get3A_752 : vector<16xf32>
        %add3A_755 = arith.addf %add3A_719, %mul3A_754 : vector<16xf32>
        %get3A_756 = arith.constant 0 : i32
        %get3A_757 = arith.index_cast %get3A_756 : i32 to index
        %get3A_758 = arith.index_cast %add3A_747 : i32 to index
        %get3A_759 = arith.constant 16 : index
        %get3A_760 = tpu.vector_load %arg8[%get3A_757, %get3A_758, %get3A_759] {strides = array<i32>} : memref<2x320x128xf32, #tpu.memory_space<vmem>>, vector<16xf32>,
        %mul3A_761 = vector.broadcast %squeeze3A_745 : f32 to vector<16xf32>
        %mul3A_762 = arith.mulf %mul3A_761, %get3A_760 : vector<16xf32>
        %add3A_763 = arith.addf %add3A_727, %mul3A_762 : vector<16xf32>
        %get3A_764 = arith.constant 0 : i32
        %get3A_765 = arith.index_cast %get3A_764 : i32 to index
        %get3A_766 = arith.index_cast %add3A_747 : i32 to index
        %get3A_767 = arith.constant 32 : index
        %get3A_768 = tpu.vector_load %arg8[%get3A_765, %get3A_766, %get3A_767] {strides = array<i32>} : memref<2x320x128xf32, #tpu.memory_space<vmem>>, vector<16xf32>,
        %mul3A_769 = vector.broadcast %squeeze3A_745 : f32 to vector<16xf32>
        %mul3A_770 = arith.mulf %mul3A_769, %get3A_768 : vector<16xf32>
        %add3A_771 = arith.addf %add3A_735, %mul3A_770 : vector<16xf32>
        %get3A_772 = arith.constant 0 : i32
        %get3A_773 = arith.index_cast %get3A_772 : i32 to index
        %get3A_774 = arith.index_cast %add3A_747 : i32 to index
        %get3A_775 = arith.constant 48 : index
        %get3A_776 = tpu.vector_load %arg8[%get3A_773, %get3A_774, %get3A_775] {strides = array<i32>} : memref<2x320x128xf32, #tpu.memory_space<vmem>>, vector<16xf32>,
        %mul3A_777 = vector.broadcast %squeeze3A_745 : f32 to vector<16xf32>
        %mul3A_778 = arith.mulf %mul3A_777, %get3A_776 : vector<16xf32>
        %add3A_779 = arith.addf %add3A_743, %mul3A_778 : vector<16xf32>
        %slice3A_780 = vector.extract_strided_slice %gather3A {offsets = [9], sizes = [1], strides = [1]} : vector<16xf32> to vector<1xf32>
        %squeeze3A_781 = vector.extract %slice3A_780[0] : f32 from vector<1xf32>
        %add3A_782 = arith.constant 9 : i32
        %add3A_783 = arith.addi %mul3A_464, %add3A_782 : i32
        %get3A_784 = arith.constant 0 : i32
        %get3A_785 = arith.index_cast %get3A_784 : i32 to index
        %get3A_786 = arith.index_cast %add3A_783 : i32 to index
        %get3A_787 = arith.constant 0 : index
        %get3A_788 = tpu.vector_load %arg8[%get3A_785, %get3A_786, %get3A_787] {strides = array<i32>} : memref<2x320x128xf32, #tpu.memory_space<vmem>>, vector<16xf32>,
        %mul3A_789 = vector.broadcast %squeeze3A_781 : f32 to vector<16xf32>
        %mul3A_790 = arith.mulf %mul3A_789, %get3A_788 : vector<16xf32>
        %add3A_791 = arith.addf %add3A_755, %mul3A_790 : vector<16xf32>
        %get3A_792 = arith.constant 0 : i32
        %get3A_793 = arith.index_cast %get3A_792 : i32 to index
        %get3A_794 = arith.index_cast %add3A_783 : i32 to index
        %get3A_795 = arith.constant 16 : index
        %get3A_796 = tpu.vector_load %arg8[%get3A_793, %get3A_794, %get3A_795] {strides = array<i32>} : memref<2x320x128xf32, #tpu.memory_space<vmem>>, vector<16xf32>,
        %mul3A_797 = vector.broadcast %squeeze3A_781 : f32 to vector<16xf32>
        %mul3A_798 = arith.mulf %mul3A_797, %get3A_796 : vector<16xf32>
        %add3A_799 = arith.addf %add3A_763, %mul3A_798 : vector<16xf32>
        %get3A_800 = arith.constant 0 : i32
        %get3A_801 = arith.index_cast %get3A_800 : i32 to index
        %get3A_802 = arith.index_cast %add3A_783 : i32 to index
        %get3A_803 = arith.constant 32 : index
        %get3A_804 = tpu.vector_load %arg8[%get3A_801, %get3A_802, %get3A_803] {strides = array<i32>} : memref<2x320x128xf32, #tpu.memory_space<vmem>>, vector<16xf32>,
        %mul3A_805 = vector.broadcast %squeeze3A_781 : f32 to vector<16xf32>
        %mul3A_806 = arith.mulf %mul3A_805, %get3A_804 : vector<16xf32>
        %add3A_807 = arith.addf %add3A_771, %mul3A_806 : vector<16xf32>
        %get3A_808 = arith.constant 0 : i32
        %get3A_809 = arith.index_cast %get3A_808 : i32 to index
        %get3A_810 = arith.index_cast %add3A_783 : i32 to index
        %get3A_811 = arith.constant 48 : index
        %get3A_812 = tpu.vector_load %arg8[%get3A_809, %get3A_810, %get3A_811] {strides = array<i32>} : memref<2x320x128xf32, #tpu.memory_space<vmem>>, vector<16xf32>,
        %mul3A_813 = vector.broadcast %squeeze3A_781 : f32 to vector<16xf32>
        %mul3A_814 = arith.mulf %mul3A_813, %get3A_812 : vector<16xf32>
        %add3A_815 = arith.addf %add3A_779, %mul3A_814 : vector<16xf32>
        %slice3A_816 = vector.extract_strided_slice %gather3A_462 {offsets = [0], sizes = [1], strides = [1]} : vector<16xf32> to vector<1xf32>
        %squeeze3A_817 = vector.extract %slice3A_816[0] : f32 from vector<1xf32>
        %get3A_818 = arith.constant 0 : i32
        %get3A_819 = arith.index_cast %get3A_818 : i32 to index
        %get3A_820 = arith.constant 0 : index
        %get3A_821 = tpu.vector_load %arg10[%get3A_819, %get3A_820] {strides = array<i32>} : memref<11x64xf32, #tpu.memory_space<vmem>>, vector<16xf32>,
        %mul3A_822 = vector.broadcast %squeeze3A_817 : f32 to vector<16xf32>
        %mul3A_823 = arith.mulf %mul3A_822, %get3A_821 : vector<16xf32>
        %get3A_824 = arith.constant 0 : i32
        %get3A_825 = arith.index_cast %get3A_824 : i32 to index
        %get3A_826 = arith.constant 16 : index
        %get3A_827 = tpu.vector_load %arg10[%get3A_825, %get3A_826] {strides = array<i32>} : memref<11x64xf32, #tpu.memory_space<vmem>>, vector<16xf32>,
        %mul3A_828 = vector.broadcast %squeeze3A_817 : f32 to vector<16xf32>
        %mul3A_829 = arith.mulf %mul3A_828, %get3A_827 : vector<16xf32>
        %get3A_830 = arith.constant 0 : i32
        %get3A_831 = arith.index_cast %get3A_830 : i32 to index
        %get3A_832 = arith.constant 32 : index
        %get3A_833 = tpu.vector_load %arg10[%get3A_831, %get3A_832] {strides = array<i32>} : memref<11x64xf32, #tpu.memory_space<vmem>>, vector<16xf32>,
        %mul3A_834 = vector.broadcast %squeeze3A_817 : f32 to vector<16xf32>
        %mul3A_835 = arith.mulf %mul3A_834, %get3A_833 : vector<16xf32>
        %get3A_836 = arith.constant 0 : i32
        %get3A_837 = arith.index_cast %get3A_836 : i32 to index
        %get3A_838 = arith.constant 48 : index
        %get3A_839 = tpu.vector_load %arg10[%get3A_837, %get3A_838] {strides = array<i32>} : memref<11x64xf32, #tpu.memory_space<vmem>>, vector<16xf32>,
        %mul3A_840 = vector.broadcast %squeeze3A_817 : f32 to vector<16xf32>
        %mul3A_841 = arith.mulf %mul3A_840, %get3A_839 : vector<16xf32>
        %slice3A_842 = vector.extract_strided_slice %gather3A_462 {offsets = [1], sizes = [1], strides = [1]} : vector<16xf32> to vector<1xf32>
        %squeeze3A_843 = vector.extract %slice3A_842[0] : f32 from vector<1xf32>
        %get3A_844 = arith.constant 1 : i32
        %get3A_845 = arith.index_cast %get3A_844 : i32 to index
        %get3A_846 = arith.constant 0 : index
        %get3A_847 = tpu.vector_load %arg10[%get3A_845, %get3A_846] {strides = array<i32>} : memref<11x64xf32, #tpu.memory_space<vmem>>, vector<16xf32>,
        %mul3A_848 = vector.broadcast %squeeze3A_843 : f32 to vector<16xf32>
        %mul3A_849 = arith.mulf %mul3A_848, %get3A_847 : vector<16xf32>
        %add3A_850 = arith.addf %mul3A_823, %mul3A_849 : vector<16xf32>
        %get3A_851 = arith.constant 1 : i32
        %get3A_852 = arith.index_cast %get3A_851 : i32 to index
        %get3A_853 = arith.constant 16 : index
        %get3A_854 = tpu.vector_load %arg10[%get3A_852, %get3A_853] {strides = array<i32>} : memref<11x64xf32, #tpu.memory_space<vmem>>, vector<16xf32>,
        %mul3A_855 = vector.broadcast %squeeze3A_843 : f32 to vector<16xf32>
        %mul3A_856 = arith.mulf %mul3A_855, %get3A_854 : vector<16xf32>
        %add3A_857 = arith.addf %mul3A_829, %mul3A_856 : vector<16xf32>
        %get3A_858 = arith.constant 1 : i32
        %get3A_859 = arith.index_cast %get3A_858 : i32 to index
        %get3A_860 = arith.constant 32 : index
        %get3A_861 = tpu.vector_load %arg10[%get3A_859, %get3A_860] {strides = array<i32>} : memref<11x64xf32, #tpu.memory_space<vmem>>, vector<16xf32>,
        %mul3A_862 = vector.broadcast %squeeze3A_843 : f32 to vector<16xf32>
        %mul3A_863 = arith.mulf %mul3A_862, %get3A_861 : vector<16xf32>
        %add3A_864 = arith.addf %mul3A_835, %mul3A_863 : vector<16xf32>
        %get3A_865 = arith.constant 1 : i32
        %get3A_866 = arith.index_cast %get3A_865 : i32 to index
        %get3A_867 = arith.constant 48 : index
        %get3A_868 = tpu.vector_load %arg10[%get3A_866, %get3A_867] {strides = array<i32>} : memref<11x64xf32, #tpu.memory_space<vmem>>, vector<16xf32>,
        %mul3A_869 = vector.broadcast %squeeze3A_843 : f32 to vector<16xf32>
        %mul3A_870 = arith.mulf %mul3A_869, %get3A_868 : vector<16xf32>
        %add3A_871 = arith.addf %mul3A_841, %mul3A_870 : vector<16xf32>
        %slice3A_872 = vector.extract_strided_slice %gather3A_462 {offsets = [2], sizes = [1], strides = [1]} : vector<16xf32> to vector<1xf32>
        %squeeze3A_873 = vector.extract %slice3A_872[0] : f32 from vector<1xf32>
        %get3A_874 = arith.constant 2 : i32
        %get3A_875 = arith.index_cast %get3A_874 : i32 to index
        %get3A_876 = arith.constant 0 : index
        %get3A_877 = tpu.vector_load %arg10[%get3A_875, %get3A_876] {strides = array<i32>} : memref<11x64xf32, #tpu.memory_space<vmem>>, vector<16xf32>,
        %mul3A_878 = vector.broadcast %squeeze3A_873 : f32 to vector<16xf32>
        %mul3A_879 = arith.mulf %mul3A_878, %get3A_877 : vector<16xf32>
        %add3A_880 = arith.addf %add3A_850, %mul3A_879 : vector<16xf32>
        %get3A_881 = arith.constant 2 : i32
        %get3A_882 = arith.index_cast %get3A_881 : i32 to index
        %get3A_883 = arith.constant 16 : index
        %get3A_884 = tpu.vector_load %arg10[%get3A_882, %get3A_883] {strides = array<i32>} : memref<11x64xf32, #tpu.memory_space<vmem>>, vector<16xf32>,
        %mul3A_885 = vector.broadcast %squeeze3A_873 : f32 to vector<16xf32>
        %mul3A_886 = arith.mulf %mul3A_885, %get3A_884 : vector<16xf32>
        %add3A_887 = arith.addf %add3A_857, %mul3A_886 : vector<16xf32>
        %get3A_888 = arith.constant 2 : i32
        %get3A_889 = arith.index_cast %get3A_888 : i32 to index
        %get3A_890 = arith.constant 32 : index
        %get3A_891 = tpu.vector_load %arg10[%get3A_889, %get3A_890] {strides = array<i32>} : memref<11x64xf32, #tpu.memory_space<vmem>>, vector<16xf32>,
        %mul3A_892 = vector.broadcast %squeeze3A_873 : f32 to vector<16xf32>
        %mul3A_893 = arith.mulf %mul3A_892, %get3A_891 : vector<16xf32>
        %add3A_894 = arith.addf %add3A_864, %mul3A_893 : vector<16xf32>
        %get3A_895 = arith.constant 2 : i32
        %get3A_896 = arith.index_cast %get3A_895 : i32 to index
        %get3A_897 = arith.constant 48 : index
        %get3A_898 = tpu.vector_load %arg10[%get3A_896, %get3A_897] {strides = array<i32>} : memref<11x64xf32, #tpu.memory_space<vmem>>, vector<16xf32>,
        %mul3A_899 = vector.broadcast %squeeze3A_873 : f32 to vector<16xf32>
        %mul3A_900 = arith.mulf %mul3A_899, %get3A_898 : vector<16xf32>
        %add3A_901 = arith.addf %add3A_871, %mul3A_900 : vector<16xf32>
        %slice3A_902 = vector.extract_strided_slice %gather3A_462 {offsets = [3], sizes = [1], strides = [1]} : vector<16xf32> to vector<1xf32>
        %squeeze3A_903 = vector.extract %slice3A_902[0] : f32 from vector<1xf32>
        %get3A_904 = arith.constant 3 : i32
        %get3A_905 = arith.index_cast %get3A_904 : i32 to index
        %get3A_906 = arith.constant 0 : index
        %get3A_907 = tpu.vector_load %arg10[%get3A_905, %get3A_906] {strides = array<i32>} : memref<11x64xf32, #tpu.memory_space<vmem>>, vector<16xf32>,
        %mul3A_908 = vector.broadcast %squeeze3A_903 : f32 to vector<16xf32>
        %mul3A_909 = arith.mulf %mul3A_908, %get3A_907 : vector<16xf32>
        %add3A_910 = arith.addf %add3A_880, %mul3A_909 : vector<16xf32>
        %get3A_911 = arith.constant 3 : i32
        %get3A_912 = arith.index_cast %get3A_911 : i32 to index
        %get3A_913 = arith.constant 16 : index
        %get3A_914 = tpu.vector_load %arg10[%get3A_912, %get3A_913] {strides = array<i32>} : memref<11x64xf32, #tpu.memory_space<vmem>>, vector<16xf32>,
        %mul3A_915 = vector.broadcast %squeeze3A_903 : f32 to vector<16xf32>
        %mul3A_916 = arith.mulf %mul3A_915, %get3A_914 : vector<16xf32>
        %add3A_917 = arith.addf %add3A_887, %mul3A_916 : vector<16xf32>
        %get3A_918 = arith.constant 3 : i32
        %get3A_919 = arith.index_cast %get3A_918 : i32 to index
        %get3A_920 = arith.constant 32 : index
        %get3A_921 = tpu.vector_load %arg10[%get3A_919, %get3A_920] {strides = array<i32>} : memref<11x64xf32, #tpu.memory_space<vmem>>, vector<16xf32>,
        %mul3A_922 = vector.broadcast %squeeze3A_903 : f32 to vector<16xf32>
        %mul3A_923 = arith.mulf %mul3A_922, %get3A_921 : vector<16xf32>
        %add3A_924 = arith.addf %add3A_894, %mul3A_923 : vector<16xf32>
        %get3A_925 = arith.constant 3 : i32
        %get3A_926 = arith.index_cast %get3A_925 : i32 to index
        %get3A_927 = arith.constant 48 : index
        %get3A_928 = tpu.vector_load %arg10[%get3A_926, %get3A_927] {strides = array<i32>} : memref<11x64xf32, #tpu.memory_space<vmem>>, vector<16xf32>,
        %mul3A_929 = vector.broadcast %squeeze3A_903 : f32 to vector<16xf32>
        %mul3A_930 = arith.mulf %mul3A_929, %get3A_928 : vector<16xf32>
        %add3A_931 = arith.addf %add3A_901, %mul3A_930 : vector<16xf32>
        %slice3A_932 = vector.extract_strided_slice %gather3A_462 {offsets = [4], sizes = [1], strides = [1]} : vector<16xf32> to vector<1xf32>
        %squeeze3A_933 = vector.extract %slice3A_932[0] : f32 from vector<1xf32>
        %get3A_934 = arith.constant 4 : i32
        %get3A_935 = arith.index_cast %get3A_934 : i32 to index
        %get3A_936 = arith.constant 0 : index
        %get3A_937 = tpu.vector_load %arg10[%get3A_935, %get3A_936] {strides = array<i32>} : memref<11x64xf32, #tpu.memory_space<vmem>>, vector<16xf32>,
        %mul3A_938 = vector.broadcast %squeeze3A_933 : f32 to vector<16xf32>
        %mul3A_939 = arith.mulf %mul3A_938, %get3A_937 : vector<16xf32>
        %add3A_940 = arith.addf %add3A_910, %mul3A_939 : vector<16xf32>
        %get3A_941 = arith.constant 4 : i32
        %get3A_942 = arith.index_cast %get3A_941 : i32 to index
        %get3A_943 = arith.constant 16 : index
        %get3A_944 = tpu.vector_load %arg10[%get3A_942, %get3A_943] {strides = array<i32>} : memref<11x64xf32, #tpu.memory_space<vmem>>, vector<16xf32>,
        %mul3A_945 = vector.broadcast %squeeze3A_933 : f32 to vector<16xf32>
        %mul3A_946 = arith.mulf %mul3A_945, %get3A_944 : vector<16xf32>
        %add3A_947 = arith.addf %add3A_917, %mul3A_946 : vector<16xf32>
        %get3A_948 = arith.constant 4 : i32
        %get3A_949 = arith.index_cast %get3A_948 : i32 to index
        %get3A_950 = arith.constant 32 : index
        %get3A_951 = tpu.vector_load %arg10[%get3A_949, %get3A_950] {strides = array<i32>} : memref<11x64xf32, #tpu.memory_space<vmem>>, vector<16xf32>,
        %mul3A_952 = vector.broadcast %squeeze3A_933 : f32 to vector<16xf32>
        %mul3A_953 = arith.mulf %mul3A_952, %get3A_951 : vector<16xf32>
        %add3A_954 = arith.addf %add3A_924, %mul3A_953 : vector<16xf32>
        %get3A_955 = arith.constant 4 : i32
        %get3A_956 = arith.index_cast %get3A_955 : i32 to index
        %get3A_957 = arith.constant 48 : index
        %get3A_958 = tpu.vector_load %arg10[%get3A_956, %get3A_957] {strides = array<i32>} : memref<11x64xf32, #tpu.memory_space<vmem>>, vector<16xf32>,
        %mul3A_959 = vector.broadcast %squeeze3A_933 : f32 to vector<16xf32>
        %mul3A_960 = arith.mulf %mul3A_959, %get3A_958 : vector<16xf32>
        %add3A_961 = arith.addf %add3A_931, %mul3A_960 : vector<16xf32>
        %slice3A_962 = vector.extract_strided_slice %gather3A_462 {offsets = [5], sizes = [1], strides = [1]} : vector<16xf32> to vector<1xf32>
        %squeeze3A_963 = vector.extract %slice3A_962[0] : f32 from vector<1xf32>
        %get3A_964 = arith.constant 5 : i32
        %get3A_965 = arith.index_cast %get3A_964 : i32 to index
        %get3A_966 = arith.constant 0 : index
        %get3A_967 = tpu.vector_load %arg10[%get3A_965, %get3A_966] {strides = array<i32>} : memref<11x64xf32, #tpu.memory_space<vmem>>, vector<16xf32>,
        %mul3A_968 = vector.broadcast %squeeze3A_963 : f32 to vector<16xf32>
        %mul3A_969 = arith.mulf %mul3A_968, %get3A_967 : vector<16xf32>
        %add3A_970 = arith.addf %add3A_940, %mul3A_969 : vector<16xf32>
        %get3A_971 = arith.constant 5 : i32
        %get3A_972 = arith.index_cast %get3A_971 : i32 to index
        %get3A_973 = arith.constant 16 : index
        %get3A_974 = tpu.vector_load %arg10[%get3A_972, %get3A_973] {strides = array<i32>} : memref<11x64xf32, #tpu.memory_space<vmem>>, vector<16xf32>,
        %mul3A_975 = vector.broadcast %squeeze3A_963 : f32 to vector<16xf32>
        %mul3A_976 = arith.mulf %mul3A_975, %get3A_974 : vector<16xf32>
        %add3A_977 = arith.addf %add3A_947, %mul3A_976 : vector<16xf32>
        %get3A_978 = arith.constant 5 : i32
        %get3A_979 = arith.index_cast %get3A_978 : i32 to index
        %get3A_980 = arith.constant 32 : index
        %get3A_981 = tpu.vector_load %arg10[%get3A_979, %get3A_980] {strides = array<i32>} : memref<11x64xf32, #tpu.memory_space<vmem>>, vector<16xf32>,
        %mul3A_982 = vector.broadcast %squeeze3A_963 : f32 to vector<16xf32>
        %mul3A_983 = arith.mulf %mul3A_982, %get3A_981 : vector<16xf32>
        %add3A_984 = arith.addf %add3A_954, %mul3A_983 : vector<16xf32>
        %get3A_985 = arith.constant 5 : i32
        %get3A_986 = arith.index_cast %get3A_985 : i32 to index
        %get3A_987 = arith.constant 48 : index
        %get3A_988 = tpu.vector_load %arg10[%get3A_986, %get3A_987] {strides = array<i32>} : memref<11x64xf32, #tpu.memory_space<vmem>>, vector<16xf32>,
        %mul3A_989 = vector.broadcast %squeeze3A_963 : f32 to vector<16xf32>
        %mul3A_990 = arith.mulf %mul3A_989, %get3A_988 : vector<16xf32>
        %add3A_991 = arith.addf %add3A_961, %mul3A_990 : vector<16xf32>
        %slice3A_992 = vector.extract_strided_slice %gather3A_462 {offsets = [6], sizes = [1], strides = [1]} : vector<16xf32> to vector<1xf32>
        %squeeze3A_993 = vector.extract %slice3A_992[0] : f32 from vector<1xf32>
        %get3A_994 = arith.constant 6 : i32
        %get3A_995 = arith.index_cast %get3A_994 : i32 to index
        %get3A_996 = arith.constant 0 : index
        %get3A_997 = tpu.vector_load %arg10[%get3A_995, %get3A_996] {strides = array<i32>} : memref<11x64xf32, #tpu.memory_space<vmem>>, vector<16xf32>,
        %mul3A_998 = vector.broadcast %squeeze3A_993 : f32 to vector<16xf32>
        %mul3A_999 = arith.mulf %mul3A_998, %get3A_997 : vector<16xf32>
        %add3A_1000 = arith.addf %add3A_970, %mul3A_999 : vector<16xf32>
        %get3A_1001 = arith.constant 6 : i32
        %get3A_1002 = arith.index_cast %get3A_1001 : i32 to index
        %get3A_1003 = arith.constant 16 : index
        %get3A_1004 = tpu.vector_load %arg10[%get3A_1002, %get3A_1003] {strides = array<i32>} : memref<11x64xf32, #tpu.memory_space<vmem>>, vector<16xf32>,
        %mul3A_1005 = vector.broadcast %squeeze3A_993 : f32 to vector<16xf32>
        %mul3A_1006 = arith.mulf %mul3A_1005, %get3A_1004 : vector<16xf32>
        %add3A_1007 = arith.addf %add3A_977, %mul3A_1006 : vector<16xf32>
        %get3A_1008 = arith.constant 6 : i32
        %get3A_1009 = arith.index_cast %get3A_1008 : i32 to index
        %get3A_1010 = arith.constant 32 : index
        %get3A_1011 = tpu.vector_load %arg10[%get3A_1009, %get3A_1010] {strides = array<i32>} : memref<11x64xf32, #tpu.memory_space<vmem>>, vector<16xf32>,
        %mul3A_1012 = vector.broadcast %squeeze3A_993 : f32 to vector<16xf32>
        %mul3A_1013 = arith.mulf %mul3A_1012, %get3A_1011 : vector<16xf32>
        %add3A_1014 = arith.addf %add3A_984, %mul3A_1013 : vector<16xf32>
        %get3A_1015 = arith.constant 6 : i32
        %get3A_1016 = arith.index_cast %get3A_1015 : i32 to index
        %get3A_1017 = arith.constant 48 : index
        %get3A_1018 = tpu.vector_load %arg10[%get3A_1016, %get3A_1017] {strides = array<i32>} : memref<11x64xf32, #tpu.memory_space<vmem>>, vector<16xf32>,
        %mul3A_1019 = vector.broadcast %squeeze3A_993 : f32 to vector<16xf32>
        %mul3A_1020 = arith.mulf %mul3A_1019, %get3A_1018 : vector<16xf32>
        %add3A_1021 = arith.addf %add3A_991, %mul3A_1020 : vector<16xf32>
        %slice3A_1022 = vector.extract_strided_slice %gather3A_462 {offsets = [7], sizes = [1], strides = [1]} : vector<16xf32> to vector<1xf32>
        %squeeze3A_1023 = vector.extract %slice3A_1022[0] : f32 from vector<1xf32>
        %get3A_1024 = arith.constant 7 : i32
        %get3A_1025 = arith.index_cast %get3A_1024 : i32 to index
        %get3A_1026 = arith.constant 0 : index
        %get3A_1027 = tpu.vector_load %arg10[%get3A_1025, %get3A_1026] {strides = array<i32>} : memref<11x64xf32, #tpu.memory_space<vmem>>, vector<16xf32>,
        %mul3A_1028 = vector.broadcast %squeeze3A_1023 : f32 to vector<16xf32>
        %mul3A_1029 = arith.mulf %mul3A_1028, %get3A_1027 : vector<16xf32>
        %add3A_1030 = arith.addf %add3A_1000, %mul3A_1029 : vector<16xf32>
        %get3A_1031 = arith.constant 7 : i32
        %get3A_1032 = arith.index_cast %get3A_1031 : i32 to index
        %get3A_1033 = arith.constant 16 : index
        %get3A_1034 = tpu.vector_load %arg10[%get3A_1032, %get3A_1033] {strides = array<i32>} : memref<11x64xf32, #tpu.memory_space<vmem>>, vector<16xf32>,
        %mul3A_1035 = vector.broadcast %squeeze3A_1023 : f32 to vector<16xf32>
        %mul3A_1036 = arith.mulf %mul3A_1035, %get3A_1034 : vector<16xf32>
        %add3A_1037 = arith.addf %add3A_1007, %mul3A_1036 : vector<16xf32>
        %get3A_1038 = arith.constant 7 : i32
        %get3A_1039 = arith.index_cast %get3A_1038 : i32 to index
        %get3A_1040 = arith.constant 32 : index
        %get3A_1041 = tpu.vector_load %arg10[%get3A_1039, %get3A_1040] {strides = array<i32>} : memref<11x64xf32, #tpu.memory_space<vmem>>, vector<16xf32>,
        %mul3A_1042 = vector.broadcast %squeeze3A_1023 : f32 to vector<16xf32>
        %mul3A_1043 = arith.mulf %mul3A_1042, %get3A_1041 : vector<16xf32>
        %add3A_1044 = arith.addf %add3A_1014, %mul3A_1043 : vector<16xf32>
        %get3A_1045 = arith.constant 7 : i32
        %get3A_1046 = arith.index_cast %get3A_1045 : i32 to index
        %get3A_1047 = arith.constant 48 : index
        %get3A_1048 = tpu.vector_load %arg10[%get3A_1046, %get3A_1047] {strides = array<i32>} : memref<11x64xf32, #tpu.memory_space<vmem>>, vector<16xf32>,
        %mul3A_1049 = vector.broadcast %squeeze3A_1023 : f32 to vector<16xf32>
        %mul3A_1050 = arith.mulf %mul3A_1049, %get3A_1048 : vector<16xf32>
        %add3A_1051 = arith.addf %add3A_1021, %mul3A_1050 : vector<16xf32>
        %slice3A_1052 = vector.extract_strided_slice %gather3A_462 {offsets = [8], sizes = [1], strides = [1]} : vector<16xf32> to vector<1xf32>
        %squeeze3A_1053 = vector.extract %slice3A_1052[0] : f32 from vector<1xf32>
        %get3A_1054 = arith.constant 8 : i32
        %get3A_1055 = arith.index_cast %get3A_1054 : i32 to index
        %get3A_1056 = arith.constant 0 : index
        %get3A_1057 = tpu.vector_load %arg10[%get3A_1055, %get3A_1056] {strides = array<i32>} : memref<11x64xf32, #tpu.memory_space<vmem>>, vector<16xf32>,
        %mul3A_1058 = vector.broadcast %squeeze3A_1053 : f32 to vector<16xf32>
        %mul3A_1059 = arith.mulf %mul3A_1058, %get3A_1057 : vector<16xf32>
        %add3A_1060 = arith.addf %add3A_1030, %mul3A_1059 : vector<16xf32>
        %get3A_1061 = arith.constant 8 : i32
        %get3A_1062 = arith.index_cast %get3A_1061 : i32 to index
        %get3A_1063 = arith.constant 16 : index
        %get3A_1064 = tpu.vector_load %arg10[%get3A_1062, %get3A_1063] {strides = array<i32>} : memref<11x64xf32, #tpu.memory_space<vmem>>, vector<16xf32>,
        %mul3A_1065 = vector.broadcast %squeeze3A_1053 : f32 to vector<16xf32>
        %mul3A_1066 = arith.mulf %mul3A_1065, %get3A_1064 : vector<16xf32>
        %add3A_1067 = arith.addf %add3A_1037, %mul3A_1066 : vector<16xf32>
        %get3A_1068 = arith.constant 8 : i32
        %get3A_1069 = arith.index_cast %get3A_1068 : i32 to index
        %get3A_1070 = arith.constant 32 : index
        %get3A_1071 = tpu.vector_load %arg10[%get3A_1069, %get3A_1070] {strides = array<i32>} : memref<11x64xf32, #tpu.memory_space<vmem>>, vector<16xf32>,
        %mul3A_1072 = vector.broadcast %squeeze3A_1053 : f32 to vector<16xf32>
        %mul3A_1073 = arith.mulf %mul3A_1072, %get3A_1071 : vector<16xf32>
        %add3A_1074 = arith.addf %add3A_1044, %mul3A_1073 : vector<16xf32>
        %get3A_1075 = arith.constant 8 : i32
        %get3A_1076 = arith.index_cast %get3A_1075 : i32 to index
        %get3A_1077 = arith.constant 48 : index
        %get3A_1078 = tpu.vector_load %arg10[%get3A_1076, %get3A_1077] {strides = array<i32>} : memref<11x64xf32, #tpu.memory_space<vmem>>, vector<16xf32>,
        %mul3A_1079 = vector.broadcast %squeeze3A_1053 : f32 to vector<16xf32>
        %mul3A_1080 = arith.mulf %mul3A_1079, %get3A_1078 : vector<16xf32>
        %add3A_1081 = arith.addf %add3A_1051, %mul3A_1080 : vector<16xf32>
        %slice3A_1082 = vector.extract_strided_slice %gather3A_462 {offsets = [9], sizes = [1], strides = [1]} : vector<16xf32> to vector<1xf32>
        %squeeze3A_1083 = vector.extract %slice3A_1082[0] : f32 from vector<1xf32>
        %get3A_1084 = arith.constant 9 : i32
        %get3A_1085 = arith.index_cast %get3A_1084 : i32 to index
        %get3A_1086 = arith.constant 0 : index
        %get3A_1087 = tpu.vector_load %arg10[%get3A_1085, %get3A_1086] {strides = array<i32>} : memref<11x64xf32, #tpu.memory_space<vmem>>, vector<16xf32>,
        %mul3A_1088 = vector.broadcast %squeeze3A_1083 : f32 to vector<16xf32>
        %mul3A_1089 = arith.mulf %mul3A_1088, %get3A_1087 : vector<16xf32>
        %add3A_1090 = arith.addf %add3A_1060, %mul3A_1089 : vector<16xf32>
        %get3A_1091 = arith.constant 9 : i32
        %get3A_1092 = arith.index_cast %get3A_1091 : i32 to index
        %get3A_1093 = arith.constant 16 : index
        %get3A_1094 = tpu.vector_load %arg10[%get3A_1092, %get3A_1093] {strides = array<i32>} : memref<11x64xf32, #tpu.memory_space<vmem>>, vector<16xf32>,
        %mul3A_1095 = vector.broadcast %squeeze3A_1083 : f32 to vector<16xf32>
        %mul3A_1096 = arith.mulf %mul3A_1095, %get3A_1094 : vector<16xf32>
        %add3A_1097 = arith.addf %add3A_1067, %mul3A_1096 : vector<16xf32>
        %get3A_1098 = arith.constant 9 : i32
        %get3A_1099 = arith.index_cast %get3A_1098 : i32 to index
        %get3A_1100 = arith.constant 32 : index
        %get3A_1101 = tpu.vector_load %arg10[%get3A_1099, %get3A_1100] {strides = array<i32>} : memref<11x64xf32, #tpu.memory_space<vmem>>, vector<16xf32>,
        %mul3A_1102 = vector.broadcast %squeeze3A_1083 : f32 to vector<16xf32>
        %mul3A_1103 = arith.mulf %mul3A_1102, %get3A_1101 : vector<16xf32>
        %add3A_1104 = arith.addf %add3A_1074, %mul3A_1103 : vector<16xf32>
        %get3A_1105 = arith.constant 9 : i32
        %get3A_1106 = arith.index_cast %get3A_1105 : i32 to index
        %get3A_1107 = arith.constant 48 : index
        %get3A_1108 = tpu.vector_load %arg10[%get3A_1106, %get3A_1107] {strides = array<i32>} : memref<11x64xf32, #tpu.memory_space<vmem>>, vector<16xf32>,
        %mul3A_1109 = vector.broadcast %squeeze3A_1083 : f32 to vector<16xf32>
        %mul3A_1110 = arith.mulf %mul3A_1109, %get3A_1108 : vector<16xf32>
        %add3A_1111 = arith.addf %add3A_1081, %mul3A_1110 : vector<16xf32>
        %slice3A_1112 = vector.extract_strided_slice %gather3A_462 {offsets = [10], sizes = [1], strides = [1]} : vector<16xf32> to vector<1xf32>
        %squeeze3A_1113 = vector.extract %slice3A_1112[0] : f32 from vector<1xf32>
        %get3A_1114 = arith.constant 10 : i32
        %get3A_1115 = arith.index_cast %get3A_1114 : i32 to index
        %get3A_1116 = arith.constant 0 : index
        %get3A_1117 = tpu.vector_load %arg10[%get3A_1115, %get3A_1116] {strides = array<i32>} : memref<11x64xf32, #tpu.memory_space<vmem>>, vector<16xf32>,
        %mul3A_1118 = vector.broadcast %squeeze3A_1113 : f32 to vector<16xf32>
        %mul3A_1119 = arith.mulf %mul3A_1118, %get3A_1117 : vector<16xf32>
        %add3A_1120 = arith.addf %add3A_1090, %mul3A_1119 : vector<16xf32>
        %get3A_1121 = arith.constant 10 : i32
        %get3A_1122 = arith.index_cast %get3A_1121 : i32 to index
        %get3A_1123 = arith.constant 16 : index
        %get3A_1124 = tpu.vector_load %arg10[%get3A_1122, %get3A_1123] {strides = array<i32>} : memref<11x64xf32, #tpu.memory_space<vmem>>, vector<16xf32>,
        %mul3A_1125 = vector.broadcast %squeeze3A_1113 : f32 to vector<16xf32>
        %mul3A_1126 = arith.mulf %mul3A_1125, %get3A_1124 : vector<16xf32>
        %add3A_1127 = arith.addf %add3A_1097, %mul3A_1126 : vector<16xf32>
        %get3A_1128 = arith.constant 10 : i32
        %get3A_1129 = arith.index_cast %get3A_1128 : i32 to index
        %get3A_1130 = arith.constant 32 : index
        %get3A_1131 = tpu.vector_load %arg10[%get3A_1129, %get3A_1130] {strides = array<i32>} : memref<11x64xf32, #tpu.memory_space<vmem>>, vector<16xf32>,
        %mul3A_1132 = vector.broadcast %squeeze3A_1113 : f32 to vector<16xf32>
        %mul3A_1133 = arith.mulf %mul3A_1132, %get3A_1131 : vector<16xf32>
        %add3A_1134 = arith.addf %add3A_1104, %mul3A_1133 : vector<16xf32>
        %get3A_1135 = arith.constant 10 : i32
        %get3A_1136 = arith.index_cast %get3A_1135 : i32 to index
        %get3A_1137 = arith.constant 48 : index
        %get3A_1138 = tpu.vector_load %arg10[%get3A_1136, %get3A_1137] {strides = array<i32>} : memref<11x64xf32, #tpu.memory_space<vmem>>, vector<16xf32>,
        %mul3A_1139 = vector.broadcast %squeeze3A_1113 : f32 to vector<16xf32>
        %mul3A_1140 = arith.mulf %mul3A_1139, %get3A_1138 : vector<16xf32>
        %add3A_1141 = arith.addf %add3A_1111, %mul3A_1140 : vector<16xf32>
        %swap3A = arith.constant 0 : i32
        %swap3A_1142 = arith.index_cast %swap3A : i32 to index
        %swap3A_1143 = arith.index_cast %scan3A_458 : i32 to index
        %swap3A_1144 = arith.constant 0 : index
        %swap3A_1145 = tpu.vector_load %arg9[%swap3A_1142, %swap3A_1143, %swap3A_1144] {strides = array<i32>} : memref<2x32x128xf32, #tpu.memory_space<vmem>>, vector<16xf32>,
        tpu.vector_store %arg9[%swap3A_1142, %swap3A_1143, %swap3A_1144], %add3A_791 {strides = array<i32>} : memref<2x32x128xf32, #tpu.memory_space<vmem>>, vector<16xf32>,
        %swap3A_1146 = arith.constant 0 : i32
        %swap3A_1147 = arith.index_cast %swap3A_1146 : i32 to index
        %swap3A_1148 = arith.index_cast %scan3A_458 : i32 to index
        %swap3A_1149 = arith.constant 64 : index
        %swap3A_1150 = tpu.vector_load %arg9[%swap3A_1147, %swap3A_1148, %swap3A_1149] {strides = array<i32>} : memref<2x32x128xf32, #tpu.memory_space<vmem>>, vector<16xf32>,
        tpu.vector_store %arg9[%swap3A_1147, %swap3A_1148, %swap3A_1149], %add3A_1120 {strides = array<i32>} : memref<2x32x128xf32, #tpu.memory_space<vmem>>, vector<16xf32>,
        %swap3A_1151 = arith.constant 0 : i32
        %swap3A_1152 = arith.index_cast %swap3A_1151 : i32 to index
        %swap3A_1153 = arith.index_cast %scan3A_458 : i32 to index
        %swap3A_1154 = arith.constant 16 : index
        %swap3A_1155 = tpu.vector_load %arg9[%swap3A_1152, %swap3A_1153, %swap3A_1154] {strides = array<i32>} : memref<2x32x128xf32, #tpu.memory_space<vmem>>, vector<16xf32>,
        tpu.vector_store %arg9[%swap3A_1152, %swap3A_1153, %swap3A_1154], %add3A_799 {strides = array<i32>} : memref<2x32x128xf32, #tpu.memory_space<vmem>>, vector<16xf32>,
        %swap3A_1156 = arith.constant 0 : i32
        %swap3A_1157 = arith.index_cast %swap3A_1156 : i32 to index
        %swap3A_1158 = arith.index_cast %scan3A_458 : i32 to index
        %swap3A_1159 = arith.constant 80 : index
        %swap3A_1160 = tpu.vector_load %arg9[%swap3A_1157, %swap3A_1158, %swap3A_1159] {strides = array<i32>} : memref<2x32x128xf32, #tpu.memory_space<vmem>>, vector<16xf32>,
        tpu.vector_store %arg9[%swap3A_1157, %swap3A_1158, %swap3A_1159], %add3A_1127 {strides = array<i32>} : memref<2x32x128xf32, #tpu.memory_space<vmem>>, vector<16xf32>,
        %swap3A_1161 = arith.constant 0 : i32
        %swap3A_1162 = arith.index_cast %swap3A_1161 : i32 to index
        %swap3A_1163 = arith.index_cast %scan3A_458 : i32 to index
        %swap3A_1164 = arith.constant 32 : index
        %swap3A_1165 = tpu.vector_load %arg9[%swap3A_1162, %swap3A_1163, %swap3A_1164] {strides = array<i32>} : memref<2x32x128xf32, #tpu.memory_space<vmem>>, vector<16xf32>,
        tpu.vector_store %arg9[%swap3A_1162, %swap3A_1163, %swap3A_1164], %add3A_807 {strides = array<i32>} : memref<2x32x128xf32, #tpu.memory_space<vmem>>, vector<16xf32>,
        %swap3A_1166 = arith.constant 0 : i32
        %swap3A_1167 = arith.index_cast %swap3A_1166 : i32 to index
        %swap3A_1168 = arith.index_cast %scan3A_458 : i32 to index
        %swap3A_1169 = arith.constant 96 : index
        %swap3A_1170 = tpu.vector_load %arg9[%swap3A_1167, %swap3A_1168, %swap3A_1169] {strides = array<i32>} : memref<2x32x128xf32, #tpu.memory_space<vmem>>, vector<16xf32>,
        tpu.vector_store %arg9[%swap3A_1167, %swap3A_1168, %swap3A_1169], %add3A_1134 {strides = array<i32>} : memref<2x32x128xf32, #tpu.memory_space<vmem>>, vector<16xf32>,
        %swap3A_1171 = arith.constant 0 : i32
        %swap3A_1172 = arith.index_cast %swap3A_1171 : i32 to index
        %swap3A_1173 = arith.index_cast %scan3A_458 : i32 to index
        %swap3A_1174 = arith.constant 48 : index
        %swap3A_1175 = tpu.vector_load %arg9[%swap3A_1172, %swap3A_1173, %swap3A_1174] {strides = array<i32>} : memref<2x32x128xf32, #tpu.memory_space<vmem>>, vector<16xf32>,
        tpu.vector_store %arg9[%swap3A_1172, %swap3A_1173, %swap3A_1174], %add3A_815 {strides = array<i32>} : memref<2x32x128xf32, #tpu.memory_space<vmem>>, vector<16xf32>,
        %swap3A_1176 = arith.constant 0 : i32
        %swap3A_1177 = arith.index_cast %swap3A_1176 : i32 to index
        %swap3A_1178 = arith.index_cast %scan3A_458 : i32 to index
        %swap3A_1179 = arith.constant 112 : index
        %swap3A_1180 = tpu.vector_load %arg9[%swap3A_1177, %swap3A_1178, %swap3A_1179] {strides = array<i32>} : memref<2x32x128xf32, #tpu.memory_space<vmem>>, vector<16xf32>,
        tpu.vector_store %arg9[%swap3A_1177, %swap3A_1178, %swap3A_1179], %add3A_1141 {strides = array<i32>} : memref<2x32x128xf32, #tpu.memory_space<vmem>>, vector<16xf32>,
        %scan3A_1181 = arith.constant 1 : i32
        %scan3A_1182 = arith.addi %scan3A_458, %scan3A_1181 : i32
        %mul3A_1183 = arith.constant 32 : i32
        %mul3A_1184 = arith.muli %mul3A_130, %mul3A_1183 : i32
        %add3A_1185 = arith.addi %mul3A_1184, %scan3A_1182 : i32
        %broadcast_in_dim3A_1186 = vector.broadcast %add3A_1185 : i32 to vector<16xi32>
        %gather3A_1187 = tpu.vector_load_idx %arg6[%broadcast_in_dim3A_1186, %add3A_13] : memref<512x32xf32, #tpu.memory_space<vmem>>[vector<16xi32>, vector<16xi32>], vector<16xf32>,
        %gather3A_1188 = tpu.vector_load_idx %arg6[%broadcast_in_dim3A_1186, %min3A_18] : memref<512x32xf32, #tpu.memory_space<vmem>>[vector<16xi32>, vector<16xi32>], vector<16xf32>,
        %mul3A_1189 = arith.constant 10 : i32
        %mul3A_1190 = arith.muli %scan3A_1182, %mul3A_1189 : i32
        %slice3A_1191 = vector.extract_strided_slice %gather3A_1187 {offsets = [0], sizes = [1], strides = [1]} : vector<16xf32> to vector<1xf32>
        %squeeze3A_1192 = vector.extract %slice3A_1191[0] : f32 from vector<1xf32>
        %get3A_1193 = arith.constant 0 : i32
        %get3A_1194 = arith.index_cast %get3A_1193 : i32 to index
        %get3A_1195 = arith.index_cast %mul3A_1190 : i32 to index
        %get3A_1196 = arith.constant 0 : index
        %get3A_1197 = tpu.vector_load %arg8[%get3A_1194, %get3A_1195, %get3A_1196] {strides = array<i32>} : memref<2x320x128xf32, #tpu.memory_space<vmem>>, vector<16xf32>,
        %mul3A_1198 = vector.broadcast %squeeze3A_1192 : f32 to vector<16xf32>
        %mul3A_1199 = arith.mulf %mul3A_1198, %get3A_1197 : vector<16xf32>
        %get3A_1200 = arith.constant 0 : i32
        %get3A_1201 = arith.index_cast %get3A_1200 : i32 to index
        %get3A_1202 = arith.index_cast %mul3A_1190 : i32 to index
        %get3A_1203 = arith.constant 16 : index
        %get3A_1204 = tpu.vector_load %arg8[%get3A_1201, %get3A_1202, %get3A_1203] {strides = array<i32>} : memref<2x320x128xf32, #tpu.memory_space<vmem>>, vector<16xf32>,
        %mul3A_1205 = vector.broadcast %squeeze3A_1192 : f32 to vector<16xf32>
        %mul3A_1206 = arith.mulf %mul3A_1205, %get3A_1204 : vector<16xf32>
        %get3A_1207 = arith.constant 0 : i32
        %get3A_1208 = arith.index_cast %get3A_1207 : i32 to index
        %get3A_1209 = arith.index_cast %mul3A_1190 : i32 to index
        %get3A_1210 = arith.constant 32 : index
        %get3A_1211 = tpu.vector_load %arg8[%get3A_1208, %get3A_1209, %get3A_1210] {strides = array<i32>} : memref<2x320x128xf32, #tpu.memory_space<vmem>>, vector<16xf32>,
        %mul3A_1212 = vector.broadcast %squeeze3A_1192 : f32 to vector<16xf32>
        %mul3A_1213 = arith.mulf %mul3A_1212, %get3A_1211 : vector<16xf32>
        %get3A_1214 = arith.constant 0 : i32
        %get3A_1215 = arith.index_cast %get3A_1214 : i32 to index
        %get3A_1216 = arith.index_cast %mul3A_1190 : i32 to index
        %get3A_1217 = arith.constant 48 : index
        %get3A_1218 = tpu.vector_load %arg8[%get3A_1215, %get3A_1216, %get3A_1217] {strides = array<i32>} : memref<2x320x128xf32, #tpu.memory_space<vmem>>, vector<16xf32>,
        %mul3A_1219 = vector.broadcast %squeeze3A_1192 : f32 to vector<16xf32>
        %mul3A_1220 = arith.mulf %mul3A_1219, %get3A_1218 : vector<16xf32>
        %slice3A_1221 = vector.extract_strided_slice %gather3A_1187 {offsets = [1], sizes = [1], strides = [1]} : vector<16xf32> to vector<1xf32>
        %squeeze3A_1222 = vector.extract %slice3A_1221[0] : f32 from vector<1xf32>
        %add3A_1223 = arith.constant 1 : i32
        %add3A_1224 = arith.addi %mul3A_1190, %add3A_1223 : i32
        %get3A_1225 = arith.constant 0 : i32
        %get3A_1226 = arith.index_cast %get3A_1225 : i32 to index
        %get3A_1227 = arith.index_cast %add3A_1224 : i32 to index
        %get3A_1228 = arith.constant 0 : index
        %get3A_1229 = tpu.vector_load %arg8[%get3A_1226, %get3A_1227, %get3A_1228] {strides = array<i32>} : memref<2x320x128xf32, #tpu.memory_space<vmem>>, vector<16xf32>,
        %mul3A_1230 = vector.broadcast %squeeze3A_1222 : f32 to vector<16xf32>
        %mul3A_1231 = arith.mulf %mul3A_1230, %get3A_1229 : vector<16xf32>
        %add3A_1232 = arith.addf %mul3A_1199, %mul3A_1231 : vector<16xf32>
        %get3A_1233 = arith.constant 0 : i32
        %get3A_1234 = arith.index_cast %get3A_1233 : i32 to index
        %get3A_1235 = arith.index_cast %add3A_1224 : i32 to index
        %get3A_1236 = arith.constant 16 : index
        %get3A_1237 = tpu.vector_load %arg8[%get3A_1234, %get3A_1235, %get3A_1236] {strides = array<i32>} : memref<2x320x128xf32, #tpu.memory_space<vmem>>, vector<16xf32>,
        %mul3A_1238 = vector.broadcast %squeeze3A_1222 : f32 to vector<16xf32>
        %mul3A_1239 = arith.mulf %mul3A_1238, %get3A_1237 : vector<16xf32>
        %add3A_1240 = arith.addf %mul3A_1206, %mul3A_1239 : vector<16xf32>
        %get3A_1241 = arith.constant 0 : i32
        %get3A_1242 = arith.index_cast %get3A_1241 : i32 to index
        %get3A_1243 = arith.index_cast %add3A_1224 : i32 to index
        %get3A_1244 = arith.constant 32 : index
        %get3A_1245 = tpu.vector_load %arg8[%get3A_1242, %get3A_1243, %get3A_1244] {strides = array<i32>} : memref<2x320x128xf32, #tpu.memory_space<vmem>>, vector<16xf32>,
        %mul3A_1246 = vector.broadcast %squeeze3A_1222 : f32 to vector<16xf32>
        %mul3A_1247 = arith.mulf %mul3A_1246, %get3A_1245 : vector<16xf32>
        %add3A_1248 = arith.addf %mul3A_1213, %mul3A_1247 : vector<16xf32>
        %get3A_1249 = arith.constant 0 : i32
        %get3A_1250 = arith.index_cast %get3A_1249 : i32 to index
        %get3A_1251 = arith.index_cast %add3A_1224 : i32 to index
        %get3A_1252 = arith.constant 48 : index
        %get3A_1253 = tpu.vector_load %arg8[%get3A_1250, %get3A_1251, %get3A_1252] {strides = array<i32>} : memref<2x320x128xf32, #tpu.memory_space<vmem>>, vector<16xf32>,
        %mul3A_1254 = vector.broadcast %squeeze3A_1222 : f32 to vector<16xf32>
        %mul3A_1255 = arith.mulf %mul3A_1254, %get3A_1253 : vector<16xf32>
        %add3A_1256 = arith.addf %mul3A_1220, %mul3A_1255 : vector<16xf32>
        %slice3A_1257 = vector.extract_strided_slice %gather3A_1187 {offsets = [2], sizes = [1], strides = [1]} : vector<16xf32> to vector<1xf32>
        %squeeze3A_1258 = vector.extract %slice3A_1257[0] : f32 from vector<1xf32>
        %add3A_1259 = arith.constant 2 : i32
        %add3A_1260 = arith.addi %mul3A_1190, %add3A_1259 : i32
        %get3A_1261 = arith.constant 0 : i32
        %get3A_1262 = arith.index_cast %get3A_1261 : i32 to index
        %get3A_1263 = arith.index_cast %add3A_1260 : i32 to index
        %get3A_1264 = arith.constant 0 : index
        %get3A_1265 = tpu.vector_load %arg8[%get3A_1262, %get3A_1263, %get3A_1264] {strides = array<i32>} : memref<2x320x128xf32, #tpu.memory_space<vmem>>, vector<16xf32>,
        %mul3A_1266 = vector.broadcast %squeeze3A_1258 : f32 to vector<16xf32>
        %mul3A_1267 = arith.mulf %mul3A_1266, %get3A_1265 : vector<16xf32>
        %add3A_1268 = arith.addf %add3A_1232, %mul3A_1267 : vector<16xf32>
        %get3A_1269 = arith.constant 0 : i32
        %get3A_1270 = arith.index_cast %get3A_1269 : i32 to index
        %get3A_1271 = arith.index_cast %add3A_1260 : i32 to index
        %get3A_1272 = arith.constant 16 : index
        %get3A_1273 = tpu.vector_load %arg8[%get3A_1270, %get3A_1271, %get3A_1272] {strides = array<i32>} : memref<2x320x128xf32, #tpu.memory_space<vmem>>, vector<16xf32>,
        %mul3A_1274 = vector.broadcast %squeeze3A_1258 : f32 to vector<16xf32>
        %mul3A_1275 = arith.mulf %mul3A_1274, %get3A_1273 : vector<16xf32>
        %add3A_1276 = arith.addf %add3A_1240, %mul3A_1275 : vector<16xf32>
        %get3A_1277 = arith.constant 0 : i32
        %get3A_1278 = arith.index_cast %get3A_1277 : i32 to index
        %get3A_1279 = arith.index_cast %add3A_1260 : i32 to index
        %get3A_1280 = arith.constant 32 : index
        %get3A_1281 = tpu.vector_load %arg8[%get3A_1278, %get3A_1279, %get3A_1280] {strides = array<i32>} : memref<2x320x128xf32, #tpu.memory_space<vmem>>, vector<16xf32>,
        %mul3A_1282 = vector.broadcast %squeeze3A_1258 : f32 to vector<16xf32>
        %mul3A_1283 = arith.mulf %mul3A_1282, %get3A_1281 : vector<16xf32>
        %add3A_1284 = arith.addf %add3A_1248, %mul3A_1283 : vector<16xf32>
        %get3A_1285 = arith.constant 0 : i32
        %get3A_1286 = arith.index_cast %get3A_1285 : i32 to index
        %get3A_1287 = arith.index_cast %add3A_1260 : i32 to index
        %get3A_1288 = arith.constant 48 : index
        %get3A_1289 = tpu.vector_load %arg8[%get3A_1286, %get3A_1287, %get3A_1288] {strides = array<i32>} : memref<2x320x128xf32, #tpu.memory_space<vmem>>, vector<16xf32>,
        %mul3A_1290 = vector.broadcast %squeeze3A_1258 : f32 to vector<16xf32>
        %mul3A_1291 = arith.mulf %mul3A_1290, %get3A_1289 : vector<16xf32>
        %add3A_1292 = arith.addf %add3A_1256, %mul3A_1291 : vector<16xf32>
        %slice3A_1293 = vector.extract_strided_slice %gather3A_1187 {offsets = [3], sizes = [1], strides = [1]} : vector<16xf32> to vector<1xf32>
        %squeeze3A_1294 = vector.extract %slice3A_1293[0] : f32 from vector<1xf32>
        %add3A_1295 = arith.constant 3 : i32
        %add3A_1296 = arith.addi %mul3A_1190, %add3A_1295 : i32
        %get3A_1297 = arith.constant 0 : i32
        %get3A_1298 = arith.index_cast %get3A_1297 : i32 to index
        %get3A_1299 = arith.index_cast %add3A_1296 : i32 to index
        %get3A_1300 = arith.constant 0 : index
        %get3A_1301 = tpu.vector_load %arg8[%get3A_1298, %get3A_1299, %get3A_1300] {strides = array<i32>} : memref<2x320x128xf32, #tpu.memory_space<vmem>>, vector<16xf32>,
        %mul3A_1302 = vector.broadcast %squeeze3A_1294 : f32 to vector<16xf32>
        %mul3A_1303 = arith.mulf %mul3A_1302, %get3A_1301 : vector<16xf32>
        %add3A_1304 = arith.addf %add3A_1268, %mul3A_1303 : vector<16xf32>
        %get3A_1305 = arith.constant 0 : i32
        %get3A_1306 = arith.index_cast %get3A_1305 : i32 to index
        %get3A_1307 = arith.index_cast %add3A_1296 : i32 to index
        %get3A_1308 = arith.constant 16 : index
        %get3A_1309 = tpu.vector_load %arg8[%get3A_1306, %get3A_1307, %get3A_1308] {strides = array<i32>} : memref<2x320x128xf32, #tpu.memory_space<vmem>>, vector<16xf32>,
        %mul3A_1310 = vector.broadcast %squeeze3A_1294 : f32 to vector<16xf32>
        %mul3A_1311 = arith.mulf %mul3A_1310, %get3A_1309 : vector<16xf32>
        %add3A_1312 = arith.addf %add3A_1276, %mul3A_1311 : vector<16xf32>
        %get3A_1313 = arith.constant 0 : i32
        %get3A_1314 = arith.index_cast %get3A_1313 : i32 to index
        %get3A_1315 = arith.index_cast %add3A_1296 : i32 to index
        %get3A_1316 = arith.constant 32 : index
        %get3A_1317 = tpu.vector_load %arg8[%get3A_1314, %get3A_1315, %get3A_1316] {strides = array<i32>} : memref<2x320x128xf32, #tpu.memory_space<vmem>>, vector<16xf32>,
        %mul3A_1318 = vector.broadcast %squeeze3A_1294 : f32 to vector<16xf32>
        %mul3A_1319 = arith.mulf %mul3A_1318, %get3A_1317 : vector<16xf32>
        %add3A_1320 = arith.addf %add3A_1284, %mul3A_1319 : vector<16xf32>
        %get3A_1321 = arith.constant 0 : i32
        %get3A_1322 = arith.index_cast %get3A_1321 : i32 to index
        %get3A_1323 = arith.index_cast %add3A_1296 : i32 to index
        %get3A_1324 = arith.constant 48 : index
        %get3A_1325 = tpu.vector_load %arg8[%get3A_1322, %get3A_1323, %get3A_1324] {strides = array<i32>} : memref<2x320x128xf32, #tpu.memory_space<vmem>>, vector<16xf32>,
        %mul3A_1326 = vector.broadcast %squeeze3A_1294 : f32 to vector<16xf32>
        %mul3A_1327 = arith.mulf %mul3A_1326, %get3A_1325 : vector<16xf32>
        %add3A_1328 = arith.addf %add3A_1292, %mul3A_1327 : vector<16xf32>
        %slice3A_1329 = vector.extract_strided_slice %gather3A_1187 {offsets = [4], sizes = [1], strides = [1]} : vector<16xf32> to vector<1xf32>
        %squeeze3A_1330 = vector.extract %slice3A_1329[0] : f32 from vector<1xf32>
        %add3A_1331 = arith.constant 4 : i32
        %add3A_1332 = arith.addi %mul3A_1190, %add3A_1331 : i32
        %get3A_1333 = arith.constant 0 : i32
        %get3A_1334 = arith.index_cast %get3A_1333 : i32 to index
        %get3A_1335 = arith.index_cast %add3A_1332 : i32 to index
        %get3A_1336 = arith.constant 0 : index
        %get3A_1337 = tpu.vector_load %arg8[%get3A_1334, %get3A_1335, %get3A_1336] {strides = array<i32>} : memref<2x320x128xf32, #tpu.memory_space<vmem>>, vector<16xf32>,
        %mul3A_1338 = vector.broadcast %squeeze3A_1330 : f32 to vector<16xf32>
        %mul3A_1339 = arith.mulf %mul3A_1338, %get3A_1337 : vector<16xf32>
        %add3A_1340 = arith.addf %add3A_1304, %mul3A_1339 : vector<16xf32>
        %get3A_1341 = arith.constant 0 : i32
        %get3A_1342 = arith.index_cast %get3A_1341 : i32 to index
        %get3A_1343 = arith.index_cast %add3A_1332 : i32 to index
        %get3A_1344 = arith.constant 16 : index
        %get3A_1345 = tpu.vector_load %arg8[%get3A_1342, %get3A_1343, %get3A_1344] {strides = array<i32>} : memref<2x320x128xf32, #tpu.memory_space<vmem>>, vector<16xf32>,
        %mul3A_1346 = vector.broadcast %squeeze3A_1330 : f32 to vector<16xf32>
        %mul3A_1347 = arith.mulf %mul3A_1346, %get3A_1345 : vector<16xf32>
        %add3A_1348 = arith.addf %add3A_1312, %mul3A_1347 : vector<16xf32>
        %get3A_1349 = arith.constant 0 : i32
        %get3A_1350 = arith.index_cast %get3A_1349 : i32 to index
        %get3A_1351 = arith.index_cast %add3A_1332 : i32 to index
        %get3A_1352 = arith.constant 32 : index
        %get3A_1353 = tpu.vector_load %arg8[%get3A_1350, %get3A_1351, %get3A_1352] {strides = array<i32>} : memref<2x320x128xf32, #tpu.memory_space<vmem>>, vector<16xf32>,
        %mul3A_1354 = vector.broadcast %squeeze3A_1330 : f32 to vector<16xf32>
        %mul3A_1355 = arith.mulf %mul3A_1354, %get3A_1353 : vector<16xf32>
        %add3A_1356 = arith.addf %add3A_1320, %mul3A_1355 : vector<16xf32>
        %get3A_1357 = arith.constant 0 : i32
        %get3A_1358 = arith.index_cast %get3A_1357 : i32 to index
        %get3A_1359 = arith.index_cast %add3A_1332 : i32 to index
        %get3A_1360 = arith.constant 48 : index
        %get3A_1361 = tpu.vector_load %arg8[%get3A_1358, %get3A_1359, %get3A_1360] {strides = array<i32>} : memref<2x320x128xf32, #tpu.memory_space<vmem>>, vector<16xf32>,
        %mul3A_1362 = vector.broadcast %squeeze3A_1330 : f32 to vector<16xf32>
        %mul3A_1363 = arith.mulf %mul3A_1362, %get3A_1361 : vector<16xf32>
        %add3A_1364 = arith.addf %add3A_1328, %mul3A_1363 : vector<16xf32>
        %slice3A_1365 = vector.extract_strided_slice %gather3A_1187 {offsets = [5], sizes = [1], strides = [1]} : vector<16xf32> to vector<1xf32>
        %squeeze3A_1366 = vector.extract %slice3A_1365[0] : f32 from vector<1xf32>
        %add3A_1367 = arith.constant 5 : i32
        %add3A_1368 = arith.addi %mul3A_1190, %add3A_1367 : i32
        %get3A_1369 = arith.constant 0 : i32
        %get3A_1370 = arith.index_cast %get3A_1369 : i32 to index
        %get3A_1371 = arith.index_cast %add3A_1368 : i32 to index
        %get3A_1372 = arith.constant 0 : index
        %get3A_1373 = tpu.vector_load %arg8[%get3A_1370, %get3A_1371, %get3A_1372] {strides = array<i32>} : memref<2x320x128xf32, #tpu.memory_space<vmem>>, vector<16xf32>,
        %mul3A_1374 = vector.broadcast %squeeze3A_1366 : f32 to vector<16xf32>
        %mul3A_1375 = arith.mulf %mul3A_1374, %get3A_1373 : vector<16xf32>
        %add3A_1376 = arith.addf %add3A_1340, %mul3A_1375 : vector<16xf32>
        %get3A_1377 = arith.constant 0 : i32
        %get3A_1378 = arith.index_cast %get3A_1377 : i32 to index
        %get3A_1379 = arith.index_cast %add3A_1368 : i32 to index
        %get3A_1380 = arith.constant 16 : index
        %get3A_1381 = tpu.vector_load %arg8[%get3A_1378, %get3A_1379, %get3A_1380] {strides = array<i32>} : memref<2x320x128xf32, #tpu.memory_space<vmem>>, vector<16xf32>,
        %mul3A_1382 = vector.broadcast %squeeze3A_1366 : f32 to vector<16xf32>
        %mul3A_1383 = arith.mulf %mul3A_1382, %get3A_1381 : vector<16xf32>
        %add3A_1384 = arith.addf %add3A_1348, %mul3A_1383 : vector<16xf32>
        %get3A_1385 = arith.constant 0 : i32
        %get3A_1386 = arith.index_cast %get3A_1385 : i32 to index
        %get3A_1387 = arith.index_cast %add3A_1368 : i32 to index
        %get3A_1388 = arith.constant 32 : index
        %get3A_1389 = tpu.vector_load %arg8[%get3A_1386, %get3A_1387, %get3A_1388] {strides = array<i32>} : memref<2x320x128xf32, #tpu.memory_space<vmem>>, vector<16xf32>,
        %mul3A_1390 = vector.broadcast %squeeze3A_1366 : f32 to vector<16xf32>
        %mul3A_1391 = arith.mulf %mul3A_1390, %get3A_1389 : vector<16xf32>
        %add3A_1392 = arith.addf %add3A_1356, %mul3A_1391 : vector<16xf32>
        %get3A_1393 = arith.constant 0 : i32
        %get3A_1394 = arith.index_cast %get3A_1393 : i32 to index
        %get3A_1395 = arith.index_cast %add3A_1368 : i32 to index
        %get3A_1396 = arith.constant 48 : index
        %get3A_1397 = tpu.vector_load %arg8[%get3A_1394, %get3A_1395, %get3A_1396] {strides = array<i32>} : memref<2x320x128xf32, #tpu.memory_space<vmem>>, vector<16xf32>,
        %mul3A_1398 = vector.broadcast %squeeze3A_1366 : f32 to vector<16xf32>
        %mul3A_1399 = arith.mulf %mul3A_1398, %get3A_1397 : vector<16xf32>
        %add3A_1400 = arith.addf %add3A_1364, %mul3A_1399 : vector<16xf32>
        %slice3A_1401 = vector.extract_strided_slice %gather3A_1187 {offsets = [6], sizes = [1], strides = [1]} : vector<16xf32> to vector<1xf32>
        %squeeze3A_1402 = vector.extract %slice3A_1401[0] : f32 from vector<1xf32>
        %add3A_1403 = arith.constant 6 : i32
        %add3A_1404 = arith.addi %mul3A_1190, %add3A_1403 : i32
        %get3A_1405 = arith.constant 0 : i32
        %get3A_1406 = arith.index_cast %get3A_1405 : i32 to index
        %get3A_1407 = arith.index_cast %add3A_1404 : i32 to index
        %get3A_1408 = arith.constant 0 : index
        %get3A_1409 = tpu.vector_load %arg8[%get3A_1406, %get3A_1407, %get3A_1408] {strides = array<i32>} : memref<2x320x128xf32, #tpu.memory_space<vmem>>, vector<16xf32>,
        %mul3A_1410 = vector.broadcast %squeeze3A_1402 : f32 to vector<16xf32>
        %mul3A_1411 = arith.mulf %mul3A_1410, %get3A_1409 : vector<16xf32>
        %add3A_1412 = arith.addf %add3A_1376, %mul3A_1411 : vector<16xf32>
        %get3A_1413 = arith.constant 0 : i32
        %get3A_1414 = arith.index_cast %get3A_1413 : i32 to index
        %get3A_1415 = arith.index_cast %add3A_1404 : i32 to index
        %get3A_1416 = arith.constant 16 : index
        %get3A_1417 = tpu.vector_load %arg8[%get3A_1414, %get3A_1415, %get3A_1416] {strides = array<i32>} : memref<2x320x128xf32, #tpu.memory_space<vmem>>, vector<16xf32>,
        %mul3A_1418 = vector.broadcast %squeeze3A_1402 : f32 to vector<16xf32>
        %mul3A_1419 = arith.mulf %mul3A_1418, %get3A_1417 : vector<16xf32>
        %add3A_1420 = arith.addf %add3A_1384, %mul3A_1419 : vector<16xf32>
        %get3A_1421 = arith.constant 0 : i32
        %get3A_1422 = arith.index_cast %get3A_1421 : i32 to index
        %get3A_1423 = arith.index_cast %add3A_1404 : i32 to index
        %get3A_1424 = arith.constant 32 : index
        %get3A_1425 = tpu.vector_load %arg8[%get3A_1422, %get3A_1423, %get3A_1424] {strides = array<i32>} : memref<2x320x128xf32, #tpu.memory_space<vmem>>, vector<16xf32>,
        %mul3A_1426 = vector.broadcast %squeeze3A_1402 : f32 to vector<16xf32>
        %mul3A_1427 = arith.mulf %mul3A_1426, %get3A_1425 : vector<16xf32>
        %add3A_1428 = arith.addf %add3A_1392, %mul3A_1427 : vector<16xf32>
        %get3A_1429 = arith.constant 0 : i32
        %get3A_1430 = arith.index_cast %get3A_1429 : i32 to index
        %get3A_1431 = arith.index_cast %add3A_1404 : i32 to index
        %get3A_1432 = arith.constant 48 : index
        %get3A_1433 = tpu.vector_load %arg8[%get3A_1430, %get3A_1431, %get3A_1432] {strides = array<i32>} : memref<2x320x128xf32, #tpu.memory_space<vmem>>, vector<16xf32>,
        %mul3A_1434 = vector.broadcast %squeeze3A_1402 : f32 to vector<16xf32>
        %mul3A_1435 = arith.mulf %mul3A_1434, %get3A_1433 : vector<16xf32>
        %add3A_1436 = arith.addf %add3A_1400, %mul3A_1435 : vector<16xf32>
        %slice3A_1437 = vector.extract_strided_slice %gather3A_1187 {offsets = [7], sizes = [1], strides = [1]} : vector<16xf32> to vector<1xf32>
        %squeeze3A_1438 = vector.extract %slice3A_1437[0] : f32 from vector<1xf32>
        %add3A_1439 = arith.constant 7 : i32
        %add3A_1440 = arith.addi %mul3A_1190, %add3A_1439 : i32
        %get3A_1441 = arith.constant 0 : i32
        %get3A_1442 = arith.index_cast %get3A_1441 : i32 to index
        %get3A_1443 = arith.index_cast %add3A_1440 : i32 to index
        %get3A_1444 = arith.constant 0 : index
        %get3A_1445 = tpu.vector_load %arg8[%get3A_1442, %get3A_1443, %get3A_1444] {strides = array<i32>} : memref<2x320x128xf32, #tpu.memory_space<vmem>>, vector<16xf32>,
        %mul3A_1446 = vector.broadcast %squeeze3A_1438 : f32 to vector<16xf32>
        %mul3A_1447 = arith.mulf %mul3A_1446, %get3A_1445 : vector<16xf32>
        %add3A_1448 = arith.addf %add3A_1412, %mul3A_1447 : vector<16xf32>
        %get3A_1449 = arith.constant 0 : i32
        %get3A_1450 = arith.index_cast %get3A_1449 : i32 to index
        %get3A_1451 = arith.index_cast %add3A_1440 : i32 to index
        %get3A_1452 = arith.constant 16 : index
        %get3A_1453 = tpu.vector_load %arg8[%get3A_1450, %get3A_1451, %get3A_1452] {strides = array<i32>} : memref<2x320x128xf32, #tpu.memory_space<vmem>>, vector<16xf32>,
        %mul3A_1454 = vector.broadcast %squeeze3A_1438 : f32 to vector<16xf32>
        %mul3A_1455 = arith.mulf %mul3A_1454, %get3A_1453 : vector<16xf32>
        %add3A_1456 = arith.addf %add3A_1420, %mul3A_1455 : vector<16xf32>
        %get3A_1457 = arith.constant 0 : i32
        %get3A_1458 = arith.index_cast %get3A_1457 : i32 to index
        %get3A_1459 = arith.index_cast %add3A_1440 : i32 to index
        %get3A_1460 = arith.constant 32 : index
        %get3A_1461 = tpu.vector_load %arg8[%get3A_1458, %get3A_1459, %get3A_1460] {strides = array<i32>} : memref<2x320x128xf32, #tpu.memory_space<vmem>>, vector<16xf32>,
        %mul3A_1462 = vector.broadcast %squeeze3A_1438 : f32 to vector<16xf32>
        %mul3A_1463 = arith.mulf %mul3A_1462, %get3A_1461 : vector<16xf32>
        %add3A_1464 = arith.addf %add3A_1428, %mul3A_1463 : vector<16xf32>
        %get3A_1465 = arith.constant 0 : i32
        %get3A_1466 = arith.index_cast %get3A_1465 : i32 to index
        %get3A_1467 = arith.index_cast %add3A_1440 : i32 to index
        %get3A_1468 = arith.constant 48 : index
        %get3A_1469 = tpu.vector_load %arg8[%get3A_1466, %get3A_1467, %get3A_1468] {strides = array<i32>} : memref<2x320x128xf32, #tpu.memory_space<vmem>>, vector<16xf32>,
        %mul3A_1470 = vector.broadcast %squeeze3A_1438 : f32 to vector<16xf32>
        %mul3A_1471 = arith.mulf %mul3A_1470, %get3A_1469 : vector<16xf32>
        %add3A_1472 = arith.addf %add3A_1436, %mul3A_1471 : vector<16xf32>
        %slice3A_1473 = vector.extract_strided_slice %gather3A_1187 {offsets = [8], sizes = [1], strides = [1]} : vector<16xf32> to vector<1xf32>
        %squeeze3A_1474 = vector.extract %slice3A_1473[0] : f32 from vector<1xf32>
        %add3A_1475 = arith.constant 8 : i32
        %add3A_1476 = arith.addi %mul3A_1190, %add3A_1475 : i32
        %get3A_1477 = arith.constant 0 : i32
        %get3A_1478 = arith.index_cast %get3A_1477 : i32 to index
        %get3A_1479 = arith.index_cast %add3A_1476 : i32 to index
        %get3A_1480 = arith.constant 0 : index
        %get3A_1481 = tpu.vector_load %arg8[%get3A_1478, %get3A_1479, %get3A_1480] {strides = array<i32>} : memref<2x320x128xf32, #tpu.memory_space<vmem>>, vector<16xf32>,
        %mul3A_1482 = vector.broadcast %squeeze3A_1474 : f32 to vector<16xf32>
        %mul3A_1483 = arith.mulf %mul3A_1482, %get3A_1481 : vector<16xf32>
        %add3A_1484 = arith.addf %add3A_1448, %mul3A_1483 : vector<16xf32>
        %get3A_1485 = arith.constant 0 : i32
        %get3A_1486 = arith.index_cast %get3A_1485 : i32 to index
        %get3A_1487 = arith.index_cast %add3A_1476 : i32 to index
        %get3A_1488 = arith.constant 16 : index
        %get3A_1489 = tpu.vector_load %arg8[%get3A_1486, %get3A_1487, %get3A_1488] {strides = array<i32>} : memref<2x320x128xf32, #tpu.memory_space<vmem>>, vector<16xf32>,
        %mul3A_1490 = vector.broadcast %squeeze3A_1474 : f32 to vector<16xf32>
        %mul3A_1491 = arith.mulf %mul3A_1490, %get3A_1489 : vector<16xf32>
        %add3A_1492 = arith.addf %add3A_1456, %mul3A_1491 : vector<16xf32>
        %get3A_1493 = arith.constant 0 : i32
        %get3A_1494 = arith.index_cast %get3A_1493 : i32 to index
        %get3A_1495 = arith.index_cast %add3A_1476 : i32 to index
        %get3A_1496 = arith.constant 32 : index
        %get3A_1497 = tpu.vector_load %arg8[%get3A_1494, %get3A_1495, %get3A_1496] {strides = array<i32>} : memref<2x320x128xf32, #tpu.memory_space<vmem>>, vector<16xf32>,
        %mul3A_1498 = vector.broadcast %squeeze3A_1474 : f32 to vector<16xf32>
        %mul3A_1499 = arith.mulf %mul3A_1498, %get3A_1497 : vector<16xf32>
        %add3A_1500 = arith.addf %add3A_1464, %mul3A_1499 : vector<16xf32>
        %get3A_1501 = arith.constant 0 : i32
        %get3A_1502 = arith.index_cast %get3A_1501 : i32 to index
        %get3A_1503 = arith.index_cast %add3A_1476 : i32 to index
        %get3A_1504 = arith.constant 48 : index
        %get3A_1505 = tpu.vector_load %arg8[%get3A_1502, %get3A_1503, %get3A_1504] {strides = array<i32>} : memref<2x320x128xf32, #tpu.memory_space<vmem>>, vector<16xf32>,
        %mul3A_1506 = vector.broadcast %squeeze3A_1474 : f32 to vector<16xf32>
        %mul3A_1507 = arith.mulf %mul3A_1506, %get3A_1505 : vector<16xf32>
        %add3A_1508 = arith.addf %add3A_1472, %mul3A_1507 : vector<16xf32>
        %slice3A_1509 = vector.extract_strided_slice %gather3A_1187 {offsets = [9], sizes = [1], strides = [1]} : vector<16xf32> to vector<1xf32>
        %squeeze3A_1510 = vector.extract %slice3A_1509[0] : f32 from vector<1xf32>
        %add3A_1511 = arith.constant 9 : i32
        %add3A_1512 = arith.addi %mul3A_1190, %add3A_1511 : i32
        %get3A_1513 = arith.constant 0 : i32
        %get3A_1514 = arith.index_cast %get3A_1513 : i32 to index
        %get3A_1515 = arith.index_cast %add3A_1512 : i32 to index
        %get3A_1516 = arith.constant 0 : index
        %get3A_1517 = tpu.vector_load %arg8[%get3A_1514, %get3A_1515, %get3A_1516] {strides = array<i32>} : memref<2x320x128xf32, #tpu.memory_space<vmem>>, vector<16xf32>,
        %mul3A_1518 = vector.broadcast %squeeze3A_1510 : f32 to vector<16xf32>
        %mul3A_1519 = arith.mulf %mul3A_1518, %get3A_1517 : vector<16xf32>
        %add3A_1520 = arith.addf %add3A_1484, %mul3A_1519 : vector<16xf32>
        %get3A_1521 = arith.constant 0 : i32
        %get3A_1522 = arith.index_cast %get3A_1521 : i32 to index
        %get3A_1523 = arith.index_cast %add3A_1512 : i32 to index
        %get3A_1524 = arith.constant 16 : index
        %get3A_1525 = tpu.vector_load %arg8[%get3A_1522, %get3A_1523, %get3A_1524] {strides = array<i32>} : memref<2x320x128xf32, #tpu.memory_space<vmem>>, vector<16xf32>,
        %mul3A_1526 = vector.broadcast %squeeze3A_1510 : f32 to vector<16xf32>
        %mul3A_1527 = arith.mulf %mul3A_1526, %get3A_1525 : vector<16xf32>
        %add3A_1528 = arith.addf %add3A_1492, %mul3A_1527 : vector<16xf32>
        %get3A_1529 = arith.constant 0 : i32
        %get3A_1530 = arith.index_cast %get3A_1529 : i32 to index
        %get3A_1531 = arith.index_cast %add3A_1512 : i32 to index
        %get3A_1532 = arith.constant 32 : index
        %get3A_1533 = tpu.vector_load %arg8[%get3A_1530, %get3A_1531, %get3A_1532] {strides = array<i32>} : memref<2x320x128xf32, #tpu.memory_space<vmem>>, vector<16xf32>,
        %mul3A_1534 = vector.broadcast %squeeze3A_1510 : f32 to vector<16xf32>
        %mul3A_1535 = arith.mulf %mul3A_1534, %get3A_1533 : vector<16xf32>
        %add3A_1536 = arith.addf %add3A_1500, %mul3A_1535 : vector<16xf32>
        %get3A_1537 = arith.constant 0 : i32
        %get3A_1538 = arith.index_cast %get3A_1537 : i32 to index
        %get3A_1539 = arith.index_cast %add3A_1512 : i32 to index
        %get3A_1540 = arith.constant 48 : index
        %get3A_1541 = tpu.vector_load %arg8[%get3A_1538, %get3A_1539, %get3A_1540] {strides = array<i32>} : memref<2x320x128xf32, #tpu.memory_space<vmem>>, vector<16xf32>,
        %mul3A_1542 = vector.broadcast %squeeze3A_1510 : f32 to vector<16xf32>
        %mul3A_1543 = arith.mulf %mul3A_1542, %get3A_1541 : vector<16xf32>
        %add3A_1544 = arith.addf %add3A_1508, %mul3A_1543 : vector<16xf32>
        %slice3A_1545 = vector.extract_strided_slice %gather3A_1188 {offsets = [0], sizes = [1], strides = [1]} : vector<16xf32> to vector<1xf32>
        %squeeze3A_1546 = vector.extract %slice3A_1545[0] : f32 from vector<1xf32>
        %get3A_1547 = arith.constant 0 : i32
        %get3A_1548 = arith.index_cast %get3A_1547 : i32 to index
        %get3A_1549 = arith.constant 0 : index
        %get3A_1550 = tpu.vector_load %arg10[%get3A_1548, %get3A_1549] {strides = array<i32>} : memref<11x64xf32, #tpu.memory_space<vmem>>, vector<16xf32>,
        %mul3A_1551 = vector.broadcast %squeeze3A_1546 : f32 to vector<16xf32>
        %mul3A_1552 = arith.mulf %mul3A_1551, %get3A_1550 : vector<16xf32>
        %get3A_1553 = arith.constant 0 : i32
        %get3A_1554 = arith.index_cast %get3A_1553 : i32 to index
        %get3A_1555 = arith.constant 16 : index
        %get3A_1556 = tpu.vector_load %arg10[%get3A_1554, %get3A_1555] {strides = array<i32>} : memref<11x64xf32, #tpu.memory_space<vmem>>, vector<16xf32>,
        %mul3A_1557 = vector.broadcast %squeeze3A_1546 : f32 to vector<16xf32>
        %mul3A_1558 = arith.mulf %mul3A_1557, %get3A_1556 : vector<16xf32>
        %get3A_1559 = arith.constant 0 : i32
        %get3A_1560 = arith.index_cast %get3A_1559 : i32 to index
        %get3A_1561 = arith.constant 32 : index
        %get3A_1562 = tpu.vector_load %arg10[%get3A_1560, %get3A_1561] {strides = array<i32>} : memref<11x64xf32, #tpu.memory_space<vmem>>, vector<16xf32>,
        %mul3A_1563 = vector.broadcast %squeeze3A_1546 : f32 to vector<16xf32>
        %mul3A_1564 = arith.mulf %mul3A_1563, %get3A_1562 : vector<16xf32>
        %get3A_1565 = arith.constant 0 : i32
        %get3A_1566 = arith.index_cast %get3A_1565 : i32 to index
        %get3A_1567 = arith.constant 48 : index
        %get3A_1568 = tpu.vector_load %arg10[%get3A_1566, %get3A_1567] {strides = array<i32>} : memref<11x64xf32, #tpu.memory_space<vmem>>, vector<16xf32>,
        %mul3A_1569 = vector.broadcast %squeeze3A_1546 : f32 to vector<16xf32>
        %mul3A_1570 = arith.mulf %mul3A_1569, %get3A_1568 : vector<16xf32>
        %slice3A_1571 = vector.extract_strided_slice %gather3A_1188 {offsets = [1], sizes = [1], strides = [1]} : vector<16xf32> to vector<1xf32>
        %squeeze3A_1572 = vector.extract %slice3A_1571[0] : f32 from vector<1xf32>
        %get3A_1573 = arith.constant 1 : i32
        %get3A_1574 = arith.index_cast %get3A_1573 : i32 to index
        %get3A_1575 = arith.constant 0 : index
        %get3A_1576 = tpu.vector_load %arg10[%get3A_1574, %get3A_1575] {strides = array<i32>} : memref<11x64xf32, #tpu.memory_space<vmem>>, vector<16xf32>,
        %mul3A_1577 = vector.broadcast %squeeze3A_1572 : f32 to vector<16xf32>
        %mul3A_1578 = arith.mulf %mul3A_1577, %get3A_1576 : vector<16xf32>
        %add3A_1579 = arith.addf %mul3A_1552, %mul3A_1578 : vector<16xf32>
        %get3A_1580 = arith.constant 1 : i32
        %get3A_1581 = arith.index_cast %get3A_1580 : i32 to index
        %get3A_1582 = arith.constant 16 : index
        %get3A_1583 = tpu.vector_load %arg10[%get3A_1581, %get3A_1582] {strides = array<i32>} : memref<11x64xf32, #tpu.memory_space<vmem>>, vector<16xf32>,
        %mul3A_1584 = vector.broadcast %squeeze3A_1572 : f32 to vector<16xf32>
        %mul3A_1585 = arith.mulf %mul3A_1584, %get3A_1583 : vector<16xf32>
        %add3A_1586 = arith.addf %mul3A_1558, %mul3A_1585 : vector<16xf32>
        %get3A_1587 = arith.constant 1 : i32
        %get3A_1588 = arith.index_cast %get3A_1587 : i32 to index
        %get3A_1589 = arith.constant 32 : index
        %get3A_1590 = tpu.vector_load %arg10[%get3A_1588, %get3A_1589] {strides = array<i32>} : memref<11x64xf32, #tpu.memory_space<vmem>>, vector<16xf32>,
        %mul3A_1591 = vector.broadcast %squeeze3A_1572 : f32 to vector<16xf32>
        %mul3A_1592 = arith.mulf %mul3A_1591, %get3A_1590 : vector<16xf32>
        %add3A_1593 = arith.addf %mul3A_1564, %mul3A_1592 : vector<16xf32>
        %get3A_1594 = arith.constant 1 : i32
        %get3A_1595 = arith.index_cast %get3A_1594 : i32 to index
        %get3A_1596 = arith.constant 48 : index
        %get3A_1597 = tpu.vector_load %arg10[%get3A_1595, %get3A_1596] {strides = array<i32>} : memref<11x64xf32, #tpu.memory_space<vmem>>, vector<16xf32>,
        %mul3A_1598 = vector.broadcast %squeeze3A_1572 : f32 to vector<16xf32>
        %mul3A_1599 = arith.mulf %mul3A_1598, %get3A_1597 : vector<16xf32>
        %add3A_1600 = arith.addf %mul3A_1570, %mul3A_1599 : vector<16xf32>
        %slice3A_1601 = vector.extract_strided_slice %gather3A_1188 {offsets = [2], sizes = [1], strides = [1]} : vector<16xf32> to vector<1xf32>
        %squeeze3A_1602 = vector.extract %slice3A_1601[0] : f32 from vector<1xf32>
        %get3A_1603 = arith.constant 2 : i32
        %get3A_1604 = arith.index_cast %get3A_1603 : i32 to index
        %get3A_1605 = arith.constant 0 : index
        %get3A_1606 = tpu.vector_load %arg10[%get3A_1604, %get3A_1605] {strides = array<i32>} : memref<11x64xf32, #tpu.memory_space<vmem>>, vector<16xf32>,
        %mul3A_1607 = vector.broadcast %squeeze3A_1602 : f32 to vector<16xf32>
        %mul3A_1608 = arith.mulf %mul3A_1607, %get3A_1606 : vector<16xf32>
        %add3A_1609 = arith.addf %add3A_1579, %mul3A_1608 : vector<16xf32>
        %get3A_1610 = arith.constant 2 : i32
        %get3A_1611 = arith.index_cast %get3A_1610 : i32 to index
        %get3A_1612 = arith.constant 16 : index
        %get3A_1613 = tpu.vector_load %arg10[%get3A_1611, %get3A_1612] {strides = array<i32>} : memref<11x64xf32, #tpu.memory_space<vmem>>, vector<16xf32>,
        %mul3A_1614 = vector.broadcast %squeeze3A_1602 : f32 to vector<16xf32>
        %mul3A_1615 = arith.mulf %mul3A_1614, %get3A_1613 : vector<16xf32>
        %add3A_1616 = arith.addf %add3A_1586, %mul3A_1615 : vector<16xf32>
        %get3A_1617 = arith.constant 2 : i32
        %get3A_1618 = arith.index_cast %get3A_1617 : i32 to index
        %get3A_1619 = arith.constant 32 : index
        %get3A_1620 = tpu.vector_load %arg10[%get3A_1618, %get3A_1619] {strides = array<i32>} : memref<11x64xf32, #tpu.memory_space<vmem>>, vector<16xf32>,
        %mul3A_1621 = vector.broadcast %squeeze3A_1602 : f32 to vector<16xf32>
        %mul3A_1622 = arith.mulf %mul3A_1621, %get3A_1620 : vector<16xf32>
        %add3A_1623 = arith.addf %add3A_1593, %mul3A_1622 : vector<16xf32>
        %get3A_1624 = arith.constant 2 : i32
        %get3A_1625 = arith.index_cast %get3A_1624 : i32 to index
        %get3A_1626 = arith.constant 48 : index
        %get3A_1627 = tpu.vector_load %arg10[%get3A_1625, %get3A_1626] {strides = array<i32>} : memref<11x64xf32, #tpu.memory_space<vmem>>, vector<16xf32>,
        %mul3A_1628 = vector.broadcast %squeeze3A_1602 : f32 to vector<16xf32>
        %mul3A_1629 = arith.mulf %mul3A_1628, %get3A_1627 : vector<16xf32>
        %add3A_1630 = arith.addf %add3A_1600, %mul3A_1629 : vector<16xf32>
        %slice3A_1631 = vector.extract_strided_slice %gather3A_1188 {offsets = [3], sizes = [1], strides = [1]} : vector<16xf32> to vector<1xf32>
        %squeeze3A_1632 = vector.extract %slice3A_1631[0] : f32 from vector<1xf32>
        %get3A_1633 = arith.constant 3 : i32
        %get3A_1634 = arith.index_cast %get3A_1633 : i32 to index
        %get3A_1635 = arith.constant 0 : index
        %get3A_1636 = tpu.vector_load %arg10[%get3A_1634, %get3A_1635] {strides = array<i32>} : memref<11x64xf32, #tpu.memory_space<vmem>>, vector<16xf32>,
        %mul3A_1637 = vector.broadcast %squeeze3A_1632 : f32 to vector<16xf32>
        %mul3A_1638 = arith.mulf %mul3A_1637, %get3A_1636 : vector<16xf32>
        %add3A_1639 = arith.addf %add3A_1609, %mul3A_1638 : vector<16xf32>
        %get3A_1640 = arith.constant 3 : i32
        %get3A_1641 = arith.index_cast %get3A_1640 : i32 to index
        %get3A_1642 = arith.constant 16 : index
        %get3A_1643 = tpu.vector_load %arg10[%get3A_1641, %get3A_1642] {strides = array<i32>} : memref<11x64xf32, #tpu.memory_space<vmem>>, vector<16xf32>,
        %mul3A_1644 = vector.broadcast %squeeze3A_1632 : f32 to vector<16xf32>
        %mul3A_1645 = arith.mulf %mul3A_1644, %get3A_1643 : vector<16xf32>
        %add3A_1646 = arith.addf %add3A_1616, %mul3A_1645 : vector<16xf32>
        %get3A_1647 = arith.constant 3 : i32
        %get3A_1648 = arith.index_cast %get3A_1647 : i32 to index
        %get3A_1649 = arith.constant 32 : index
        %get3A_1650 = tpu.vector_load %arg10[%get3A_1648, %get3A_1649] {strides = array<i32>} : memref<11x64xf32, #tpu.memory_space<vmem>>, vector<16xf32>,
        %mul3A_1651 = vector.broadcast %squeeze3A_1632 : f32 to vector<16xf32>
        %mul3A_1652 = arith.mulf %mul3A_1651, %get3A_1650 : vector<16xf32>
        %add3A_1653 = arith.addf %add3A_1623, %mul3A_1652 : vector<16xf32>
        %get3A_1654 = arith.constant 3 : i32
        %get3A_1655 = arith.index_cast %get3A_1654 : i32 to index
        %get3A_1656 = arith.constant 48 : index
        %get3A_1657 = tpu.vector_load %arg10[%get3A_1655, %get3A_1656] {strides = array<i32>} : memref<11x64xf32, #tpu.memory_space<vmem>>, vector<16xf32>,
        %mul3A_1658 = vector.broadcast %squeeze3A_1632 : f32 to vector<16xf32>
        %mul3A_1659 = arith.mulf %mul3A_1658, %get3A_1657 : vector<16xf32>
        %add3A_1660 = arith.addf %add3A_1630, %mul3A_1659 : vector<16xf32>
        %slice3A_1661 = vector.extract_strided_slice %gather3A_1188 {offsets = [4], sizes = [1], strides = [1]} : vector<16xf32> to vector<1xf32>
        %squeeze3A_1662 = vector.extract %slice3A_1661[0] : f32 from vector<1xf32>
        %get3A_1663 = arith.constant 4 : i32
        %get3A_1664 = arith.index_cast %get3A_1663 : i32 to index
        %get3A_1665 = arith.constant 0 : index
        %get3A_1666 = tpu.vector_load %arg10[%get3A_1664, %get3A_1665] {strides = array<i32>} : memref<11x64xf32, #tpu.memory_space<vmem>>, vector<16xf32>,
        %mul3A_1667 = vector.broadcast %squeeze3A_1662 : f32 to vector<16xf32>
        %mul3A_1668 = arith.mulf %mul3A_1667, %get3A_1666 : vector<16xf32>
        %add3A_1669 = arith.addf %add3A_1639, %mul3A_1668 : vector<16xf32>
        %get3A_1670 = arith.constant 4 : i32
        %get3A_1671 = arith.index_cast %get3A_1670 : i32 to index
        %get3A_1672 = arith.constant 16 : index
        %get3A_1673 = tpu.vector_load %arg10[%get3A_1671, %get3A_1672] {strides = array<i32>} : memref<11x64xf32, #tpu.memory_space<vmem>>, vector<16xf32>,
        %mul3A_1674 = vector.broadcast %squeeze3A_1662 : f32 to vector<16xf32>
        %mul3A_1675 = arith.mulf %mul3A_1674, %get3A_1673 : vector<16xf32>
        %add3A_1676 = arith.addf %add3A_1646, %mul3A_1675 : vector<16xf32>
        %get3A_1677 = arith.constant 4 : i32
        %get3A_1678 = arith.index_cast %get3A_1677 : i32 to index
        %get3A_1679 = arith.constant 32 : index
        %get3A_1680 = tpu.vector_load %arg10[%get3A_1678, %get3A_1679] {strides = array<i32>} : memref<11x64xf32, #tpu.memory_space<vmem>>, vector<16xf32>,
        %mul3A_1681 = vector.broadcast %squeeze3A_1662 : f32 to vector<16xf32>
        %mul3A_1682 = arith.mulf %mul3A_1681, %get3A_1680 : vector<16xf32>
        %add3A_1683 = arith.addf %add3A_1653, %mul3A_1682 : vector<16xf32>
        %get3A_1684 = arith.constant 4 : i32
        %get3A_1685 = arith.index_cast %get3A_1684 : i32 to index
        %get3A_1686 = arith.constant 48 : index
        %get3A_1687 = tpu.vector_load %arg10[%get3A_1685, %get3A_1686] {strides = array<i32>} : memref<11x64xf32, #tpu.memory_space<vmem>>, vector<16xf32>,
        %mul3A_1688 = vector.broadcast %squeeze3A_1662 : f32 to vector<16xf32>
        %mul3A_1689 = arith.mulf %mul3A_1688, %get3A_1687 : vector<16xf32>
        %add3A_1690 = arith.addf %add3A_1660, %mul3A_1689 : vector<16xf32>
        %slice3A_1691 = vector.extract_strided_slice %gather3A_1188 {offsets = [5], sizes = [1], strides = [1]} : vector<16xf32> to vector<1xf32>
        %squeeze3A_1692 = vector.extract %slice3A_1691[0] : f32 from vector<1xf32>
        %get3A_1693 = arith.constant 5 : i32
        %get3A_1694 = arith.index_cast %get3A_1693 : i32 to index
        %get3A_1695 = arith.constant 0 : index
        %get3A_1696 = tpu.vector_load %arg10[%get3A_1694, %get3A_1695] {strides = array<i32>} : memref<11x64xf32, #tpu.memory_space<vmem>>, vector<16xf32>,
        %mul3A_1697 = vector.broadcast %squeeze3A_1692 : f32 to vector<16xf32>
        %mul3A_1698 = arith.mulf %mul3A_1697, %get3A_1696 : vector<16xf32>
        %add3A_1699 = arith.addf %add3A_1669, %mul3A_1698 : vector<16xf32>
        %get3A_1700 = arith.constant 5 : i32
        %get3A_1701 = arith.index_cast %get3A_1700 : i32 to index
        %get3A_1702 = arith.constant 16 : index
        %get3A_1703 = tpu.vector_load %arg10[%get3A_1701, %get3A_1702] {strides = array<i32>} : memref<11x64xf32, #tpu.memory_space<vmem>>, vector<16xf32>,
        %mul3A_1704 = vector.broadcast %squeeze3A_1692 : f32 to vector<16xf32>
        %mul3A_1705 = arith.mulf %mul3A_1704, %get3A_1703 : vector<16xf32>
        %add3A_1706 = arith.addf %add3A_1676, %mul3A_1705 : vector<16xf32>
        %get3A_1707 = arith.constant 5 : i32
        %get3A_1708 = arith.index_cast %get3A_1707 : i32 to index
        %get3A_1709 = arith.constant 32 : index
        %get3A_1710 = tpu.vector_load %arg10[%get3A_1708, %get3A_1709] {strides = array<i32>} : memref<11x64xf32, #tpu.memory_space<vmem>>, vector<16xf32>,
        %mul3A_1711 = vector.broadcast %squeeze3A_1692 : f32 to vector<16xf32>
        %mul3A_1712 = arith.mulf %mul3A_1711, %get3A_1710 : vector<16xf32>
        %add3A_1713 = arith.addf %add3A_1683, %mul3A_1712 : vector<16xf32>
        %get3A_1714 = arith.constant 5 : i32
        %get3A_1715 = arith.index_cast %get3A_1714 : i32 to index
        %get3A_1716 = arith.constant 48 : index
        %get3A_1717 = tpu.vector_load %arg10[%get3A_1715, %get3A_1716] {strides = array<i32>} : memref<11x64xf32, #tpu.memory_space<vmem>>, vector<16xf32>,
        %mul3A_1718 = vector.broadcast %squeeze3A_1692 : f32 to vector<16xf32>
        %mul3A_1719 = arith.mulf %mul3A_1718, %get3A_1717 : vector<16xf32>
        %add3A_1720 = arith.addf %add3A_1690, %mul3A_1719 : vector<16xf32>
        %slice3A_1721 = vector.extract_strided_slice %gather3A_1188 {offsets = [6], sizes = [1], strides = [1]} : vector<16xf32> to vector<1xf32>
        %squeeze3A_1722 = vector.extract %slice3A_1721[0] : f32 from vector<1xf32>
        %get3A_1723 = arith.constant 6 : i32
        %get3A_1724 = arith.index_cast %get3A_1723 : i32 to index
        %get3A_1725 = arith.constant 0 : index
        %get3A_1726 = tpu.vector_load %arg10[%get3A_1724, %get3A_1725] {strides = array<i32>} : memref<11x64xf32, #tpu.memory_space<vmem>>, vector<16xf32>,
        %mul3A_1727 = vector.broadcast %squeeze3A_1722 : f32 to vector<16xf32>
        %mul3A_1728 = arith.mulf %mul3A_1727, %get3A_1726 : vector<16xf32>
        %add3A_1729 = arith.addf %add3A_1699, %mul3A_1728 : vector<16xf32>
        %get3A_1730 = arith.constant 6 : i32
        %get3A_1731 = arith.index_cast %get3A_1730 : i32 to index
        %get3A_1732 = arith.constant 16 : index
        %get3A_1733 = tpu.vector_load %arg10[%get3A_1731, %get3A_1732] {strides = array<i32>} : memref<11x64xf32, #tpu.memory_space<vmem>>, vector<16xf32>,
        %mul3A_1734 = vector.broadcast %squeeze3A_1722 : f32 to vector<16xf32>
        %mul3A_1735 = arith.mulf %mul3A_1734, %get3A_1733 : vector<16xf32>
        %add3A_1736 = arith.addf %add3A_1706, %mul3A_1735 : vector<16xf32>
        %get3A_1737 = arith.constant 6 : i32
        %get3A_1738 = arith.index_cast %get3A_1737 : i32 to index
        %get3A_1739 = arith.constant 32 : index
        %get3A_1740 = tpu.vector_load %arg10[%get3A_1738, %get3A_1739] {strides = array<i32>} : memref<11x64xf32, #tpu.memory_space<vmem>>, vector<16xf32>,
        %mul3A_1741 = vector.broadcast %squeeze3A_1722 : f32 to vector<16xf32>
        %mul3A_1742 = arith.mulf %mul3A_1741, %get3A_1740 : vector<16xf32>
        %add3A_1743 = arith.addf %add3A_1713, %mul3A_1742 : vector<16xf32>
        %get3A_1744 = arith.constant 6 : i32
        %get3A_1745 = arith.index_cast %get3A_1744 : i32 to index
        %get3A_1746 = arith.constant 48 : index
        %get3A_1747 = tpu.vector_load %arg10[%get3A_1745, %get3A_1746] {strides = array<i32>} : memref<11x64xf32, #tpu.memory_space<vmem>>, vector<16xf32>,
        %mul3A_1748 = vector.broadcast %squeeze3A_1722 : f32 to vector<16xf32>
        %mul3A_1749 = arith.mulf %mul3A_1748, %get3A_1747 : vector<16xf32>
        %add3A_1750 = arith.addf %add3A_1720, %mul3A_1749 : vector<16xf32>
        %slice3A_1751 = vector.extract_strided_slice %gather3A_1188 {offsets = [7], sizes = [1], strides = [1]} : vector<16xf32> to vector<1xf32>
        %squeeze3A_1752 = vector.extract %slice3A_1751[0] : f32 from vector<1xf32>
        %get3A_1753 = arith.constant 7 : i32
        %get3A_1754 = arith.index_cast %get3A_1753 : i32 to index
        %get3A_1755 = arith.constant 0 : index
        %get3A_1756 = tpu.vector_load %arg10[%get3A_1754, %get3A_1755] {strides = array<i32>} : memref<11x64xf32, #tpu.memory_space<vmem>>, vector<16xf32>,
        %mul3A_1757 = vector.broadcast %squeeze3A_1752 : f32 to vector<16xf32>
        %mul3A_1758 = arith.mulf %mul3A_1757, %get3A_1756 : vector<16xf32>
        %add3A_1759 = arith.addf %add3A_1729, %mul3A_1758 : vector<16xf32>
        %get3A_1760 = arith.constant 7 : i32
        %get3A_1761 = arith.index_cast %get3A_1760 : i32 to index
        %get3A_1762 = arith.constant 16 : index
        %get3A_1763 = tpu.vector_load %arg10[%get3A_1761, %get3A_1762] {strides = array<i32>} : memref<11x64xf32, #tpu.memory_space<vmem>>, vector<16xf32>,
        %mul3A_1764 = vector.broadcast %squeeze3A_1752 : f32 to vector<16xf32>
        %mul3A_1765 = arith.mulf %mul3A_1764, %get3A_1763 : vector<16xf32>
        %add3A_1766 = arith.addf %add3A_1736, %mul3A_1765 : vector<16xf32>
        %get3A_1767 = arith.constant 7 : i32
        %get3A_1768 = arith.index_cast %get3A_1767 : i32 to index
        %get3A_1769 = arith.constant 32 : index
        %get3A_1770 = tpu.vector_load %arg10[%get3A_1768, %get3A_1769] {strides = array<i32>} : memref<11x64xf32, #tpu.memory_space<vmem>>, vector<16xf32>,
        %mul3A_1771 = vector.broadcast %squeeze3A_1752 : f32 to vector<16xf32>
        %mul3A_1772 = arith.mulf %mul3A_1771, %get3A_1770 : vector<16xf32>
        %add3A_1773 = arith.addf %add3A_1743, %mul3A_1772 : vector<16xf32>
        %get3A_1774 = arith.constant 7 : i32
        %get3A_1775 = arith.index_cast %get3A_1774 : i32 to index
        %get3A_1776 = arith.constant 48 : index
        %get3A_1777 = tpu.vector_load %arg10[%get3A_1775, %get3A_1776] {strides = array<i32>} : memref<11x64xf32, #tpu.memory_space<vmem>>, vector<16xf32>,
        %mul3A_1778 = vector.broadcast %squeeze3A_1752 : f32 to vector<16xf32>
        %mul3A_1779 = arith.mulf %mul3A_1778, %get3A_1777 : vector<16xf32>
        %add3A_1780 = arith.addf %add3A_1750, %mul3A_1779 : vector<16xf32>
        %slice3A_1781 = vector.extract_strided_slice %gather3A_1188 {offsets = [8], sizes = [1], strides = [1]} : vector<16xf32> to vector<1xf32>
        %squeeze3A_1782 = vector.extract %slice3A_1781[0] : f32 from vector<1xf32>
        %get3A_1783 = arith.constant 8 : i32
        %get3A_1784 = arith.index_cast %get3A_1783 : i32 to index
        %get3A_1785 = arith.constant 0 : index
        %get3A_1786 = tpu.vector_load %arg10[%get3A_1784, %get3A_1785] {strides = array<i32>} : memref<11x64xf32, #tpu.memory_space<vmem>>, vector<16xf32>,
        %mul3A_1787 = vector.broadcast %squeeze3A_1782 : f32 to vector<16xf32>
        %mul3A_1788 = arith.mulf %mul3A_1787, %get3A_1786 : vector<16xf32>
        %add3A_1789 = arith.addf %add3A_1759, %mul3A_1788 : vector<16xf32>
        %get3A_1790 = arith.constant 8 : i32
        %get3A_1791 = arith.index_cast %get3A_1790 : i32 to index
        %get3A_1792 = arith.constant 16 : index
        %get3A_1793 = tpu.vector_load %arg10[%get3A_1791, %get3A_1792] {strides = array<i32>} : memref<11x64xf32, #tpu.memory_space<vmem>>, vector<16xf32>,
        %mul3A_1794 = vector.broadcast %squeeze3A_1782 : f32 to vector<16xf32>
        %mul3A_1795 = arith.mulf %mul3A_1794, %get3A_1793 : vector<16xf32>
        %add3A_1796 = arith.addf %add3A_1766, %mul3A_1795 : vector<16xf32>
        %get3A_1797 = arith.constant 8 : i32
        %get3A_1798 = arith.index_cast %get3A_1797 : i32 to index
        %get3A_1799 = arith.constant 32 : index
        %get3A_1800 = tpu.vector_load %arg10[%get3A_1798, %get3A_1799] {strides = array<i32>} : memref<11x64xf32, #tpu.memory_space<vmem>>, vector<16xf32>,
        %mul3A_1801 = vector.broadcast %squeeze3A_1782 : f32 to vector<16xf32>
        %mul3A_1802 = arith.mulf %mul3A_1801, %get3A_1800 : vector<16xf32>
        %add3A_1803 = arith.addf %add3A_1773, %mul3A_1802 : vector<16xf32>
        %get3A_1804 = arith.constant 8 : i32
        %get3A_1805 = arith.index_cast %get3A_1804 : i32 to index
        %get3A_1806 = arith.constant 48 : index
        %get3A_1807 = tpu.vector_load %arg10[%get3A_1805, %get3A_1806] {strides = array<i32>} : memref<11x64xf32, #tpu.memory_space<vmem>>, vector<16xf32>,
        %mul3A_1808 = vector.broadcast %squeeze3A_1782 : f32 to vector<16xf32>
        %mul3A_1809 = arith.mulf %mul3A_1808, %get3A_1807 : vector<16xf32>
        %add3A_1810 = arith.addf %add3A_1780, %mul3A_1809 : vector<16xf32>
        %slice3A_1811 = vector.extract_strided_slice %gather3A_1188 {offsets = [9], sizes = [1], strides = [1]} : vector<16xf32> to vector<1xf32>
        %squeeze3A_1812 = vector.extract %slice3A_1811[0] : f32 from vector<1xf32>
        %get3A_1813 = arith.constant 9 : i32
        %get3A_1814 = arith.index_cast %get3A_1813 : i32 to index
        %get3A_1815 = arith.constant 0 : index
        %get3A_1816 = tpu.vector_load %arg10[%get3A_1814, %get3A_1815] {strides = array<i32>} : memref<11x64xf32, #tpu.memory_space<vmem>>, vector<16xf32>,
        %mul3A_1817 = vector.broadcast %squeeze3A_1812 : f32 to vector<16xf32>
        %mul3A_1818 = arith.mulf %mul3A_1817, %get3A_1816 : vector<16xf32>
        %add3A_1819 = arith.addf %add3A_1789, %mul3A_1818 : vector<16xf32>
        %get3A_1820 = arith.constant 9 : i32
        %get3A_1821 = arith.index_cast %get3A_1820 : i32 to index
        %get3A_1822 = arith.constant 16 : index
        %get3A_1823 = tpu.vector_load %arg10[%get3A_1821, %get3A_1822] {strides = array<i32>} : memref<11x64xf32, #tpu.memory_space<vmem>>, vector<16xf32>,
        %mul3A_1824 = vector.broadcast %squeeze3A_1812 : f32 to vector<16xf32>
        %mul3A_1825 = arith.mulf %mul3A_1824, %get3A_1823 : vector<16xf32>
        %add3A_1826 = arith.addf %add3A_1796, %mul3A_1825 : vector<16xf32>
        %get3A_1827 = arith.constant 9 : i32
        %get3A_1828 = arith.index_cast %get3A_1827 : i32 to index
        %get3A_1829 = arith.constant 32 : index
        %get3A_1830 = tpu.vector_load %arg10[%get3A_1828, %get3A_1829] {strides = array<i32>} : memref<11x64xf32, #tpu.memory_space<vmem>>, vector<16xf32>,
        %mul3A_1831 = vector.broadcast %squeeze3A_1812 : f32 to vector<16xf32>
        %mul3A_1832 = arith.mulf %mul3A_1831, %get3A_1830 : vector<16xf32>
        %add3A_1833 = arith.addf %add3A_1803, %mul3A_1832 : vector<16xf32>
        %get3A_1834 = arith.constant 9 : i32
        %get3A_1835 = arith.index_cast %get3A_1834 : i32 to index
        %get3A_1836 = arith.constant 48 : index
        %get3A_1837 = tpu.vector_load %arg10[%get3A_1835, %get3A_1836] {strides = array<i32>} : memref<11x64xf32, #tpu.memory_space<vmem>>, vector<16xf32>,
        %mul3A_1838 = vector.broadcast %squeeze3A_1812 : f32 to vector<16xf32>
        %mul3A_1839 = arith.mulf %mul3A_1838, %get3A_1837 : vector<16xf32>
        %add3A_1840 = arith.addf %add3A_1810, %mul3A_1839 : vector<16xf32>
        %slice3A_1841 = vector.extract_strided_slice %gather3A_1188 {offsets = [10], sizes = [1], strides = [1]} : vector<16xf32> to vector<1xf32>
        %squeeze3A_1842 = vector.extract %slice3A_1841[0] : f32 from vector<1xf32>
        %get3A_1843 = arith.constant 10 : i32
        %get3A_1844 = arith.index_cast %get3A_1843 : i32 to index
        %get3A_1845 = arith.constant 0 : index
        %get3A_1846 = tpu.vector_load %arg10[%get3A_1844, %get3A_1845] {strides = array<i32>} : memref<11x64xf32, #tpu.memory_space<vmem>>, vector<16xf32>,
        %mul3A_1847 = vector.broadcast %squeeze3A_1842 : f32 to vector<16xf32>
        %mul3A_1848 = arith.mulf %mul3A_1847, %get3A_1846 : vector<16xf32>
        %add3A_1849 = arith.addf %add3A_1819, %mul3A_1848 : vector<16xf32>
        %get3A_1850 = arith.constant 10 : i32
        %get3A_1851 = arith.index_cast %get3A_1850 : i32 to index
        %get3A_1852 = arith.constant 16 : index
        %get3A_1853 = tpu.vector_load %arg10[%get3A_1851, %get3A_1852] {strides = array<i32>} : memref<11x64xf32, #tpu.memory_space<vmem>>, vector<16xf32>,
        %mul3A_1854 = vector.broadcast %squeeze3A_1842 : f32 to vector<16xf32>
        %mul3A_1855 = arith.mulf %mul3A_1854, %get3A_1853 : vector<16xf32>
        %add3A_1856 = arith.addf %add3A_1826, %mul3A_1855 : vector<16xf32>
        %get3A_1857 = arith.constant 10 : i32
        %get3A_1858 = arith.index_cast %get3A_1857 : i32 to index
        %get3A_1859 = arith.constant 32 : index
        %get3A_1860 = tpu.vector_load %arg10[%get3A_1858, %get3A_1859] {strides = array<i32>} : memref<11x64xf32, #tpu.memory_space<vmem>>, vector<16xf32>,
        %mul3A_1861 = vector.broadcast %squeeze3A_1842 : f32 to vector<16xf32>
        %mul3A_1862 = arith.mulf %mul3A_1861, %get3A_1860 : vector<16xf32>
        %add3A_1863 = arith.addf %add3A_1833, %mul3A_1862 : vector<16xf32>
        %get3A_1864 = arith.constant 10 : i32
        %get3A_1865 = arith.index_cast %get3A_1864 : i32 to index
        %get3A_1866 = arith.constant 48 : index
        %get3A_1867 = tpu.vector_load %arg10[%get3A_1865, %get3A_1866] {strides = array<i32>} : memref<11x64xf32, #tpu.memory_space<vmem>>, vector<16xf32>,
        %mul3A_1868 = vector.broadcast %squeeze3A_1842 : f32 to vector<16xf32>
        %mul3A_1869 = arith.mulf %mul3A_1868, %get3A_1867 : vector<16xf32>
        %add3A_1870 = arith.addf %add3A_1840, %mul3A_1869 : vector<16xf32>
        %swap3A_1871 = arith.constant 0 : i32
        %swap3A_1872 = arith.index_cast %swap3A_1871 : i32 to index
        %swap3A_1873 = arith.index_cast %scan3A_1182 : i32 to index
        %swap3A_1874 = arith.constant 0 : index
        %swap3A_1875 = tpu.vector_load %arg9[%swap3A_1872, %swap3A_1873, %swap3A_1874] {strides = array<i32>} : memref<2x32x128xf32, #tpu.memory_space<vmem>>, vector<16xf32>,
        tpu.vector_store %arg9[%swap3A_1872, %swap3A_1873, %swap3A_1874], %add3A_1520 {strides = array<i32>} : memref<2x32x128xf32, #tpu.memory_space<vmem>>, vector<16xf32>,
        %swap3A_1876 = arith.constant 0 : i32
        %swap3A_1877 = arith.index_cast %swap3A_1876 : i32 to index
        %swap3A_1878 = arith.index_cast %scan3A_1182 : i32 to index
        %swap3A_1879 = arith.constant 64 : index
        %swap3A_1880 = tpu.vector_load %arg9[%swap3A_1877, %swap3A_1878, %swap3A_1879] {strides = array<i32>} : memref<2x32x128xf32, #tpu.memory_space<vmem>>, vector<16xf32>,
        tpu.vector_store %arg9[%swap3A_1877, %swap3A_1878, %swap3A_1879], %add3A_1849 {strides = array<i32>} : memref<2x32x128xf32, #tpu.memory_space<vmem>>, vector<16xf32>,
        %swap3A_1881 = arith.constant 0 : i32
        %swap3A_1882 = arith.index_cast %swap3A_1881 : i32 to index
        %swap3A_1883 = arith.index_cast %scan3A_1182 : i32 to index
        %swap3A_1884 = arith.constant 16 : index
        %swap3A_1885 = tpu.vector_load %arg9[%swap3A_1882, %swap3A_1883, %swap3A_1884] {strides = array<i32>} : memref<2x32x128xf32, #tpu.memory_space<vmem>>, vector<16xf32>,
        tpu.vector_store %arg9[%swap3A_1882, %swap3A_1883, %swap3A_1884], %add3A_1528 {strides = array<i32>} : memref<2x32x128xf32, #tpu.memory_space<vmem>>, vector<16xf32>,
        %swap3A_1886 = arith.constant 0 : i32
        %swap3A_1887 = arith.index_cast %swap3A_1886 : i32 to index
        %swap3A_1888 = arith.index_cast %scan3A_1182 : i32 to index
        %swap3A_1889 = arith.constant 80 : index
        %swap3A_1890 = tpu.vector_load %arg9[%swap3A_1887, %swap3A_1888, %swap3A_1889] {strides = array<i32>} : memref<2x32x128xf32, #tpu.memory_space<vmem>>, vector<16xf32>,
        tpu.vector_store %arg9[%swap3A_1887, %swap3A_1888, %swap3A_1889], %add3A_1856 {strides = array<i32>} : memref<2x32x128xf32, #tpu.memory_space<vmem>>, vector<16xf32>,
        %swap3A_1891 = arith.constant 0 : i32
        %swap3A_1892 = arith.index_cast %swap3A_1891 : i32 to index
        %swap3A_1893 = arith.index_cast %scan3A_1182 : i32 to index
        %swap3A_1894 = arith.constant 32 : index
        %swap3A_1895 = tpu.vector_load %arg9[%swap3A_1892, %swap3A_1893, %swap3A_1894] {strides = array<i32>} : memref<2x32x128xf32, #tpu.memory_space<vmem>>, vector<16xf32>,
        tpu.vector_store %arg9[%swap3A_1892, %swap3A_1893, %swap3A_1894], %add3A_1536 {strides = array<i32>} : memref<2x32x128xf32, #tpu.memory_space<vmem>>, vector<16xf32>,
        %swap3A_1896 = arith.constant 0 : i32
        %swap3A_1897 = arith.index_cast %swap3A_1896 : i32 to index
        %swap3A_1898 = arith.index_cast %scan3A_1182 : i32 to index
        %swap3A_1899 = arith.constant 96 : index
        %swap3A_1900 = tpu.vector_load %arg9[%swap3A_1897, %swap3A_1898, %swap3A_1899] {strides = array<i32>} : memref<2x32x128xf32, #tpu.memory_space<vmem>>, vector<16xf32>,
        tpu.vector_store %arg9[%swap3A_1897, %swap3A_1898, %swap3A_1899], %add3A_1863 {strides = array<i32>} : memref<2x32x128xf32, #tpu.memory_space<vmem>>, vector<16xf32>,
        %swap3A_1901 = arith.constant 0 : i32
        %swap3A_1902 = arith.index_cast %swap3A_1901 : i32 to index
        %swap3A_1903 = arith.index_cast %scan3A_1182 : i32 to index
        %swap3A_1904 = arith.constant 48 : index
        %swap3A_1905 = tpu.vector_load %arg9[%swap3A_1902, %swap3A_1903, %swap3A_1904] {strides = array<i32>} : memref<2x32x128xf32, #tpu.memory_space<vmem>>, vector<16xf32>,
        tpu.vector_store %arg9[%swap3A_1902, %swap3A_1903, %swap3A_1904], %add3A_1544 {strides = array<i32>} : memref<2x32x128xf32, #tpu.memory_space<vmem>>, vector<16xf32>,
        %swap3A_1906 = arith.constant 0 : i32
        %swap3A_1907 = arith.index_cast %swap3A_1906 : i32 to index
        %swap3A_1908 = arith.index_cast %scan3A_1182 : i32 to index
        %swap3A_1909 = arith.constant 112 : index
        %swap3A_1910 = tpu.vector_load %arg9[%swap3A_1907, %swap3A_1908, %swap3A_1909] {strides = array<i32>} : memref<2x32x128xf32, #tpu.memory_space<vmem>>, vector<16xf32>,
        tpu.vector_store %arg9[%swap3A_1907, %swap3A_1908, %swap3A_1909], %add3A_1870 {strides = array<i32>} : memref<2x32x128xf32, #tpu.memory_space<vmem>>, vector<16xf32>,
      }
      %scan3A_320 = arith.constant 32 : i32
      %mul3A_321 = arith.constant 32 : i32
      %mul3A_322 = arith.muli %mul3A_130, %mul3A_321 : i32
      %add3A_323 = arith.addi %mul3A_2, %mul3A_322 : i32
      %dma_start3A_324 = arith.constant 0 : i32
      %dma_start3A_325 = arith.constant 0 : i32
      %dma_start3A_326 = arith.constant 0 : i32
      %dma_start3A_327 = tpu.memref_slice %arg9[%dma_start3A_324, %dma_start3A_325, %dma_start3A_326] : memref<2x32x128xf32, #tpu.memory_space<vmem>> -> memref<1x32x128xf32, #tpu.memory_space<vmem>>
      %dma_start3A_328 = tpu.memref_squeeze %dma_start3A_327 : memref<1x32x128xf32, #tpu.memory_space<vmem>> -> memref<32x128xf32, #tpu.memory_space<vmem>>
      %dma_start3A_329 = arith.constant 0 : i32
      %dma_start3A_330 = tpu.memref_slice %arg5[%add3A_323, %dma_start3A_329] : memref<16384x128xf32, #tpu.memory_space<hbm>> -> memref<32x128xf32, #tpu.memory_space<hbm>>
      %dma_start3A_331 = arith.constant 0 : i32
      %dma_start3A_332 = tpu.memref_slice %arg5[%add3A_323, %dma_start3A_331] : memref<16384x128xf32, #tpu.memory_space<hbm>> -> memref<32x128xf32, #tpu.memory_space<hbm>>
      %dma_start3A_333 = arith.constant 0 : i32
      %dma_start3A_334 = arith.constant 0 : i32
      %dma_start3A_335 = tpu.memref_slice %arg9[%dma_start3A_324, %dma_start3A_333, %dma_start3A_334] : memref<2x32x128xf32, #tpu.memory_space<vmem>> -> memref<1x32x128xf32, #tpu.memory_space<vmem>>
      %dma_start3A_336 = tpu.memref_squeeze %dma_start3A_335 : memref<1x32x128xf32, #tpu.memory_space<vmem>> -> memref<32x128xf32, #tpu.memory_space<vmem>>
      tpu.enqueue_dma source(%dma_start3A_336 : memref<32x128xf32, #tpu.memory_space<vmem>>) target(%dma_start3A_332 : memref<32x128xf32, #tpu.memory_space<hbm>>) target_semaphore(%arg13 : memref<!tpu.dma_semaphore, #tpu.memory_space<semaphore_mem>>)
      %lt3A = arith.constant 7 : i32
      %lt3A_337 = arith.cmpi slt, %scan3A_128, %lt3A : i32
      %convert_element_type3A_338 = arith.extui %lt3A_337 : i1 to i32
      %cond3A_339 = arith.constant 0 : i32
      %cond3A_340 = arith.cmpi ne, %convert_element_type3A_338, %cond3A_339 : i32
      scf.if %cond3A_340 {
        %add3A_458 = arith.constant 2 : i32
        %add3A_459 = arith.addi %mul3A_130, %add3A_458 : i32
        %mul3A_460 = arith.constant 5 : i32
        %mul3A_461 = arith.muli %add3A_459, %mul3A_460 : i32
        %add3A_462 = arith.constant 0 : i32
        %add3A_463 = arith.addi %mul3A_461, %add3A_462 : i32
        %mul3A_464 = arith.constant 5 : i32
        %mul3A_465 = arith.muli %add3A_459, %mul3A_464 : i32
        %add3A_466 = arith.constant 1 : i32
        %add3A_467 = arith.addi %mul3A_465, %add3A_466 : i32
        %mul3A_468 = arith.constant 5 : i32
        %mul3A_469 = arith.muli %add3A_459, %mul3A_468 : i32
        %add3A_470 = arith.constant 2 : i32
        %add3A_471 = arith.addi %mul3A_469, %add3A_470 : i32
        %mul3A_472 = arith.constant 5 : i32
        %mul3A_473 = arith.muli %add3A_459, %mul3A_472 : i32
        %add3A_474 = arith.constant 3 : i32
        %add3A_475 = arith.addi %mul3A_473, %add3A_474 : i32
        %mul3A_476 = arith.constant 5 : i32
        %mul3A_477 = arith.muli %add3A_459, %mul3A_476 : i32
        %add3A_478 = arith.constant 4 : i32
        %add3A_479 = arith.addi %mul3A_477, %add3A_478 : i32
        %dma_start3A_480 = arith.constant 0 : i32
        %dma_start3A_481 = arith.constant 0 : i32
        %dma_start3A_482 = arith.constant 0 : i32
        %dma_start3A_483 = tpu.memref_slice %arg8[%dma_start3A_480, %dma_start3A_481, %dma_start3A_482] : memref<2x320x128xf32, #tpu.memory_space<vmem>> -> memref<1x320x128xf32, #tpu.memory_space<vmem>>
        %dma_start3A_484 = tpu.memref_squeeze %dma_start3A_483 : memref<1x320x128xf32, #tpu.memory_space<vmem>> -> memref<320x128xf32, #tpu.memory_space<vmem>>
        %dma_start3A_485 = arith.constant 0 : i32
        %dma_start3A_486 = arith.constant 0 : i32
        %dma_start3A_487 = tpu.memref_slice %dma_start3A_484[%dma_start3A_485, %dma_start3A_486] : memref<320x128xf32, #tpu.memory_space<vmem>> -> memref<64x128xf32, #tpu.memory_space<vmem>>
        %dma_start3A_488 = arith.constant 0 : i32
        %dma_start3A_489 = tpu.memref_slice %arg7[%add3A_463, %dma_start3A_488] : memref<80x64xi32, #tpu.memory_space<vmem>> -> memref<1x64xi32, #tpu.memory_space<vmem>>
        %dma_start3A_490 = tpu.memref_squeeze %dma_start3A_489 : memref<1x64xi32, #tpu.memory_space<vmem>> -> memref<64xi32, #tpu.memory_space<vmem>>
        %dma_start3A_491 = arith.constant 0 : i32
        %dma_start3A_492 = arith.constant 0 : i32
        %dma_start3A_493 = tpu.memref_slice %arg3[%dma_start3A_491, %dma_start3A_492] : memref<100000x128xf32, #tpu.memory_space<hbm>> -> memref<100000x128xf32, #tpu.memory_space<hbm>>
        tpu.enqueue_indirect_dma source(%dma_start3A_493 : memref<100000x128xf32, #tpu.memory_space<hbm>>) target(%dma_start3A_487 : memref<64x128xf32, #tpu.memory_space<vmem>>) offsets(%dma_start3A_490 : memref<64xi32, #tpu.memory_space<vmem>>) semaphore(%arg11 : memref<!tpu.dma_semaphore, #tpu.memory_space<semaphore_mem>>)
        %dma_start3A_494 = arith.constant 0 : i32
        %dma_start3A_495 = arith.constant 0 : i32
        %dma_start3A_496 = arith.constant 0 : i32
        %dma_start3A_497 = tpu.memref_slice %arg8[%dma_start3A_494, %dma_start3A_495, %dma_start3A_496] : memref<2x320x128xf32, #tpu.memory_space<vmem>> -> memref<1x320x128xf32, #tpu.memory_space<vmem>>
        %dma_start3A_498 = tpu.memref_squeeze %dma_start3A_497 : memref<1x320x128xf32, #tpu.memory_space<vmem>> -> memref<320x128xf32, #tpu.memory_space<vmem>>
        %dma_start3A_499 = arith.constant 64 : i32
        %dma_start3A_500 = arith.constant 0 : i32
        %dma_start3A_501 = tpu.memref_slice %dma_start3A_498[%dma_start3A_499, %dma_start3A_500] : memref<320x128xf32, #tpu.memory_space<vmem>> -> memref<64x128xf32, #tpu.memory_space<vmem>>
        %dma_start3A_502 = arith.constant 0 : i32
        %dma_start3A_503 = tpu.memref_slice %arg7[%add3A_467, %dma_start3A_502] : memref<80x64xi32, #tpu.memory_space<vmem>> -> memref<1x64xi32, #tpu.memory_space<vmem>>
        %dma_start3A_504 = tpu.memref_squeeze %dma_start3A_503 : memref<1x64xi32, #tpu.memory_space<vmem>> -> memref<64xi32, #tpu.memory_space<vmem>>
        %dma_start3A_505 = arith.constant 0 : i32
        %dma_start3A_506 = arith.constant 0 : i32
        %dma_start3A_507 = tpu.memref_slice %arg3[%dma_start3A_505, %dma_start3A_506] : memref<100000x128xf32, #tpu.memory_space<hbm>> -> memref<100000x128xf32, #tpu.memory_space<hbm>>
        tpu.enqueue_indirect_dma source(%dma_start3A_507 : memref<100000x128xf32, #tpu.memory_space<hbm>>) target(%dma_start3A_501 : memref<64x128xf32, #tpu.memory_space<vmem>>) offsets(%dma_start3A_504 : memref<64xi32, #tpu.memory_space<vmem>>) semaphore(%arg11 : memref<!tpu.dma_semaphore, #tpu.memory_space<semaphore_mem>>)
        %dma_start3A_508 = arith.constant 0 : i32
        %dma_start3A_509 = arith.constant 0 : i32
        %dma_start3A_510 = arith.constant 0 : i32
        %dma_start3A_511 = tpu.memref_slice %arg8[%dma_start3A_508, %dma_start3A_509, %dma_start3A_510] : memref<2x320x128xf32, #tpu.memory_space<vmem>> -> memref<1x320x128xf32, #tpu.memory_space<vmem>>
        %dma_start3A_512 = tpu.memref_squeeze %dma_start3A_511 : memref<1x320x128xf32, #tpu.memory_space<vmem>> -> memref<320x128xf32, #tpu.memory_space<vmem>>
        %dma_start3A_513 = arith.constant 128 : i32
        %dma_start3A_514 = arith.constant 0 : i32
        %dma_start3A_515 = tpu.memref_slice %dma_start3A_512[%dma_start3A_513, %dma_start3A_514] : memref<320x128xf32, #tpu.memory_space<vmem>> -> memref<64x128xf32, #tpu.memory_space<vmem>>
        %dma_start3A_516 = arith.constant 0 : i32
        %dma_start3A_517 = tpu.memref_slice %arg7[%add3A_471, %dma_start3A_516] : memref<80x64xi32, #tpu.memory_space<vmem>> -> memref<1x64xi32, #tpu.memory_space<vmem>>
        %dma_start3A_518 = tpu.memref_squeeze %dma_start3A_517 : memref<1x64xi32, #tpu.memory_space<vmem>> -> memref<64xi32, #tpu.memory_space<vmem>>
        %dma_start3A_519 = arith.constant 0 : i32
        %dma_start3A_520 = arith.constant 0 : i32
        %dma_start3A_521 = tpu.memref_slice %arg3[%dma_start3A_519, %dma_start3A_520] : memref<100000x128xf32, #tpu.memory_space<hbm>> -> memref<100000x128xf32, #tpu.memory_space<hbm>>
        tpu.enqueue_indirect_dma source(%dma_start3A_521 : memref<100000x128xf32, #tpu.memory_space<hbm>>) target(%dma_start3A_515 : memref<64x128xf32, #tpu.memory_space<vmem>>) offsets(%dma_start3A_518 : memref<64xi32, #tpu.memory_space<vmem>>) semaphore(%arg11 : memref<!tpu.dma_semaphore, #tpu.memory_space<semaphore_mem>>)
        %dma_start3A_522 = arith.constant 0 : i32
        %dma_start3A_523 = arith.constant 0 : i32
        %dma_start3A_524 = arith.constant 0 : i32
        %dma_start3A_525 = tpu.memref_slice %arg8[%dma_start3A_522, %dma_start3A_523, %dma_start3A_524] : memref<2x320x128xf32, #tpu.memory_space<vmem>> -> memref<1x320x128xf32, #tpu.memory_space<vmem>>
        %dma_start3A_526 = tpu.memref_squeeze %dma_start3A_525 : memref<1x320x128xf32, #tpu.memory_space<vmem>> -> memref<320x128xf32, #tpu.memory_space<vmem>>
        %dma_start3A_527 = arith.constant 192 : i32
        %dma_start3A_528 = arith.constant 0 : i32
        %dma_start3A_529 = tpu.memref_slice %dma_start3A_526[%dma_start3A_527, %dma_start3A_528] : memref<320x128xf32, #tpu.memory_space<vmem>> -> memref<64x128xf32, #tpu.memory_space<vmem>>
        %dma_start3A_530 = arith.constant 0 : i32
        %dma_start3A_531 = tpu.memref_slice %arg7[%add3A_475, %dma_start3A_530] : memref<80x64xi32, #tpu.memory_space<vmem>> -> memref<1x64xi32, #tpu.memory_space<vmem>>
        %dma_start3A_532 = tpu.memref_squeeze %dma_start3A_531 : memref<1x64xi32, #tpu.memory_space<vmem>> -> memref<64xi32, #tpu.memory_space<vmem>>
        %dma_start3A_533 = arith.constant 0 : i32
        %dma_start3A_534 = arith.constant 0 : i32
        %dma_start3A_535 = tpu.memref_slice %arg3[%dma_start3A_533, %dma_start3A_534] : memref<100000x128xf32, #tpu.memory_space<hbm>> -> memref<100000x128xf32, #tpu.memory_space<hbm>>
        tpu.enqueue_indirect_dma source(%dma_start3A_535 : memref<100000x128xf32, #tpu.memory_space<hbm>>) target(%dma_start3A_529 : memref<64x128xf32, #tpu.memory_space<vmem>>) offsets(%dma_start3A_532 : memref<64xi32, #tpu.memory_space<vmem>>) semaphore(%arg11 : memref<!tpu.dma_semaphore, #tpu.memory_space<semaphore_mem>>)
        %dma_start3A_536 = arith.constant 0 : i32
        %dma_start3A_537 = arith.constant 0 : i32
        %dma_start3A_538 = arith.constant 0 : i32
        %dma_start3A_539 = tpu.memref_slice %arg8[%dma_start3A_536, %dma_start3A_537, %dma_start3A_538] : memref<2x320x128xf32, #tpu.memory_space<vmem>> -> memref<1x320x128xf32, #tpu.memory_space<vmem>>
        %dma_start3A_540 = tpu.memref_squeeze %dma_start3A_539 : memref<1x320x128xf32, #tpu.memory_space<vmem>> -> memref<320x128xf32, #tpu.memory_space<vmem>>
        %dma_start3A_541 = arith.constant 256 : i32
        %dma_start3A_542 = arith.constant 0 : i32
        %dma_start3A_543 = tpu.memref_slice %dma_start3A_540[%dma_start3A_541, %dma_start3A_542] : memref<320x128xf32, #tpu.memory_space<vmem>> -> memref<64x128xf32, #tpu.memory_space<vmem>>
        %dma_start3A_544 = arith.constant 0 : i32
        %dma_start3A_545 = tpu.memref_slice %arg7[%add3A_479, %dma_start3A_544] : memref<80x64xi32, #tpu.memory_space<vmem>> -> memref<1x64xi32, #tpu.memory_space<vmem>>
        %dma_start3A_546 = tpu.memref_squeeze %dma_start3A_545 : memref<1x64xi32, #tpu.memory_space<vmem>> -> memref<64xi32, #tpu.memory_space<vmem>>
        %dma_start3A_547 = arith.constant 0 : i32
        %dma_start3A_548 = arith.constant 0 : i32
        %dma_start3A_549 = tpu.memref_slice %arg3[%dma_start3A_547, %dma_start3A_548] : memref<100000x128xf32, #tpu.memory_space<hbm>> -> memref<100000x128xf32, #tpu.memory_space<hbm>>
        tpu.enqueue_indirect_dma source(%dma_start3A_549 : memref<100000x128xf32, #tpu.memory_space<hbm>>) target(%dma_start3A_543 : memref<64x128xf32, #tpu.memory_space<vmem>>) offsets(%dma_start3A_546 : memref<64xi32, #tpu.memory_space<vmem>>) semaphore(%arg11 : memref<!tpu.dma_semaphore, #tpu.memory_space<semaphore_mem>>)
      } else {
      }
      %mul3A_341 = arith.constant 5 : i32
      %mul3A_342 = arith.muli %add3A_132, %mul3A_341 : i32
      %add3A_343 = arith.constant 0 : i32
      %add3A_344 = arith.addi %mul3A_342, %add3A_343 : i32
      %mul3A_345 = arith.constant 5 : i32
      %mul3A_346 = arith.muli %add3A_132, %mul3A_345 : i32
      %add3A_347 = arith.constant 1 : i32
      %add3A_348 = arith.addi %mul3A_346, %add3A_347 : i32
      %mul3A_349 = arith.constant 5 : i32
      %mul3A_350 = arith.muli %add3A_132, %mul3A_349 : i32
      %add3A_351 = arith.constant 2 : i32
      %add3A_352 = arith.addi %mul3A_350, %add3A_351 : i32
      %mul3A_353 = arith.constant 5 : i32
      %mul3A_354 = arith.muli %add3A_132, %mul3A_353 : i32
      %add3A_355 = arith.constant 3 : i32
      %add3A_356 = arith.addi %mul3A_354, %add3A_355 : i32
      %mul3A_357 = arith.constant 5 : i32
      %mul3A_358 = arith.muli %add3A_132, %mul3A_357 : i32
      %add3A_359 = arith.constant 4 : i32
      %add3A_360 = arith.addi %mul3A_358, %add3A_359 : i32
      %dma_wait3A_361 = arith.constant 1 : i32
      %dma_wait3A_362 = arith.constant 0 : i32
      %dma_wait3A_363 = arith.constant 0 : i32
      %dma_wait3A_364 = tpu.memref_slice %arg8[%dma_wait3A_361, %dma_wait3A_362, %dma_wait3A_363] : memref<2x320x128xf32, #tpu.memory_space<vmem>> -> memref<1x320x128xf32, #tpu.memory_space<vmem>>
      %dma_wait3A_365 = tpu.memref_squeeze %dma_wait3A_364 : memref<1x320x128xf32, #tpu.memory_space<vmem>> -> memref<320x128xf32, #tpu.memory_space<vmem>>
      %dma_wait3A_366 = arith.constant 0 : i32
      %dma_wait3A_367 = arith.constant 0 : i32
      %dma_wait3A_368 = tpu.memref_slice %dma_wait3A_365[%dma_wait3A_366, %dma_wait3A_367] : memref<320x128xf32, #tpu.memory_space<vmem>> -> memref<64x128xf32, #tpu.memory_space<vmem>>
      %dma_wait3A_369 = arith.constant 0 : i32
      %dma_wait3A_370 = tpu.memref_slice %arg7[%add3A_344, %dma_wait3A_369] : memref<80x64xi32, #tpu.memory_space<vmem>> -> memref<1x64xi32, #tpu.memory_space<vmem>>
      %dma_wait3A_371 = tpu.memref_squeeze %dma_wait3A_370 : memref<1x64xi32, #tpu.memory_space<vmem>> -> memref<64xi32, #tpu.memory_space<vmem>>
      %dma_wait3A_372 = arith.constant 0 : i32
      %dma_wait3A_373 = arith.constant 0 : i32
      %dma_wait3A_374 = tpu.memref_slice %arg3[%dma_wait3A_372, %dma_wait3A_373] : memref<100000x128xf32, #tpu.memory_space<hbm>> -> memref<100000x128xf32, #tpu.memory_space<hbm>>
      tpu.wait_indirect_dma semaphore(%arg12 : memref<!tpu.dma_semaphore, #tpu.memory_space<semaphore_mem>>) src(%dma_wait3A_374 : memref<100000x128xf32, #tpu.memory_space<hbm>>) dst(%dma_wait3A_368 : memref<64x128xf32, #tpu.memory_space<vmem>>)
      %dma_wait3A_375 = arith.constant 1 : i32
      %dma_wait3A_376 = arith.constant 0 : i32
      %dma_wait3A_377 = arith.constant 0 : i32
      %dma_wait3A_378 = tpu.memref_slice %arg8[%dma_wait3A_375, %dma_wait3A_376, %dma_wait3A_377] : memref<2x320x128xf32, #tpu.memory_space<vmem>> -> memref<1x320x128xf32, #tpu.memory_space<vmem>>
      %dma_wait3A_379 = tpu.memref_squeeze %dma_wait3A_378 : memref<1x320x128xf32, #tpu.memory_space<vmem>> -> memref<320x128xf32, #tpu.memory_space<vmem>>
      %dma_wait3A_380 = arith.constant 64 : i32
      %dma_wait3A_381 = arith.constant 0 : i32
      %dma_wait3A_382 = tpu.memref_slice %dma_wait3A_379[%dma_wait3A_380, %dma_wait3A_381] : memref<320x128xf32, #tpu.memory_space<vmem>> -> memref<64x128xf32, #tpu.memory_space<vmem>>
      %dma_wait3A_383 = arith.constant 0 : i32
      %dma_wait3A_384 = tpu.memref_slice %arg7[%add3A_348, %dma_wait3A_383] : memref<80x64xi32, #tpu.memory_space<vmem>> -> memref<1x64xi32, #tpu.memory_space<vmem>>
      %dma_wait3A_385 = tpu.memref_squeeze %dma_wait3A_384 : memref<1x64xi32, #tpu.memory_space<vmem>> -> memref<64xi32, #tpu.memory_space<vmem>>
      %dma_wait3A_386 = arith.constant 0 : i32
      %dma_wait3A_387 = arith.constant 0 : i32
      %dma_wait3A_388 = tpu.memref_slice %arg3[%dma_wait3A_386, %dma_wait3A_387] : memref<100000x128xf32, #tpu.memory_space<hbm>> -> memref<100000x128xf32, #tpu.memory_space<hbm>>
      tpu.wait_indirect_dma semaphore(%arg12 : memref<!tpu.dma_semaphore, #tpu.memory_space<semaphore_mem>>) src(%dma_wait3A_388 : memref<100000x128xf32, #tpu.memory_space<hbm>>) dst(%dma_wait3A_382 : memref<64x128xf32, #tpu.memory_space<vmem>>)
      %dma_wait3A_389 = arith.constant 1 : i32
      %dma_wait3A_390 = arith.constant 0 : i32
      %dma_wait3A_391 = arith.constant 0 : i32
      %dma_wait3A_392 = tpu.memref_slice %arg8[%dma_wait3A_389, %dma_wait3A_390, %dma_wait3A_391] : memref<2x320x128xf32, #tpu.memory_space<vmem>> -> memref<1x320x128xf32, #tpu.memory_space<vmem>>
      %dma_wait3A_393 = tpu.memref_squeeze %dma_wait3A_392 : memref<1x320x128xf32, #tpu.memory_space<vmem>> -> memref<320x128xf32, #tpu.memory_space<vmem>>
      %dma_wait3A_394 = arith.constant 128 : i32
      %dma_wait3A_395 = arith.constant 0 : i32
      %dma_wait3A_396 = tpu.memref_slice %dma_wait3A_393[%dma_wait3A_394, %dma_wait3A_395] : memref<320x128xf32, #tpu.memory_space<vmem>> -> memref<64x128xf32, #tpu.memory_space<vmem>>
      %dma_wait3A_397 = arith.constant 0 : i32
      %dma_wait3A_398 = tpu.memref_slice %arg7[%add3A_352, %dma_wait3A_397] : memref<80x64xi32, #tpu.memory_space<vmem>> -> memref<1x64xi32, #tpu.memory_space<vmem>>
      %dma_wait3A_399 = tpu.memref_squeeze %dma_wait3A_398 : memref<1x64xi32, #tpu.memory_space<vmem>> -> memref<64xi32, #tpu.memory_space<vmem>>
      %dma_wait3A_400 = arith.constant 0 : i32
      %dma_wait3A_401 = arith.constant 0 : i32
      %dma_wait3A_402 = tpu.memref_slice %arg3[%dma_wait3A_400, %dma_wait3A_401] : memref<100000x128xf32, #tpu.memory_space<hbm>> -> memref<100000x128xf32, #tpu.memory_space<hbm>>
      tpu.wait_indirect_dma semaphore(%arg12 : memref<!tpu.dma_semaphore, #tpu.memory_space<semaphore_mem>>) src(%dma_wait3A_402 : memref<100000x128xf32, #tpu.memory_space<hbm>>) dst(%dma_wait3A_396 : memref<64x128xf32, #tpu.memory_space<vmem>>)
      %dma_wait3A_403 = arith.constant 1 : i32
      %dma_wait3A_404 = arith.constant 0 : i32
      %dma_wait3A_405 = arith.constant 0 : i32
      %dma_wait3A_406 = tpu.memref_slice %arg8[%dma_wait3A_403, %dma_wait3A_404, %dma_wait3A_405] : memref<2x320x128xf32, #tpu.memory_space<vmem>> -> memref<1x320x128xf32, #tpu.memory_space<vmem>>
      %dma_wait3A_407 = tpu.memref_squeeze %dma_wait3A_406 : memref<1x320x128xf32, #tpu.memory_space<vmem>> -> memref<320x128xf32, #tpu.memory_space<vmem>>
      %dma_wait3A_408 = arith.constant 192 : i32
      %dma_wait3A_409 = arith.constant 0 : i32
      %dma_wait3A_410 = tpu.memref_slice %dma_wait3A_407[%dma_wait3A_408, %dma_wait3A_409] : memref<320x128xf32, #tpu.memory_space<vmem>> -> memref<64x128xf32, #tpu.memory_space<vmem>>
      %dma_wait3A_411 = arith.constant 0 : i32
      %dma_wait3A_412 = tpu.memref_slice %arg7[%add3A_356, %dma_wait3A_411] : memref<80x64xi32, #tpu.memory_space<vmem>> -> memref<1x64xi32, #tpu.memory_space<vmem>>
      %dma_wait3A_413 = tpu.memref_squeeze %dma_wait3A_412 : memref<1x64xi32, #tpu.memory_space<vmem>> -> memref<64xi32, #tpu.memory_space<vmem>>
      %dma_wait3A_414 = arith.constant 0 : i32
      %dma_wait3A_415 = arith.constant 0 : i32
      %dma_wait3A_416 = tpu.memref_slice %arg3[%dma_wait3A_414, %dma_wait3A_415] : memref<100000x128xf32, #tpu.memory_space<hbm>> -> memref<100000x128xf32, #tpu.memory_space<hbm>>
      tpu.wait_indirect_dma semaphore(%arg12 : memref<!tpu.dma_semaphore, #tpu.memory_space<semaphore_mem>>) src(%dma_wait3A_416 : memref<100000x128xf32, #tpu.memory_space<hbm>>) dst(%dma_wait3A_410 : memref<64x128xf32, #tpu.memory_space<vmem>>)
      %dma_wait3A_417 = arith.constant 1 : i32
      %dma_wait3A_418 = arith.constant 0 : i32
      %dma_wait3A_419 = arith.constant 0 : i32
      %dma_wait3A_420 = tpu.memref_slice %arg8[%dma_wait3A_417, %dma_wait3A_418, %dma_wait3A_419] : memref<2x320x128xf32, #tpu.memory_space<vmem>> -> memref<1x320x128xf32, #tpu.memory_space<vmem>>
      %dma_wait3A_421 = tpu.memref_squeeze %dma_wait3A_420 : memref<1x320x128xf32, #tpu.memory_space<vmem>> -> memref<320x128xf32, #tpu.memory_space<vmem>>
      %dma_wait3A_422 = arith.constant 256 : i32
      %dma_wait3A_423 = arith.constant 0 : i32
      %dma_wait3A_424 = tpu.memref_slice %dma_wait3A_421[%dma_wait3A_422, %dma_wait3A_423] : memref<320x128xf32, #tpu.memory_space<vmem>> -> memref<64x128xf32, #tpu.memory_space<vmem>>
      %dma_wait3A_425 = arith.constant 0 : i32
      %dma_wait3A_426 = tpu.memref_slice %arg7[%add3A_360, %dma_wait3A_425] : memref<80x64xi32, #tpu.memory_space<vmem>> -> memref<1x64xi32, #tpu.memory_space<vmem>>
      %dma_wait3A_427 = tpu.memref_squeeze %dma_wait3A_426 : memref<1x64xi32, #tpu.memory_space<vmem>> -> memref<64xi32, #tpu.memory_space<vmem>>
      %dma_wait3A_428 = arith.constant 0 : i32
      %dma_wait3A_429 = arith.constant 0 : i32
      %dma_wait3A_430 = tpu.memref_slice %arg3[%dma_wait3A_428, %dma_wait3A_429] : memref<100000x128xf32, #tpu.memory_space<hbm>> -> memref<100000x128xf32, #tpu.memory_space<hbm>>
      tpu.wait_indirect_dma semaphore(%arg12 : memref<!tpu.dma_semaphore, #tpu.memory_space<semaphore_mem>>) src(%dma_wait3A_430 : memref<100000x128xf32, #tpu.memory_space<hbm>>) dst(%dma_wait3A_424 : memref<64x128xf32, #tpu.memory_space<vmem>>)
      %ge3A_431 = arith.constant 1 : i32
      %ge3A_432 = arith.cmpi sge, %scan3A_128, %ge3A_431 : i32
      %convert_element_type3A_433 = arith.extui %ge3A_432 : i1 to i32
      %cond3A_434 = arith.constant 0 : i32
      %cond3A_435 = arith.cmpi ne, %convert_element_type3A_433, %cond3A_434 : i32
      scf.if %cond3A_435 {
        %sub3A = arith.constant 2 : i32
        %sub3A_458 = arith.subi %add3A_132, %sub3A : i32
        %mul3A_459 = arith.constant 32 : i32
        %mul3A_460 = arith.muli %sub3A_458, %mul3A_459 : i32
        %add3A_461 = arith.addi %mul3A_2, %mul3A_460 : i32
        %dma_wait3A_462 = arith.constant 1 : i32
        %dma_wait3A_463 = arith.constant 0 : i32
        %dma_wait3A_464 = arith.constant 0 : i32
        %dma_wait3A_465 = tpu.memref_slice %arg9[%dma_wait3A_462, %dma_wait3A_463, %dma_wait3A_464] : memref<2x32x128xf32, #tpu.memory_space<vmem>> -> memref<1x32x128xf32, #tpu.memory_space<vmem>>
        %dma_wait3A_466 = tpu.memref_squeeze %dma_wait3A_465 : memref<1x32x128xf32, #tpu.memory_space<vmem>> -> memref<32x128xf32, #tpu.memory_space<vmem>>
        %dma_wait3A_467 = arith.constant 0 : i32
        %dma_wait3A_468 = tpu.memref_slice %arg5[%add3A_461, %dma_wait3A_467] : memref<16384x128xf32, #tpu.memory_space<hbm>> -> memref<32x128xf32, #tpu.memory_space<hbm>>
        %dma_wait3A_469 = arith.constant 0 : i32
        %dma_wait3A_470 = tpu.memref_slice %arg5[%add3A_461, %dma_wait3A_469] : memref<16384x128xf32, #tpu.memory_space<hbm>> -> memref<32x128xf32, #tpu.memory_space<hbm>>
        %dma_wait3A_471 = arith.constant 0 : i32
        %dma_wait3A_472 = arith.constant 0 : i32
        %dma_wait3A_473 = tpu.memref_slice %arg9[%dma_wait3A_462, %dma_wait3A_471, %dma_wait3A_472] : memref<2x32x128xf32, #tpu.memory_space<vmem>> -> memref<1x32x128xf32, #tpu.memory_space<vmem>>
        %dma_wait3A_474 = tpu.memref_squeeze %dma_wait3A_473 : memref<1x32x128xf32, #tpu.memory_space<vmem>> -> memref<32x128xf32, #tpu.memory_space<vmem>>
        tpu.wait_dma2 semaphore(%arg14 : memref<!tpu.dma_semaphore, #tpu.memory_space<semaphore_mem>>) src(%dma_wait3A_474 : memref<32x128xf32, #tpu.memory_space<vmem>>) dst(%dma_wait3A_470 : memref<32x128xf32, #tpu.memory_space<hbm>>)
      } else {
      }
      %scan3A_436 = arith.constant 0 : i32
      %scan3A_437 = arith.constant 0 : i32
      %scan3A_438 = arith.constant 32 : i32
      %scan3A_439 = arith.addi %scan3A_437, %scan3A_438 : i32
      %scan3A_440 = arith.constant 2 : i32
      scf.for %scan3A_458 = %scan3A_437 to %scan3A_439 step %scan3A_440  : i32 {
        %mul3A_459 = arith.constant 32 : i32
        %mul3A_460 = arith.muli %add3A_132, %mul3A_459 : i32
        %add3A_461 = arith.addi %mul3A_460, %scan3A_458 : i32
        %broadcast_in_dim3A = vector.broadcast %add3A_461 : i32 to vector<16xi32>
        %gather3A = tpu.vector_load_idx %arg6[%broadcast_in_dim3A, %add3A_13] : memref<512x32xf32, #tpu.memory_space<vmem>>[vector<16xi32>, vector<16xi32>], vector<16xf32>,
        %gather3A_462 = tpu.vector_load_idx %arg6[%broadcast_in_dim3A, %min3A_18] : memref<512x32xf32, #tpu.memory_space<vmem>>[vector<16xi32>, vector<16xi32>], vector<16xf32>,
        %mul3A_463 = arith.constant 10 : i32
        %mul3A_464 = arith.muli %scan3A_458, %mul3A_463 : i32
        %slice3A = vector.extract_strided_slice %gather3A {offsets = [0], sizes = [1], strides = [1]} : vector<16xf32> to vector<1xf32>
        %squeeze3A = vector.extract %slice3A[0] : f32 from vector<1xf32>
        %get3A = arith.constant 1 : i32
        %get3A_465 = arith.index_cast %get3A : i32 to index
        %get3A_466 = arith.index_cast %mul3A_464 : i32 to index
        %get3A_467 = arith.constant 0 : index
        %get3A_468 = tpu.vector_load %arg8[%get3A_465, %get3A_466, %get3A_467] {strides = array<i32>} : memref<2x320x128xf32, #tpu.memory_space<vmem>>, vector<16xf32>,
        %mul3A_469 = vector.broadcast %squeeze3A : f32 to vector<16xf32>
        %mul3A_470 = arith.mulf %mul3A_469, %get3A_468 : vector<16xf32>
        %get3A_471 = arith.constant 1 : i32
        %get3A_472 = arith.index_cast %get3A_471 : i32 to index
        %get3A_473 = arith.index_cast %mul3A_464 : i32 to index
        %get3A_474 = arith.constant 16 : index
        %get3A_475 = tpu.vector_load %arg8[%get3A_472, %get3A_473, %get3A_474] {strides = array<i32>} : memref<2x320x128xf32, #tpu.memory_space<vmem>>, vector<16xf32>,
        %mul3A_476 = vector.broadcast %squeeze3A : f32 to vector<16xf32>
        %mul3A_477 = arith.mulf %mul3A_476, %get3A_475 : vector<16xf32>
        %get3A_478 = arith.constant 1 : i32
        %get3A_479 = arith.index_cast %get3A_478 : i32 to index
        %get3A_480 = arith.index_cast %mul3A_464 : i32 to index
        %get3A_481 = arith.constant 32 : index
        %get3A_482 = tpu.vector_load %arg8[%get3A_479, %get3A_480, %get3A_481] {strides = array<i32>} : memref<2x320x128xf32, #tpu.memory_space<vmem>>, vector<16xf32>,
        %mul3A_483 = vector.broadcast %squeeze3A : f32 to vector<16xf32>
        %mul3A_484 = arith.mulf %mul3A_483, %get3A_482 : vector<16xf32>
        %get3A_485 = arith.constant 1 : i32
        %get3A_486 = arith.index_cast %get3A_485 : i32 to index
        %get3A_487 = arith.index_cast %mul3A_464 : i32 to index
        %get3A_488 = arith.constant 48 : index
        %get3A_489 = tpu.vector_load %arg8[%get3A_486, %get3A_487, %get3A_488] {strides = array<i32>} : memref<2x320x128xf32, #tpu.memory_space<vmem>>, vector<16xf32>,
        %mul3A_490 = vector.broadcast %squeeze3A : f32 to vector<16xf32>
        %mul3A_491 = arith.mulf %mul3A_490, %get3A_489 : vector<16xf32>
        %slice3A_492 = vector.extract_strided_slice %gather3A {offsets = [1], sizes = [1], strides = [1]} : vector<16xf32> to vector<1xf32>
        %squeeze3A_493 = vector.extract %slice3A_492[0] : f32 from vector<1xf32>
        %add3A_494 = arith.constant 1 : i32
        %add3A_495 = arith.addi %mul3A_464, %add3A_494 : i32
        %get3A_496 = arith.constant 1 : i32
        %get3A_497 = arith.index_cast %get3A_496 : i32 to index
        %get3A_498 = arith.index_cast %add3A_495 : i32 to index
        %get3A_499 = arith.constant 0 : index
        %get3A_500 = tpu.vector_load %arg8[%get3A_497, %get3A_498, %get3A_499] {strides = array<i32>} : memref<2x320x128xf32, #tpu.memory_space<vmem>>, vector<16xf32>,
        %mul3A_501 = vector.broadcast %squeeze3A_493 : f32 to vector<16xf32>
        %mul3A_502 = arith.mulf %mul3A_501, %get3A_500 : vector<16xf32>
        %add3A_503 = arith.addf %mul3A_470, %mul3A_502 : vector<16xf32>
        %get3A_504 = arith.constant 1 : i32
        %get3A_505 = arith.index_cast %get3A_504 : i32 to index
        %get3A_506 = arith.index_cast %add3A_495 : i32 to index
        %get3A_507 = arith.constant 16 : index
        %get3A_508 = tpu.vector_load %arg8[%get3A_505, %get3A_506, %get3A_507] {strides = array<i32>} : memref<2x320x128xf32, #tpu.memory_space<vmem>>, vector<16xf32>,
        %mul3A_509 = vector.broadcast %squeeze3A_493 : f32 to vector<16xf32>
        %mul3A_510 = arith.mulf %mul3A_509, %get3A_508 : vector<16xf32>
        %add3A_511 = arith.addf %mul3A_477, %mul3A_510 : vector<16xf32>
        %get3A_512 = arith.constant 1 : i32
        %get3A_513 = arith.index_cast %get3A_512 : i32 to index
        %get3A_514 = arith.index_cast %add3A_495 : i32 to index
        %get3A_515 = arith.constant 32 : index
        %get3A_516 = tpu.vector_load %arg8[%get3A_513, %get3A_514, %get3A_515] {strides = array<i32>} : memref<2x320x128xf32, #tpu.memory_space<vmem>>, vector<16xf32>,
        %mul3A_517 = vector.broadcast %squeeze3A_493 : f32 to vector<16xf32>
        %mul3A_518 = arith.mulf %mul3A_517, %get3A_516 : vector<16xf32>
        %add3A_519 = arith.addf %mul3A_484, %mul3A_518 : vector<16xf32>
        %get3A_520 = arith.constant 1 : i32
        %get3A_521 = arith.index_cast %get3A_520 : i32 to index
        %get3A_522 = arith.index_cast %add3A_495 : i32 to index
        %get3A_523 = arith.constant 48 : index
        %get3A_524 = tpu.vector_load %arg8[%get3A_521, %get3A_522, %get3A_523] {strides = array<i32>} : memref<2x320x128xf32, #tpu.memory_space<vmem>>, vector<16xf32>,
        %mul3A_525 = vector.broadcast %squeeze3A_493 : f32 to vector<16xf32>
        %mul3A_526 = arith.mulf %mul3A_525, %get3A_524 : vector<16xf32>
        %add3A_527 = arith.addf %mul3A_491, %mul3A_526 : vector<16xf32>
        %slice3A_528 = vector.extract_strided_slice %gather3A {offsets = [2], sizes = [1], strides = [1]} : vector<16xf32> to vector<1xf32>
        %squeeze3A_529 = vector.extract %slice3A_528[0] : f32 from vector<1xf32>
        %add3A_530 = arith.constant 2 : i32
        %add3A_531 = arith.addi %mul3A_464, %add3A_530 : i32
        %get3A_532 = arith.constant 1 : i32
        %get3A_533 = arith.index_cast %get3A_532 : i32 to index
        %get3A_534 = arith.index_cast %add3A_531 : i32 to index
        %get3A_535 = arith.constant 0 : index
        %get3A_536 = tpu.vector_load %arg8[%get3A_533, %get3A_534, %get3A_535] {strides = array<i32>} : memref<2x320x128xf32, #tpu.memory_space<vmem>>, vector<16xf32>,
        %mul3A_537 = vector.broadcast %squeeze3A_529 : f32 to vector<16xf32>
        %mul3A_538 = arith.mulf %mul3A_537, %get3A_536 : vector<16xf32>
        %add3A_539 = arith.addf %add3A_503, %mul3A_538 : vector<16xf32>
        %get3A_540 = arith.constant 1 : i32
        %get3A_541 = arith.index_cast %get3A_540 : i32 to index
        %get3A_542 = arith.index_cast %add3A_531 : i32 to index
        %get3A_543 = arith.constant 16 : index
        %get3A_544 = tpu.vector_load %arg8[%get3A_541, %get3A_542, %get3A_543] {strides = array<i32>} : memref<2x320x128xf32, #tpu.memory_space<vmem>>, vector<16xf32>,
        %mul3A_545 = vector.broadcast %squeeze3A_529 : f32 to vector<16xf32>
        %mul3A_546 = arith.mulf %mul3A_545, %get3A_544 : vector<16xf32>
        %add3A_547 = arith.addf %add3A_511, %mul3A_546 : vector<16xf32>
        %get3A_548 = arith.constant 1 : i32
        %get3A_549 = arith.index_cast %get3A_548 : i32 to index
        %get3A_550 = arith.index_cast %add3A_531 : i32 to index
        %get3A_551 = arith.constant 32 : index
        %get3A_552 = tpu.vector_load %arg8[%get3A_549, %get3A_550, %get3A_551] {strides = array<i32>} : memref<2x320x128xf32, #tpu.memory_space<vmem>>, vector<16xf32>,
        %mul3A_553 = vector.broadcast %squeeze3A_529 : f32 to vector<16xf32>
        %mul3A_554 = arith.mulf %mul3A_553, %get3A_552 : vector<16xf32>
        %add3A_555 = arith.addf %add3A_519, %mul3A_554 : vector<16xf32>
        %get3A_556 = arith.constant 1 : i32
        %get3A_557 = arith.index_cast %get3A_556 : i32 to index
        %get3A_558 = arith.index_cast %add3A_531 : i32 to index
        %get3A_559 = arith.constant 48 : index
        %get3A_560 = tpu.vector_load %arg8[%get3A_557, %get3A_558, %get3A_559] {strides = array<i32>} : memref<2x320x128xf32, #tpu.memory_space<vmem>>, vector<16xf32>,
        %mul3A_561 = vector.broadcast %squeeze3A_529 : f32 to vector<16xf32>
        %mul3A_562 = arith.mulf %mul3A_561, %get3A_560 : vector<16xf32>
        %add3A_563 = arith.addf %add3A_527, %mul3A_562 : vector<16xf32>
        %slice3A_564 = vector.extract_strided_slice %gather3A {offsets = [3], sizes = [1], strides = [1]} : vector<16xf32> to vector<1xf32>
        %squeeze3A_565 = vector.extract %slice3A_564[0] : f32 from vector<1xf32>
        %add3A_566 = arith.constant 3 : i32
        %add3A_567 = arith.addi %mul3A_464, %add3A_566 : i32
        %get3A_568 = arith.constant 1 : i32
        %get3A_569 = arith.index_cast %get3A_568 : i32 to index
        %get3A_570 = arith.index_cast %add3A_567 : i32 to index
        %get3A_571 = arith.constant 0 : index
        %get3A_572 = tpu.vector_load %arg8[%get3A_569, %get3A_570, %get3A_571] {strides = array<i32>} : memref<2x320x128xf32, #tpu.memory_space<vmem>>, vector<16xf32>,
        %mul3A_573 = vector.broadcast %squeeze3A_565 : f32 to vector<16xf32>
        %mul3A_574 = arith.mulf %mul3A_573, %get3A_572 : vector<16xf32>
        %add3A_575 = arith.addf %add3A_539, %mul3A_574 : vector<16xf32>
        %get3A_576 = arith.constant 1 : i32
        %get3A_577 = arith.index_cast %get3A_576 : i32 to index
        %get3A_578 = arith.index_cast %add3A_567 : i32 to index
        %get3A_579 = arith.constant 16 : index
        %get3A_580 = tpu.vector_load %arg8[%get3A_577, %get3A_578, %get3A_579] {strides = array<i32>} : memref<2x320x128xf32, #tpu.memory_space<vmem>>, vector<16xf32>,
        %mul3A_581 = vector.broadcast %squeeze3A_565 : f32 to vector<16xf32>
        %mul3A_582 = arith.mulf %mul3A_581, %get3A_580 : vector<16xf32>
        %add3A_583 = arith.addf %add3A_547, %mul3A_582 : vector<16xf32>
        %get3A_584 = arith.constant 1 : i32
        %get3A_585 = arith.index_cast %get3A_584 : i32 to index
        %get3A_586 = arith.index_cast %add3A_567 : i32 to index
        %get3A_587 = arith.constant 32 : index
        %get3A_588 = tpu.vector_load %arg8[%get3A_585, %get3A_586, %get3A_587] {strides = array<i32>} : memref<2x320x128xf32, #tpu.memory_space<vmem>>, vector<16xf32>,
        %mul3A_589 = vector.broadcast %squeeze3A_565 : f32 to vector<16xf32>
        %mul3A_590 = arith.mulf %mul3A_589, %get3A_588 : vector<16xf32>
        %add3A_591 = arith.addf %add3A_555, %mul3A_590 : vector<16xf32>
        %get3A_592 = arith.constant 1 : i32
        %get3A_593 = arith.index_cast %get3A_592 : i32 to index
        %get3A_594 = arith.index_cast %add3A_567 : i32 to index
        %get3A_595 = arith.constant 48 : index
        %get3A_596 = tpu.vector_load %arg8[%get3A_593, %get3A_594, %get3A_595] {strides = array<i32>} : memref<2x320x128xf32, #tpu.memory_space<vmem>>, vector<16xf32>,
        %mul3A_597 = vector.broadcast %squeeze3A_565 : f32 to vector<16xf32>
        %mul3A_598 = arith.mulf %mul3A_597, %get3A_596 : vector<16xf32>
        %add3A_599 = arith.addf %add3A_563, %mul3A_598 : vector<16xf32>
        %slice3A_600 = vector.extract_strided_slice %gather3A {offsets = [4], sizes = [1], strides = [1]} : vector<16xf32> to vector<1xf32>
        %squeeze3A_601 = vector.extract %slice3A_600[0] : f32 from vector<1xf32>
        %add3A_602 = arith.constant 4 : i32
        %add3A_603 = arith.addi %mul3A_464, %add3A_602 : i32
        %get3A_604 = arith.constant 1 : i32
        %get3A_605 = arith.index_cast %get3A_604 : i32 to index
        %get3A_606 = arith.index_cast %add3A_603 : i32 to index
        %get3A_607 = arith.constant 0 : index
        %get3A_608 = tpu.vector_load %arg8[%get3A_605, %get3A_606, %get3A_607] {strides = array<i32>} : memref<2x320x128xf32, #tpu.memory_space<vmem>>, vector<16xf32>,
        %mul3A_609 = vector.broadcast %squeeze3A_601 : f32 to vector<16xf32>
        %mul3A_610 = arith.mulf %mul3A_609, %get3A_608 : vector<16xf32>
        %add3A_611 = arith.addf %add3A_575, %mul3A_610 : vector<16xf32>
        %get3A_612 = arith.constant 1 : i32
        %get3A_613 = arith.index_cast %get3A_612 : i32 to index
        %get3A_614 = arith.index_cast %add3A_603 : i32 to index
        %get3A_615 = arith.constant 16 : index
        %get3A_616 = tpu.vector_load %arg8[%get3A_613, %get3A_614, %get3A_615] {strides = array<i32>} : memref<2x320x128xf32, #tpu.memory_space<vmem>>, vector<16xf32>,
        %mul3A_617 = vector.broadcast %squeeze3A_601 : f32 to vector<16xf32>
        %mul3A_618 = arith.mulf %mul3A_617, %get3A_616 : vector<16xf32>
        %add3A_619 = arith.addf %add3A_583, %mul3A_618 : vector<16xf32>
        %get3A_620 = arith.constant 1 : i32
        %get3A_621 = arith.index_cast %get3A_620 : i32 to index
        %get3A_622 = arith.index_cast %add3A_603 : i32 to index
        %get3A_623 = arith.constant 32 : index
        %get3A_624 = tpu.vector_load %arg8[%get3A_621, %get3A_622, %get3A_623] {strides = array<i32>} : memref<2x320x128xf32, #tpu.memory_space<vmem>>, vector<16xf32>,
        %mul3A_625 = vector.broadcast %squeeze3A_601 : f32 to vector<16xf32>
        %mul3A_626 = arith.mulf %mul3A_625, %get3A_624 : vector<16xf32>
        %add3A_627 = arith.addf %add3A_591, %mul3A_626 : vector<16xf32>
        %get3A_628 = arith.constant 1 : i32
        %get3A_629 = arith.index_cast %get3A_628 : i32 to index
        %get3A_630 = arith.index_cast %add3A_603 : i32 to index
        %get3A_631 = arith.constant 48 : index
        %get3A_632 = tpu.vector_load %arg8[%get3A_629, %get3A_630, %get3A_631] {strides = array<i32>} : memref<2x320x128xf32, #tpu.memory_space<vmem>>, vector<16xf32>,
        %mul3A_633 = vector.broadcast %squeeze3A_601 : f32 to vector<16xf32>
        %mul3A_634 = arith.mulf %mul3A_633, %get3A_632 : vector<16xf32>
        %add3A_635 = arith.addf %add3A_599, %mul3A_634 : vector<16xf32>
        %slice3A_636 = vector.extract_strided_slice %gather3A {offsets = [5], sizes = [1], strides = [1]} : vector<16xf32> to vector<1xf32>
        %squeeze3A_637 = vector.extract %slice3A_636[0] : f32 from vector<1xf32>
        %add3A_638 = arith.constant 5 : i32
        %add3A_639 = arith.addi %mul3A_464, %add3A_638 : i32
        %get3A_640 = arith.constant 1 : i32
        %get3A_641 = arith.index_cast %get3A_640 : i32 to index
        %get3A_642 = arith.index_cast %add3A_639 : i32 to index
        %get3A_643 = arith.constant 0 : index
        %get3A_644 = tpu.vector_load %arg8[%get3A_641, %get3A_642, %get3A_643] {strides = array<i32>} : memref<2x320x128xf32, #tpu.memory_space<vmem>>, vector<16xf32>,
        %mul3A_645 = vector.broadcast %squeeze3A_637 : f32 to vector<16xf32>
        %mul3A_646 = arith.mulf %mul3A_645, %get3A_644 : vector<16xf32>
        %add3A_647 = arith.addf %add3A_611, %mul3A_646 : vector<16xf32>
        %get3A_648 = arith.constant 1 : i32
        %get3A_649 = arith.index_cast %get3A_648 : i32 to index
        %get3A_650 = arith.index_cast %add3A_639 : i32 to index
        %get3A_651 = arith.constant 16 : index
        %get3A_652 = tpu.vector_load %arg8[%get3A_649, %get3A_650, %get3A_651] {strides = array<i32>} : memref<2x320x128xf32, #tpu.memory_space<vmem>>, vector<16xf32>,
        %mul3A_653 = vector.broadcast %squeeze3A_637 : f32 to vector<16xf32>
        %mul3A_654 = arith.mulf %mul3A_653, %get3A_652 : vector<16xf32>
        %add3A_655 = arith.addf %add3A_619, %mul3A_654 : vector<16xf32>
        %get3A_656 = arith.constant 1 : i32
        %get3A_657 = arith.index_cast %get3A_656 : i32 to index
        %get3A_658 = arith.index_cast %add3A_639 : i32 to index
        %get3A_659 = arith.constant 32 : index
        %get3A_660 = tpu.vector_load %arg8[%get3A_657, %get3A_658, %get3A_659] {strides = array<i32>} : memref<2x320x128xf32, #tpu.memory_space<vmem>>, vector<16xf32>,
        %mul3A_661 = vector.broadcast %squeeze3A_637 : f32 to vector<16xf32>
        %mul3A_662 = arith.mulf %mul3A_661, %get3A_660 : vector<16xf32>
        %add3A_663 = arith.addf %add3A_627, %mul3A_662 : vector<16xf32>
        %get3A_664 = arith.constant 1 : i32
        %get3A_665 = arith.index_cast %get3A_664 : i32 to index
        %get3A_666 = arith.index_cast %add3A_639 : i32 to index
        %get3A_667 = arith.constant 48 : index
        %get3A_668 = tpu.vector_load %arg8[%get3A_665, %get3A_666, %get3A_667] {strides = array<i32>} : memref<2x320x128xf32, #tpu.memory_space<vmem>>, vector<16xf32>,
        %mul3A_669 = vector.broadcast %squeeze3A_637 : f32 to vector<16xf32>
        %mul3A_670 = arith.mulf %mul3A_669, %get3A_668 : vector<16xf32>
        %add3A_671 = arith.addf %add3A_635, %mul3A_670 : vector<16xf32>
        %slice3A_672 = vector.extract_strided_slice %gather3A {offsets = [6], sizes = [1], strides = [1]} : vector<16xf32> to vector<1xf32>
        %squeeze3A_673 = vector.extract %slice3A_672[0] : f32 from vector<1xf32>
        %add3A_674 = arith.constant 6 : i32
        %add3A_675 = arith.addi %mul3A_464, %add3A_674 : i32
        %get3A_676 = arith.constant 1 : i32
        %get3A_677 = arith.index_cast %get3A_676 : i32 to index
        %get3A_678 = arith.index_cast %add3A_675 : i32 to index
        %get3A_679 = arith.constant 0 : index
        %get3A_680 = tpu.vector_load %arg8[%get3A_677, %get3A_678, %get3A_679] {strides = array<i32>} : memref<2x320x128xf32, #tpu.memory_space<vmem>>, vector<16xf32>,
        %mul3A_681 = vector.broadcast %squeeze3A_673 : f32 to vector<16xf32>
        %mul3A_682 = arith.mulf %mul3A_681, %get3A_680 : vector<16xf32>
        %add3A_683 = arith.addf %add3A_647, %mul3A_682 : vector<16xf32>
        %get3A_684 = arith.constant 1 : i32
        %get3A_685 = arith.index_cast %get3A_684 : i32 to index
        %get3A_686 = arith.index_cast %add3A_675 : i32 to index
        %get3A_687 = arith.constant 16 : index
        %get3A_688 = tpu.vector_load %arg8[%get3A_685, %get3A_686, %get3A_687] {strides = array<i32>} : memref<2x320x128xf32, #tpu.memory_space<vmem>>, vector<16xf32>,
        %mul3A_689 = vector.broadcast %squeeze3A_673 : f32 to vector<16xf32>
        %mul3A_690 = arith.mulf %mul3A_689, %get3A_688 : vector<16xf32>
        %add3A_691 = arith.addf %add3A_655, %mul3A_690 : vector<16xf32>
        %get3A_692 = arith.constant 1 : i32
        %get3A_693 = arith.index_cast %get3A_692 : i32 to index
        %get3A_694 = arith.index_cast %add3A_675 : i32 to index
        %get3A_695 = arith.constant 32 : index
        %get3A_696 = tpu.vector_load %arg8[%get3A_693, %get3A_694, %get3A_695] {strides = array<i32>} : memref<2x320x128xf32, #tpu.memory_space<vmem>>, vector<16xf32>,
        %mul3A_697 = vector.broadcast %squeeze3A_673 : f32 to vector<16xf32>
        %mul3A_698 = arith.mulf %mul3A_697, %get3A_696 : vector<16xf32>
        %add3A_699 = arith.addf %add3A_663, %mul3A_698 : vector<16xf32>
        %get3A_700 = arith.constant 1 : i32
        %get3A_701 = arith.index_cast %get3A_700 : i32 to index
        %get3A_702 = arith.index_cast %add3A_675 : i32 to index
        %get3A_703 = arith.constant 48 : index
        %get3A_704 = tpu.vector_load %arg8[%get3A_701, %get3A_702, %get3A_703] {strides = array<i32>} : memref<2x320x128xf32, #tpu.memory_space<vmem>>, vector<16xf32>,
        %mul3A_705 = vector.broadcast %squeeze3A_673 : f32 to vector<16xf32>
        %mul3A_706 = arith.mulf %mul3A_705, %get3A_704 : vector<16xf32>
        %add3A_707 = arith.addf %add3A_671, %mul3A_706 : vector<16xf32>
        %slice3A_708 = vector.extract_strided_slice %gather3A {offsets = [7], sizes = [1], strides = [1]} : vector<16xf32> to vector<1xf32>
        %squeeze3A_709 = vector.extract %slice3A_708[0] : f32 from vector<1xf32>
        %add3A_710 = arith.constant 7 : i32
        %add3A_711 = arith.addi %mul3A_464, %add3A_710 : i32
        %get3A_712 = arith.constant 1 : i32
        %get3A_713 = arith.index_cast %get3A_712 : i32 to index
        %get3A_714 = arith.index_cast %add3A_711 : i32 to index
        %get3A_715 = arith.constant 0 : index
        %get3A_716 = tpu.vector_load %arg8[%get3A_713, %get3A_714, %get3A_715] {strides = array<i32>} : memref<2x320x128xf32, #tpu.memory_space<vmem>>, vector<16xf32>,
        %mul3A_717 = vector.broadcast %squeeze3A_709 : f32 to vector<16xf32>
        %mul3A_718 = arith.mulf %mul3A_717, %get3A_716 : vector<16xf32>
        %add3A_719 = arith.addf %add3A_683, %mul3A_718 : vector<16xf32>
        %get3A_720 = arith.constant 1 : i32
        %get3A_721 = arith.index_cast %get3A_720 : i32 to index
        %get3A_722 = arith.index_cast %add3A_711 : i32 to index
        %get3A_723 = arith.constant 16 : index
        %get3A_724 = tpu.vector_load %arg8[%get3A_721, %get3A_722, %get3A_723] {strides = array<i32>} : memref<2x320x128xf32, #tpu.memory_space<vmem>>, vector<16xf32>,
        %mul3A_725 = vector.broadcast %squeeze3A_709 : f32 to vector<16xf32>
        %mul3A_726 = arith.mulf %mul3A_725, %get3A_724 : vector<16xf32>
        %add3A_727 = arith.addf %add3A_691, %mul3A_726 : vector<16xf32>
        %get3A_728 = arith.constant 1 : i32
        %get3A_729 = arith.index_cast %get3A_728 : i32 to index
        %get3A_730 = arith.index_cast %add3A_711 : i32 to index
        %get3A_731 = arith.constant 32 : index
        %get3A_732 = tpu.vector_load %arg8[%get3A_729, %get3A_730, %get3A_731] {strides = array<i32>} : memref<2x320x128xf32, #tpu.memory_space<vmem>>, vector<16xf32>,
        %mul3A_733 = vector.broadcast %squeeze3A_709 : f32 to vector<16xf32>
        %mul3A_734 = arith.mulf %mul3A_733, %get3A_732 : vector<16xf32>
        %add3A_735 = arith.addf %add3A_699, %mul3A_734 : vector<16xf32>
        %get3A_736 = arith.constant 1 : i32
        %get3A_737 = arith.index_cast %get3A_736 : i32 to index
        %get3A_738 = arith.index_cast %add3A_711 : i32 to index
        %get3A_739 = arith.constant 48 : index
        %get3A_740 = tpu.vector_load %arg8[%get3A_737, %get3A_738, %get3A_739] {strides = array<i32>} : memref<2x320x128xf32, #tpu.memory_space<vmem>>, vector<16xf32>,
        %mul3A_741 = vector.broadcast %squeeze3A_709 : f32 to vector<16xf32>
        %mul3A_742 = arith.mulf %mul3A_741, %get3A_740 : vector<16xf32>
        %add3A_743 = arith.addf %add3A_707, %mul3A_742 : vector<16xf32>
        %slice3A_744 = vector.extract_strided_slice %gather3A {offsets = [8], sizes = [1], strides = [1]} : vector<16xf32> to vector<1xf32>
        %squeeze3A_745 = vector.extract %slice3A_744[0] : f32 from vector<1xf32>
        %add3A_746 = arith.constant 8 : i32
        %add3A_747 = arith.addi %mul3A_464, %add3A_746 : i32
        %get3A_748 = arith.constant 1 : i32
        %get3A_749 = arith.index_cast %get3A_748 : i32 to index
        %get3A_750 = arith.index_cast %add3A_747 : i32 to index
        %get3A_751 = arith.constant 0 : index
        %get3A_752 = tpu.vector_load %arg8[%get3A_749, %get3A_750, %get3A_751] {strides = array<i32>} : memref<2x320x128xf32, #tpu.memory_space<vmem>>, vector<16xf32>,
        %mul3A_753 = vector.broadcast %squeeze3A_745 : f32 to vector<16xf32>
        %mul3A_754 = arith.mulf %mul3A_753, %get3A_752 : vector<16xf32>
        %add3A_755 = arith.addf %add3A_719, %mul3A_754 : vector<16xf32>
        %get3A_756 = arith.constant 1 : i32
        %get3A_757 = arith.index_cast %get3A_756 : i32 to index
        %get3A_758 = arith.index_cast %add3A_747 : i32 to index
        %get3A_759 = arith.constant 16 : index
        %get3A_760 = tpu.vector_load %arg8[%get3A_757, %get3A_758, %get3A_759] {strides = array<i32>} : memref<2x320x128xf32, #tpu.memory_space<vmem>>, vector<16xf32>,
        %mul3A_761 = vector.broadcast %squeeze3A_745 : f32 to vector<16xf32>
        %mul3A_762 = arith.mulf %mul3A_761, %get3A_760 : vector<16xf32>
        %add3A_763 = arith.addf %add3A_727, %mul3A_762 : vector<16xf32>
        %get3A_764 = arith.constant 1 : i32
        %get3A_765 = arith.index_cast %get3A_764 : i32 to index
        %get3A_766 = arith.index_cast %add3A_747 : i32 to index
        %get3A_767 = arith.constant 32 : index
        %get3A_768 = tpu.vector_load %arg8[%get3A_765, %get3A_766, %get3A_767] {strides = array<i32>} : memref<2x320x128xf32, #tpu.memory_space<vmem>>, vector<16xf32>,
        %mul3A_769 = vector.broadcast %squeeze3A_745 : f32 to vector<16xf32>
        %mul3A_770 = arith.mulf %mul3A_769, %get3A_768 : vector<16xf32>
        %add3A_771 = arith.addf %add3A_735, %mul3A_770 : vector<16xf32>
        %get3A_772 = arith.constant 1 : i32
        %get3A_773 = arith.index_cast %get3A_772 : i32 to index
        %get3A_774 = arith.index_cast %add3A_747 : i32 to index
        %get3A_775 = arith.constant 48 : index
        %get3A_776 = tpu.vector_load %arg8[%get3A_773, %get3A_774, %get3A_775] {strides = array<i32>} : memref<2x320x128xf32, #tpu.memory_space<vmem>>, vector<16xf32>,
        %mul3A_777 = vector.broadcast %squeeze3A_745 : f32 to vector<16xf32>
        %mul3A_778 = arith.mulf %mul3A_777, %get3A_776 : vector<16xf32>
        %add3A_779 = arith.addf %add3A_743, %mul3A_778 : vector<16xf32>
        %slice3A_780 = vector.extract_strided_slice %gather3A {offsets = [9], sizes = [1], strides = [1]} : vector<16xf32> to vector<1xf32>
        %squeeze3A_781 = vector.extract %slice3A_780[0] : f32 from vector<1xf32>
        %add3A_782 = arith.constant 9 : i32
        %add3A_783 = arith.addi %mul3A_464, %add3A_782 : i32
        %get3A_784 = arith.constant 1 : i32
        %get3A_785 = arith.index_cast %get3A_784 : i32 to index
        %get3A_786 = arith.index_cast %add3A_783 : i32 to index
        %get3A_787 = arith.constant 0 : index
        %get3A_788 = tpu.vector_load %arg8[%get3A_785, %get3A_786, %get3A_787] {strides = array<i32>} : memref<2x320x128xf32, #tpu.memory_space<vmem>>, vector<16xf32>,
        %mul3A_789 = vector.broadcast %squeeze3A_781 : f32 to vector<16xf32>
        %mul3A_790 = arith.mulf %mul3A_789, %get3A_788 : vector<16xf32>
        %add3A_791 = arith.addf %add3A_755, %mul3A_790 : vector<16xf32>
        %get3A_792 = arith.constant 1 : i32
        %get3A_793 = arith.index_cast %get3A_792 : i32 to index
        %get3A_794 = arith.index_cast %add3A_783 : i32 to index
        %get3A_795 = arith.constant 16 : index
        %get3A_796 = tpu.vector_load %arg8[%get3A_793, %get3A_794, %get3A_795] {strides = array<i32>} : memref<2x320x128xf32, #tpu.memory_space<vmem>>, vector<16xf32>,
        %mul3A_797 = vector.broadcast %squeeze3A_781 : f32 to vector<16xf32>
        %mul3A_798 = arith.mulf %mul3A_797, %get3A_796 : vector<16xf32>
        %add3A_799 = arith.addf %add3A_763, %mul3A_798 : vector<16xf32>
        %get3A_800 = arith.constant 1 : i32
        %get3A_801 = arith.index_cast %get3A_800 : i32 to index
        %get3A_802 = arith.index_cast %add3A_783 : i32 to index
        %get3A_803 = arith.constant 32 : index
        %get3A_804 = tpu.vector_load %arg8[%get3A_801, %get3A_802, %get3A_803] {strides = array<i32>} : memref<2x320x128xf32, #tpu.memory_space<vmem>>, vector<16xf32>,
        %mul3A_805 = vector.broadcast %squeeze3A_781 : f32 to vector<16xf32>
        %mul3A_806 = arith.mulf %mul3A_805, %get3A_804 : vector<16xf32>
        %add3A_807 = arith.addf %add3A_771, %mul3A_806 : vector<16xf32>
        %get3A_808 = arith.constant 1 : i32
        %get3A_809 = arith.index_cast %get3A_808 : i32 to index
        %get3A_810 = arith.index_cast %add3A_783 : i32 to index
        %get3A_811 = arith.constant 48 : index
        %get3A_812 = tpu.vector_load %arg8[%get3A_809, %get3A_810, %get3A_811] {strides = array<i32>} : memref<2x320x128xf32, #tpu.memory_space<vmem>>, vector<16xf32>,
        %mul3A_813 = vector.broadcast %squeeze3A_781 : f32 to vector<16xf32>
        %mul3A_814 = arith.mulf %mul3A_813, %get3A_812 : vector<16xf32>
        %add3A_815 = arith.addf %add3A_779, %mul3A_814 : vector<16xf32>
        %slice3A_816 = vector.extract_strided_slice %gather3A_462 {offsets = [0], sizes = [1], strides = [1]} : vector<16xf32> to vector<1xf32>
        %squeeze3A_817 = vector.extract %slice3A_816[0] : f32 from vector<1xf32>
        %get3A_818 = arith.constant 0 : i32
        %get3A_819 = arith.index_cast %get3A_818 : i32 to index
        %get3A_820 = arith.constant 0 : index
        %get3A_821 = tpu.vector_load %arg10[%get3A_819, %get3A_820] {strides = array<i32>} : memref<11x64xf32, #tpu.memory_space<vmem>>, vector<16xf32>,
        %mul3A_822 = vector.broadcast %squeeze3A_817 : f32 to vector<16xf32>
        %mul3A_823 = arith.mulf %mul3A_822, %get3A_821 : vector<16xf32>
        %get3A_824 = arith.constant 0 : i32
        %get3A_825 = arith.index_cast %get3A_824 : i32 to index
        %get3A_826 = arith.constant 16 : index
        %get3A_827 = tpu.vector_load %arg10[%get3A_825, %get3A_826] {strides = array<i32>} : memref<11x64xf32, #tpu.memory_space<vmem>>, vector<16xf32>,
        %mul3A_828 = vector.broadcast %squeeze3A_817 : f32 to vector<16xf32>
        %mul3A_829 = arith.mulf %mul3A_828, %get3A_827 : vector<16xf32>
        %get3A_830 = arith.constant 0 : i32
        %get3A_831 = arith.index_cast %get3A_830 : i32 to index
        %get3A_832 = arith.constant 32 : index
        %get3A_833 = tpu.vector_load %arg10[%get3A_831, %get3A_832] {strides = array<i32>} : memref<11x64xf32, #tpu.memory_space<vmem>>, vector<16xf32>,
        %mul3A_834 = vector.broadcast %squeeze3A_817 : f32 to vector<16xf32>
        %mul3A_835 = arith.mulf %mul3A_834, %get3A_833 : vector<16xf32>
        %get3A_836 = arith.constant 0 : i32
        %get3A_837 = arith.index_cast %get3A_836 : i32 to index
        %get3A_838 = arith.constant 48 : index
        %get3A_839 = tpu.vector_load %arg10[%get3A_837, %get3A_838] {strides = array<i32>} : memref<11x64xf32, #tpu.memory_space<vmem>>, vector<16xf32>,
        %mul3A_840 = vector.broadcast %squeeze3A_817 : f32 to vector<16xf32>
        %mul3A_841 = arith.mulf %mul3A_840, %get3A_839 : vector<16xf32>
        %slice3A_842 = vector.extract_strided_slice %gather3A_462 {offsets = [1], sizes = [1], strides = [1]} : vector<16xf32> to vector<1xf32>
        %squeeze3A_843 = vector.extract %slice3A_842[0] : f32 from vector<1xf32>
        %get3A_844 = arith.constant 1 : i32
        %get3A_845 = arith.index_cast %get3A_844 : i32 to index
        %get3A_846 = arith.constant 0 : index
        %get3A_847 = tpu.vector_load %arg10[%get3A_845, %get3A_846] {strides = array<i32>} : memref<11x64xf32, #tpu.memory_space<vmem>>, vector<16xf32>,
        %mul3A_848 = vector.broadcast %squeeze3A_843 : f32 to vector<16xf32>
        %mul3A_849 = arith.mulf %mul3A_848, %get3A_847 : vector<16xf32>
        %add3A_850 = arith.addf %mul3A_823, %mul3A_849 : vector<16xf32>
        %get3A_851 = arith.constant 1 : i32
        %get3A_852 = arith.index_cast %get3A_851 : i32 to index
        %get3A_853 = arith.constant 16 : index
        %get3A_854 = tpu.vector_load %arg10[%get3A_852, %get3A_853] {strides = array<i32>} : memref<11x64xf32, #tpu.memory_space<vmem>>, vector<16xf32>,
        %mul3A_855 = vector.broadcast %squeeze3A_843 : f32 to vector<16xf32>
        %mul3A_856 = arith.mulf %mul3A_855, %get3A_854 : vector<16xf32>
        %add3A_857 = arith.addf %mul3A_829, %mul3A_856 : vector<16xf32>
        %get3A_858 = arith.constant 1 : i32
        %get3A_859 = arith.index_cast %get3A_858 : i32 to index
        %get3A_860 = arith.constant 32 : index
        %get3A_861 = tpu.vector_load %arg10[%get3A_859, %get3A_860] {strides = array<i32>} : memref<11x64xf32, #tpu.memory_space<vmem>>, vector<16xf32>,
        %mul3A_862 = vector.broadcast %squeeze3A_843 : f32 to vector<16xf32>
        %mul3A_863 = arith.mulf %mul3A_862, %get3A_861 : vector<16xf32>
        %add3A_864 = arith.addf %mul3A_835, %mul3A_863 : vector<16xf32>
        %get3A_865 = arith.constant 1 : i32
        %get3A_866 = arith.index_cast %get3A_865 : i32 to index
        %get3A_867 = arith.constant 48 : index
        %get3A_868 = tpu.vector_load %arg10[%get3A_866, %get3A_867] {strides = array<i32>} : memref<11x64xf32, #tpu.memory_space<vmem>>, vector<16xf32>,
        %mul3A_869 = vector.broadcast %squeeze3A_843 : f32 to vector<16xf32>
        %mul3A_870 = arith.mulf %mul3A_869, %get3A_868 : vector<16xf32>
        %add3A_871 = arith.addf %mul3A_841, %mul3A_870 : vector<16xf32>
        %slice3A_872 = vector.extract_strided_slice %gather3A_462 {offsets = [2], sizes = [1], strides = [1]} : vector<16xf32> to vector<1xf32>
        %squeeze3A_873 = vector.extract %slice3A_872[0] : f32 from vector<1xf32>
        %get3A_874 = arith.constant 2 : i32
        %get3A_875 = arith.index_cast %get3A_874 : i32 to index
        %get3A_876 = arith.constant 0 : index
        %get3A_877 = tpu.vector_load %arg10[%get3A_875, %get3A_876] {strides = array<i32>} : memref<11x64xf32, #tpu.memory_space<vmem>>, vector<16xf32>,
        %mul3A_878 = vector.broadcast %squeeze3A_873 : f32 to vector<16xf32>
        %mul3A_879 = arith.mulf %mul3A_878, %get3A_877 : vector<16xf32>
        %add3A_880 = arith.addf %add3A_850, %mul3A_879 : vector<16xf32>
        %get3A_881 = arith.constant 2 : i32
        %get3A_882 = arith.index_cast %get3A_881 : i32 to index
        %get3A_883 = arith.constant 16 : index
        %get3A_884 = tpu.vector_load %arg10[%get3A_882, %get3A_883] {strides = array<i32>} : memref<11x64xf32, #tpu.memory_space<vmem>>, vector<16xf32>,
        %mul3A_885 = vector.broadcast %squeeze3A_873 : f32 to vector<16xf32>
        %mul3A_886 = arith.mulf %mul3A_885, %get3A_884 : vector<16xf32>
        %add3A_887 = arith.addf %add3A_857, %mul3A_886 : vector<16xf32>
        %get3A_888 = arith.constant 2 : i32
        %get3A_889 = arith.index_cast %get3A_888 : i32 to index
        %get3A_890 = arith.constant 32 : index
        %get3A_891 = tpu.vector_load %arg10[%get3A_889, %get3A_890] {strides = array<i32>} : memref<11x64xf32, #tpu.memory_space<vmem>>, vector<16xf32>,
        %mul3A_892 = vector.broadcast %squeeze3A_873 : f32 to vector<16xf32>
        %mul3A_893 = arith.mulf %mul3A_892, %get3A_891 : vector<16xf32>
        %add3A_894 = arith.addf %add3A_864, %mul3A_893 : vector<16xf32>
        %get3A_895 = arith.constant 2 : i32
        %get3A_896 = arith.index_cast %get3A_895 : i32 to index
        %get3A_897 = arith.constant 48 : index
        %get3A_898 = tpu.vector_load %arg10[%get3A_896, %get3A_897] {strides = array<i32>} : memref<11x64xf32, #tpu.memory_space<vmem>>, vector<16xf32>,
        %mul3A_899 = vector.broadcast %squeeze3A_873 : f32 to vector<16xf32>
        %mul3A_900 = arith.mulf %mul3A_899, %get3A_898 : vector<16xf32>
        %add3A_901 = arith.addf %add3A_871, %mul3A_900 : vector<16xf32>
        %slice3A_902 = vector.extract_strided_slice %gather3A_462 {offsets = [3], sizes = [1], strides = [1]} : vector<16xf32> to vector<1xf32>
        %squeeze3A_903 = vector.extract %slice3A_902[0] : f32 from vector<1xf32>
        %get3A_904 = arith.constant 3 : i32
        %get3A_905 = arith.index_cast %get3A_904 : i32 to index
        %get3A_906 = arith.constant 0 : index
        %get3A_907 = tpu.vector_load %arg10[%get3A_905, %get3A_906] {strides = array<i32>} : memref<11x64xf32, #tpu.memory_space<vmem>>, vector<16xf32>,
        %mul3A_908 = vector.broadcast %squeeze3A_903 : f32 to vector<16xf32>
        %mul3A_909 = arith.mulf %mul3A_908, %get3A_907 : vector<16xf32>
        %add3A_910 = arith.addf %add3A_880, %mul3A_909 : vector<16xf32>
        %get3A_911 = arith.constant 3 : i32
        %get3A_912 = arith.index_cast %get3A_911 : i32 to index
        %get3A_913 = arith.constant 16 : index
        %get3A_914 = tpu.vector_load %arg10[%get3A_912, %get3A_913] {strides = array<i32>} : memref<11x64xf32, #tpu.memory_space<vmem>>, vector<16xf32>,
        %mul3A_915 = vector.broadcast %squeeze3A_903 : f32 to vector<16xf32>
        %mul3A_916 = arith.mulf %mul3A_915, %get3A_914 : vector<16xf32>
        %add3A_917 = arith.addf %add3A_887, %mul3A_916 : vector<16xf32>
        %get3A_918 = arith.constant 3 : i32
        %get3A_919 = arith.index_cast %get3A_918 : i32 to index
        %get3A_920 = arith.constant 32 : index
        %get3A_921 = tpu.vector_load %arg10[%get3A_919, %get3A_920] {strides = array<i32>} : memref<11x64xf32, #tpu.memory_space<vmem>>, vector<16xf32>,
        %mul3A_922 = vector.broadcast %squeeze3A_903 : f32 to vector<16xf32>
        %mul3A_923 = arith.mulf %mul3A_922, %get3A_921 : vector<16xf32>
        %add3A_924 = arith.addf %add3A_894, %mul3A_923 : vector<16xf32>
        %get3A_925 = arith.constant 3 : i32
        %get3A_926 = arith.index_cast %get3A_925 : i32 to index
        %get3A_927 = arith.constant 48 : index
        %get3A_928 = tpu.vector_load %arg10[%get3A_926, %get3A_927] {strides = array<i32>} : memref<11x64xf32, #tpu.memory_space<vmem>>, vector<16xf32>,
        %mul3A_929 = vector.broadcast %squeeze3A_903 : f32 to vector<16xf32>
        %mul3A_930 = arith.mulf %mul3A_929, %get3A_928 : vector<16xf32>
        %add3A_931 = arith.addf %add3A_901, %mul3A_930 : vector<16xf32>
        %slice3A_932 = vector.extract_strided_slice %gather3A_462 {offsets = [4], sizes = [1], strides = [1]} : vector<16xf32> to vector<1xf32>
        %squeeze3A_933 = vector.extract %slice3A_932[0] : f32 from vector<1xf32>
        %get3A_934 = arith.constant 4 : i32
        %get3A_935 = arith.index_cast %get3A_934 : i32 to index
        %get3A_936 = arith.constant 0 : index
        %get3A_937 = tpu.vector_load %arg10[%get3A_935, %get3A_936] {strides = array<i32>} : memref<11x64xf32, #tpu.memory_space<vmem>>, vector<16xf32>,
        %mul3A_938 = vector.broadcast %squeeze3A_933 : f32 to vector<16xf32>
        %mul3A_939 = arith.mulf %mul3A_938, %get3A_937 : vector<16xf32>
        %add3A_940 = arith.addf %add3A_910, %mul3A_939 : vector<16xf32>
        %get3A_941 = arith.constant 4 : i32
        %get3A_942 = arith.index_cast %get3A_941 : i32 to index
        %get3A_943 = arith.constant 16 : index
        %get3A_944 = tpu.vector_load %arg10[%get3A_942, %get3A_943] {strides = array<i32>} : memref<11x64xf32, #tpu.memory_space<vmem>>, vector<16xf32>,
        %mul3A_945 = vector.broadcast %squeeze3A_933 : f32 to vector<16xf32>
        %mul3A_946 = arith.mulf %mul3A_945, %get3A_944 : vector<16xf32>
        %add3A_947 = arith.addf %add3A_917, %mul3A_946 : vector<16xf32>
        %get3A_948 = arith.constant 4 : i32
        %get3A_949 = arith.index_cast %get3A_948 : i32 to index
        %get3A_950 = arith.constant 32 : index
        %get3A_951 = tpu.vector_load %arg10[%get3A_949, %get3A_950] {strides = array<i32>} : memref<11x64xf32, #tpu.memory_space<vmem>>, vector<16xf32>,
        %mul3A_952 = vector.broadcast %squeeze3A_933 : f32 to vector<16xf32>
        %mul3A_953 = arith.mulf %mul3A_952, %get3A_951 : vector<16xf32>
        %add3A_954 = arith.addf %add3A_924, %mul3A_953 : vector<16xf32>
        %get3A_955 = arith.constant 4 : i32
        %get3A_956 = arith.index_cast %get3A_955 : i32 to index
        %get3A_957 = arith.constant 48 : index
        %get3A_958 = tpu.vector_load %arg10[%get3A_956, %get3A_957] {strides = array<i32>} : memref<11x64xf32, #tpu.memory_space<vmem>>, vector<16xf32>,
        %mul3A_959 = vector.broadcast %squeeze3A_933 : f32 to vector<16xf32>
        %mul3A_960 = arith.mulf %mul3A_959, %get3A_958 : vector<16xf32>
        %add3A_961 = arith.addf %add3A_931, %mul3A_960 : vector<16xf32>
        %slice3A_962 = vector.extract_strided_slice %gather3A_462 {offsets = [5], sizes = [1], strides = [1]} : vector<16xf32> to vector<1xf32>
        %squeeze3A_963 = vector.extract %slice3A_962[0] : f32 from vector<1xf32>
        %get3A_964 = arith.constant 5 : i32
        %get3A_965 = arith.index_cast %get3A_964 : i32 to index
        %get3A_966 = arith.constant 0 : index
        %get3A_967 = tpu.vector_load %arg10[%get3A_965, %get3A_966] {strides = array<i32>} : memref<11x64xf32, #tpu.memory_space<vmem>>, vector<16xf32>,
        %mul3A_968 = vector.broadcast %squeeze3A_963 : f32 to vector<16xf32>
        %mul3A_969 = arith.mulf %mul3A_968, %get3A_967 : vector<16xf32>
        %add3A_970 = arith.addf %add3A_940, %mul3A_969 : vector<16xf32>
        %get3A_971 = arith.constant 5 : i32
        %get3A_972 = arith.index_cast %get3A_971 : i32 to index
        %get3A_973 = arith.constant 16 : index
        %get3A_974 = tpu.vector_load %arg10[%get3A_972, %get3A_973] {strides = array<i32>} : memref<11x64xf32, #tpu.memory_space<vmem>>, vector<16xf32>,
        %mul3A_975 = vector.broadcast %squeeze3A_963 : f32 to vector<16xf32>
        %mul3A_976 = arith.mulf %mul3A_975, %get3A_974 : vector<16xf32>
        %add3A_977 = arith.addf %add3A_947, %mul3A_976 : vector<16xf32>
        %get3A_978 = arith.constant 5 : i32
        %get3A_979 = arith.index_cast %get3A_978 : i32 to index
        %get3A_980 = arith.constant 32 : index
        %get3A_981 = tpu.vector_load %arg10[%get3A_979, %get3A_980] {strides = array<i32>} : memref<11x64xf32, #tpu.memory_space<vmem>>, vector<16xf32>,
        %mul3A_982 = vector.broadcast %squeeze3A_963 : f32 to vector<16xf32>
        %mul3A_983 = arith.mulf %mul3A_982, %get3A_981 : vector<16xf32>
        %add3A_984 = arith.addf %add3A_954, %mul3A_983 : vector<16xf32>
        %get3A_985 = arith.constant 5 : i32
        %get3A_986 = arith.index_cast %get3A_985 : i32 to index
        %get3A_987 = arith.constant 48 : index
        %get3A_988 = tpu.vector_load %arg10[%get3A_986, %get3A_987] {strides = array<i32>} : memref<11x64xf32, #tpu.memory_space<vmem>>, vector<16xf32>,
        %mul3A_989 = vector.broadcast %squeeze3A_963 : f32 to vector<16xf32>
        %mul3A_990 = arith.mulf %mul3A_989, %get3A_988 : vector<16xf32>
        %add3A_991 = arith.addf %add3A_961, %mul3A_990 : vector<16xf32>
        %slice3A_992 = vector.extract_strided_slice %gather3A_462 {offsets = [6], sizes = [1], strides = [1]} : vector<16xf32> to vector<1xf32>
        %squeeze3A_993 = vector.extract %slice3A_992[0] : f32 from vector<1xf32>
        %get3A_994 = arith.constant 6 : i32
        %get3A_995 = arith.index_cast %get3A_994 : i32 to index
        %get3A_996 = arith.constant 0 : index
        %get3A_997 = tpu.vector_load %arg10[%get3A_995, %get3A_996] {strides = array<i32>} : memref<11x64xf32, #tpu.memory_space<vmem>>, vector<16xf32>,
        %mul3A_998 = vector.broadcast %squeeze3A_993 : f32 to vector<16xf32>
        %mul3A_999 = arith.mulf %mul3A_998, %get3A_997 : vector<16xf32>
        %add3A_1000 = arith.addf %add3A_970, %mul3A_999 : vector<16xf32>
        %get3A_1001 = arith.constant 6 : i32
        %get3A_1002 = arith.index_cast %get3A_1001 : i32 to index
        %get3A_1003 = arith.constant 16 : index
        %get3A_1004 = tpu.vector_load %arg10[%get3A_1002, %get3A_1003] {strides = array<i32>} : memref<11x64xf32, #tpu.memory_space<vmem>>, vector<16xf32>,
        %mul3A_1005 = vector.broadcast %squeeze3A_993 : f32 to vector<16xf32>
        %mul3A_1006 = arith.mulf %mul3A_1005, %get3A_1004 : vector<16xf32>
        %add3A_1007 = arith.addf %add3A_977, %mul3A_1006 : vector<16xf32>
        %get3A_1008 = arith.constant 6 : i32
        %get3A_1009 = arith.index_cast %get3A_1008 : i32 to index
        %get3A_1010 = arith.constant 32 : index
        %get3A_1011 = tpu.vector_load %arg10[%get3A_1009, %get3A_1010] {strides = array<i32>} : memref<11x64xf32, #tpu.memory_space<vmem>>, vector<16xf32>,
        %mul3A_1012 = vector.broadcast %squeeze3A_993 : f32 to vector<16xf32>
        %mul3A_1013 = arith.mulf %mul3A_1012, %get3A_1011 : vector<16xf32>
        %add3A_1014 = arith.addf %add3A_984, %mul3A_1013 : vector<16xf32>
        %get3A_1015 = arith.constant 6 : i32
        %get3A_1016 = arith.index_cast %get3A_1015 : i32 to index
        %get3A_1017 = arith.constant 48 : index
        %get3A_1018 = tpu.vector_load %arg10[%get3A_1016, %get3A_1017] {strides = array<i32>} : memref<11x64xf32, #tpu.memory_space<vmem>>, vector<16xf32>,
        %mul3A_1019 = vector.broadcast %squeeze3A_993 : f32 to vector<16xf32>
        %mul3A_1020 = arith.mulf %mul3A_1019, %get3A_1018 : vector<16xf32>
        %add3A_1021 = arith.addf %add3A_991, %mul3A_1020 : vector<16xf32>
        %slice3A_1022 = vector.extract_strided_slice %gather3A_462 {offsets = [7], sizes = [1], strides = [1]} : vector<16xf32> to vector<1xf32>
        %squeeze3A_1023 = vector.extract %slice3A_1022[0] : f32 from vector<1xf32>
        %get3A_1024 = arith.constant 7 : i32
        %get3A_1025 = arith.index_cast %get3A_1024 : i32 to index
        %get3A_1026 = arith.constant 0 : index
        %get3A_1027 = tpu.vector_load %arg10[%get3A_1025, %get3A_1026] {strides = array<i32>} : memref<11x64xf32, #tpu.memory_space<vmem>>, vector<16xf32>,
        %mul3A_1028 = vector.broadcast %squeeze3A_1023 : f32 to vector<16xf32>
        %mul3A_1029 = arith.mulf %mul3A_1028, %get3A_1027 : vector<16xf32>
        %add3A_1030 = arith.addf %add3A_1000, %mul3A_1029 : vector<16xf32>
        %get3A_1031 = arith.constant 7 : i32
        %get3A_1032 = arith.index_cast %get3A_1031 : i32 to index
        %get3A_1033 = arith.constant 16 : index
        %get3A_1034 = tpu.vector_load %arg10[%get3A_1032, %get3A_1033] {strides = array<i32>} : memref<11x64xf32, #tpu.memory_space<vmem>>, vector<16xf32>,
        %mul3A_1035 = vector.broadcast %squeeze3A_1023 : f32 to vector<16xf32>
        %mul3A_1036 = arith.mulf %mul3A_1035, %get3A_1034 : vector<16xf32>
        %add3A_1037 = arith.addf %add3A_1007, %mul3A_1036 : vector<16xf32>
        %get3A_1038 = arith.constant 7 : i32
        %get3A_1039 = arith.index_cast %get3A_1038 : i32 to index
        %get3A_1040 = arith.constant 32 : index
        %get3A_1041 = tpu.vector_load %arg10[%get3A_1039, %get3A_1040] {strides = array<i32>} : memref<11x64xf32, #tpu.memory_space<vmem>>, vector<16xf32>,
        %mul3A_1042 = vector.broadcast %squeeze3A_1023 : f32 to vector<16xf32>
        %mul3A_1043 = arith.mulf %mul3A_1042, %get3A_1041 : vector<16xf32>
        %add3A_1044 = arith.addf %add3A_1014, %mul3A_1043 : vector<16xf32>
        %get3A_1045 = arith.constant 7 : i32
        %get3A_1046 = arith.index_cast %get3A_1045 : i32 to index
        %get3A_1047 = arith.constant 48 : index
        %get3A_1048 = tpu.vector_load %arg10[%get3A_1046, %get3A_1047] {strides = array<i32>} : memref<11x64xf32, #tpu.memory_space<vmem>>, vector<16xf32>,
        %mul3A_1049 = vector.broadcast %squeeze3A_1023 : f32 to vector<16xf32>
        %mul3A_1050 = arith.mulf %mul3A_1049, %get3A_1048 : vector<16xf32>
        %add3A_1051 = arith.addf %add3A_1021, %mul3A_1050 : vector<16xf32>
        %slice3A_1052 = vector.extract_strided_slice %gather3A_462 {offsets = [8], sizes = [1], strides = [1]} : vector<16xf32> to vector<1xf32>
        %squeeze3A_1053 = vector.extract %slice3A_1052[0] : f32 from vector<1xf32>
        %get3A_1054 = arith.constant 8 : i32
        %get3A_1055 = arith.index_cast %get3A_1054 : i32 to index
        %get3A_1056 = arith.constant 0 : index
        %get3A_1057 = tpu.vector_load %arg10[%get3A_1055, %get3A_1056] {strides = array<i32>} : memref<11x64xf32, #tpu.memory_space<vmem>>, vector<16xf32>,
        %mul3A_1058 = vector.broadcast %squeeze3A_1053 : f32 to vector<16xf32>
        %mul3A_1059 = arith.mulf %mul3A_1058, %get3A_1057 : vector<16xf32>
        %add3A_1060 = arith.addf %add3A_1030, %mul3A_1059 : vector<16xf32>
        %get3A_1061 = arith.constant 8 : i32
        %get3A_1062 = arith.index_cast %get3A_1061 : i32 to index
        %get3A_1063 = arith.constant 16 : index
        %get3A_1064 = tpu.vector_load %arg10[%get3A_1062, %get3A_1063] {strides = array<i32>} : memref<11x64xf32, #tpu.memory_space<vmem>>, vector<16xf32>,
        %mul3A_1065 = vector.broadcast %squeeze3A_1053 : f32 to vector<16xf32>
        %mul3A_1066 = arith.mulf %mul3A_1065, %get3A_1064 : vector<16xf32>
        %add3A_1067 = arith.addf %add3A_1037, %mul3A_1066 : vector<16xf32>
        %get3A_1068 = arith.constant 8 : i32
        %get3A_1069 = arith.index_cast %get3A_1068 : i32 to index
        %get3A_1070 = arith.constant 32 : index
        %get3A_1071 = tpu.vector_load %arg10[%get3A_1069, %get3A_1070] {strides = array<i32>} : memref<11x64xf32, #tpu.memory_space<vmem>>, vector<16xf32>,
        %mul3A_1072 = vector.broadcast %squeeze3A_1053 : f32 to vector<16xf32>
        %mul3A_1073 = arith.mulf %mul3A_1072, %get3A_1071 : vector<16xf32>
        %add3A_1074 = arith.addf %add3A_1044, %mul3A_1073 : vector<16xf32>
        %get3A_1075 = arith.constant 8 : i32
        %get3A_1076 = arith.index_cast %get3A_1075 : i32 to index
        %get3A_1077 = arith.constant 48 : index
        %get3A_1078 = tpu.vector_load %arg10[%get3A_1076, %get3A_1077] {strides = array<i32>} : memref<11x64xf32, #tpu.memory_space<vmem>>, vector<16xf32>,
        %mul3A_1079 = vector.broadcast %squeeze3A_1053 : f32 to vector<16xf32>
        %mul3A_1080 = arith.mulf %mul3A_1079, %get3A_1078 : vector<16xf32>
        %add3A_1081 = arith.addf %add3A_1051, %mul3A_1080 : vector<16xf32>
        %slice3A_1082 = vector.extract_strided_slice %gather3A_462 {offsets = [9], sizes = [1], strides = [1]} : vector<16xf32> to vector<1xf32>
        %squeeze3A_1083 = vector.extract %slice3A_1082[0] : f32 from vector<1xf32>
        %get3A_1084 = arith.constant 9 : i32
        %get3A_1085 = arith.index_cast %get3A_1084 : i32 to index
        %get3A_1086 = arith.constant 0 : index
        %get3A_1087 = tpu.vector_load %arg10[%get3A_1085, %get3A_1086] {strides = array<i32>} : memref<11x64xf32, #tpu.memory_space<vmem>>, vector<16xf32>,
        %mul3A_1088 = vector.broadcast %squeeze3A_1083 : f32 to vector<16xf32>
        %mul3A_1089 = arith.mulf %mul3A_1088, %get3A_1087 : vector<16xf32>
        %add3A_1090 = arith.addf %add3A_1060, %mul3A_1089 : vector<16xf32>
        %get3A_1091 = arith.constant 9 : i32
        %get3A_1092 = arith.index_cast %get3A_1091 : i32 to index
        %get3A_1093 = arith.constant 16 : index
        %get3A_1094 = tpu.vector_load %arg10[%get3A_1092, %get3A_1093] {strides = array<i32>} : memref<11x64xf32, #tpu.memory_space<vmem>>, vector<16xf32>,
        %mul3A_1095 = vector.broadcast %squeeze3A_1083 : f32 to vector<16xf32>
        %mul3A_1096 = arith.mulf %mul3A_1095, %get3A_1094 : vector<16xf32>
        %add3A_1097 = arith.addf %add3A_1067, %mul3A_1096 : vector<16xf32>
        %get3A_1098 = arith.constant 9 : i32
        %get3A_1099 = arith.index_cast %get3A_1098 : i32 to index
        %get3A_1100 = arith.constant 32 : index
        %get3A_1101 = tpu.vector_load %arg10[%get3A_1099, %get3A_1100] {strides = array<i32>} : memref<11x64xf32, #tpu.memory_space<vmem>>, vector<16xf32>,
        %mul3A_1102 = vector.broadcast %squeeze3A_1083 : f32 to vector<16xf32>
        %mul3A_1103 = arith.mulf %mul3A_1102, %get3A_1101 : vector<16xf32>
        %add3A_1104 = arith.addf %add3A_1074, %mul3A_1103 : vector<16xf32>
        %get3A_1105 = arith.constant 9 : i32
        %get3A_1106 = arith.index_cast %get3A_1105 : i32 to index
        %get3A_1107 = arith.constant 48 : index
        %get3A_1108 = tpu.vector_load %arg10[%get3A_1106, %get3A_1107] {strides = array<i32>} : memref<11x64xf32, #tpu.memory_space<vmem>>, vector<16xf32>,
        %mul3A_1109 = vector.broadcast %squeeze3A_1083 : f32 to vector<16xf32>
        %mul3A_1110 = arith.mulf %mul3A_1109, %get3A_1108 : vector<16xf32>
        %add3A_1111 = arith.addf %add3A_1081, %mul3A_1110 : vector<16xf32>
        %slice3A_1112 = vector.extract_strided_slice %gather3A_462 {offsets = [10], sizes = [1], strides = [1]} : vector<16xf32> to vector<1xf32>
        %squeeze3A_1113 = vector.extract %slice3A_1112[0] : f32 from vector<1xf32>
        %get3A_1114 = arith.constant 10 : i32
        %get3A_1115 = arith.index_cast %get3A_1114 : i32 to index
        %get3A_1116 = arith.constant 0 : index
        %get3A_1117 = tpu.vector_load %arg10[%get3A_1115, %get3A_1116] {strides = array<i32>} : memref<11x64xf32, #tpu.memory_space<vmem>>, vector<16xf32>,
        %mul3A_1118 = vector.broadcast %squeeze3A_1113 : f32 to vector<16xf32>
        %mul3A_1119 = arith.mulf %mul3A_1118, %get3A_1117 : vector<16xf32>
        %add3A_1120 = arith.addf %add3A_1090, %mul3A_1119 : vector<16xf32>
        %get3A_1121 = arith.constant 10 : i32
        %get3A_1122 = arith.index_cast %get3A_1121 : i32 to index
        %get3A_1123 = arith.constant 16 : index
        %get3A_1124 = tpu.vector_load %arg10[%get3A_1122, %get3A_1123] {strides = array<i32>} : memref<11x64xf32, #tpu.memory_space<vmem>>, vector<16xf32>,
        %mul3A_1125 = vector.broadcast %squeeze3A_1113 : f32 to vector<16xf32>
        %mul3A_1126 = arith.mulf %mul3A_1125, %get3A_1124 : vector<16xf32>
        %add3A_1127 = arith.addf %add3A_1097, %mul3A_1126 : vector<16xf32>
        %get3A_1128 = arith.constant 10 : i32
        %get3A_1129 = arith.index_cast %get3A_1128 : i32 to index
        %get3A_1130 = arith.constant 32 : index
        %get3A_1131 = tpu.vector_load %arg10[%get3A_1129, %get3A_1130] {strides = array<i32>} : memref<11x64xf32, #tpu.memory_space<vmem>>, vector<16xf32>,
        %mul3A_1132 = vector.broadcast %squeeze3A_1113 : f32 to vector<16xf32>
        %mul3A_1133 = arith.mulf %mul3A_1132, %get3A_1131 : vector<16xf32>
        %add3A_1134 = arith.addf %add3A_1104, %mul3A_1133 : vector<16xf32>
        %get3A_1135 = arith.constant 10 : i32
        %get3A_1136 = arith.index_cast %get3A_1135 : i32 to index
        %get3A_1137 = arith.constant 48 : index
        %get3A_1138 = tpu.vector_load %arg10[%get3A_1136, %get3A_1137] {strides = array<i32>} : memref<11x64xf32, #tpu.memory_space<vmem>>, vector<16xf32>,
        %mul3A_1139 = vector.broadcast %squeeze3A_1113 : f32 to vector<16xf32>
        %mul3A_1140 = arith.mulf %mul3A_1139, %get3A_1138 : vector<16xf32>
        %add3A_1141 = arith.addf %add3A_1111, %mul3A_1140 : vector<16xf32>
        %swap3A = arith.constant 1 : i32
        %swap3A_1142 = arith.index_cast %swap3A : i32 to index
        %swap3A_1143 = arith.index_cast %scan3A_458 : i32 to index
        %swap3A_1144 = arith.constant 0 : index
        %swap3A_1145 = tpu.vector_load %arg9[%swap3A_1142, %swap3A_1143, %swap3A_1144] {strides = array<i32>} : memref<2x32x128xf32, #tpu.memory_space<vmem>>, vector<16xf32>,
        tpu.vector_store %arg9[%swap3A_1142, %swap3A_1143, %swap3A_1144], %add3A_791 {strides = array<i32>} : memref<2x32x128xf32, #tpu.memory_space<vmem>>, vector<16xf32>,
        %swap3A_1146 = arith.constant 1 : i32
        %swap3A_1147 = arith.index_cast %swap3A_1146 : i32 to index
        %swap3A_1148 = arith.index_cast %scan3A_458 : i32 to index
        %swap3A_1149 = arith.constant 64 : index
        %swap3A_1150 = tpu.vector_load %arg9[%swap3A_1147, %swap3A_1148, %swap3A_1149] {strides = array<i32>} : memref<2x32x128xf32, #tpu.memory_space<vmem>>, vector<16xf32>,
        tpu.vector_store %arg9[%swap3A_1147, %swap3A_1148, %swap3A_1149], %add3A_1120 {strides = array<i32>} : memref<2x32x128xf32, #tpu.memory_space<vmem>>, vector<16xf32>,
        %swap3A_1151 = arith.constant 1 : i32
        %swap3A_1152 = arith.index_cast %swap3A_1151 : i32 to index
        %swap3A_1153 = arith.index_cast %scan3A_458 : i32 to index
        %swap3A_1154 = arith.constant 16 : index
        %swap3A_1155 = tpu.vector_load %arg9[%swap3A_1152, %swap3A_1153, %swap3A_1154] {strides = array<i32>} : memref<2x32x128xf32, #tpu.memory_space<vmem>>, vector<16xf32>,
        tpu.vector_store %arg9[%swap3A_1152, %swap3A_1153, %swap3A_1154], %add3A_799 {strides = array<i32>} : memref<2x32x128xf32, #tpu.memory_space<vmem>>, vector<16xf32>,
        %swap3A_1156 = arith.constant 1 : i32
        %swap3A_1157 = arith.index_cast %swap3A_1156 : i32 to index
        %swap3A_1158 = arith.index_cast %scan3A_458 : i32 to index
        %swap3A_1159 = arith.constant 80 : index
        %swap3A_1160 = tpu.vector_load %arg9[%swap3A_1157, %swap3A_1158, %swap3A_1159] {strides = array<i32>} : memref<2x32x128xf32, #tpu.memory_space<vmem>>, vector<16xf32>,
        tpu.vector_store %arg9[%swap3A_1157, %swap3A_1158, %swap3A_1159], %add3A_1127 {strides = array<i32>} : memref<2x32x128xf32, #tpu.memory_space<vmem>>, vector<16xf32>,
        %swap3A_1161 = arith.constant 1 : i32
        %swap3A_1162 = arith.index_cast %swap3A_1161 : i32 to index
        %swap3A_1163 = arith.index_cast %scan3A_458 : i32 to index
        %swap3A_1164 = arith.constant 32 : index
        %swap3A_1165 = tpu.vector_load %arg9[%swap3A_1162, %swap3A_1163, %swap3A_1164] {strides = array<i32>} : memref<2x32x128xf32, #tpu.memory_space<vmem>>, vector<16xf32>,
        tpu.vector_store %arg9[%swap3A_1162, %swap3A_1163, %swap3A_1164], %add3A_807 {strides = array<i32>} : memref<2x32x128xf32, #tpu.memory_space<vmem>>, vector<16xf32>,
        %swap3A_1166 = arith.constant 1 : i32
        %swap3A_1167 = arith.index_cast %swap3A_1166 : i32 to index
        %swap3A_1168 = arith.index_cast %scan3A_458 : i32 to index
        %swap3A_1169 = arith.constant 96 : index
        %swap3A_1170 = tpu.vector_load %arg9[%swap3A_1167, %swap3A_1168, %swap3A_1169] {strides = array<i32>} : memref<2x32x128xf32, #tpu.memory_space<vmem>>, vector<16xf32>,
        tpu.vector_store %arg9[%swap3A_1167, %swap3A_1168, %swap3A_1169], %add3A_1134 {strides = array<i32>} : memref<2x32x128xf32, #tpu.memory_space<vmem>>, vector<16xf32>,
        %swap3A_1171 = arith.constant 1 : i32
        %swap3A_1172 = arith.index_cast %swap3A_1171 : i32 to index
        %swap3A_1173 = arith.index_cast %scan3A_458 : i32 to index
        %swap3A_1174 = arith.constant 48 : index
        %swap3A_1175 = tpu.vector_load %arg9[%swap3A_1172, %swap3A_1173, %swap3A_1174] {strides = array<i32>} : memref<2x32x128xf32, #tpu.memory_space<vmem>>, vector<16xf32>,
        tpu.vector_store %arg9[%swap3A_1172, %swap3A_1173, %swap3A_1174], %add3A_815 {strides = array<i32>} : memref<2x32x128xf32, #tpu.memory_space<vmem>>, vector<16xf32>,
        %swap3A_1176 = arith.constant 1 : i32
        %swap3A_1177 = arith.index_cast %swap3A_1176 : i32 to index
        %swap3A_1178 = arith.index_cast %scan3A_458 : i32 to index
        %swap3A_1179 = arith.constant 112 : index
        %swap3A_1180 = tpu.vector_load %arg9[%swap3A_1177, %swap3A_1178, %swap3A_1179] {strides = array<i32>} : memref<2x32x128xf32, #tpu.memory_space<vmem>>, vector<16xf32>,
        tpu.vector_store %arg9[%swap3A_1177, %swap3A_1178, %swap3A_1179], %add3A_1141 {strides = array<i32>} : memref<2x32x128xf32, #tpu.memory_space<vmem>>, vector<16xf32>,
        %scan3A_1181 = arith.constant 1 : i32
        %scan3A_1182 = arith.addi %scan3A_458, %scan3A_1181 : i32
        %mul3A_1183 = arith.constant 32 : i32
        %mul3A_1184 = arith.muli %add3A_132, %mul3A_1183 : i32
        %add3A_1185 = arith.addi %mul3A_1184, %scan3A_1182 : i32
        %broadcast_in_dim3A_1186 = vector.broadcast %add3A_1185 : i32 to vector<16xi32>
        %gather3A_1187 = tpu.vector_load_idx %arg6[%broadcast_in_dim3A_1186, %add3A_13] : memref<512x32xf32, #tpu.memory_space<vmem>>[vector<16xi32>, vector<16xi32>], vector<16xf32>,
        %gather3A_1188 = tpu.vector_load_idx %arg6[%broadcast_in_dim3A_1186, %min3A_18] : memref<512x32xf32, #tpu.memory_space<vmem>>[vector<16xi32>, vector<16xi32>], vector<16xf32>,
        %mul3A_1189 = arith.constant 10 : i32
        %mul3A_1190 = arith.muli %scan3A_1182, %mul3A_1189 : i32
        %slice3A_1191 = vector.extract_strided_slice %gather3A_1187 {offsets = [0], sizes = [1], strides = [1]} : vector<16xf32> to vector<1xf32>
        %squeeze3A_1192 = vector.extract %slice3A_1191[0] : f32 from vector<1xf32>
        %get3A_1193 = arith.constant 1 : i32
        %get3A_1194 = arith.index_cast %get3A_1193 : i32 to index
        %get3A_1195 = arith.index_cast %mul3A_1190 : i32 to index
        %get3A_1196 = arith.constant 0 : index
        %get3A_1197 = tpu.vector_load %arg8[%get3A_1194, %get3A_1195, %get3A_1196] {strides = array<i32>} : memref<2x320x128xf32, #tpu.memory_space<vmem>>, vector<16xf32>,
        %mul3A_1198 = vector.broadcast %squeeze3A_1192 : f32 to vector<16xf32>
        %mul3A_1199 = arith.mulf %mul3A_1198, %get3A_1197 : vector<16xf32>
        %get3A_1200 = arith.constant 1 : i32
        %get3A_1201 = arith.index_cast %get3A_1200 : i32 to index
        %get3A_1202 = arith.index_cast %mul3A_1190 : i32 to index
        %get3A_1203 = arith.constant 16 : index
        %get3A_1204 = tpu.vector_load %arg8[%get3A_1201, %get3A_1202, %get3A_1203] {strides = array<i32>} : memref<2x320x128xf32, #tpu.memory_space<vmem>>, vector<16xf32>,
        %mul3A_1205 = vector.broadcast %squeeze3A_1192 : f32 to vector<16xf32>
        %mul3A_1206 = arith.mulf %mul3A_1205, %get3A_1204 : vector<16xf32>
        %get3A_1207 = arith.constant 1 : i32
        %get3A_1208 = arith.index_cast %get3A_1207 : i32 to index
        %get3A_1209 = arith.index_cast %mul3A_1190 : i32 to index
        %get3A_1210 = arith.constant 32 : index
        %get3A_1211 = tpu.vector_load %arg8[%get3A_1208, %get3A_1209, %get3A_1210] {strides = array<i32>} : memref<2x320x128xf32, #tpu.memory_space<vmem>>, vector<16xf32>,
        %mul3A_1212 = vector.broadcast %squeeze3A_1192 : f32 to vector<16xf32>
        %mul3A_1213 = arith.mulf %mul3A_1212, %get3A_1211 : vector<16xf32>
        %get3A_1214 = arith.constant 1 : i32
        %get3A_1215 = arith.index_cast %get3A_1214 : i32 to index
        %get3A_1216 = arith.index_cast %mul3A_1190 : i32 to index
        %get3A_1217 = arith.constant 48 : index
        %get3A_1218 = tpu.vector_load %arg8[%get3A_1215, %get3A_1216, %get3A_1217] {strides = array<i32>} : memref<2x320x128xf32, #tpu.memory_space<vmem>>, vector<16xf32>,
        %mul3A_1219 = vector.broadcast %squeeze3A_1192 : f32 to vector<16xf32>
        %mul3A_1220 = arith.mulf %mul3A_1219, %get3A_1218 : vector<16xf32>
        %slice3A_1221 = vector.extract_strided_slice %gather3A_1187 {offsets = [1], sizes = [1], strides = [1]} : vector<16xf32> to vector<1xf32>
        %squeeze3A_1222 = vector.extract %slice3A_1221[0] : f32 from vector<1xf32>
        %add3A_1223 = arith.constant 1 : i32
        %add3A_1224 = arith.addi %mul3A_1190, %add3A_1223 : i32
        %get3A_1225 = arith.constant 1 : i32
        %get3A_1226 = arith.index_cast %get3A_1225 : i32 to index
        %get3A_1227 = arith.index_cast %add3A_1224 : i32 to index
        %get3A_1228 = arith.constant 0 : index
        %get3A_1229 = tpu.vector_load %arg8[%get3A_1226, %get3A_1227, %get3A_1228] {strides = array<i32>} : memref<2x320x128xf32, #tpu.memory_space<vmem>>, vector<16xf32>,
        %mul3A_1230 = vector.broadcast %squeeze3A_1222 : f32 to vector<16xf32>
        %mul3A_1231 = arith.mulf %mul3A_1230, %get3A_1229 : vector<16xf32>
        %add3A_1232 = arith.addf %mul3A_1199, %mul3A_1231 : vector<16xf32>
        %get3A_1233 = arith.constant 1 : i32
        %get3A_1234 = arith.index_cast %get3A_1233 : i32 to index
        %get3A_1235 = arith.index_cast %add3A_1224 : i32 to index
        %get3A_1236 = arith.constant 16 : index
        %get3A_1237 = tpu.vector_load %arg8[%get3A_1234, %get3A_1235, %get3A_1236] {strides = array<i32>} : memref<2x320x128xf32, #tpu.memory_space<vmem>>, vector<16xf32>,
        %mul3A_1238 = vector.broadcast %squeeze3A_1222 : f32 to vector<16xf32>
        %mul3A_1239 = arith.mulf %mul3A_1238, %get3A_1237 : vector<16xf32>
        %add3A_1240 = arith.addf %mul3A_1206, %mul3A_1239 : vector<16xf32>
        %get3A_1241 = arith.constant 1 : i32
        %get3A_1242 = arith.index_cast %get3A_1241 : i32 to index
        %get3A_1243 = arith.index_cast %add3A_1224 : i32 to index
        %get3A_1244 = arith.constant 32 : index
        %get3A_1245 = tpu.vector_load %arg8[%get3A_1242, %get3A_1243, %get3A_1244] {strides = array<i32>} : memref<2x320x128xf32, #tpu.memory_space<vmem>>, vector<16xf32>,
        %mul3A_1246 = vector.broadcast %squeeze3A_1222 : f32 to vector<16xf32>
        %mul3A_1247 = arith.mulf %mul3A_1246, %get3A_1245 : vector<16xf32>
        %add3A_1248 = arith.addf %mul3A_1213, %mul3A_1247 : vector<16xf32>
        %get3A_1249 = arith.constant 1 : i32
        %get3A_1250 = arith.index_cast %get3A_1249 : i32 to index
        %get3A_1251 = arith.index_cast %add3A_1224 : i32 to index
        %get3A_1252 = arith.constant 48 : index
        %get3A_1253 = tpu.vector_load %arg8[%get3A_1250, %get3A_1251, %get3A_1252] {strides = array<i32>} : memref<2x320x128xf32, #tpu.memory_space<vmem>>, vector<16xf32>,
        %mul3A_1254 = vector.broadcast %squeeze3A_1222 : f32 to vector<16xf32>
        %mul3A_1255 = arith.mulf %mul3A_1254, %get3A_1253 : vector<16xf32>
        %add3A_1256 = arith.addf %mul3A_1220, %mul3A_1255 : vector<16xf32>
        %slice3A_1257 = vector.extract_strided_slice %gather3A_1187 {offsets = [2], sizes = [1], strides = [1]} : vector<16xf32> to vector<1xf32>
        %squeeze3A_1258 = vector.extract %slice3A_1257[0] : f32 from vector<1xf32>
        %add3A_1259 = arith.constant 2 : i32
        %add3A_1260 = arith.addi %mul3A_1190, %add3A_1259 : i32
        %get3A_1261 = arith.constant 1 : i32
        %get3A_1262 = arith.index_cast %get3A_1261 : i32 to index
        %get3A_1263 = arith.index_cast %add3A_1260 : i32 to index
        %get3A_1264 = arith.constant 0 : index
        %get3A_1265 = tpu.vector_load %arg8[%get3A_1262, %get3A_1263, %get3A_1264] {strides = array<i32>} : memref<2x320x128xf32, #tpu.memory_space<vmem>>, vector<16xf32>,
        %mul3A_1266 = vector.broadcast %squeeze3A_1258 : f32 to vector<16xf32>
        %mul3A_1267 = arith.mulf %mul3A_1266, %get3A_1265 : vector<16xf32>
        %add3A_1268 = arith.addf %add3A_1232, %mul3A_1267 : vector<16xf32>
        %get3A_1269 = arith.constant 1 : i32
        %get3A_1270 = arith.index_cast %get3A_1269 : i32 to index
        %get3A_1271 = arith.index_cast %add3A_1260 : i32 to index
        %get3A_1272 = arith.constant 16 : index
        %get3A_1273 = tpu.vector_load %arg8[%get3A_1270, %get3A_1271, %get3A_1272] {strides = array<i32>} : memref<2x320x128xf32, #tpu.memory_space<vmem>>, vector<16xf32>,
        %mul3A_1274 = vector.broadcast %squeeze3A_1258 : f32 to vector<16xf32>
        %mul3A_1275 = arith.mulf %mul3A_1274, %get3A_1273 : vector<16xf32>
        %add3A_1276 = arith.addf %add3A_1240, %mul3A_1275 : vector<16xf32>
        %get3A_1277 = arith.constant 1 : i32
        %get3A_1278 = arith.index_cast %get3A_1277 : i32 to index
        %get3A_1279 = arith.index_cast %add3A_1260 : i32 to index
        %get3A_1280 = arith.constant 32 : index
        %get3A_1281 = tpu.vector_load %arg8[%get3A_1278, %get3A_1279, %get3A_1280] {strides = array<i32>} : memref<2x320x128xf32, #tpu.memory_space<vmem>>, vector<16xf32>,
        %mul3A_1282 = vector.broadcast %squeeze3A_1258 : f32 to vector<16xf32>
        %mul3A_1283 = arith.mulf %mul3A_1282, %get3A_1281 : vector<16xf32>
        %add3A_1284 = arith.addf %add3A_1248, %mul3A_1283 : vector<16xf32>
        %get3A_1285 = arith.constant 1 : i32
        %get3A_1286 = arith.index_cast %get3A_1285 : i32 to index
        %get3A_1287 = arith.index_cast %add3A_1260 : i32 to index
        %get3A_1288 = arith.constant 48 : index
        %get3A_1289 = tpu.vector_load %arg8[%get3A_1286, %get3A_1287, %get3A_1288] {strides = array<i32>} : memref<2x320x128xf32, #tpu.memory_space<vmem>>, vector<16xf32>,
        %mul3A_1290 = vector.broadcast %squeeze3A_1258 : f32 to vector<16xf32>
        %mul3A_1291 = arith.mulf %mul3A_1290, %get3A_1289 : vector<16xf32>
        %add3A_1292 = arith.addf %add3A_1256, %mul3A_1291 : vector<16xf32>
        %slice3A_1293 = vector.extract_strided_slice %gather3A_1187 {offsets = [3], sizes = [1], strides = [1]} : vector<16xf32> to vector<1xf32>
        %squeeze3A_1294 = vector.extract %slice3A_1293[0] : f32 from vector<1xf32>
        %add3A_1295 = arith.constant 3 : i32
        %add3A_1296 = arith.addi %mul3A_1190, %add3A_1295 : i32
        %get3A_1297 = arith.constant 1 : i32
        %get3A_1298 = arith.index_cast %get3A_1297 : i32 to index
        %get3A_1299 = arith.index_cast %add3A_1296 : i32 to index
        %get3A_1300 = arith.constant 0 : index
        %get3A_1301 = tpu.vector_load %arg8[%get3A_1298, %get3A_1299, %get3A_1300] {strides = array<i32>} : memref<2x320x128xf32, #tpu.memory_space<vmem>>, vector<16xf32>,
        %mul3A_1302 = vector.broadcast %squeeze3A_1294 : f32 to vector<16xf32>
        %mul3A_1303 = arith.mulf %mul3A_1302, %get3A_1301 : vector<16xf32>
        %add3A_1304 = arith.addf %add3A_1268, %mul3A_1303 : vector<16xf32>
        %get3A_1305 = arith.constant 1 : i32
        %get3A_1306 = arith.index_cast %get3A_1305 : i32 to index
        %get3A_1307 = arith.index_cast %add3A_1296 : i32 to index
        %get3A_1308 = arith.constant 16 : index
        %get3A_1309 = tpu.vector_load %arg8[%get3A_1306, %get3A_1307, %get3A_1308] {strides = array<i32>} : memref<2x320x128xf32, #tpu.memory_space<vmem>>, vector<16xf32>,
        %mul3A_1310 = vector.broadcast %squeeze3A_1294 : f32 to vector<16xf32>
        %mul3A_1311 = arith.mulf %mul3A_1310, %get3A_1309 : vector<16xf32>
        %add3A_1312 = arith.addf %add3A_1276, %mul3A_1311 : vector<16xf32>
        %get3A_1313 = arith.constant 1 : i32
        %get3A_1314 = arith.index_cast %get3A_1313 : i32 to index
        %get3A_1315 = arith.index_cast %add3A_1296 : i32 to index
        %get3A_1316 = arith.constant 32 : index
        %get3A_1317 = tpu.vector_load %arg8[%get3A_1314, %get3A_1315, %get3A_1316] {strides = array<i32>} : memref<2x320x128xf32, #tpu.memory_space<vmem>>, vector<16xf32>,
        %mul3A_1318 = vector.broadcast %squeeze3A_1294 : f32 to vector<16xf32>
        %mul3A_1319 = arith.mulf %mul3A_1318, %get3A_1317 : vector<16xf32>
        %add3A_1320 = arith.addf %add3A_1284, %mul3A_1319 : vector<16xf32>
        %get3A_1321 = arith.constant 1 : i32
        %get3A_1322 = arith.index_cast %get3A_1321 : i32 to index
        %get3A_1323 = arith.index_cast %add3A_1296 : i32 to index
        %get3A_1324 = arith.constant 48 : index
        %get3A_1325 = tpu.vector_load %arg8[%get3A_1322, %get3A_1323, %get3A_1324] {strides = array<i32>} : memref<2x320x128xf32, #tpu.memory_space<vmem>>, vector<16xf32>,
        %mul3A_1326 = vector.broadcast %squeeze3A_1294 : f32 to vector<16xf32>
        %mul3A_1327 = arith.mulf %mul3A_1326, %get3A_1325 : vector<16xf32>
        %add3A_1328 = arith.addf %add3A_1292, %mul3A_1327 : vector<16xf32>
        %slice3A_1329 = vector.extract_strided_slice %gather3A_1187 {offsets = [4], sizes = [1], strides = [1]} : vector<16xf32> to vector<1xf32>
        %squeeze3A_1330 = vector.extract %slice3A_1329[0] : f32 from vector<1xf32>
        %add3A_1331 = arith.constant 4 : i32
        %add3A_1332 = arith.addi %mul3A_1190, %add3A_1331 : i32
        %get3A_1333 = arith.constant 1 : i32
        %get3A_1334 = arith.index_cast %get3A_1333 : i32 to index
        %get3A_1335 = arith.index_cast %add3A_1332 : i32 to index
        %get3A_1336 = arith.constant 0 : index
        %get3A_1337 = tpu.vector_load %arg8[%get3A_1334, %get3A_1335, %get3A_1336] {strides = array<i32>} : memref<2x320x128xf32, #tpu.memory_space<vmem>>, vector<16xf32>,
        %mul3A_1338 = vector.broadcast %squeeze3A_1330 : f32 to vector<16xf32>
        %mul3A_1339 = arith.mulf %mul3A_1338, %get3A_1337 : vector<16xf32>
        %add3A_1340 = arith.addf %add3A_1304, %mul3A_1339 : vector<16xf32>
        %get3A_1341 = arith.constant 1 : i32
        %get3A_1342 = arith.index_cast %get3A_1341 : i32 to index
        %get3A_1343 = arith.index_cast %add3A_1332 : i32 to index
        %get3A_1344 = arith.constant 16 : index
        %get3A_1345 = tpu.vector_load %arg8[%get3A_1342, %get3A_1343, %get3A_1344] {strides = array<i32>} : memref<2x320x128xf32, #tpu.memory_space<vmem>>, vector<16xf32>,
        %mul3A_1346 = vector.broadcast %squeeze3A_1330 : f32 to vector<16xf32>
        %mul3A_1347 = arith.mulf %mul3A_1346, %get3A_1345 : vector<16xf32>
        %add3A_1348 = arith.addf %add3A_1312, %mul3A_1347 : vector<16xf32>
        %get3A_1349 = arith.constant 1 : i32
        %get3A_1350 = arith.index_cast %get3A_1349 : i32 to index
        %get3A_1351 = arith.index_cast %add3A_1332 : i32 to index
        %get3A_1352 = arith.constant 32 : index
        %get3A_1353 = tpu.vector_load %arg8[%get3A_1350, %get3A_1351, %get3A_1352] {strides = array<i32>} : memref<2x320x128xf32, #tpu.memory_space<vmem>>, vector<16xf32>,
        %mul3A_1354 = vector.broadcast %squeeze3A_1330 : f32 to vector<16xf32>
        %mul3A_1355 = arith.mulf %mul3A_1354, %get3A_1353 : vector<16xf32>
        %add3A_1356 = arith.addf %add3A_1320, %mul3A_1355 : vector<16xf32>
        %get3A_1357 = arith.constant 1 : i32
        %get3A_1358 = arith.index_cast %get3A_1357 : i32 to index
        %get3A_1359 = arith.index_cast %add3A_1332 : i32 to index
        %get3A_1360 = arith.constant 48 : index
        %get3A_1361 = tpu.vector_load %arg8[%get3A_1358, %get3A_1359, %get3A_1360] {strides = array<i32>} : memref<2x320x128xf32, #tpu.memory_space<vmem>>, vector<16xf32>,
        %mul3A_1362 = vector.broadcast %squeeze3A_1330 : f32 to vector<16xf32>
        %mul3A_1363 = arith.mulf %mul3A_1362, %get3A_1361 : vector<16xf32>
        %add3A_1364 = arith.addf %add3A_1328, %mul3A_1363 : vector<16xf32>
        %slice3A_1365 = vector.extract_strided_slice %gather3A_1187 {offsets = [5], sizes = [1], strides = [1]} : vector<16xf32> to vector<1xf32>
        %squeeze3A_1366 = vector.extract %slice3A_1365[0] : f32 from vector<1xf32>
        %add3A_1367 = arith.constant 5 : i32
        %add3A_1368 = arith.addi %mul3A_1190, %add3A_1367 : i32
        %get3A_1369 = arith.constant 1 : i32
        %get3A_1370 = arith.index_cast %get3A_1369 : i32 to index
        %get3A_1371 = arith.index_cast %add3A_1368 : i32 to index
        %get3A_1372 = arith.constant 0 : index
        %get3A_1373 = tpu.vector_load %arg8[%get3A_1370, %get3A_1371, %get3A_1372] {strides = array<i32>} : memref<2x320x128xf32, #tpu.memory_space<vmem>>, vector<16xf32>,
        %mul3A_1374 = vector.broadcast %squeeze3A_1366 : f32 to vector<16xf32>
        %mul3A_1375 = arith.mulf %mul3A_1374, %get3A_1373 : vector<16xf32>
        %add3A_1376 = arith.addf %add3A_1340, %mul3A_1375 : vector<16xf32>
        %get3A_1377 = arith.constant 1 : i32
        %get3A_1378 = arith.index_cast %get3A_1377 : i32 to index
        %get3A_1379 = arith.index_cast %add3A_1368 : i32 to index
        %get3A_1380 = arith.constant 16 : index
        %get3A_1381 = tpu.vector_load %arg8[%get3A_1378, %get3A_1379, %get3A_1380] {strides = array<i32>} : memref<2x320x128xf32, #tpu.memory_space<vmem>>, vector<16xf32>,
        %mul3A_1382 = vector.broadcast %squeeze3A_1366 : f32 to vector<16xf32>
        %mul3A_1383 = arith.mulf %mul3A_1382, %get3A_1381 : vector<16xf32>
        %add3A_1384 = arith.addf %add3A_1348, %mul3A_1383 : vector<16xf32>
        %get3A_1385 = arith.constant 1 : i32
        %get3A_1386 = arith.index_cast %get3A_1385 : i32 to index
        %get3A_1387 = arith.index_cast %add3A_1368 : i32 to index
        %get3A_1388 = arith.constant 32 : index
        %get3A_1389 = tpu.vector_load %arg8[%get3A_1386, %get3A_1387, %get3A_1388] {strides = array<i32>} : memref<2x320x128xf32, #tpu.memory_space<vmem>>, vector<16xf32>,
        %mul3A_1390 = vector.broadcast %squeeze3A_1366 : f32 to vector<16xf32>
        %mul3A_1391 = arith.mulf %mul3A_1390, %get3A_1389 : vector<16xf32>
        %add3A_1392 = arith.addf %add3A_1356, %mul3A_1391 : vector<16xf32>
        %get3A_1393 = arith.constant 1 : i32
        %get3A_1394 = arith.index_cast %get3A_1393 : i32 to index
        %get3A_1395 = arith.index_cast %add3A_1368 : i32 to index
        %get3A_1396 = arith.constant 48 : index
        %get3A_1397 = tpu.vector_load %arg8[%get3A_1394, %get3A_1395, %get3A_1396] {strides = array<i32>} : memref<2x320x128xf32, #tpu.memory_space<vmem>>, vector<16xf32>,
        %mul3A_1398 = vector.broadcast %squeeze3A_1366 : f32 to vector<16xf32>
        %mul3A_1399 = arith.mulf %mul3A_1398, %get3A_1397 : vector<16xf32>
        %add3A_1400 = arith.addf %add3A_1364, %mul3A_1399 : vector<16xf32>
        %slice3A_1401 = vector.extract_strided_slice %gather3A_1187 {offsets = [6], sizes = [1], strides = [1]} : vector<16xf32> to vector<1xf32>
        %squeeze3A_1402 = vector.extract %slice3A_1401[0] : f32 from vector<1xf32>
        %add3A_1403 = arith.constant 6 : i32
        %add3A_1404 = arith.addi %mul3A_1190, %add3A_1403 : i32
        %get3A_1405 = arith.constant 1 : i32
        %get3A_1406 = arith.index_cast %get3A_1405 : i32 to index
        %get3A_1407 = arith.index_cast %add3A_1404 : i32 to index
        %get3A_1408 = arith.constant 0 : index
        %get3A_1409 = tpu.vector_load %arg8[%get3A_1406, %get3A_1407, %get3A_1408] {strides = array<i32>} : memref<2x320x128xf32, #tpu.memory_space<vmem>>, vector<16xf32>,
        %mul3A_1410 = vector.broadcast %squeeze3A_1402 : f32 to vector<16xf32>
        %mul3A_1411 = arith.mulf %mul3A_1410, %get3A_1409 : vector<16xf32>
        %add3A_1412 = arith.addf %add3A_1376, %mul3A_1411 : vector<16xf32>
        %get3A_1413 = arith.constant 1 : i32
        %get3A_1414 = arith.index_cast %get3A_1413 : i32 to index
        %get3A_1415 = arith.index_cast %add3A_1404 : i32 to index
        %get3A_1416 = arith.constant 16 : index
        %get3A_1417 = tpu.vector_load %arg8[%get3A_1414, %get3A_1415, %get3A_1416] {strides = array<i32>} : memref<2x320x128xf32, #tpu.memory_space<vmem>>, vector<16xf32>,
        %mul3A_1418 = vector.broadcast %squeeze3A_1402 : f32 to vector<16xf32>
        %mul3A_1419 = arith.mulf %mul3A_1418, %get3A_1417 : vector<16xf32>
        %add3A_1420 = arith.addf %add3A_1384, %mul3A_1419 : vector<16xf32>
        %get3A_1421 = arith.constant 1 : i32
        %get3A_1422 = arith.index_cast %get3A_1421 : i32 to index
        %get3A_1423 = arith.index_cast %add3A_1404 : i32 to index
        %get3A_1424 = arith.constant 32 : index
        %get3A_1425 = tpu.vector_load %arg8[%get3A_1422, %get3A_1423, %get3A_1424] {strides = array<i32>} : memref<2x320x128xf32, #tpu.memory_space<vmem>>, vector<16xf32>,
        %mul3A_1426 = vector.broadcast %squeeze3A_1402 : f32 to vector<16xf32>
        %mul3A_1427 = arith.mulf %mul3A_1426, %get3A_1425 : vector<16xf32>
        %add3A_1428 = arith.addf %add3A_1392, %mul3A_1427 : vector<16xf32>
        %get3A_1429 = arith.constant 1 : i32
        %get3A_1430 = arith.index_cast %get3A_1429 : i32 to index
        %get3A_1431 = arith.index_cast %add3A_1404 : i32 to index
        %get3A_1432 = arith.constant 48 : index
        %get3A_1433 = tpu.vector_load %arg8[%get3A_1430, %get3A_1431, %get3A_1432] {strides = array<i32>} : memref<2x320x128xf32, #tpu.memory_space<vmem>>, vector<16xf32>,
        %mul3A_1434 = vector.broadcast %squeeze3A_1402 : f32 to vector<16xf32>
        %mul3A_1435 = arith.mulf %mul3A_1434, %get3A_1433 : vector<16xf32>
        %add3A_1436 = arith.addf %add3A_1400, %mul3A_1435 : vector<16xf32>
        %slice3A_1437 = vector.extract_strided_slice %gather3A_1187 {offsets = [7], sizes = [1], strides = [1]} : vector<16xf32> to vector<1xf32>
        %squeeze3A_1438 = vector.extract %slice3A_1437[0] : f32 from vector<1xf32>
        %add3A_1439 = arith.constant 7 : i32
        %add3A_1440 = arith.addi %mul3A_1190, %add3A_1439 : i32
        %get3A_1441 = arith.constant 1 : i32
        %get3A_1442 = arith.index_cast %get3A_1441 : i32 to index
        %get3A_1443 = arith.index_cast %add3A_1440 : i32 to index
        %get3A_1444 = arith.constant 0 : index
        %get3A_1445 = tpu.vector_load %arg8[%get3A_1442, %get3A_1443, %get3A_1444] {strides = array<i32>} : memref<2x320x128xf32, #tpu.memory_space<vmem>>, vector<16xf32>,
        %mul3A_1446 = vector.broadcast %squeeze3A_1438 : f32 to vector<16xf32>
        %mul3A_1447 = arith.mulf %mul3A_1446, %get3A_1445 : vector<16xf32>
        %add3A_1448 = arith.addf %add3A_1412, %mul3A_1447 : vector<16xf32>
        %get3A_1449 = arith.constant 1 : i32
        %get3A_1450 = arith.index_cast %get3A_1449 : i32 to index
        %get3A_1451 = arith.index_cast %add3A_1440 : i32 to index
        %get3A_1452 = arith.constant 16 : index
        %get3A_1453 = tpu.vector_load %arg8[%get3A_1450, %get3A_1451, %get3A_1452] {strides = array<i32>} : memref<2x320x128xf32, #tpu.memory_space<vmem>>, vector<16xf32>,
        %mul3A_1454 = vector.broadcast %squeeze3A_1438 : f32 to vector<16xf32>
        %mul3A_1455 = arith.mulf %mul3A_1454, %get3A_1453 : vector<16xf32>
        %add3A_1456 = arith.addf %add3A_1420, %mul3A_1455 : vector<16xf32>
        %get3A_1457 = arith.constant 1 : i32
        %get3A_1458 = arith.index_cast %get3A_1457 : i32 to index
        %get3A_1459 = arith.index_cast %add3A_1440 : i32 to index
        %get3A_1460 = arith.constant 32 : index
        %get3A_1461 = tpu.vector_load %arg8[%get3A_1458, %get3A_1459, %get3A_1460] {strides = array<i32>} : memref<2x320x128xf32, #tpu.memory_space<vmem>>, vector<16xf32>,
        %mul3A_1462 = vector.broadcast %squeeze3A_1438 : f32 to vector<16xf32>
        %mul3A_1463 = arith.mulf %mul3A_1462, %get3A_1461 : vector<16xf32>
        %add3A_1464 = arith.addf %add3A_1428, %mul3A_1463 : vector<16xf32>
        %get3A_1465 = arith.constant 1 : i32
        %get3A_1466 = arith.index_cast %get3A_1465 : i32 to index
        %get3A_1467 = arith.index_cast %add3A_1440 : i32 to index
        %get3A_1468 = arith.constant 48 : index
        %get3A_1469 = tpu.vector_load %arg8[%get3A_1466, %get3A_1467, %get3A_1468] {strides = array<i32>} : memref<2x320x128xf32, #tpu.memory_space<vmem>>, vector<16xf32>,
        %mul3A_1470 = vector.broadcast %squeeze3A_1438 : f32 to vector<16xf32>
        %mul3A_1471 = arith.mulf %mul3A_1470, %get3A_1469 : vector<16xf32>
        %add3A_1472 = arith.addf %add3A_1436, %mul3A_1471 : vector<16xf32>
        %slice3A_1473 = vector.extract_strided_slice %gather3A_1187 {offsets = [8], sizes = [1], strides = [1]} : vector<16xf32> to vector<1xf32>
        %squeeze3A_1474 = vector.extract %slice3A_1473[0] : f32 from vector<1xf32>
        %add3A_1475 = arith.constant 8 : i32
        %add3A_1476 = arith.addi %mul3A_1190, %add3A_1475 : i32
        %get3A_1477 = arith.constant 1 : i32
        %get3A_1478 = arith.index_cast %get3A_1477 : i32 to index
        %get3A_1479 = arith.index_cast %add3A_1476 : i32 to index
        %get3A_1480 = arith.constant 0 : index
        %get3A_1481 = tpu.vector_load %arg8[%get3A_1478, %get3A_1479, %get3A_1480] {strides = array<i32>} : memref<2x320x128xf32, #tpu.memory_space<vmem>>, vector<16xf32>,
        %mul3A_1482 = vector.broadcast %squeeze3A_1474 : f32 to vector<16xf32>
        %mul3A_1483 = arith.mulf %mul3A_1482, %get3A_1481 : vector<16xf32>
        %add3A_1484 = arith.addf %add3A_1448, %mul3A_1483 : vector<16xf32>
        %get3A_1485 = arith.constant 1 : i32
        %get3A_1486 = arith.index_cast %get3A_1485 : i32 to index
        %get3A_1487 = arith.index_cast %add3A_1476 : i32 to index
        %get3A_1488 = arith.constant 16 : index
        %get3A_1489 = tpu.vector_load %arg8[%get3A_1486, %get3A_1487, %get3A_1488] {strides = array<i32>} : memref<2x320x128xf32, #tpu.memory_space<vmem>>, vector<16xf32>,
        %mul3A_1490 = vector.broadcast %squeeze3A_1474 : f32 to vector<16xf32>
        %mul3A_1491 = arith.mulf %mul3A_1490, %get3A_1489 : vector<16xf32>
        %add3A_1492 = arith.addf %add3A_1456, %mul3A_1491 : vector<16xf32>
        %get3A_1493 = arith.constant 1 : i32
        %get3A_1494 = arith.index_cast %get3A_1493 : i32 to index
        %get3A_1495 = arith.index_cast %add3A_1476 : i32 to index
        %get3A_1496 = arith.constant 32 : index
        %get3A_1497 = tpu.vector_load %arg8[%get3A_1494, %get3A_1495, %get3A_1496] {strides = array<i32>} : memref<2x320x128xf32, #tpu.memory_space<vmem>>, vector<16xf32>,
        %mul3A_1498 = vector.broadcast %squeeze3A_1474 : f32 to vector<16xf32>
        %mul3A_1499 = arith.mulf %mul3A_1498, %get3A_1497 : vector<16xf32>
        %add3A_1500 = arith.addf %add3A_1464, %mul3A_1499 : vector<16xf32>
        %get3A_1501 = arith.constant 1 : i32
        %get3A_1502 = arith.index_cast %get3A_1501 : i32 to index
        %get3A_1503 = arith.index_cast %add3A_1476 : i32 to index
        %get3A_1504 = arith.constant 48 : index
        %get3A_1505 = tpu.vector_load %arg8[%get3A_1502, %get3A_1503, %get3A_1504] {strides = array<i32>} : memref<2x320x128xf32, #tpu.memory_space<vmem>>, vector<16xf32>,
        %mul3A_1506 = vector.broadcast %squeeze3A_1474 : f32 to vector<16xf32>
        %mul3A_1507 = arith.mulf %mul3A_1506, %get3A_1505 : vector<16xf32>
        %add3A_1508 = arith.addf %add3A_1472, %mul3A_1507 : vector<16xf32>
        %slice3A_1509 = vector.extract_strided_slice %gather3A_1187 {offsets = [9], sizes = [1], strides = [1]} : vector<16xf32> to vector<1xf32>
        %squeeze3A_1510 = vector.extract %slice3A_1509[0] : f32 from vector<1xf32>
        %add3A_1511 = arith.constant 9 : i32
        %add3A_1512 = arith.addi %mul3A_1190, %add3A_1511 : i32
        %get3A_1513 = arith.constant 1 : i32
        %get3A_1514 = arith.index_cast %get3A_1513 : i32 to index
        %get3A_1515 = arith.index_cast %add3A_1512 : i32 to index
        %get3A_1516 = arith.constant 0 : index
        %get3A_1517 = tpu.vector_load %arg8[%get3A_1514, %get3A_1515, %get3A_1516] {strides = array<i32>} : memref<2x320x128xf32, #tpu.memory_space<vmem>>, vector<16xf32>,
        %mul3A_1518 = vector.broadcast %squeeze3A_1510 : f32 to vector<16xf32>
        %mul3A_1519 = arith.mulf %mul3A_1518, %get3A_1517 : vector<16xf32>
        %add3A_1520 = arith.addf %add3A_1484, %mul3A_1519 : vector<16xf32>
        %get3A_1521 = arith.constant 1 : i32
        %get3A_1522 = arith.index_cast %get3A_1521 : i32 to index
        %get3A_1523 = arith.index_cast %add3A_1512 : i32 to index
        %get3A_1524 = arith.constant 16 : index
        %get3A_1525 = tpu.vector_load %arg8[%get3A_1522, %get3A_1523, %get3A_1524] {strides = array<i32>} : memref<2x320x128xf32, #tpu.memory_space<vmem>>, vector<16xf32>,
        %mul3A_1526 = vector.broadcast %squeeze3A_1510 : f32 to vector<16xf32>
        %mul3A_1527 = arith.mulf %mul3A_1526, %get3A_1525 : vector<16xf32>
        %add3A_1528 = arith.addf %add3A_1492, %mul3A_1527 : vector<16xf32>
        %get3A_1529 = arith.constant 1 : i32
        %get3A_1530 = arith.index_cast %get3A_1529 : i32 to index
        %get3A_1531 = arith.index_cast %add3A_1512 : i32 to index
        %get3A_1532 = arith.constant 32 : index
        %get3A_1533 = tpu.vector_load %arg8[%get3A_1530, %get3A_1531, %get3A_1532] {strides = array<i32>} : memref<2x320x128xf32, #tpu.memory_space<vmem>>, vector<16xf32>,
        %mul3A_1534 = vector.broadcast %squeeze3A_1510 : f32 to vector<16xf32>
        %mul3A_1535 = arith.mulf %mul3A_1534, %get3A_1533 : vector<16xf32>
        %add3A_1536 = arith.addf %add3A_1500, %mul3A_1535 : vector<16xf32>
        %get3A_1537 = arith.constant 1 : i32
        %get3A_1538 = arith.index_cast %get3A_1537 : i32 to index
        %get3A_1539 = arith.index_cast %add3A_1512 : i32 to index
        %get3A_1540 = arith.constant 48 : index
        %get3A_1541 = tpu.vector_load %arg8[%get3A_1538, %get3A_1539, %get3A_1540] {strides = array<i32>} : memref<2x320x128xf32, #tpu.memory_space<vmem>>, vector<16xf32>,
        %mul3A_1542 = vector.broadcast %squeeze3A_1510 : f32 to vector<16xf32>
        %mul3A_1543 = arith.mulf %mul3A_1542, %get3A_1541 : vector<16xf32>
        %add3A_1544 = arith.addf %add3A_1508, %mul3A_1543 : vector<16xf32>
        %slice3A_1545 = vector.extract_strided_slice %gather3A_1188 {offsets = [0], sizes = [1], strides = [1]} : vector<16xf32> to vector<1xf32>
        %squeeze3A_1546 = vector.extract %slice3A_1545[0] : f32 from vector<1xf32>
        %get3A_1547 = arith.constant 0 : i32
        %get3A_1548 = arith.index_cast %get3A_1547 : i32 to index
        %get3A_1549 = arith.constant 0 : index
        %get3A_1550 = tpu.vector_load %arg10[%get3A_1548, %get3A_1549] {strides = array<i32>} : memref<11x64xf32, #tpu.memory_space<vmem>>, vector<16xf32>,
        %mul3A_1551 = vector.broadcast %squeeze3A_1546 : f32 to vector<16xf32>
        %mul3A_1552 = arith.mulf %mul3A_1551, %get3A_1550 : vector<16xf32>
        %get3A_1553 = arith.constant 0 : i32
        %get3A_1554 = arith.index_cast %get3A_1553 : i32 to index
        %get3A_1555 = arith.constant 16 : index
        %get3A_1556 = tpu.vector_load %arg10[%get3A_1554, %get3A_1555] {strides = array<i32>} : memref<11x64xf32, #tpu.memory_space<vmem>>, vector<16xf32>,
        %mul3A_1557 = vector.broadcast %squeeze3A_1546 : f32 to vector<16xf32>
        %mul3A_1558 = arith.mulf %mul3A_1557, %get3A_1556 : vector<16xf32>
        %get3A_1559 = arith.constant 0 : i32
        %get3A_1560 = arith.index_cast %get3A_1559 : i32 to index
        %get3A_1561 = arith.constant 32 : index
        %get3A_1562 = tpu.vector_load %arg10[%get3A_1560, %get3A_1561] {strides = array<i32>} : memref<11x64xf32, #tpu.memory_space<vmem>>, vector<16xf32>,
        %mul3A_1563 = vector.broadcast %squeeze3A_1546 : f32 to vector<16xf32>
        %mul3A_1564 = arith.mulf %mul3A_1563, %get3A_1562 : vector<16xf32>
        %get3A_1565 = arith.constant 0 : i32
        %get3A_1566 = arith.index_cast %get3A_1565 : i32 to index
        %get3A_1567 = arith.constant 48 : index
        %get3A_1568 = tpu.vector_load %arg10[%get3A_1566, %get3A_1567] {strides = array<i32>} : memref<11x64xf32, #tpu.memory_space<vmem>>, vector<16xf32>,
        %mul3A_1569 = vector.broadcast %squeeze3A_1546 : f32 to vector<16xf32>
        %mul3A_1570 = arith.mulf %mul3A_1569, %get3A_1568 : vector<16xf32>
        %slice3A_1571 = vector.extract_strided_slice %gather3A_1188 {offsets = [1], sizes = [1], strides = [1]} : vector<16xf32> to vector<1xf32>
        %squeeze3A_1572 = vector.extract %slice3A_1571[0] : f32 from vector<1xf32>
        %get3A_1573 = arith.constant 1 : i32
        %get3A_1574 = arith.index_cast %get3A_1573 : i32 to index
        %get3A_1575 = arith.constant 0 : index
        %get3A_1576 = tpu.vector_load %arg10[%get3A_1574, %get3A_1575] {strides = array<i32>} : memref<11x64xf32, #tpu.memory_space<vmem>>, vector<16xf32>,
        %mul3A_1577 = vector.broadcast %squeeze3A_1572 : f32 to vector<16xf32>
        %mul3A_1578 = arith.mulf %mul3A_1577, %get3A_1576 : vector<16xf32>
        %add3A_1579 = arith.addf %mul3A_1552, %mul3A_1578 : vector<16xf32>
        %get3A_1580 = arith.constant 1 : i32
        %get3A_1581 = arith.index_cast %get3A_1580 : i32 to index
        %get3A_1582 = arith.constant 16 : index
        %get3A_1583 = tpu.vector_load %arg10[%get3A_1581, %get3A_1582] {strides = array<i32>} : memref<11x64xf32, #tpu.memory_space<vmem>>, vector<16xf32>,
        %mul3A_1584 = vector.broadcast %squeeze3A_1572 : f32 to vector<16xf32>
        %mul3A_1585 = arith.mulf %mul3A_1584, %get3A_1583 : vector<16xf32>
        %add3A_1586 = arith.addf %mul3A_1558, %mul3A_1585 : vector<16xf32>
        %get3A_1587 = arith.constant 1 : i32
        %get3A_1588 = arith.index_cast %get3A_1587 : i32 to index
        %get3A_1589 = arith.constant 32 : index
        %get3A_1590 = tpu.vector_load %arg10[%get3A_1588, %get3A_1589] {strides = array<i32>} : memref<11x64xf32, #tpu.memory_space<vmem>>, vector<16xf32>,
        %mul3A_1591 = vector.broadcast %squeeze3A_1572 : f32 to vector<16xf32>
        %mul3A_1592 = arith.mulf %mul3A_1591, %get3A_1590 : vector<16xf32>
        %add3A_1593 = arith.addf %mul3A_1564, %mul3A_1592 : vector<16xf32>
        %get3A_1594 = arith.constant 1 : i32
        %get3A_1595 = arith.index_cast %get3A_1594 : i32 to index
        %get3A_1596 = arith.constant 48 : index
        %get3A_1597 = tpu.vector_load %arg10[%get3A_1595, %get3A_1596] {strides = array<i32>} : memref<11x64xf32, #tpu.memory_space<vmem>>, vector<16xf32>,
        %mul3A_1598 = vector.broadcast %squeeze3A_1572 : f32 to vector<16xf32>
        %mul3A_1599 = arith.mulf %mul3A_1598, %get3A_1597 : vector<16xf32>
        %add3A_1600 = arith.addf %mul3A_1570, %mul3A_1599 : vector<16xf32>
        %slice3A_1601 = vector.extract_strided_slice %gather3A_1188 {offsets = [2], sizes = [1], strides = [1]} : vector<16xf32> to vector<1xf32>
        %squeeze3A_1602 = vector.extract %slice3A_1601[0] : f32 from vector<1xf32>
        %get3A_1603 = arith.constant 2 : i32
        %get3A_1604 = arith.index_cast %get3A_1603 : i32 to index
        %get3A_1605 = arith.constant 0 : index
        %get3A_1606 = tpu.vector_load %arg10[%get3A_1604, %get3A_1605] {strides = array<i32>} : memref<11x64xf32, #tpu.memory_space<vmem>>, vector<16xf32>,
        %mul3A_1607 = vector.broadcast %squeeze3A_1602 : f32 to vector<16xf32>
        %mul3A_1608 = arith.mulf %mul3A_1607, %get3A_1606 : vector<16xf32>
        %add3A_1609 = arith.addf %add3A_1579, %mul3A_1608 : vector<16xf32>
        %get3A_1610 = arith.constant 2 : i32
        %get3A_1611 = arith.index_cast %get3A_1610 : i32 to index
        %get3A_1612 = arith.constant 16 : index
        %get3A_1613 = tpu.vector_load %arg10[%get3A_1611, %get3A_1612] {strides = array<i32>} : memref<11x64xf32, #tpu.memory_space<vmem>>, vector<16xf32>,
        %mul3A_1614 = vector.broadcast %squeeze3A_1602 : f32 to vector<16xf32>
        %mul3A_1615 = arith.mulf %mul3A_1614, %get3A_1613 : vector<16xf32>
        %add3A_1616 = arith.addf %add3A_1586, %mul3A_1615 : vector<16xf32>
        %get3A_1617 = arith.constant 2 : i32
        %get3A_1618 = arith.index_cast %get3A_1617 : i32 to index
        %get3A_1619 = arith.constant 32 : index
        %get3A_1620 = tpu.vector_load %arg10[%get3A_1618, %get3A_1619] {strides = array<i32>} : memref<11x64xf32, #tpu.memory_space<vmem>>, vector<16xf32>,
        %mul3A_1621 = vector.broadcast %squeeze3A_1602 : f32 to vector<16xf32>
        %mul3A_1622 = arith.mulf %mul3A_1621, %get3A_1620 : vector<16xf32>
        %add3A_1623 = arith.addf %add3A_1593, %mul3A_1622 : vector<16xf32>
        %get3A_1624 = arith.constant 2 : i32
        %get3A_1625 = arith.index_cast %get3A_1624 : i32 to index
        %get3A_1626 = arith.constant 48 : index
        %get3A_1627 = tpu.vector_load %arg10[%get3A_1625, %get3A_1626] {strides = array<i32>} : memref<11x64xf32, #tpu.memory_space<vmem>>, vector<16xf32>,
        %mul3A_1628 = vector.broadcast %squeeze3A_1602 : f32 to vector<16xf32>
        %mul3A_1629 = arith.mulf %mul3A_1628, %get3A_1627 : vector<16xf32>
        %add3A_1630 = arith.addf %add3A_1600, %mul3A_1629 : vector<16xf32>
        %slice3A_1631 = vector.extract_strided_slice %gather3A_1188 {offsets = [3], sizes = [1], strides = [1]} : vector<16xf32> to vector<1xf32>
        %squeeze3A_1632 = vector.extract %slice3A_1631[0] : f32 from vector<1xf32>
        %get3A_1633 = arith.constant 3 : i32
        %get3A_1634 = arith.index_cast %get3A_1633 : i32 to index
        %get3A_1635 = arith.constant 0 : index
        %get3A_1636 = tpu.vector_load %arg10[%get3A_1634, %get3A_1635] {strides = array<i32>} : memref<11x64xf32, #tpu.memory_space<vmem>>, vector<16xf32>,
        %mul3A_1637 = vector.broadcast %squeeze3A_1632 : f32 to vector<16xf32>
        %mul3A_1638 = arith.mulf %mul3A_1637, %get3A_1636 : vector<16xf32>
        %add3A_1639 = arith.addf %add3A_1609, %mul3A_1638 : vector<16xf32>
        %get3A_1640 = arith.constant 3 : i32
        %get3A_1641 = arith.index_cast %get3A_1640 : i32 to index
        %get3A_1642 = arith.constant 16 : index
        %get3A_1643 = tpu.vector_load %arg10[%get3A_1641, %get3A_1642] {strides = array<i32>} : memref<11x64xf32, #tpu.memory_space<vmem>>, vector<16xf32>,
        %mul3A_1644 = vector.broadcast %squeeze3A_1632 : f32 to vector<16xf32>
        %mul3A_1645 = arith.mulf %mul3A_1644, %get3A_1643 : vector<16xf32>
        %add3A_1646 = arith.addf %add3A_1616, %mul3A_1645 : vector<16xf32>
        %get3A_1647 = arith.constant 3 : i32
        %get3A_1648 = arith.index_cast %get3A_1647 : i32 to index
        %get3A_1649 = arith.constant 32 : index
        %get3A_1650 = tpu.vector_load %arg10[%get3A_1648, %get3A_1649] {strides = array<i32>} : memref<11x64xf32, #tpu.memory_space<vmem>>, vector<16xf32>,
        %mul3A_1651 = vector.broadcast %squeeze3A_1632 : f32 to vector<16xf32>
        %mul3A_1652 = arith.mulf %mul3A_1651, %get3A_1650 : vector<16xf32>
        %add3A_1653 = arith.addf %add3A_1623, %mul3A_1652 : vector<16xf32>
        %get3A_1654 = arith.constant 3 : i32
        %get3A_1655 = arith.index_cast %get3A_1654 : i32 to index
        %get3A_1656 = arith.constant 48 : index
        %get3A_1657 = tpu.vector_load %arg10[%get3A_1655, %get3A_1656] {strides = array<i32>} : memref<11x64xf32, #tpu.memory_space<vmem>>, vector<16xf32>,
        %mul3A_1658 = vector.broadcast %squeeze3A_1632 : f32 to vector<16xf32>
        %mul3A_1659 = arith.mulf %mul3A_1658, %get3A_1657 : vector<16xf32>
        %add3A_1660 = arith.addf %add3A_1630, %mul3A_1659 : vector<16xf32>
        %slice3A_1661 = vector.extract_strided_slice %gather3A_1188 {offsets = [4], sizes = [1], strides = [1]} : vector<16xf32> to vector<1xf32>
        %squeeze3A_1662 = vector.extract %slice3A_1661[0] : f32 from vector<1xf32>
        %get3A_1663 = arith.constant 4 : i32
        %get3A_1664 = arith.index_cast %get3A_1663 : i32 to index
        %get3A_1665 = arith.constant 0 : index
        %get3A_1666 = tpu.vector_load %arg10[%get3A_1664, %get3A_1665] {strides = array<i32>} : memref<11x64xf32, #tpu.memory_space<vmem>>, vector<16xf32>,
        %mul3A_1667 = vector.broadcast %squeeze3A_1662 : f32 to vector<16xf32>
        %mul3A_1668 = arith.mulf %mul3A_1667, %get3A_1666 : vector<16xf32>
        %add3A_1669 = arith.addf %add3A_1639, %mul3A_1668 : vector<16xf32>
        %get3A_1670 = arith.constant 4 : i32
        %get3A_1671 = arith.index_cast %get3A_1670 : i32 to index
        %get3A_1672 = arith.constant 16 : index
        %get3A_1673 = tpu.vector_load %arg10[%get3A_1671, %get3A_1672] {strides = array<i32>} : memref<11x64xf32, #tpu.memory_space<vmem>>, vector<16xf32>,
        %mul3A_1674 = vector.broadcast %squeeze3A_1662 : f32 to vector<16xf32>
        %mul3A_1675 = arith.mulf %mul3A_1674, %get3A_1673 : vector<16xf32>
        %add3A_1676 = arith.addf %add3A_1646, %mul3A_1675 : vector<16xf32>
        %get3A_1677 = arith.constant 4 : i32
        %get3A_1678 = arith.index_cast %get3A_1677 : i32 to index
        %get3A_1679 = arith.constant 32 : index
        %get3A_1680 = tpu.vector_load %arg10[%get3A_1678, %get3A_1679] {strides = array<i32>} : memref<11x64xf32, #tpu.memory_space<vmem>>, vector<16xf32>,
        %mul3A_1681 = vector.broadcast %squeeze3A_1662 : f32 to vector<16xf32>
        %mul3A_1682 = arith.mulf %mul3A_1681, %get3A_1680 : vector<16xf32>
        %add3A_1683 = arith.addf %add3A_1653, %mul3A_1682 : vector<16xf32>
        %get3A_1684 = arith.constant 4 : i32
        %get3A_1685 = arith.index_cast %get3A_1684 : i32 to index
        %get3A_1686 = arith.constant 48 : index
        %get3A_1687 = tpu.vector_load %arg10[%get3A_1685, %get3A_1686] {strides = array<i32>} : memref<11x64xf32, #tpu.memory_space<vmem>>, vector<16xf32>,
        %mul3A_1688 = vector.broadcast %squeeze3A_1662 : f32 to vector<16xf32>
        %mul3A_1689 = arith.mulf %mul3A_1688, %get3A_1687 : vector<16xf32>
        %add3A_1690 = arith.addf %add3A_1660, %mul3A_1689 : vector<16xf32>
        %slice3A_1691 = vector.extract_strided_slice %gather3A_1188 {offsets = [5], sizes = [1], strides = [1]} : vector<16xf32> to vector<1xf32>
        %squeeze3A_1692 = vector.extract %slice3A_1691[0] : f32 from vector<1xf32>
        %get3A_1693 = arith.constant 5 : i32
        %get3A_1694 = arith.index_cast %get3A_1693 : i32 to index
        %get3A_1695 = arith.constant 0 : index
        %get3A_1696 = tpu.vector_load %arg10[%get3A_1694, %get3A_1695] {strides = array<i32>} : memref<11x64xf32, #tpu.memory_space<vmem>>, vector<16xf32>,
        %mul3A_1697 = vector.broadcast %squeeze3A_1692 : f32 to vector<16xf32>
        %mul3A_1698 = arith.mulf %mul3A_1697, %get3A_1696 : vector<16xf32>
        %add3A_1699 = arith.addf %add3A_1669, %mul3A_1698 : vector<16xf32>
        %get3A_1700 = arith.constant 5 : i32
        %get3A_1701 = arith.index_cast %get3A_1700 : i32 to index
        %get3A_1702 = arith.constant 16 : index
        %get3A_1703 = tpu.vector_load %arg10[%get3A_1701, %get3A_1702] {strides = array<i32>} : memref<11x64xf32, #tpu.memory_space<vmem>>, vector<16xf32>,
        %mul3A_1704 = vector.broadcast %squeeze3A_1692 : f32 to vector<16xf32>
        %mul3A_1705 = arith.mulf %mul3A_1704, %get3A_1703 : vector<16xf32>
        %add3A_1706 = arith.addf %add3A_1676, %mul3A_1705 : vector<16xf32>
        %get3A_1707 = arith.constant 5 : i32
        %get3A_1708 = arith.index_cast %get3A_1707 : i32 to index
        %get3A_1709 = arith.constant 32 : index
        %get3A_1710 = tpu.vector_load %arg10[%get3A_1708, %get3A_1709] {strides = array<i32>} : memref<11x64xf32, #tpu.memory_space<vmem>>, vector<16xf32>,
        %mul3A_1711 = vector.broadcast %squeeze3A_1692 : f32 to vector<16xf32>
        %mul3A_1712 = arith.mulf %mul3A_1711, %get3A_1710 : vector<16xf32>
        %add3A_1713 = arith.addf %add3A_1683, %mul3A_1712 : vector<16xf32>
        %get3A_1714 = arith.constant 5 : i32
        %get3A_1715 = arith.index_cast %get3A_1714 : i32 to index
        %get3A_1716 = arith.constant 48 : index
        %get3A_1717 = tpu.vector_load %arg10[%get3A_1715, %get3A_1716] {strides = array<i32>} : memref<11x64xf32, #tpu.memory_space<vmem>>, vector<16xf32>,
        %mul3A_1718 = vector.broadcast %squeeze3A_1692 : f32 to vector<16xf32>
        %mul3A_1719 = arith.mulf %mul3A_1718, %get3A_1717 : vector<16xf32>
        %add3A_1720 = arith.addf %add3A_1690, %mul3A_1719 : vector<16xf32>
        %slice3A_1721 = vector.extract_strided_slice %gather3A_1188 {offsets = [6], sizes = [1], strides = [1]} : vector<16xf32> to vector<1xf32>
        %squeeze3A_1722 = vector.extract %slice3A_1721[0] : f32 from vector<1xf32>
        %get3A_1723 = arith.constant 6 : i32
        %get3A_1724 = arith.index_cast %get3A_1723 : i32 to index
        %get3A_1725 = arith.constant 0 : index
        %get3A_1726 = tpu.vector_load %arg10[%get3A_1724, %get3A_1725] {strides = array<i32>} : memref<11x64xf32, #tpu.memory_space<vmem>>, vector<16xf32>,
        %mul3A_1727 = vector.broadcast %squeeze3A_1722 : f32 to vector<16xf32>
        %mul3A_1728 = arith.mulf %mul3A_1727, %get3A_1726 : vector<16xf32>
        %add3A_1729 = arith.addf %add3A_1699, %mul3A_1728 : vector<16xf32>
        %get3A_1730 = arith.constant 6 : i32
        %get3A_1731 = arith.index_cast %get3A_1730 : i32 to index
        %get3A_1732 = arith.constant 16 : index
        %get3A_1733 = tpu.vector_load %arg10[%get3A_1731, %get3A_1732] {strides = array<i32>} : memref<11x64xf32, #tpu.memory_space<vmem>>, vector<16xf32>,
        %mul3A_1734 = vector.broadcast %squeeze3A_1722 : f32 to vector<16xf32>
        %mul3A_1735 = arith.mulf %mul3A_1734, %get3A_1733 : vector<16xf32>
        %add3A_1736 = arith.addf %add3A_1706, %mul3A_1735 : vector<16xf32>
        %get3A_1737 = arith.constant 6 : i32
        %get3A_1738 = arith.index_cast %get3A_1737 : i32 to index
        %get3A_1739 = arith.constant 32 : index
        %get3A_1740 = tpu.vector_load %arg10[%get3A_1738, %get3A_1739] {strides = array<i32>} : memref<11x64xf32, #tpu.memory_space<vmem>>, vector<16xf32>,
        %mul3A_1741 = vector.broadcast %squeeze3A_1722 : f32 to vector<16xf32>
        %mul3A_1742 = arith.mulf %mul3A_1741, %get3A_1740 : vector<16xf32>
        %add3A_1743 = arith.addf %add3A_1713, %mul3A_1742 : vector<16xf32>
        %get3A_1744 = arith.constant 6 : i32
        %get3A_1745 = arith.index_cast %get3A_1744 : i32 to index
        %get3A_1746 = arith.constant 48 : index
        %get3A_1747 = tpu.vector_load %arg10[%get3A_1745, %get3A_1746] {strides = array<i32>} : memref<11x64xf32, #tpu.memory_space<vmem>>, vector<16xf32>,
        %mul3A_1748 = vector.broadcast %squeeze3A_1722 : f32 to vector<16xf32>
        %mul3A_1749 = arith.mulf %mul3A_1748, %get3A_1747 : vector<16xf32>
        %add3A_1750 = arith.addf %add3A_1720, %mul3A_1749 : vector<16xf32>
        %slice3A_1751 = vector.extract_strided_slice %gather3A_1188 {offsets = [7], sizes = [1], strides = [1]} : vector<16xf32> to vector<1xf32>
        %squeeze3A_1752 = vector.extract %slice3A_1751[0] : f32 from vector<1xf32>
        %get3A_1753 = arith.constant 7 : i32
        %get3A_1754 = arith.index_cast %get3A_1753 : i32 to index
        %get3A_1755 = arith.constant 0 : index
        %get3A_1756 = tpu.vector_load %arg10[%get3A_1754, %get3A_1755] {strides = array<i32>} : memref<11x64xf32, #tpu.memory_space<vmem>>, vector<16xf32>,
        %mul3A_1757 = vector.broadcast %squeeze3A_1752 : f32 to vector<16xf32>
        %mul3A_1758 = arith.mulf %mul3A_1757, %get3A_1756 : vector<16xf32>
        %add3A_1759 = arith.addf %add3A_1729, %mul3A_1758 : vector<16xf32>
        %get3A_1760 = arith.constant 7 : i32
        %get3A_1761 = arith.index_cast %get3A_1760 : i32 to index
        %get3A_1762 = arith.constant 16 : index
        %get3A_1763 = tpu.vector_load %arg10[%get3A_1761, %get3A_1762] {strides = array<i32>} : memref<11x64xf32, #tpu.memory_space<vmem>>, vector<16xf32>,
        %mul3A_1764 = vector.broadcast %squeeze3A_1752 : f32 to vector<16xf32>
        %mul3A_1765 = arith.mulf %mul3A_1764, %get3A_1763 : vector<16xf32>
        %add3A_1766 = arith.addf %add3A_1736, %mul3A_1765 : vector<16xf32>
        %get3A_1767 = arith.constant 7 : i32
        %get3A_1768 = arith.index_cast %get3A_1767 : i32 to index
        %get3A_1769 = arith.constant 32 : index
        %get3A_1770 = tpu.vector_load %arg10[%get3A_1768, %get3A_1769] {strides = array<i32>} : memref<11x64xf32, #tpu.memory_space<vmem>>, vector<16xf32>,
        %mul3A_1771 = vector.broadcast %squeeze3A_1752 : f32 to vector<16xf32>
        %mul3A_1772 = arith.mulf %mul3A_1771, %get3A_1770 : vector<16xf32>
        %add3A_1773 = arith.addf %add3A_1743, %mul3A_1772 : vector<16xf32>
        %get3A_1774 = arith.constant 7 : i32
        %get3A_1775 = arith.index_cast %get3A_1774 : i32 to index
        %get3A_1776 = arith.constant 48 : index
        %get3A_1777 = tpu.vector_load %arg10[%get3A_1775, %get3A_1776] {strides = array<i32>} : memref<11x64xf32, #tpu.memory_space<vmem>>, vector<16xf32>,
        %mul3A_1778 = vector.broadcast %squeeze3A_1752 : f32 to vector<16xf32>
        %mul3A_1779 = arith.mulf %mul3A_1778, %get3A_1777 : vector<16xf32>
        %add3A_1780 = arith.addf %add3A_1750, %mul3A_1779 : vector<16xf32>
        %slice3A_1781 = vector.extract_strided_slice %gather3A_1188 {offsets = [8], sizes = [1], strides = [1]} : vector<16xf32> to vector<1xf32>
        %squeeze3A_1782 = vector.extract %slice3A_1781[0] : f32 from vector<1xf32>
        %get3A_1783 = arith.constant 8 : i32
        %get3A_1784 = arith.index_cast %get3A_1783 : i32 to index
        %get3A_1785 = arith.constant 0 : index
        %get3A_1786 = tpu.vector_load %arg10[%get3A_1784, %get3A_1785] {strides = array<i32>} : memref<11x64xf32, #tpu.memory_space<vmem>>, vector<16xf32>,
        %mul3A_1787 = vector.broadcast %squeeze3A_1782 : f32 to vector<16xf32>
        %mul3A_1788 = arith.mulf %mul3A_1787, %get3A_1786 : vector<16xf32>
        %add3A_1789 = arith.addf %add3A_1759, %mul3A_1788 : vector<16xf32>
        %get3A_1790 = arith.constant 8 : i32
        %get3A_1791 = arith.index_cast %get3A_1790 : i32 to index
        %get3A_1792 = arith.constant 16 : index
        %get3A_1793 = tpu.vector_load %arg10[%get3A_1791, %get3A_1792] {strides = array<i32>} : memref<11x64xf32, #tpu.memory_space<vmem>>, vector<16xf32>,
        %mul3A_1794 = vector.broadcast %squeeze3A_1782 : f32 to vector<16xf32>
        %mul3A_1795 = arith.mulf %mul3A_1794, %get3A_1793 : vector<16xf32>
        %add3A_1796 = arith.addf %add3A_1766, %mul3A_1795 : vector<16xf32>
        %get3A_1797 = arith.constant 8 : i32
        %get3A_1798 = arith.index_cast %get3A_1797 : i32 to index
        %get3A_1799 = arith.constant 32 : index
        %get3A_1800 = tpu.vector_load %arg10[%get3A_1798, %get3A_1799] {strides = array<i32>} : memref<11x64xf32, #tpu.memory_space<vmem>>, vector<16xf32>,
        %mul3A_1801 = vector.broadcast %squeeze3A_1782 : f32 to vector<16xf32>
        %mul3A_1802 = arith.mulf %mul3A_1801, %get3A_1800 : vector<16xf32>
        %add3A_1803 = arith.addf %add3A_1773, %mul3A_1802 : vector<16xf32>
        %get3A_1804 = arith.constant 8 : i32
        %get3A_1805 = arith.index_cast %get3A_1804 : i32 to index
        %get3A_1806 = arith.constant 48 : index
        %get3A_1807 = tpu.vector_load %arg10[%get3A_1805, %get3A_1806] {strides = array<i32>} : memref<11x64xf32, #tpu.memory_space<vmem>>, vector<16xf32>,
        %mul3A_1808 = vector.broadcast %squeeze3A_1782 : f32 to vector<16xf32>
        %mul3A_1809 = arith.mulf %mul3A_1808, %get3A_1807 : vector<16xf32>
        %add3A_1810 = arith.addf %add3A_1780, %mul3A_1809 : vector<16xf32>
        %slice3A_1811 = vector.extract_strided_slice %gather3A_1188 {offsets = [9], sizes = [1], strides = [1]} : vector<16xf32> to vector<1xf32>
        %squeeze3A_1812 = vector.extract %slice3A_1811[0] : f32 from vector<1xf32>
        %get3A_1813 = arith.constant 9 : i32
        %get3A_1814 = arith.index_cast %get3A_1813 : i32 to index
        %get3A_1815 = arith.constant 0 : index
        %get3A_1816 = tpu.vector_load %arg10[%get3A_1814, %get3A_1815] {strides = array<i32>} : memref<11x64xf32, #tpu.memory_space<vmem>>, vector<16xf32>,
        %mul3A_1817 = vector.broadcast %squeeze3A_1812 : f32 to vector<16xf32>
        %mul3A_1818 = arith.mulf %mul3A_1817, %get3A_1816 : vector<16xf32>
        %add3A_1819 = arith.addf %add3A_1789, %mul3A_1818 : vector<16xf32>
        %get3A_1820 = arith.constant 9 : i32
        %get3A_1821 = arith.index_cast %get3A_1820 : i32 to index
        %get3A_1822 = arith.constant 16 : index
        %get3A_1823 = tpu.vector_load %arg10[%get3A_1821, %get3A_1822] {strides = array<i32>} : memref<11x64xf32, #tpu.memory_space<vmem>>, vector<16xf32>,
        %mul3A_1824 = vector.broadcast %squeeze3A_1812 : f32 to vector<16xf32>
        %mul3A_1825 = arith.mulf %mul3A_1824, %get3A_1823 : vector<16xf32>
        %add3A_1826 = arith.addf %add3A_1796, %mul3A_1825 : vector<16xf32>
        %get3A_1827 = arith.constant 9 : i32
        %get3A_1828 = arith.index_cast %get3A_1827 : i32 to index
        %get3A_1829 = arith.constant 32 : index
        %get3A_1830 = tpu.vector_load %arg10[%get3A_1828, %get3A_1829] {strides = array<i32>} : memref<11x64xf32, #tpu.memory_space<vmem>>, vector<16xf32>,
        %mul3A_1831 = vector.broadcast %squeeze3A_1812 : f32 to vector<16xf32>
        %mul3A_1832 = arith.mulf %mul3A_1831, %get3A_1830 : vector<16xf32>
        %add3A_1833 = arith.addf %add3A_1803, %mul3A_1832 : vector<16xf32>
        %get3A_1834 = arith.constant 9 : i32
        %get3A_1835 = arith.index_cast %get3A_1834 : i32 to index
        %get3A_1836 = arith.constant 48 : index
        %get3A_1837 = tpu.vector_load %arg10[%get3A_1835, %get3A_1836] {strides = array<i32>} : memref<11x64xf32, #tpu.memory_space<vmem>>, vector<16xf32>,
        %mul3A_1838 = vector.broadcast %squeeze3A_1812 : f32 to vector<16xf32>
        %mul3A_1839 = arith.mulf %mul3A_1838, %get3A_1837 : vector<16xf32>
        %add3A_1840 = arith.addf %add3A_1810, %mul3A_1839 : vector<16xf32>
        %slice3A_1841 = vector.extract_strided_slice %gather3A_1188 {offsets = [10], sizes = [1], strides = [1]} : vector<16xf32> to vector<1xf32>
        %squeeze3A_1842 = vector.extract %slice3A_1841[0] : f32 from vector<1xf32>
        %get3A_1843 = arith.constant 10 : i32
        %get3A_1844 = arith.index_cast %get3A_1843 : i32 to index
        %get3A_1845 = arith.constant 0 : index
        %get3A_1846 = tpu.vector_load %arg10[%get3A_1844, %get3A_1845] {strides = array<i32>} : memref<11x64xf32, #tpu.memory_space<vmem>>, vector<16xf32>,
        %mul3A_1847 = vector.broadcast %squeeze3A_1842 : f32 to vector<16xf32>
        %mul3A_1848 = arith.mulf %mul3A_1847, %get3A_1846 : vector<16xf32>
        %add3A_1849 = arith.addf %add3A_1819, %mul3A_1848 : vector<16xf32>
        %get3A_1850 = arith.constant 10 : i32
        %get3A_1851 = arith.index_cast %get3A_1850 : i32 to index
        %get3A_1852 = arith.constant 16 : index
        %get3A_1853 = tpu.vector_load %arg10[%get3A_1851, %get3A_1852] {strides = array<i32>} : memref<11x64xf32, #tpu.memory_space<vmem>>, vector<16xf32>,
        %mul3A_1854 = vector.broadcast %squeeze3A_1842 : f32 to vector<16xf32>
        %mul3A_1855 = arith.mulf %mul3A_1854, %get3A_1853 : vector<16xf32>
        %add3A_1856 = arith.addf %add3A_1826, %mul3A_1855 : vector<16xf32>
        %get3A_1857 = arith.constant 10 : i32
        %get3A_1858 = arith.index_cast %get3A_1857 : i32 to index
        %get3A_1859 = arith.constant 32 : index
        %get3A_1860 = tpu.vector_load %arg10[%get3A_1858, %get3A_1859] {strides = array<i32>} : memref<11x64xf32, #tpu.memory_space<vmem>>, vector<16xf32>,
        %mul3A_1861 = vector.broadcast %squeeze3A_1842 : f32 to vector<16xf32>
        %mul3A_1862 = arith.mulf %mul3A_1861, %get3A_1860 : vector<16xf32>
        %add3A_1863 = arith.addf %add3A_1833, %mul3A_1862 : vector<16xf32>
        %get3A_1864 = arith.constant 10 : i32
        %get3A_1865 = arith.index_cast %get3A_1864 : i32 to index
        %get3A_1866 = arith.constant 48 : index
        %get3A_1867 = tpu.vector_load %arg10[%get3A_1865, %get3A_1866] {strides = array<i32>} : memref<11x64xf32, #tpu.memory_space<vmem>>, vector<16xf32>,
        %mul3A_1868 = vector.broadcast %squeeze3A_1842 : f32 to vector<16xf32>
        %mul3A_1869 = arith.mulf %mul3A_1868, %get3A_1867 : vector<16xf32>
        %add3A_1870 = arith.addf %add3A_1840, %mul3A_1869 : vector<16xf32>
        %swap3A_1871 = arith.constant 1 : i32
        %swap3A_1872 = arith.index_cast %swap3A_1871 : i32 to index
        %swap3A_1873 = arith.index_cast %scan3A_1182 : i32 to index
        %swap3A_1874 = arith.constant 0 : index
        %swap3A_1875 = tpu.vector_load %arg9[%swap3A_1872, %swap3A_1873, %swap3A_1874] {strides = array<i32>} : memref<2x32x128xf32, #tpu.memory_space<vmem>>, vector<16xf32>,
        tpu.vector_store %arg9[%swap3A_1872, %swap3A_1873, %swap3A_1874], %add3A_1520 {strides = array<i32>} : memref<2x32x128xf32, #tpu.memory_space<vmem>>, vector<16xf32>,
        %swap3A_1876 = arith.constant 1 : i32
        %swap3A_1877 = arith.index_cast %swap3A_1876 : i32 to index
        %swap3A_1878 = arith.index_cast %scan3A_1182 : i32 to index
        %swap3A_1879 = arith.constant 64 : index
        %swap3A_1880 = tpu.vector_load %arg9[%swap3A_1877, %swap3A_1878, %swap3A_1879] {strides = array<i32>} : memref<2x32x128xf32, #tpu.memory_space<vmem>>, vector<16xf32>,
        tpu.vector_store %arg9[%swap3A_1877, %swap3A_1878, %swap3A_1879], %add3A_1849 {strides = array<i32>} : memref<2x32x128xf32, #tpu.memory_space<vmem>>, vector<16xf32>,
        %swap3A_1881 = arith.constant 1 : i32
        %swap3A_1882 = arith.index_cast %swap3A_1881 : i32 to index
        %swap3A_1883 = arith.index_cast %scan3A_1182 : i32 to index
        %swap3A_1884 = arith.constant 16 : index
        %swap3A_1885 = tpu.vector_load %arg9[%swap3A_1882, %swap3A_1883, %swap3A_1884] {strides = array<i32>} : memref<2x32x128xf32, #tpu.memory_space<vmem>>, vector<16xf32>,
        tpu.vector_store %arg9[%swap3A_1882, %swap3A_1883, %swap3A_1884], %add3A_1528 {strides = array<i32>} : memref<2x32x128xf32, #tpu.memory_space<vmem>>, vector<16xf32>,
        %swap3A_1886 = arith.constant 1 : i32
        %swap3A_1887 = arith.index_cast %swap3A_1886 : i32 to index
        %swap3A_1888 = arith.index_cast %scan3A_1182 : i32 to index
        %swap3A_1889 = arith.constant 80 : index
        %swap3A_1890 = tpu.vector_load %arg9[%swap3A_1887, %swap3A_1888, %swap3A_1889] {strides = array<i32>} : memref<2x32x128xf32, #tpu.memory_space<vmem>>, vector<16xf32>,
        tpu.vector_store %arg9[%swap3A_1887, %swap3A_1888, %swap3A_1889], %add3A_1856 {strides = array<i32>} : memref<2x32x128xf32, #tpu.memory_space<vmem>>, vector<16xf32>,
        %swap3A_1891 = arith.constant 1 : i32
        %swap3A_1892 = arith.index_cast %swap3A_1891 : i32 to index
        %swap3A_1893 = arith.index_cast %scan3A_1182 : i32 to index
        %swap3A_1894 = arith.constant 32 : index
        %swap3A_1895 = tpu.vector_load %arg9[%swap3A_1892, %swap3A_1893, %swap3A_1894] {strides = array<i32>} : memref<2x32x128xf32, #tpu.memory_space<vmem>>, vector<16xf32>,
        tpu.vector_store %arg9[%swap3A_1892, %swap3A_1893, %swap3A_1894], %add3A_1536 {strides = array<i32>} : memref<2x32x128xf32, #tpu.memory_space<vmem>>, vector<16xf32>,
        %swap3A_1896 = arith.constant 1 : i32
        %swap3A_1897 = arith.index_cast %swap3A_1896 : i32 to index
        %swap3A_1898 = arith.index_cast %scan3A_1182 : i32 to index
        %swap3A_1899 = arith.constant 96 : index
        %swap3A_1900 = tpu.vector_load %arg9[%swap3A_1897, %swap3A_1898, %swap3A_1899] {strides = array<i32>} : memref<2x32x128xf32, #tpu.memory_space<vmem>>, vector<16xf32>,
        tpu.vector_store %arg9[%swap3A_1897, %swap3A_1898, %swap3A_1899], %add3A_1863 {strides = array<i32>} : memref<2x32x128xf32, #tpu.memory_space<vmem>>, vector<16xf32>,
        %swap3A_1901 = arith.constant 1 : i32
        %swap3A_1902 = arith.index_cast %swap3A_1901 : i32 to index
        %swap3A_1903 = arith.index_cast %scan3A_1182 : i32 to index
        %swap3A_1904 = arith.constant 48 : index
        %swap3A_1905 = tpu.vector_load %arg9[%swap3A_1902, %swap3A_1903, %swap3A_1904] {strides = array<i32>} : memref<2x32x128xf32, #tpu.memory_space<vmem>>, vector<16xf32>,
        tpu.vector_store %arg9[%swap3A_1902, %swap3A_1903, %swap3A_1904], %add3A_1544 {strides = array<i32>} : memref<2x32x128xf32, #tpu.memory_space<vmem>>, vector<16xf32>,
        %swap3A_1906 = arith.constant 1 : i32
        %swap3A_1907 = arith.index_cast %swap3A_1906 : i32 to index
        %swap3A_1908 = arith.index_cast %scan3A_1182 : i32 to index
        %swap3A_1909 = arith.constant 112 : index
        %swap3A_1910 = tpu.vector_load %arg9[%swap3A_1907, %swap3A_1908, %swap3A_1909] {strides = array<i32>} : memref<2x32x128xf32, #tpu.memory_space<vmem>>, vector<16xf32>,
        tpu.vector_store %arg9[%swap3A_1907, %swap3A_1908, %swap3A_1909], %add3A_1870 {strides = array<i32>} : memref<2x32x128xf32, #tpu.memory_space<vmem>>, vector<16xf32>,
      }
      %scan3A_441 = arith.constant 32 : i32
      %mul3A_442 = arith.constant 32 : i32
      %mul3A_443 = arith.muli %add3A_132, %mul3A_442 : i32
      %add3A_444 = arith.addi %mul3A_2, %mul3A_443 : i32
      %dma_start3A_445 = arith.constant 1 : i32
      %dma_start3A_446 = arith.constant 0 : i32
      %dma_start3A_447 = arith.constant 0 : i32
      %dma_start3A_448 = tpu.memref_slice %arg9[%dma_start3A_445, %dma_start3A_446, %dma_start3A_447] : memref<2x32x128xf32, #tpu.memory_space<vmem>> -> memref<1x32x128xf32, #tpu.memory_space<vmem>>
      %dma_start3A_449 = tpu.memref_squeeze %dma_start3A_448 : memref<1x32x128xf32, #tpu.memory_space<vmem>> -> memref<32x128xf32, #tpu.memory_space<vmem>>
      %dma_start3A_450 = arith.constant 0 : i32
      %dma_start3A_451 = tpu.memref_slice %arg5[%add3A_444, %dma_start3A_450] : memref<16384x128xf32, #tpu.memory_space<hbm>> -> memref<32x128xf32, #tpu.memory_space<hbm>>
      %dma_start3A_452 = arith.constant 0 : i32
      %dma_start3A_453 = tpu.memref_slice %arg5[%add3A_444, %dma_start3A_452] : memref<16384x128xf32, #tpu.memory_space<hbm>> -> memref<32x128xf32, #tpu.memory_space<hbm>>
      %dma_start3A_454 = arith.constant 0 : i32
      %dma_start3A_455 = arith.constant 0 : i32
      %dma_start3A_456 = tpu.memref_slice %arg9[%dma_start3A_445, %dma_start3A_454, %dma_start3A_455] : memref<2x32x128xf32, #tpu.memory_space<vmem>> -> memref<1x32x128xf32, #tpu.memory_space<vmem>>
      %dma_start3A_457 = tpu.memref_squeeze %dma_start3A_456 : memref<1x32x128xf32, #tpu.memory_space<vmem>> -> memref<32x128xf32, #tpu.memory_space<vmem>>
      tpu.enqueue_dma source(%dma_start3A_457 : memref<32x128xf32, #tpu.memory_space<vmem>>) target(%dma_start3A_453 : memref<32x128xf32, #tpu.memory_space<hbm>>) target_semaphore(%arg14 : memref<!tpu.dma_semaphore, #tpu.memory_space<semaphore_mem>>)
    }
    %scan3A_98 = arith.constant 8 : i32
    %add3A_99 = arith.constant 448 : i32
    %add3A_100 = arith.addi %mul3A_2, %add3A_99 : i32
    %dma_wait3A = arith.constant 0 : i32
    %dma_wait3A_101 = arith.constant 0 : i32
    %dma_wait3A_102 = arith.constant 0 : i32
    %dma_wait3A_103 = tpu.memref_slice %arg9[%dma_wait3A, %dma_wait3A_101, %dma_wait3A_102] : memref<2x32x128xf32, #tpu.memory_space<vmem>> -> memref<1x32x128xf32, #tpu.memory_space<vmem>>
    %dma_wait3A_104 = tpu.memref_squeeze %dma_wait3A_103 : memref<1x32x128xf32, #tpu.memory_space<vmem>> -> memref<32x128xf32, #tpu.memory_space<vmem>>
    %dma_wait3A_105 = arith.constant 0 : i32
    %dma_wait3A_106 = tpu.memref_slice %arg5[%add3A_100, %dma_wait3A_105] : memref<16384x128xf32, #tpu.memory_space<hbm>> -> memref<32x128xf32, #tpu.memory_space<hbm>>
    %dma_wait3A_107 = arith.constant 0 : i32
    %dma_wait3A_108 = tpu.memref_slice %arg5[%add3A_100, %dma_wait3A_107] : memref<16384x128xf32, #tpu.memory_space<hbm>> -> memref<32x128xf32, #tpu.memory_space<hbm>>
    %dma_wait3A_109 = arith.constant 0 : i32
    %dma_wait3A_110 = arith.constant 0 : i32
    %dma_wait3A_111 = tpu.memref_slice %arg9[%dma_wait3A, %dma_wait3A_109, %dma_wait3A_110] : memref<2x32x128xf32, #tpu.memory_space<vmem>> -> memref<1x32x128xf32, #tpu.memory_space<vmem>>
    %dma_wait3A_112 = tpu.memref_squeeze %dma_wait3A_111 : memref<1x32x128xf32, #tpu.memory_space<vmem>> -> memref<32x128xf32, #tpu.memory_space<vmem>>
    tpu.wait_dma2 semaphore(%arg13 : memref<!tpu.dma_semaphore, #tpu.memory_space<semaphore_mem>>) src(%dma_wait3A_112 : memref<32x128xf32, #tpu.memory_space<vmem>>) dst(%dma_wait3A_108 : memref<32x128xf32, #tpu.memory_space<hbm>>)
    %add3A_113 = arith.constant 480 : i32
    %add3A_114 = arith.addi %mul3A_2, %add3A_113 : i32
    %dma_wait3A_115 = arith.constant 1 : i32
    %dma_wait3A_116 = arith.constant 0 : i32
    %dma_wait3A_117 = arith.constant 0 : i32
    %dma_wait3A_118 = tpu.memref_slice %arg9[%dma_wait3A_115, %dma_wait3A_116, %dma_wait3A_117] : memref<2x32x128xf32, #tpu.memory_space<vmem>> -> memref<1x32x128xf32, #tpu.memory_space<vmem>>
    %dma_wait3A_119 = tpu.memref_squeeze %dma_wait3A_118 : memref<1x32x128xf32, #tpu.memory_space<vmem>> -> memref<32x128xf32, #tpu.memory_space<vmem>>
    %dma_wait3A_120 = arith.constant 0 : i32
    %dma_wait3A_121 = tpu.memref_slice %arg5[%add3A_114, %dma_wait3A_120] : memref<16384x128xf32, #tpu.memory_space<hbm>> -> memref<32x128xf32, #tpu.memory_space<hbm>>
    %dma_wait3A_122 = arith.constant 0 : i32
    %dma_wait3A_123 = tpu.memref_slice %arg5[%add3A_114, %dma_wait3A_122] : memref<16384x128xf32, #tpu.memory_space<hbm>> -> memref<32x128xf32, #tpu.memory_space<hbm>>
    %dma_wait3A_124 = arith.constant 0 : i32
    %dma_wait3A_125 = arith.constant 0 : i32
    %dma_wait3A_126 = tpu.memref_slice %arg9[%dma_wait3A_115, %dma_wait3A_124, %dma_wait3A_125] : memref<2x32x128xf32, #tpu.memory_space<vmem>> -> memref<1x32x128xf32, #tpu.memory_space<vmem>>
    %dma_wait3A_127 = tpu.memref_squeeze %dma_wait3A_126 : memref<1x32x128xf32, #tpu.memory_space<vmem>> -> memref<32x128xf32, #tpu.memory_space<vmem>>
    tpu.wait_dma2 semaphore(%arg14 : memref<!tpu.dma_semaphore, #tpu.memory_space<semaphore_mem>>) src(%dma_wait3A_127 : memref<32x128xf32, #tpu.memory_space<vmem>>) dst(%dma_wait3A_123 : memref<32x128xf32, #tpu.memory_space<hbm>>)
    return
  }
}

</mosaic_0001>

<sc_bundles>
// kernel: kernel.3.cloned.1.call-start
scs
__scs_entry_jumppad:
0x0: {  	(pc) =	sbr.rel $0x88, $3  }
0x1: {  	(tag) =	ssettag $0x0;
	lr =	simm.s32 $0x1  }
0x2: {  	[smem:$0x3F9E] =	sst lr;
	_ =	strace $0xD0000000  }
0x3: {  	_ = 	snop  }
0x4: {  	_ = 	snop  }
0x5: {  	_ = 	snop  }
0x6: {  	_ = 	snop  }
0x7: {  	_ = 	snop  }
__scs_overlays_trampoline_lowered:
0x8: {  	[smem:$0x3FAD] =	sst s0  }
0x9: {  	[smem:$0x3FAE] =	sst s1  }
0xa: {  	[smem:$0x3FAF] =	sst s2  }
0xb: {  	[smem:$0x3FB0] =	sst s3  }
0xc: {  	[smem:$0x3FB1] =	sst s4  }
0xd: {  	[smem:$0x3FB2] =	sst s5  }
0xe: {  	[smem:$0x3FB3] =	sst s6  }
0xf: {  	[smem:$0x3FB4] =	sst s7  }
0x10: {  	[smem:$0x3FB5] =	sst s8  }
0x11: {  	[smem:$0x3FB6] =	sst s9;
	s0 =	simm.s32 @!p0 $0x0  }
0x12: {  	s1 =	sld [smem:$0x3F9C];
	s0 =	simm.s32 @p0 $0x1  }
0x13: {  	[smem:$0x3FB7] =	sst s0;
	s0 =	simm.s32 @!p1 $0x0  }
0x14: {  	s2 =	sld [smem:$0x3F9B];
	s0 =	simm.s32 @p1 $0x1  }
0x15: {  	[smem:$0x3FB8] =	sst s0;
	s0 =	simm.s32 @!p2 $0x0  }
0x16: {  	s3 =	sld [smem:$0x3FDB];
	s0 =	simm.s32 @p2 $0x1  }
0x17: {  	s4 =	simm.s32 $0x1BF5;
	[smem:$0x3FBA] =	sst s0  }
0x18: {  	s0 =	sld [smem:$0x3F9D];
	_ =	swait.ge [sflag:s4], $0x0  }
0x19: {  	s7 =	sld [smem:$0x3F9E]  }
0x1a: {  	s8 =	sadd.s32 $0xFFFFE003, lr  }
0x1b: {  	s9 =	sadd.s32 $0xFFFFFEF7, lr;
	s5 =	simm.s32 $0xFFFFFFFF;
	p2 =	slt.u32 s8, $0xFFFFF086  }
0x1c: {  	p1 =	slt.u32 s9, $0xF7A;
	s5 =	simm.s32 @!p2 $0x0  }
0x1d: {  	s5 =	simm.s32 @p1 $0x1;
	p0 =	seq.s32 s7, s2  }
0x1e: {  	s7 =	smul.u32 @!p0 $0xF7A, s2;
	p2 =	seq.s32 @!p0 s5, $0x0  }
0x1f: {  	s9 =	smul.u32 $0xF7A, s1;
	s8 =	simm.s32 @!p0 $0x1BF5;
	p2 =	por !p2, p0  }
0x20: {  	[sflag:s8] =	ssyncset.s32 @!p0 $0xFFFFF086;
	s6 =	sadd.s32 @!p0 s3, s7;
	s7 =	simm.s32 @!p0 $0x108  }
0x21: {  	s3 =	sadd.s32 s3, s9;
	s6 =	sadd.s32 @!p0 $0x88, s6;
	s7 =	simm.s32 @p2 $0x1082  }
0x22: {  	[simem:s7], [sflag:s8] =	dma.local @!p0 [hbm:s6], $0xF7A  }
0x23: {  	s9 =	sor.u32 $0xD0000000, s2;
	s6 =	simm.s32 $0x108;
	_ =	swait.ge @!p0 [sflag:s8], $0x0  }
0x24: {  	s3 =	sadd.s32 $0x88, s3;
	s6 =	simm.s32 @!p1 $0x1082;
	[sflag:s4] =	ssyncset.s32 $0xFFFFF086  }
0x25: {  	[simem:s6], [sflag:s4] =	dma.local [hbm:s3], $0xF7A  }
0x26: {  	[smem:$0x3F9E] =	sst s1;
	(tag) =	ssettag s2;
	_ =	strace s9  }
0x27: {  	s1 =	sld [smem:$0x3FAE]  }
0x28: {  	s2 =	sld [smem:$0x3FAF]  }
0x29: {  	s4 =	sld [smem:$0x3FB1]  }
0x2a: {  	p0 =	seq.s32 s5, $0x0;
	s5 =	sld [smem:$0x3FB2]  }
0x2b: {  	s6 =	sld [smem:$0x3FB3]  }
0x2c: {  	s7 =	sld [smem:$0x3FB4]  }
0x2d: {  	s3 =	simm.s32 $0x108;
	s8 =	sld [smem:$0x3FB5]  }
0x2e: {  	s3 =	simm.s32 @!p0 $0x1082;
	s9 =	sld [smem:$0x3FB6]  }
0x2f: {  	lr =	sadd.s32 s0, s3;
	s0 =	sld [smem:$0x3FAD]  }
0x30: {  	s3 =	sld [smem:$0x3FB0]  }
0x31: {  	[smem:$0x3FB9] =	sst s10  }
0x32: {  	s10 =	sld [smem:$0x3FB7];
	_ =	sdelay $0x3  }
0x33: {  	p0 =	seq.s32 s10, $0x1;
	s10 =	sld [smem:$0x3FB9];
	_ =	sdelay $0x3  }
0x34: {  	[smem:$0x3FB9] =	sst s10  }
0x35: {  	s10 =	sld [smem:$0x3FB8];
	_ =	sdelay $0x3  }
0x36: {  	p1 =	seq.s32 s10, $0x1;
	s10 =	sld [smem:$0x3FB9];
	_ =	sdelay $0x3  }
0x37: {  	[smem:$0x3FB9] =	sst s10  }
0x38: {  	s10 =	sld [smem:$0x3FBA]  }
0x39: {  	_ = 	snop;
	(pc) =	sbr.ind lr, $3  }
0x3a: {  	_ = 	snop  }
0x3b: {  	_ = 	snop  }
0x3c: {  	p2 =	seq.s32 s10, $0x1;
	s10 =	sld [smem:$0x3FB9]  }
0x3d: {  	_ =	shalt  }
0x3e: {  	_ =	shalt  }
0x3f: {  	_ =	shalt  }
0x40: {  	_ =	shalt  }
0x41: {  	_ =	shalt  }
0x42: {  	_ =	shalt  }
0x43: {  	_ =	shalt  }
0x44: {  	_ =	shalt  }
0x45: {  	_ =	shalt  }
0x46: {  	_ =	shalt  }
0x47: {  	_ =	shalt  }
0x48: {  	_ =	shalt  }
0x49: {  	_ =	shalt  }
0x4a: {  	_ =	shalt  }
0x4b: {  	_ =	shalt  }
0x4c: {  	_ =	shalt  }
0x4d: {  	_ =	shalt  }
0x4e: {  	_ =	shalt  }
0x4f: {  	_ =	shalt  }
0x50: {  	_ =	shalt  }
0x51: {  	_ =	shalt  }
0x52: {  	_ =	shalt  }
0x53: {  	_ =	shalt  }
0x54: {  	_ =	shalt  }
0x55: {  	_ =	shalt  }
0x56: {  	_ =	shalt  }
0x57: {  	_ =	shalt  }
0x58: {  	_ =	shalt  }
0x59: {  	_ =	shalt  }
0x5a: {  	_ =	shalt  }
0x5b: {  	_ =	shalt  }
0x5c: {  	_ =	shalt  }
0x5d: {  	_ =	shalt  }
0x5e: {  	_ =	shalt  }
0x5f: {  	_ =	shalt  }
0x60: {  	_ =	shalt  }
0x61: {  	_ =	shalt  }
0x62: {  	_ =	shalt  }
0x63: {  	_ =	shalt  }
0x64: {  	_ =	shalt  }
0x65: {  	_ =	shalt  }
0x66: {  	_ =	shalt  }
0x67: {  	_ =	shalt  }
0x68: {  	_ =	shalt  }
0x69: {  	_ =	shalt  }
0x6a: {  	_ =	shalt  }
0x6b: {  	_ =	shalt  }
0x6c: {  	_ =	shalt  }
0x6d: {  	_ =	shalt  }
0x6e: {  	_ =	shalt  }
0x6f: {  	_ =	shalt  }
0x70: {  	_ =	shalt  }
0x71: {  	_ =	shalt  }
0x72: {  	_ =	shalt  }
0x73: {  	_ =	shalt  }
0x74: {  	_ =	shalt  }
0x75: {  	_ =	shalt  }
0x76: {  	_ =	shalt  }
0x77: {  	_ =	shalt  }
0x78: {  	_ =	shalt  }
0x79: {  	_ =	shalt  }
0x7a: {  	_ =	shalt  }
0x7b: {  	_ =	shalt  }
0x7c: {  	_ =	shalt  }
0x7d: {  	_ =	shalt  }
0x7e: {  	_ =	shalt  }
0x7f: {  	_ =	shalt  }
0x80: {  	_ =	shalt  }
0x81: {  	_ =	shalt  }
0x82: {  	_ =	shalt  }
0x83: {  	_ =	shalt  }
0x84: {  	_ =	shalt  }
0x85: {  	_ =	shalt  }
0x86: {  	_ =	shalt  }
0x87: {  	_ =	shalt  }
.Lfunc_end0:
.L_simem_size_0:
called_computation_lowered:
.L_overlay_start_0:
0x88: {  	s2 =	sld [smem:$0x3FD9]  }
0x89: {  	s3 =	sld [smem:$0x3FFE];
	_ =	sdelay $0x1  }
0x8a: {  	s1 =	srdreg.scid  }
0x8b: {  	s0 =	sand.u32 $0x1, s1  }
0x8c: {  	s17 =	sshll.u32 s0, $0xA;
	s2 =	sadd.s32 s3, s2  }
0x8d: {  	s2 =	sadd.s32 s2, s17  }
0x8e: {  	[smem:$0x3FC5] =	sst s2  }
0x8f: {  	_ = 	snop  }
0x90: {  	s2 =	sld [smem:$0x3FD0];
	(tm) =	ssettm $0x1  }
0x91: {  	s18 =	sld [smem:$0x3FFB];
	_ =	sdelay $0x3  }
0x92: {  	_ =	strace s18  }
0x93: {  	s3 =	sld [smem:$0x3FFC];
	_ =	sdelay $0x3  }
0x94: {  	_ =	strace s3  }
0x95: {  	s3 =	sld [smem:$0x3FFD];
	_ =	sdelay $0x3  }
0x96: {  	_ =	strace s3  }
0x97: {  	_ =	strace $0x8FFFFFFF  }
0x98: {  	s19 =	sld [smem:$0x3FDB];
	_ =	sdelay $0x1  }
0x99: {  	s4 =	simm.s32 $_scs_section_size  }
0x9a: {  	s5 =	simm.s32 $_size__tile_overlayer_lowered;
	s6 =	simm.s32 $_tile_overlayer_lowered  }
0x9b: {  	s22 =	simm.s32 $0x1BFF;
	s21 =	sshll.u32 s6, $0x1;
	s3 =	sadd.s32 s4, s19  }
0x9c: {  	s7 =	simm.s32 $0x0;
	s20 =	sshll.u32 s5, $0x1;
	s5 =	sadd.s32 s21, s3  }
0x9d: {  	[timem:s7], [sflag:s22] =	dma.local [hbm:s5], s20  }
0x9e: {  	_ =	swait.ge [sflag:s22], s20  }
0x9f: {  	s4 =	ssub.s32 $0x0, s20;
	[sflag:s22] =	ssyncset.done $0x0  }
0xa0: {  	[sflag:s22] =	ssyncadd.s32 s4;
	_ =	sdelay $0x1  }
0xa1: {  	s23 =	simm.s32 $0x1B8B  }
0xa2: {  	_ =	swait.ge [sflag:s23], $0x1  }
0xa3: {  	[sflag:s23] =	ssyncset.done $0x0  }
0xa4: {  	s25 =	simm.s32 $0x1B8E;
	s24 =	sld [smem:$0x3FFE];
	[sflag:s23] =	ssyncadd.s32 $0xFFFFFFFF  }
0xa5: {  	s26 =	simm.s32 $execute0_lowered;
	[smem:$0x3FD2] =	sst s25  }
0xa6: {  	s5 =	sshll.u32 s26, $0x1;
	_ =	strace $0x80000046;
	[dreg:$0x1] =	wrdreg $0xFFFFFFFF  }
0xa7: {  	s28 =	simm.s32 $_size_execute0_lowered;
	s3 =	sadd.s32 s3, s5;
	[dreg:$0x0] =	wrdreg $0x0  }
0xa8: {  	s5 =	sshll.u32 s28, $0x1;
	[dreg:$0x2] =	wrdreg s3  }
0xa9: {  	[dreg:$0x3] =	wrdreg s5  }
0xaa: {  	[dreg:$0x4] =	wrdreg $0xC0  }
0xab: {  	_ =	task [dreg:s7], $0x5FFFF  }
0xac: {  	[dreg:$0x1] =	wrdreg $0xFFFFFFFF  }
0xad: {  	[dreg:$0x0] =	wrdreg $0x60  }
0xae: {  	[dreg:$0x2] =	wrdreg s24  }
0xaf: {  	[dreg:$0x3] =	wrdreg s2  }
0xb0: {  	[dreg:$0x4] =	wrdreg $0x9  }
0xb1: {  	_ =	task.clear_ibuf [dreg:s7], $0x5FFFF;
	_ =	strace $0x90000046  }
0xb2: {  	s29 =	simm.s32 $0x9;
	_ =	strace $0x80000048  }
0xb3: {  	_ =	swait.ge [sflag:s29], $0x1  }
0xb4: {  	[sflag:s29] =	ssyncadd.s32 $0xFFFFFFFF  }
0xb5: {  	_ =	strace $0x90000048  }
0xb6: {  	_ =	sfence  }
0xb7: {  	s30 =	sld [smem:$0x0];
	_ =	sdelay $0x2  }
0xb8: {  	s31 =	sshll.u32 s1, $0xD;
	s1 =	sshrl.u32 s1, $0x2  }
0xb9: {  	s3 =	sand.u32 $0x4000, s31;
	s1 =	sadd.s32 s1, s30  }
0xba: {  	s0 =	sor.u32 s3, s0;
	s1 =	sshll.u32 s1, $0x11  }
0xbb: {  	s0 =	sor.u32 s1, s0  }
0xbc: {  	s0 =	sadd.s32 $0x8F2B, s0  }
0xbd: {  	[sflag:s0] =	ssyncadd.remote.s32 $0x1  }
0xbe: {  	_ =	sfence.sel $0xFFFF  }
0xbf: {  	[dreg:$0x0] =	wrdreg $0xFFFFFFFF;
	(pc) =	sbr.abs _section_cstart, $3  }
0xc0: {  	[dreg:$0x1] =	wrdreg $0xFFFFFFFF  }
0xc1: {  	_ =	task.clear_ibuf [dreg:s7], $0x2FFFF;
	_ =	strace $0x9FFFFFFF  }
0xc2: {  	(tm) =	ssettm $0x7FFFFFFF  }
0xc3: {  	_ =	shalt  }
tec
execute0_lowered:
.L_overlay_start_1:
0x0: {  	(tag) =	ssettag $0x1  }
0x1: {  	s0 =	srdreg.scid  }
0x2: {  	s1 =	rddreg [dreg:$0x0];
	s2 =	stileid.u32  }
0x3: {  	s6 =	rddreg [dreg:$0x1];
	s8 =	simm.s32 $0x5;
	s10 =	simm.s32 $0x40  }
0x4: {  	s13 =	simm.s32 $0x4040;
	s19 =	simm.s32 $0x4100;
	s20 =	simm.s32 $0xD400  }
0x5: {  	s21 =	simm.s32 $0xF400;
	s22 =	simm.s32 $0x11400;
	s23 =	simm.s32 $0x13400  }
0x6: {  	s24 =	simm.s32 $0x15400;
	s28 =	simm.s32 $0x19400;
	s29 =	simm.s32 $0x2  }
0x7: {  	s30 =	simm.s32 $0x1A400;
	s31 =	simm.s32 $0x3;
	s0 =	sand.u32 $0x1, s0  }
0x8: {  	s3 =	sshll.u32 s2, $0xA;
	s2 =	simm.s32 $0x0;
	s4 =	sshll.u32 s0, $0x9  }
0x9: {  	v1 =	vimm.s32 $0x17161514;
	v3 =	vimm.s32 $0x1B1A1918;
	[smem:$0x7FF] =	sst s2;
	s0 =	ssub.s32 $0x2, s0;
	s7 =	sor.u32 s4, s3  }
0xa: {  	v0 =	vlaneseq.u32;
	vm0 =	vcmask $0xF00;
	v1 =	vunpack.c.0.s8.s32 v1;
	_ =	strace $0x80000047;
	s4 =	sadd.s32 $0x10800, s1;
	s25 =	sshrl.u32 s0, $0x1  }
0xb: {  	v4 =	vimm.s32 $0x1F1E1D1C;
	vm14 =	vcmask $0x1F10;
	v3 =	vunpack.c.0.s8.s32 v3;
	s3 =	sshll.u32 s7, $0x2;
	s0 =	ssub.s32 s0, s25;
	s26 =	sshll.u32 s7, $0x4  }
0xc: {  	v2 =	vmul.u32 $0x2, v0;
	v4 =	vunpack.c.0.s8.s32 v4;
	v1 =	vnsel vm0, $0x1F, v1;
	s25 =	simm.s32 $0x17400;
	s5 =	sadd.s32 s3, s1;
	s3 =	sadd.s32 $0x187200, s1  }
0xd: {  	vm15 =	vcmask $0x2F20;
	v3 =	vsel vm14, v3, v1;
	s6 =	sadd.s32 s6, s26;
	s7 =	smax.u32 s0, $0x1;
	s26 =	simm.s32 $0x1  }
0xe: {  	v2 =	vor.u32 $0x1, v2;
	v1 =	vimm.s32 $0x0;
	v3 =	vsel vm15, v4, v3;
	s1 =	simm.s32 $0x4;
	s0 =	simm.s32 $0x0;
	s5 =	sadd.s32 $0x800, s5  }
.LBB2_1:
0xf: {  	v4 =	vor.u32 s2, v0  }
0x10: {  	v5 =	vmulhi.u32 $0xCCCCCCCD, v4;
	_ =	sdelay $0x1  }
0x11: {  	v5 =	vshrl.u32 v5, $0x3  }
0x12: {  	v6 =	vmul.u32 $0xFFFFFFF6, v5  }
0x13: {  	v7 =	vmov s2;
	v8 =	vsub.s32 $0x0, v4  }
0x14: {  	vm0 =	veq.s32 v7, v0;
	vm1 =	vne.s32 v6, v8  }
0x15: {  	vm0 =	vmand vm0, vm1  }
0x16: {  	v6 =	vsel vm0, $0xFFFFFFFF, v1  }
0x17: {  	v5 =	vadd.s32 v6, v5  }
0x18: {  	v6 =	vmul.u32 $0x7FFFFFF6, v5;
	_ =	sdelay $0x1  }
0x19: {  	v4 =	vadd.s32 v4, v6  }
0x1a: {  	[tilespmem:s2], [sflag:$0x5] =	stream.linear.gather [hbm4b:s5+s2], $0x4000, $0x38;
	v4 =	vshll.u32 v4, $0x1;
	[tilespmem:$0x1B6C0] =	vst v63  }
0x1b: {  	s9 =	simm.s32 $0x10;
	_ =	swait.ge [sflag:s8], $0x4000;
	v5 =	vshll.u32 v5, $0x5;
	v6 =	vand.u32 $0xFFFFFFF8, v4  }
0x1c: {  	[sflag:s8] =	ssyncset.done $0x0;
	v4 =	vand.u32 $0x6, v4;
	v5 =	vadd.s32 v5, v6;
	v6 =	vor.u32 s9, v0  }
0x1d: {  	s11 =	simm.s32 $0x1B400;
	[sflag:s8] =	ssyncadd.s32 $0xFFFFC000;
	v4 =	vor.u32 v4, v5;
	v5 =	vmulhi.u32 $0xCCCCCCCD, v6  }
0x1e: {  	[tilespmem:s11], [sflag:$0x5] =	stream.linear.gather [hbm4b:s4+s2], $0x2C0, $0x38;
	[tilespmem:$0x1B6C0] =	vst v63  }
0x1f: {  	_ =	swait.ge [sflag:s8], $0x2C0;
	v5 =	vshrl.u32 v5, $0x3  }
0x20: {  	[sflag:s8] =	ssyncset.done $0x0;
	v7 =	vmul.u32 $0x7FFFFFF6, v5  }
0x21: {  	[sflag:s8] =	ssyncadd.s32 $0xFFFFFD40  }
0x22: {  	v4 =	vld.idx.msk [tilespmem:v4+s2+$0x0], $0xffff;
	v6 =	vadd.s32 v6, v7  }
0x23: {  	v6 =	vshll.u32 v6, $0x1  }
0x24: {  	s12 =	simm.s32 $0x20;
	v5 =	vshll.u32 v5, $0x5;
	v7 =	vand.u32 $0xFFFFFFF8, v6  }
0x25: {  	v6 =	vand.u32 $0x6, v6;
	v5 =	vadd.s32 v5, v7;
	v7 =	vor.u32 s12, v0  }
0x26: {  	v5 =	vor.u32 v6, v5;
	v6 =	vmulhi.u32 $0xCCCCCCCD, v7  }
0x27: {  	v4 =	vtrunc.f32 v4  }
0x28: {  	v4 =	vcvt.f32.s32 v4;
	v6 =	vshrl.u32 v6, $0x3  }
0x29: {  	v8 =	vmul.u32 $0x7FFFFFF6, v6  }
0x2a: {  	[tilespmem:s13+$0xFFFFFFC0] =	vst v4  }
0x2b: {  	v4 =	vld.idx.msk [tilespmem:v5+s2+$0x0], $0xffff;
	v5 =	vadd.s32 v7, v8  }
0x2c: {  	v5 =	vshll.u32 v5, $0x1  }
0x2d: {  	s14 =	simm.s32 $0x30;
	v6 =	vshll.u32 v6, $0x5;
	v7 =	vand.u32 $0xFFFFFFF8, v5  }
0x2e: {  	v5 =	vand.u32 $0x6, v5;
	v6 =	vadd.s32 v6, v7;
	v7 =	vor.u32 s14, v0  }
0x2f: {  	v5 =	vor.u32 v5, v6;
	v6 =	vmulhi.u32 $0xCCCCCCCD, v7  }
0x30: {  	v4 =	vtrunc.f32 v4  }
0x31: {  	v4 =	vcvt.f32.s32 v4;
	v6 =	vshrl.u32 v6, $0x3  }
0x32: {  	v8 =	vmul.u32 $0x7FFFFFF6, v6  }
0x33: {  	[tilespmem:s13+$0xFFFFFFD0] =	vst v4  }
0x34: {  	v4 =	vld.idx.msk [tilespmem:v5+s2+$0x0], $0xffff;
	v5 =	vadd.s32 v7, v8  }
0x35: {  	v5 =	vshll.u32 v5, $0x1  }
0x36: {  	s15 =	simm.s32 $0x40;
	v6 =	vshll.u32 v6, $0x5;
	v7 =	vand.u32 $0xFFFFFFF8, v5  }
0x37: {  	v5 =	vand.u32 $0x6, v5;
	v6 =	vadd.s32 v6, v7;
	v7 =	vor.u32 s15, v0  }
0x38: {  	v5 =	vor.u32 v5, v6;
	v6 =	vmulhi.u32 $0xCCCCCCCD, v7  }
0x39: {  	v4 =	vtrunc.f32 v4  }
0x3a: {  	v4 =	vcvt.f32.s32 v4;
	v6 =	vshrl.u32 v6, $0x3  }
0x3b: {  	v8 =	vmul.u32 $0x7FFFFFF6, v6  }
0x3c: {  	[tilespmem:s13+$0xFFFFFFE0] =	vst v4  }
0x3d: {  	v4 =	vld.idx.msk [tilespmem:v5+s2+$0x0], $0xffff;
	v5 =	vadd.s32 v7, v8  }
0x3e: {  	v5 =	vshll.u32 v5, $0x1  }
0x3f: {  	s16 =	simm.s32 $0x50;
	v6 =	vshll.u32 v6, $0x5;
	v7 =	vand.u32 $0xFFFFFFF8, v5  }
0x40: {  	v5 =	vand.u32 $0x6, v5;
	v6 =	vadd.s32 v6, v7;
	v7 =	vor.u32 s16, v0  }
0x41: {  	v5 =	vor.u32 v5, v6;
	v6 =	vmulhi.u32 $0xCCCCCCCD, v7  }
0x42: {  	v4 =	vtrunc.f32 v4  }
0x43: {  	v4 =	vcvt.f32.s32 v4;
	v6 =	vshrl.u32 v6, $0x3  }
0x44: {  	v8 =	vmul.u32 $0x7FFFFFF6, v6  }
0x45: {  	[tilespmem:s13+$0xFFFFFFF0] =	vst v4  }
0x46: {  	v4 =	vld.idx.msk [tilespmem:v5+s2+$0x0], $0xffff;
	v5 =	vadd.s32 v7, v8  }
0x47: {  	v5 =	vshll.u32 v5, $0x1  }
0x48: {  	v6 =	vshll.u32 v6, $0x5;
	v7 =	vand.u32 $0xFFFFFFF8, v5  }
0x49: {  	s17 =	simm.s32 $0x60;
	v5 =	vand.u32 $0x6, v5;
	v6 =	vadd.s32 v6, v7  }
0x4a: {  	v5 =	vor.u32 v5, v6;
	v6 =	vor.u32 s17, v0  }
0x4b: {  	v4 =	vtrunc.f32 v4;
	v7 =	vmulhi.u32 $0xCCCCCCCD, v6  }
0x4c: {  	v4 =	vcvt.f32.s32 v4  }
0x4d: {  	v7 =	vshrl.u32 v7, $0x3  }
0x4e: {  	[tilespmem:s13+$0x0] =	vst v4;
	v4 =	vmul.u32 $0x7FFFFFF6, v7;
	_ =	sdelay $0x1  }
0x4f: {  	v5 =	vld.idx.msk [tilespmem:v5+s2+$0x0], $0xffff;
	v4 =	vadd.s32 v6, v4  }
0x50: {  	v6 =	vshll.u32 v4, $0x1  }
0x51: {  	v7 =	vshll.u32 v7, $0x5;
	v8 =	vand.u32 $0xFFFFFFF8, v6  }
0x52: {  	s18 =	simm.s32 $0x70;
	v6 =	vand.u32 $0x6, v6;
	v7 =	vadd.s32 v7, v8  }
0x53: {  	v4 =	vor.u32 s18, v0;
	v6 =	vor.u32 v6, v7  }
0x54: {  	v9 =	vmulhi.u32 $0xCCCCCCCD, v4;
	v5 =	vtrunc.f32 v5  }
0x55: {  	v7 =	vcvt.f32.s32 v5  }
0x56: {  	s11 =	simm.s32 $0x0;
	s9 =	simm.s32 $0x4040;
	s12 =	simm.s32 $0x80;
	v5 =	vshrl.u32 v9, $0x3  }
.LBB2_2:
0x57: {  	v8 =	vor.u32 s12, v0;
	s11 =	sadd.s32 $0x2, s11;
	[tilespmem:s9+$0x10] =	vst v7;
	v7 =	vmul.u32 $0x7FFFFFF6, v5  }
0x58: {  	v9 =	vmulhi.u32 $0xCCCCCCCD, v8;
	p0 =	slt.u32 s11, $0x4E;
	v6 =	vld.idx.msk [tilespmem:v6+s2+$0x0], $0xffff  }
0x59: {  	v4 =	vadd.s32 v4, v7  }
0x5a: {  	v7 =	vmov s12;
	v9 =	vshrl.u32 v9, $0x3;
	v4 =	vshll.u32 v4, $0x1  }
0x5b: {  	v5 =	vshll.u32 v5, $0x5;
	v10 =	vmul.u32 $0xFFFFFFF6, v9;
	v11 =	vand.u32 $0xFFFFFFF8, v4  }
0x5c: {  	v12 =	vsub.s32 $0x0, v8;
	v4 =	vand.u32 $0x6, v4;
	v5 =	vadd.s32 v5, v11  }
0x5d: {  	vm0 =	veq.s32 v7, v0;
	vm1 =	vne.s32 v10, v12;
	v4 =	vor.u32 v4, v5  }
0x5e: {  	v5 =	vtrunc.f32 v6;
	vm0 =	vmand vm0, vm1  }
0x5f: {  	v5 =	vcvt.f32.s32 v5;
	v6 =	vsel vm0, $0xFFFFFFFF, v1  }
0x60: {  	v6 =	vadd.s32 v6, v9  }
0x61: {  	v7 =	vmul.u32 $0x7FFFFFF6, v6;
	[tilespmem:s9+$0x20] =	vst v5  }
0x62: {  	v4 =	vld.idx.msk [tilespmem:v4+s2+$0x0], $0xffff  }
0x63: {  	v5 =	vadd.s32 v8, v7  }
0x64: {  	v5 =	vshll.u32 v5, $0x1  }
0x65: {  	v6 =	vshll.u32 v6, $0x5;
	v7 =	vand.u32 $0xFFFFFFF8, v5  }
0x66: {  	s14 =	sadd.s32 $0x10, s12;
	v5 =	vand.u32 $0x6, v5;
	v6 =	vadd.s32 v6, v7  }
0x67: {  	v5 =	vor.u32 v5, v6;
	v6 =	vor.u32 s14, v0  }
0x68: {  	v4 =	vtrunc.f32 v4;
	v7 =	vmulhi.u32 $0xCCCCCCCD, v6  }
0x69: {  	v4 =	vcvt.f32.s32 v4  }
0x6a: {  	v7 =	vshrl.u32 v7, $0x3  }
0x6b: {  	v8 =	vmul.u32 $0x7FFFFFF6, v7;
	[tilespmem:s9+$0x30] =	vst v4  }
0x6c: {  	v4 =	vld.idx.msk [tilespmem:v5+s2+$0x0], $0xffff  }
0x6d: {  	v5 =	vadd.s32 v6, v8  }
0x6e: {  	v5 =	vshll.u32 v5, $0x1  }
0x6f: {  	v7 =	vshll.u32 v7, $0x5;
	v6 =	vand.u32 $0xFFFFFFF8, v5  }
0x70: {  	s14 =	sadd.s32 $0x20, s12;
	v5 =	vand.u32 $0x6, v5;
	v6 =	vadd.s32 v7, v6  }
0x71: {  	v5 =	vor.u32 v5, v6;
	v6 =	vor.u32 s14, v0  }
0x72: {  	v4 =	vtrunc.f32 v4;
	v7 =	vmulhi.u32 $0xCCCCCCCD, v6  }
0x73: {  	v4 =	vcvt.f32.s32 v4  }
0x74: {  	s9 =	sadd.s32 $0x80, s9;
	v7 =	vshrl.u32 v7, $0x3  }
0x75: {  	[tilespmem:s9+$0xFFFFFFC0] =	vst v4;
	v4 =	vmul.u32 $0x7FFFFFF6, v7  }
0x76: {  	v5 =	vld.idx.msk [tilespmem:v5+s2+$0x0], $0xffff  }
0x77: {  	v4 =	vadd.s32 v6, v4  }
0x78: {  	v4 =	vshll.u32 v4, $0x1  }
0x79: {  	v7 =	vshll.u32 v7, $0x5;
	v6 =	vand.u32 $0xFFFFFFF8, v4  }
0x7a: {  	s14 =	sadd.s32 $0x30, s12;
	v4 =	vand.u32 $0x6, v4;
	v6 =	vadd.s32 v7, v6  }
0x7b: {  	v4 =	vor.u32 v4, v6;
	v6 =	vor.u32 s14, v0  }
0x7c: {  	v5 =	vtrunc.f32 v5;
	v7 =	vmulhi.u32 $0xCCCCCCCD, v6  }
0x7d: {  	v5 =	vcvt.f32.s32 v5  }
0x7e: {  	v7 =	vshrl.u32 v7, $0x3  }
0x7f: {  	[tilespmem:s9+$0xFFFFFFD0] =	vst v5;
	v5 =	vmul.u32 $0x7FFFFFF6, v7  }
0x80: {  	v4 =	vld.idx.msk [tilespmem:v4+s2+$0x0], $0xffff  }
0x81: {  	v5 =	vadd.s32 v6, v5  }
0x82: {  	v5 =	vshll.u32 v5, $0x1  }
0x83: {  	v7 =	vshll.u32 v7, $0x5;
	v6 =	vand.u32 $0xFFFFFFF8, v5  }
0x84: {  	s14 =	sadd.s32 $0x40, s12;
	v5 =	vand.u32 $0x6, v5;
	v6 =	vadd.s32 v7, v6  }
0x85: {  	v5 =	vor.u32 v5, v6;
	v6 =	vor.u32 s14, v0  }
0x86: {  	v4 =	vtrunc.f32 v4;
	v7 =	vmulhi.u32 $0xCCCCCCCD, v6  }
0x87: {  	v4 =	vcvt.f32.s32 v4  }
0x88: {  	v7 =	vshrl.u32 v7, $0x3  }
0x89: {  	[tilespmem:s9+$0xFFFFFFE0] =	vst v4;
	v4 =	vmul.u32 $0x7FFFFFF6, v7  }
0x8a: {  	v5 =	vld.idx.msk [tilespmem:v5+s2+$0x0], $0xffff  }
0x8b: {  	v4 =	vadd.s32 v6, v4  }
0x8c: {  	v4 =	vshll.u32 v4, $0x1  }
0x8d: {  	v7 =	vshll.u32 v7, $0x5;
	v6 =	vand.u32 $0xFFFFFFF8, v4  }
0x8e: {  	s14 =	sadd.s32 $0x50, s12;
	v4 =	vand.u32 $0x6, v4;
	v6 =	vadd.s32 v7, v6  }
0x8f: {  	v4 =	vor.u32 v4, v6;
	v6 =	vor.u32 s14, v0  }
0x90: {  	v5 =	vtrunc.f32 v5;
	v7 =	vmulhi.u32 $0xCCCCCCCD, v6  }
0x91: {  	v5 =	vcvt.f32.s32 v5  }
0x92: {  	v7 =	vshrl.u32 v7, $0x3  }
0x93: {  	[tilespmem:s9+$0xFFFFFFF0] =	vst v5;
	v5 =	vmul.u32 $0x7FFFFFF6, v7  }
0x94: {  	v4 =	vld.idx.msk [tilespmem:v4+s2+$0x0], $0xffff  }
0x95: {  	v5 =	vadd.s32 v6, v5  }
0x96: {  	v5 =	vshll.u32 v5, $0x1  }
0x97: {  	v7 =	vshll.u32 v7, $0x5;
	v6 =	vand.u32 $0xFFFFFFF8, v5  }
0x98: {  	s14 =	sadd.s32 $0x60, s12;
	v5 =	vand.u32 $0x6, v5;
	v6 =	vadd.s32 v7, v6  }
0x99: {  	v5 =	vor.u32 v5, v6;
	v6 =	vor.u32 s14, v0  }
0x9a: {  	v4 =	vtrunc.f32 v4;
	v7 =	vmulhi.u32 $0xCCCCCCCD, v6  }
0x9b: {  	v4 =	vcvt.f32.s32 v4  }
0x9c: {  	v7 =	vshrl.u32 v7, $0x3  }
0x9d: {  	[tilespmem:s9+$0x0] =	vst v4;
	v4 =	vmul.u32 $0x7FFFFFF6, v7  }
0x9e: {  	v5 =	vld.idx.msk [tilespmem:v5+s2+$0x0], $0xffff  }
0x9f: {  	v4 =	vadd.s32 v6, v4  }
0xa0: {  	v4 =	vshll.u32 v4, $0x1  }
0xa1: {  	v7 =	vshll.u32 v7, $0x5;
	v6 =	vand.u32 $0xFFFFFFF8, v4  }
.Ltmp0:
0xa2: {  	s14 =	sadd.s32 $0x70, s12;
	v4 =	vand.u32 $0x6, v4;
	v6 =	vadd.s32 v7, v6;
	(pc) =	sbr.rel @p0 .LBB2_2-.Ltmp0, $4  }
0xa3: {  	v6 =	vor.u32 v4, v6;
	v4 =	vor.u32 s14, v0  }
0xa4: {  	v5 =	vtrunc.f32 v5;
	v8 =	vmulhi.u32 $0xCCCCCCCD, v4  }
0xa5: {  	v7 =	vcvt.f32.s32 v5  }
0xa6: {  	s12 =	sadd.s32 $0x80, s12;
	v5 =	vshrl.u32 v8, $0x3  }
0xa7: {  	_ =	sdelay $0x1  }
0xa8: {  	v8 =	vmul.u32 $0x7FFFFFF6, v5  }
0xa9: {  	[tilespmem:s9+$0x10] =	vst v7  }
0xaa: {  	v6 =	vld.idx.msk [tilespmem:v6+s2+$0x0], $0xffff;
	v4 =	vadd.s32 v4, v8  }
0xab: {  	v4 =	vshll.u32 v4, $0x1  }
0xac: {  	v5 =	vshll.u32 v5, $0x5;
	v63 =	vand.u32 $0xFFFFFFF8, v4  }
0xad: {  	v4 =	vand.u32 $0x6, v4;
	v5 =	vadd.s32 v5, v63  }
0xae: {  	v4 =	vor.u32 v4, v5  }
0xaf: {  	v5 =	vtrunc.f32 v6  }
0xb0: {  	v5 =	vcvt.f32.s32 v5;
	_ =	sdelay $0x1  }
0xb1: {  	[tilespmem:s9+$0x20] =	vst v5  }
0xb2: {  	v4 =	vld.idx.msk [tilespmem:v4+s2+$0x0], $0xffff;
	_ =	sdelay $0x4  }
0xb3: {  	v4 =	vtrunc.f32 v4  }
0xb4: {  	v4 =	vcvt.f32.s32 v4;
	_ =	sdelay $0x1  }
0xb5: {  	s12 =	simm.s32 $0x4000;
	s11 =	simm.s32 $0x5400;
	[tilespmem:s9+$0x30] =	vst v4  }
0xb6: {  	[tilespmem:s11], [sflag:$0x1] =	stream.indirect.gather [hbm4b:s3+s10], $0x80, s12, s10, $0xb8;
	[tilespmem:$0x1B6C0] =	vst v63  }
0xb7: {  	s14 =	simm.s32 $0x7400  }
0xb8: {  	[tilespmem:s14], [sflag:$0x1] =	stream.indirect.gather [hbm4b:s3+s10], $0x80, s13, s10, $0xb8;
	[tilespmem:$0x1B6C0] =	vst v63  }
0xb9: {  	s15 =	simm.s32 $0x4080;
	s16 =	simm.s32 $0x9400  }
0xba: {  	[tilespmem:s16], [sflag:$0x1] =	stream.indirect.gather [hbm4b:s3+s10], $0x80, s15, s10, $0xb8;
	[tilespmem:$0x1B6C0] =	vst v63  }
0xbb: {  	s17 =	simm.s32 $0x40C0;
	s18 =	simm.s32 $0xB400  }
0xbc: {  	[tilespmem:s18], [sflag:$0x1] =	stream.indirect.gather [hbm4b:s3+s10], $0x80, s17, s10, $0xb8;
	[tilespmem:$0x1B6C0] =	vst v63  }
0xbd: {  	s9 =	simm.s32 $0x0;
	s11 =	simm.s32 $0x0  }
0xbe: {  	[tilespmem:s20], [sflag:$0x1] =	stream.indirect.gather [hbm4b:s3+s10], $0x80, s19, s10, $0xb8;
	[tilespmem:$0x1B6C0] =	vst v63  }
.LBB2_4:
0xbf: {  	s12 =	sshllo.u32 s11, $0x1  }
0xc0: {  	s14 =	smul.u32 $0x500, s12;
	_ =	sdelay $0x1  }
0xc1: {  	s14 =	sshra.s32 s14, $0x2  }
0xc2: {  	s15 =	sadd.s32 $0x4000, s14  }
0xc3: {  	[tilespmem:s21], [sflag:$0x2] =	stream.indirect.gather [hbm4b:s3+s10], $0x80, s15, s10, $0xb8;
	[tilespmem:$0x1B6C0] =	vst v63  }
0xc4: {  	s16 =	sadd.s32 $0x4040, s14  }
0xc5: {  	[tilespmem:s22], [sflag:$0x2] =	stream.indirect.gather [hbm4b:s3+s10], $0x80, s16, s10, $0xb8;
	[tilespmem:$0x1B6C0] =	vst v63  }
0xc6: {  	s17 =	sadd.s32 $0x4080, s14  }
0xc7: {  	[tilespmem:s23], [sflag:$0x2] =	stream.indirect.gather [hbm4b:s3+s10], $0x80, s17, s10, $0xb8;
	[tilespmem:$0x1B6C0] =	vst v63  }
0xc8: {  	s18 =	sadd.s32 $0x40C0, s14  }
0xc9: {  	[tilespmem:s24], [sflag:$0x2] =	stream.indirect.gather [hbm4b:s3+s10], $0x80, s18, s10, $0xb8;
	[tilespmem:$0x1B6C0] =	vst v63  }
0xca: {  	s14 =	sadd.s32 $0x4100, s14  }
0xcb: {  	[tilespmem:s25], [sflag:$0x2] =	stream.indirect.gather [hbm4b:s3+s10], $0x80, s14, s10, $0xb8;
	[tilespmem:$0x1B6C0] =	vst v63  }
0xcc: {  	_ =	swait.ge [sflag:s26], $0x2000  }
0xcd: {  	[sflag:s26] =	ssyncset.done $0x0  }
0xce: {  	[sflag:s26] =	ssyncadd.s32 $0xFFFFE000  }
0xcf: {  	_ =	swait.ge [sflag:s26], $0x2000  }
0xd0: {  	[sflag:s26] =	ssyncset.done $0x0  }
0xd1: {  	[sflag:s26] =	ssyncadd.s32 $0xFFFFE000  }
0xd2: {  	_ =	swait.ge [sflag:s26], $0x2000  }
0xd3: {  	[sflag:s26] =	ssyncset.done $0x0  }
0xd4: {  	[sflag:s26] =	ssyncadd.s32 $0xFFFFE000  }
0xd5: {  	_ =	swait.ge [sflag:s26], $0x2000  }
0xd6: {  	[sflag:s26] =	ssyncset.done $0x0  }
0xd7: {  	[sflag:s26] =	ssyncadd.s32 $0xFFFFE000  }
0xd8: {  	_ =	swait.ge [sflag:s26], $0x2000  }
0xd9: {  	p0 =	seq.s32 s11, $0x0;
	[sflag:s26] =	ssyncset.done $0x0  }
0xda: {  	s14 =	simm.s32 @!p0 $0x3;
	[sflag:s26] =	ssyncadd.s32 $0xFFFFE000  }
0xdb: {  	_ =	swait.ge @!p0 [sflag:s14], $0x1000  }
0xdc: {  	s15 =	simm.s32 $0x5900;
	[sflag:s14] =	ssyncset.done @!p0 $0x0  }
0xdd: {  	s16 =	simm.s32 $0x19480;
	[sflag:s14] =	ssyncadd.s32 @!p0 $0xFFFFF000;
	s14 =	simm.s32 $0xFFFFFFFE  }
.LBB2_5:
0xde: {  	v7 =	vld [tilespmem:s15+$0xFFFFFB10]  }
0xdf: {  	v8 =	vld [tilespmem:s15+$0xFFFFFB20]  }
0xe0: {  	v9 =	vld [tilespmem:s15+$0xFFFFFB30]  }
0xe1: {  	v10 =	vld [tilespmem:s15+$0xFFFFFB80]  }
0xe2: {  	v11 =	vld [tilespmem:s15+$0xFFFFFB90]  }
0xe3: {  	v12 =	vld [tilespmem:s15+$0xFFFFFBA0]  }
0xe4: {  	v13 =	vld [tilespmem:s15+$0xFFFFFBB0]  }
0xe5: {  	v14 =	vld [tilespmem:s15+$0xFFFFFC00]  }
0xe6: {  	v15 =	vld [tilespmem:s15+$0xFFFFFC10]  }
0xe7: {  	v16 =	vld [tilespmem:s15+$0xFFFFFC20]  }
0xe8: {  	v17 =	vld [tilespmem:s15+$0xFFFFFC30]  }
0xe9: {  	v18 =	vld [tilespmem:s15+$0xFFFFFC80]  }
0xea: {  	v19 =	vld [tilespmem:s15+$0xFFFFFC90]  }
0xeb: {  	s17 =	sadd.s32 s14, s9;
	v20 =	vld [tilespmem:s15+$0xFFFFFCA0]  }
0xec: {  	v21 =	vld [tilespmem:s15+$0xFFFFFCB0];
	s17 =	sshll.u32 s17, $0x5  }
0xed: {  	v22 =	vld [tilespmem:s15+$0xFFFFFD00];
	s18 =	sadd.s32 $0x40, s17  }
0xee: {  	v23 =	vld [tilespmem:s15+$0xFFFFFD10];
	v4 =	vor.u32 s18, v2  }
0xef: {  	v24 =	vld [tilespmem:s15+$0xFFFFFD20]  }
0xf0: {  	v25 =	vld [tilespmem:s15+$0xFFFFFD30]  }
0xf1: {  	v26 =	vld [tilespmem:s15+$0xFFFFFD80];
	v5 =	vor.u32 s18, v3  }
0xf2: {  	v27 =	vld [tilespmem:s15+$0xFFFFFD90]  }
0xf3: {  	v6 =	vld.idx.msk [tilespmem:v4+s2+$0x0], $0xffff  }
0xf4: {  	v28 =	vld [tilespmem:s15+$0xFFFFFDA0]  }
0xf5: {  	v29 =	vld [tilespmem:s15+$0xFFFFFDB0]  }
0xf6: {  	v4 =	vld.idx.msk [tilespmem:v5+s2+$0x0], $0xffff  }
0xf7: {  	v5 =	vld [tilespmem:s15+$0xFFFFFB00]  }
0xf8: {  	v30 =	vld [tilespmem:s15+$0xFFFFFE00];
	v32 =	vbroadcast v6, $0x0;
	v35 =	vbroadcast v6, $0x1  }
0xf9: {  	v31 =	vld [tilespmem:s15+$0xFFFFFE10];
	v39 =	vbroadcast v6, $0x2;
	v61 =	vbroadcast v6, $0x3  }
0xfa: {  	v33 =	vld [tilespmem:s15+$0xFFFFFE20];
	v43 =	vbroadcast v6, $0x4;
	v46 =	vbroadcast v6, $0x5  }
0xfb: {  	v34 =	vld [tilespmem:s15+$0xFFFFFE30];
	v51 =	vbroadcast v6, $0x6;
	v57 =	vbroadcast v6, $0x7  }
0xfc: {  	v36 =	vld [tilespmem:s15+$0xFFFFFE80];
	v5 =	vmul.f32 v5, v32;
	v7 =	vmul.f32 v7, v32  }
0xfd: {  	v37 =	vld [tilespmem:s15+$0xFFFFFE90];
	v8 =	vmul.f32 v8, v32;
	v10 =	vmul.f32 v10, v35  }
0xfe: {  	v38 =	vld [tilespmem:s15+$0xFFFFFEA0];
	v11 =	vmul.f32 v11, v35;
	v12 =	vmul.f32 v12, v35  }
0xff: {  	v40 =	vld [tilespmem:s15+$0xFFFFFEB0];
	v9 =	vmul.f32 v9, v32;
	v58 =	vmul.f32 v13, v35  }
0x100: {  	v52 =	vld [tilespmem:$0x1B440];
	v59 =	vmul.f32 v14, v39;
	v60 =	vmul.f32 v15, v39  }
0x101: {  	v54 =	vld [tilespmem:$0x1B450];
	v62 =	vmul.f32 v16, v39;
	v63 =	vmul.f32 v17, v39  }
0x102: {  	v13 =	vld [tilespmem:s15+$0xFFFFFF00];
	v39 =	vmul.f32 v18, v61;
	v41 =	vmul.f32 v19, v61  }
0x103: {  	v15 =	vld [tilespmem:s15+$0xFFFFFF20];
	v42 =	vmul.f32 v20, v61;
	v14 =	vmul.f32 v21, v61  }
0x104: {  	v17 =	vld [tilespmem:s15+$0xFFFFFF30];
	v44 =	vmul.f32 v22, v43;
	v45 =	vmul.f32 v23, v43  }
0x105: {  	v19 =	vld [tilespmem:s15+$0xFFFFFF80];
	v47 =	vmul.f32 v24, v43;
	v20 =	vmul.f32 v25, v43  }
0x106: {  	v32 =	vld [tilespmem:s15+$0xFFFFFF90];
	v48 =	vmul.f32 v26, v46;
	v49 =	vmul.f32 v27, v46  }
0x107: {  	v16 =	vld [tilespmem:$0x1B400];
	v50 =	vmul.f32 v28, v46;
	v53 =	vmul.f32 v29, v46  }
0x108: {  	v21 =	vld [tilespmem:$0x1B410];
	v55 =	vmul.f32 v30, v51;
	v56 =	vmul.f32 v31, v51  }
0x109: {  	v22 =	vld [tilespmem:$0x1B420];
	v25 =	vmul.f32 v34, v51;
	v35 =	vmul.f32 v40, v57  }
0x10a: {  	v24 =	vld [tilespmem:$0x1B430];
	v43 =	vbroadcast v4, $0x0;
	v46 =	vbroadcast v4, $0x1;
	v5 =	vadd.f32 v10, v5  }
0x10b: {  	v27 =	vld [tilespmem:$0x1B470];
	v7 =	vadd.f32 v11, v7;
	v9 =	vadd.f32 v58, v9;
	v58 =	vmul.f32 v33, v51  }
0x10c: {  	v28 =	vld [tilespmem:$0x1B480];
	v8 =	vadd.f32 v12, v8;
	v52 =	vmul.f32 v52, v46;
	v54 =	vmul.f32 v54, v46  }
0x10d: {  	v61 =	vld [tilespmem:$0x1B490];
	v5 =	vadd.f32 v59, v5;
	v7 =	vadd.f32 v60, v7;
	v59 =	vmul.f32 v36, v57  }
0x10e: {  	v34 =	vld [tilespmem:$0x1B570];
	v8 =	vadd.f32 v62, v8;
	v60 =	vmul.f32 v37, v57;
	v62 =	vmul.f32 v38, v57  }
0x10f: {  	v12 =	vld [tilespmem:s15+$0xFFFFFF10];
	v9 =	vadd.f32 v63, v9;
	v63 =	vbroadcast v6, $0x8;
	v6 =	vbroadcast v6, $0x9  }
0x110: {  	v33 =	vld [tilespmem:$0x1B4A0];
	v51 =	vmul.f32 v22, v43;
	v24 =	vmul.f32 v24, v43;
	v10 =	vadd.f32 v39, v5  }
0x111: {  	v36 =	vld [tilespmem:$0x1B4B0];
	v7 =	vadd.f32 v41, v7;
	v8 =	vadd.f32 v42, v8;
	v37 =	vmul.f32 v13, v63  }
0x112: {  	v38 =	vld [tilespmem:$0x1B4C0];
	v9 =	vadd.f32 v14, v9;
	v40 =	vmul.f32 v15, v63;
	v41 =	vmul.f32 v17, v63  }
0x113: {  	v5 =	vld [tilespmem:s15+$0xFFFFFFA0];
	v19 =	vmul.f32 v19, v6;
	v10 =	vadd.f32 v44, v10;
	v7 =	vadd.f32 v45, v7  }
0x114: {  	v57 =	vld [tilespmem:$0x1B540];
	v12 =	vmul.f32 v12, v63;
	v8 =	vadd.f32 v47, v8;
	v9 =	vadd.f32 v20, v9  }
0x115: {  	v39 =	vld [tilespmem:$0x1B4D0];
	v45 =	vmul.f32 v32, v6;
	v32 =	vbroadcast v4, $0x8;
	v10 =	vadd.f32 v48, v10  }
0x116: {  	v20 =	vld [tilespmem:$0x1B460];
	v7 =	vadd.f32 v49, v7;
	v8 =	vadd.f32 v50, v8;
	v48 =	vmul.f32 v16, v43  }
0x117: {  	v42 =	vld [tilespmem:$0x1B4E0];
	v9 =	vadd.f32 v53, v9;
	v49 =	vmul.f32 v21, v43;
	v43 =	vbroadcast v4, $0x5  }
0x118: {  	v63 =	vld [tilespmem:$0x1B560];
	v5 =	vmul.f32 v5, v6;
	v10 =	vadd.f32 v55, v10;
	v7 =	vadd.f32 v56, v7  }
0x119: {  	v44 =	vld [tilespmem:$0x1B4F0];
	v8 =	vadd.f32 v58, v8;
	v9 =	vadd.f32 v25, v9;
	v55 =	vbroadcast v4, $0x2  }
0x11a: {  	v47 =	vld [tilespmem:$0x1B500];
	v58 =	vmul.f32 v27, v46;
	v21 =	vmul.f32 v57, v43;
	v10 =	vadd.f32 v59, v10  }
0x11b: {  	v50 =	vld [tilespmem:$0x1B510];
	v20 =	vmul.f32 v20, v46;
	v7 =	vadd.f32 v60, v7;
	v8 =	vadd.f32 v62, v8  }
0x11c: {  	v53 =	vld [tilespmem:$0x1B520];
	v9 =	vadd.f32 v35, v9;
	v59 =	vmul.f32 v28, v55;
	v61 =	vmul.f32 v61, v55  }
0x11d: {  	v56 =	vld [tilespmem:$0x1B530];
	v62 =	vbroadcast v4, $0x3;
	v15 =	vadd.f32 v58, v24;
	v33 =	vmul.f32 v33, v55  }
0x11e: {  	v46 =	vld [tilespmem:$0x1B5D0];
	v18 =	vmul.f32 v36, v55;
	v36 =	vbroadcast v4, $0x4;
	v10 =	vadd.f32 v37, v10  }
0x11f: {  	v60 =	vld [tilespmem:$0x1B550];
	v58 =	vbroadcast v4, $0x7;
	v12 =	vadd.f32 v12, v7;
	v8 =	vadd.f32 v40, v8  }
0x120: {  	v35 =	vld [tilespmem:$0x1B580];
	v7 =	vadd.f32 v41, v9;
	v13 =	vmul.f32 v38, v62;
	v14 =	vmul.f32 v39, v62  }
0x121: {  	v9 =	vadd.f32 v52, v48;
	v37 =	vld [tilespmem:$0x1B590];
	v38 =	vmul.f32 v42, v62;
	v40 =	vmul.f32 v44, v62  }
0x122: {  	v15 =	vadd.f32 v18, v15;
	v39 =	vld [tilespmem:$0x1B5A0];
	v41 =	vmul.f32 v47, v36;
	v16 =	vmul.f32 v50, v36  }
0x123: {  	v42 =	vld [tilespmem:$0x1B5B0];
	v50 =	vbroadcast v4, $0x6;
	v52 =	vmul.f32 v63, v43;
	v10 =	vadd.f32 v19, v10  }
0x124: {  	v44 =	vld [tilespmem:$0x1B5C0];
	v47 =	vmul.f32 v56, v36;
	v11 =	vadd.f32 v45, v12;
	v12 =	vadd.f32 v54, v49  }
0x125: {  	v48 =	vld [tilespmem:$0x1B5E0];
	v19 =	vadd.f32 v20, v51;
	v9 =	vadd.f32 v59, v9;
	v45 =	vmul.f32 v53, v36  }
0x126: {  	v56 =	vld [tilespmem:$0x1B610];
	v54 =	vmul.f32 v34, v43;
	v31 =	vmul.f32 v46, v58;
	v5 =	vadd.f32 v5, v8  }
0x127: {  	v53 =	vld [tilespmem:$0x1B600];
	v49 =	vmul.f32 v60, v43;
	v55 =	vmul.f32 v35, v50;
	v12 =	vadd.f32 v61, v12  }
0x128: {  	v46 =	vld [tilespmem:s15+$0xFFFFFFB0];
	v19 =	vadd.f32 v33, v19;
	v57 =	vmul.f32 v37, v50;
	v60 =	vmul.f32 v39, v50  }
0x129: {  	v51 =	vld [tilespmem:$0x1B5F0];
	v9 =	vadd.f32 v13, v9;
	v62 =	vmul.f32 v42, v50;
	v63 =	vmul.f32 v44, v58  }
0x12a: {  	v30 =	vld [tilespmem:$0x1B640];
	v34 =	vmul.f32 v48, v58;
	v37 =	vbroadcast v4, $0x9;
	v12 =	vadd.f32 v14, v12  }
0x12b: {  	v59 =	vld [tilespmem:$0x1B620];
	v4 =	vbroadcast v4, $0xA;
	v13 =	vadd.f32 v38, v19;
	v14 =	vadd.f32 v40, v15  }
0x12c: {  	v35 =	vld [tilespmem:$0x1B680];
	v9 =	vadd.f32 v41, v9;
	v20 =	vmul.f32 v56, v32;
	v36 =	vmul.f32 v53, v32  }
0x12d: {  	v33 =	vld [tilespmem:$0x1B650];
	v6 =	vmul.f32 v46, v6;
	v12 =	vadd.f32 v16, v12;
	v13 =	vadd.f32 v45, v13  }
0x12e: {  	v61 =	vld [tilespmem:$0x1B630];
	v39 =	vmul.f32 v51, v58;
	v14 =	vadd.f32 v47, v14;
	v9 =	vadd.f32 v21, v9  }
0x12f: {  	v42 =	vld [tilespmem:$0x1B670];
	v41 =	vmul.f32 v30, v37;
	v6 =	vadd.f32 v6, v7;
	v12 =	vadd.f32 v49, v12  }
0x130: {  	v38 =	vld [tilespmem:$0x1B660];
	v43 =	vmul.f32 v59, v32;
	v13 =	vadd.f32 v52, v13;
	v9 =	vadd.f32 v55, v9  }
0x131: {  	v40 =	vld [tilespmem:$0x1B690];
	v47 =	vmul.f32 v35, v4;
	v14 =	vadd.f32 v54, v14;
	v12 =	vadd.f32 v57, v12  }
0x132: {  	v44 =	vmul.f32 v33, v37;
	v13 =	vadd.f32 v60, v13;
	v9 =	vadd.f32 v63, v9  }
0x133: {  	v45 =	vld [tilespmem:$0x1B6A0];
	v48 =	vmul.f32 v61, v32;
	v14 =	vadd.f32 v62, v14;
	v12 =	vadd.f32 v31, v12  }
0x134: {  	v49 =	vld [tilespmem:$0x1B6B0];
	v52 =	vmul.f32 v42, v37;
	v13 =	vadd.f32 v34, v13;
	v9 =	vadd.f32 v36, v9  }
0x135: {  	v50 =	vmul.f32 v38, v37;
	v14 =	vadd.f32 v39, v14;
	v12 =	vadd.f32 v20, v12  }
0x136: {  	s17 =	sadd.s32 $0x60, s17;
	[tilespmem:s16+$0xFFFFFF80] =	vst v10;
	v51 =	vmul.f32 v40, v4;
	v9 =	vadd.f32 v41, v9;
	v13 =	vadd.f32 v43, v13  }
0x137: {  	[tilespmem:s16+$0xFFFFFF90] =	vst v11;
	v57 =	vor.u32 s17, v2;
	v14 =	vadd.f32 v48, v14;
	v12 =	vadd.f32 v44, v12  }
0x138: {  	[tilespmem:s16+$0xFFFFFFA0] =	vst v5;
	v54 =	vmul.f32 v45, v4;
	v9 =	vadd.f32 v47, v9;
	v53 =	vadd.f32 v50, v13  }
0x139: {  	[tilespmem:s16+$0xFFFFFFB0] =	vst v6;
	v4 =	vmul.f32 v49, v4;
	v55 =	vadd.f32 v52, v14;
	v12 =	vadd.f32 v51, v12  }
0x13a: {  	v5 =	vor.u32 s17, v3;
	[tilespmem:s16+$0xFFFFFFC0] =	vst v9;
	v56 =	vadd.f32 v54, v53  }
0x13b: {  	v4 =	vadd.f32 v4, v55;
	[tilespmem:s16+$0xFFFFFFD0] =	vst v12  }
0x13c: {  	[tilespmem:s16+$0xFFFFFFE0] =	vst v56  }
0x13d: {  	[tilespmem:s16+$0xFFFFFFF0] =	vst v4  }
0x13e: {  	v6 =	vld.idx.msk [tilespmem:v57+s2+$0x0], $0xffff  }
0x13f: {  	v4 =	vld.idx.msk [tilespmem:v5+s2+$0x0], $0xffff  }
0x140: {  	v5 =	vld [tilespmem:s15+$0x0]  }
0x141: {  	v58 =	vld [tilespmem:s15+$0x10]  }
0x142: {  	v59 =	vld [tilespmem:s15+$0x20]  }
0x143: {  	v9 =	vld [tilespmem:s15+$0x30]  }
0x144: {  	v60 =	vld [tilespmem:s15+$0x80]  }
0x145: {  	v11 =	vld [tilespmem:s15+$0x90]  }
0x146: {  	v12 =	vld [tilespmem:s15+$0xA0]  }
0x147: {  	v61 =	vld [tilespmem:s15+$0xB0]  }
0x148: {  	v62 =	vld [tilespmem:s15+$0x100]  }
0x149: {  	v63 =	vld [tilespmem:s15+$0x110]  }
0x14a: {  	v44 =	vld [tilespmem:s15+$0x120]  }
0x14b: {  	v45 =	vld [tilespmem:s15+$0x130]  }
0x14c: {  	v46 =	vld [tilespmem:s15+$0x180]  }
0x14d: {  	v47 =	vld [tilespmem:s15+$0x190]  }
0x14e: {  	v48 =	vld [tilespmem:s15+$0x1A0]  }
0x14f: {  	v49 =	vld [tilespmem:s15+$0x1B0]  }
0x150: {  	v50 =	vld [tilespmem:s15+$0x200]  }
0x151: {  	v51 =	vld [tilespmem:s15+$0x210]  }
0x152: {  	v52 =	vld [tilespmem:s15+$0x220]  }
0x153: {  	v53 =	vld [tilespmem:s15+$0x230]  }
0x154: {  	v54 =	vld [tilespmem:s15+$0x280]  }
0x155: {  	v55 =	vld [tilespmem:s15+$0x290]  }
0x156: {  	v28 =	vld [tilespmem:s15+$0x2A0]  }
0x157: {  	v29 =	vld [tilespmem:s15+$0x2B0]  }
0x158: {  	v30 =	vld [tilespmem:s15+$0x300]  }
0x159: {  	v31 =	vld [tilespmem:s15+$0x310];
	v56 =	vbroadcast v6, $0x0  }
0x15a: {  	v32 =	vld [tilespmem:s15+$0x320]  }
0x15b: {  	v34 =	vld [tilespmem:s15+$0x330];
	v57 =	vbroadcast v6, $0x1;
	v5 =	vmul.f32 v5, v56  }
0x15c: {  	v36 =	vld [tilespmem:s15+$0x380];
	v7 =	vmul.f32 v58, v56;
	v8 =	vmul.f32 v59, v56  }
0x15d: {  	v37 =	vld [tilespmem:s15+$0x390];
	v10 =	vmul.f32 v60, v57;
	v11 =	vmul.f32 v11, v57  }
0x15e: {  	v38 =	vld [tilespmem:s15+$0x3A0];
	v58 =	vbroadcast v6, $0x2;
	v9 =	vmul.f32 v9, v56  }
0x15f: {  	v40 =	vld [tilespmem:s15+$0x3B0];
	v59 =	vmul.f32 v12, v57;
	v60 =	vmul.f32 v61, v57  }
0x160: {  	v14 =	vld [tilespmem:s15+$0x410];
	v61 =	vmul.f32 v62, v58;
	v62 =	vmul.f32 v63, v58  }
0x161: {  	v33 =	vld [tilespmem:s15+$0x420];
	v63 =	vbroadcast v6, $0x3;
	v35 =	vmul.f32 v44, v58  }
0x162: {  	v13 =	vld [tilespmem:s15+$0x430];
	v41 =	vmul.f32 v45, v58;
	v44 =	vbroadcast v6, $0x4  }
0x163: {  	v17 =	vld [tilespmem:s15+$0x480];
	v42 =	vmul.f32 v46, v63;
	v43 =	vmul.f32 v47, v63  }
0x164: {  	v19 =	vld [tilespmem:s15+$0x490];
	v5 =	vadd.f32 v10, v5;
	v46 =	vmul.f32 v48, v63;
	v47 =	vmul.f32 v49, v63  }
0x165: {  	v20 =	vld [tilespmem:$0x1B400];
	v7 =	vadd.f32 v11, v7;
	v48 =	vmul.f32 v50, v44;
	v49 =	vmul.f32 v51, v44  }
0x166: {  	v22 =	vld [tilespmem:$0x1B410];
	v8 =	vadd.f32 v59, v8;
	v50 =	vbroadcast v6, $0x5;
	v51 =	vmul.f32 v52, v44  }
0x167: {  	v15 =	vld [tilespmem:$0x1B420];
	v5 =	vadd.f32 v61, v5;
	v52 =	vmul.f32 v53, v44;
	v61 =	vbroadcast v6, $0x7  }
0x168: {  	v23 =	vld [tilespmem:$0x1B430];
	v9 =	vadd.f32 v60, v9;
	v53 =	vmul.f32 v54, v50;
	v54 =	vmul.f32 v55, v50  }
0x169: {  	v18 =	vld [tilespmem:$0x1B450];
	v7 =	vadd.f32 v62, v7;
	v55 =	vbroadcast v6, $0x6;
	v57 =	vmul.f32 v28, v50  }
0x16a: {  	v26 =	vld [tilespmem:$0x1B460];
	v8 =	vadd.f32 v35, v8;
	v58 =	vmul.f32 v29, v50;
	v35 =	vmul.f32 v36, v61  }
0x16b: {  	v12 =	vld [tilespmem:s15+$0x400];
	v9 =	vadd.f32 v41, v9;
	v36 =	vmul.f32 v37, v61;
	v37 =	vbroadcast v6, $0x8  }
0x16c: {  	v56 =	vld [tilespmem:$0x1B440];
	v45 =	vadd.f32 v42, v5;
	v39 =	vmul.f32 v38, v61;
	v42 =	vmul.f32 v40, v61  }
0x16d: {  	v63 =	vld [tilespmem:$0x1B480];
	v9 =	vadd.f32 v47, v9;
	v6 =	vbroadcast v6, $0x9;
	v47 =	vbroadcast v4, $0x0  }
0x16e: {  	v41 =	vld [tilespmem:$0x1B4B0];
	v50 =	vbroadcast v4, $0x1;
	v59 =	vmul.f32 v30, v55  }
0x16f: {  	v44 =	vld [tilespmem:$0x1B4D0];
	v7 =	vadd.f32 v43, v7;
	v60 =	vmul.f32 v31, v55;
	v62 =	vmul.f32 v32, v55  }
0x170: {  	v5 =	vld [tilespmem:s15+$0x4A0];
	v8 =	vadd.f32 v46, v8;
	v34 =	vmul.f32 v34, v55;
	v12 =	vmul.f32 v12, v37  }
0x171: {  	v28 =	vld [tilespmem:$0x1B470];
	v10 =	vadd.f32 v48, v45;
	v14 =	vmul.f32 v14, v37;
	v45 =	vmul.f32 v33, v37  }
0x172: {  	v29 =	vld [tilespmem:$0x1B490];
	v7 =	vadd.f32 v49, v7;
	v46 =	vmul.f32 v17, v6;
	v49 =	vmul.f32 v19, v6  }
0x173: {  	v43 =	vld [tilespmem:$0x1B4C0];
	v9 =	vadd.f32 v52, v9;
	v52 =	vmul.f32 v20, v47;
	v55 =	vmul.f32 v15, v47  }
0x174: {  	v38 =	vld [tilespmem:$0x1B560];
	v8 =	vadd.f32 v51, v8;
	v56 =	vmul.f32 v56, v50;
	v17 =	vmul.f32 v23, v47  }
0x175: {  	v40 =	vld [tilespmem:$0x1B570];
	v61 =	vmul.f32 v26, v50;
	v10 =	vadd.f32 v53, v10;
	v7 =	vadd.f32 v54, v7  }
0x176: {  	v31 =	vld [tilespmem:$0x1B4A0];
	v8 =	vadd.f32 v57, v8;
	v9 =	vadd.f32 v58, v9;
	v53 =	vmul.f32 v22, v47  }
0x177: {  	v48 =	vld [tilespmem:$0x1B4F0];
	v58 =	vmul.f32 v18, v50;
	v15 =	vadd.f32 v56, v52;
	v52 =	vbroadcast v4, $0x5  }
0x178: {  	v51 =	vld [tilespmem:$0x1B500];
	v19 =	vmul.f32 v28, v50;
	v10 =	vadd.f32 v59, v10;
	v7 =	vadd.f32 v60, v7  }
0x179: {  	v33 =	vld [tilespmem:$0x1B610];
	v8 =	vadd.f32 v62, v8;
	v9 =	vadd.f32 v34, v9;
	v59 =	vbroadcast v4, $0x2  }
0x17a: {  	v54 =	vld [tilespmem:$0x1B510];
	v5 =	vmul.f32 v5, v6;
	v17 =	vadd.f32 v19, v17;
	v10 =	vadd.f32 v35, v10  }
0x17b: {  	v57 =	vld [tilespmem:$0x1B520];
	v16 =	vadd.f32 v39, v8;
	v8 =	vmul.f32 v13, v37;
	v63 =	vmul.f32 v63, v59  }
0x17c: {  	v47 =	vld [tilespmem:$0x1B5A0];
	v11 =	vadd.f32 v36, v7;
	v36 =	vmul.f32 v29, v59;
	v37 =	vbroadcast v4, $0x3  }
0x17d: {  	v50 =	vld [tilespmem:$0x1B5B0];
	v7 =	vadd.f32 v42, v9;
	v39 =	vmul.f32 v31, v59;
	v41 =	vmul.f32 v41, v59  }
0x17e: {  	v60 =	vld [tilespmem:$0x1B530];
	v59 =	vbroadcast v4, $0x6;
	v10 =	vadd.f32 v12, v10;
	v11 =	vadd.f32 v14, v11  }
0x17f: {  	v62 =	vld [tilespmem:$0x1B540];
	v9 =	vadd.f32 v45, v16;
	v14 =	vadd.f32 v58, v53;
	v42 =	vmul.f32 v43, v37  }
0x180: {  	v13 =	vld [tilespmem:$0x1B4E0];
	v12 =	vadd.f32 v61, v55;
	v44 =	vmul.f32 v44, v37;
	v45 =	vbroadcast v4, $0x4  }
0x181: {  	v35 =	vld [tilespmem:$0x1B550];
	v15 =	vadd.f32 v63, v15;
	v48 =	vmul.f32 v48, v37;
	v61 =	vmul.f32 v38, v52  }
0x182: {  	v43 =	vld [tilespmem:$0x1B580];
	v16 =	vadd.f32 v41, v17;
	v63 =	vmul.f32 v40, v52;
	v17 =	vmul.f32 v47, v59  }
0x183: {  	v53 =	vld [tilespmem:$0x1B5C0];
	v38 =	vmul.f32 v50, v59;
	v47 =	vbroadcast v4, $0x9;
	v7 =	vadd.f32 v8, v7  }
0x184: {  	v55 =	vld [tilespmem:$0x1B5D0];
	v23 =	vmul.f32 v62, v52;
	v10 =	vadd.f32 v46, v10;
	v11 =	vadd.f32 v49, v11  }
0x185: {  	v40 =	vld [tilespmem:$0x1B640];
	v14 =	vadd.f32 v36, v14;
	v12 =	vadd.f32 v39, v12;
	v49 =	vmul.f32 v51, v45  }
0x186: {  	v62 =	vld [tilespmem:$0x1B600];
	v15 =	vadd.f32 v42, v15;
	v51 =	vmul.f32 v54, v45;
	v54 =	vmul.f32 v57, v45  }
0x187: {  	v46 =	vld [tilespmem:$0x1B590];
	v16 =	vadd.f32 v48, v16;
	v56 =	vmul.f32 v60, v45;
	v42 =	vbroadcast v4, $0x8  }
0x188: {  	v57 =	vld [tilespmem:$0x1B5E0];
	v5 =	vadd.f32 v5, v9;
	v13 =	vmul.f32 v13, v37;
	v58 =	vmul.f32 v35, v52  }
0x189: {  	v60 =	vld [tilespmem:$0x1B5F0];
	v35 =	vbroadcast v4, $0x7;
	v4 =	vbroadcast v4, $0xA;
	v14 =	vadd.f32 v44, v14  }
0x18a: {  	v36 =	vld [tilespmem:$0x1B620];
	v15 =	vadd.f32 v49, v15;
	v22 =	vmul.f32 v33, v42;
	v32 =	vmul.f32 v43, v59  }
0x18b: {  	v45 =	vld [tilespmem:$0x1B680];
	v12 =	vadd.f32 v13, v12;
	v39 =	vmul.f32 v53, v35;
	v41 =	vmul.f32 v55, v35  }
0x18c: {  	v48 =	vld [tilespmem:$0x1B660];
	v13 =	vadd.f32 v51, v14;
	v14 =	vadd.f32 v56, v16;
	v51 =	vmul.f32 v40, v47  }
0x18d: {  	v55 =	vld [tilespmem:s15+$0x4B0];
	v15 =	vadd.f32 v23, v15;
	v34 =	vmul.f32 v46, v59;
	v44 =	vmul.f32 v57, v35  }
0x18e: {  	v50 =	vld [tilespmem:$0x1B690];
	v12 =	vadd.f32 v54, v12;
	v46 =	vmul.f32 v62, v42;
	v49 =	vmul.f32 v60, v35  }
0x18f: {  	v37 =	vld [tilespmem:$0x1B630];
	v53 =	vmul.f32 v36, v42;
	v13 =	vadd.f32 v58, v13;
	v15 =	vadd.f32 v32, v15  }
0x190: {  	v43 =	vld [tilespmem:$0x1B650];
	v20 =	vmul.f32 v45, v4;
	v14 =	vadd.f32 v63, v14;
	v12 =	vadd.f32 v61, v12  }
0x191: {  	v52 =	vld [tilespmem:$0x1B670];
	v57 =	vmul.f32 v48, v47;
	v13 =	vadd.f32 v34, v13;
	v15 =	vadd.f32 v39, v15  }
0x192: {  	v54 =	vld [tilespmem:$0x1B6A0];
	v14 =	vadd.f32 v38, v14;
	v6 =	vmul.f32 v55, v6;
	v12 =	vadd.f32 v17, v12  }
0x193: {  	v59 =	vmul.f32 v50, v4;
	v58 =	vld [tilespmem:$0x1B6B0];
	v13 =	vadd.f32 v41, v13;
	v15 =	vadd.f32 v46, v15  }
0x194: {  	v56 =	vmul.f32 v37, v42;
	v14 =	vadd.f32 v49, v14;
	v6 =	vadd.f32 v6, v7  }
0x195: {  	v26 =	vmul.f32 v43, v47;
	v12 =	vadd.f32 v44, v12;
	v13 =	vadd.f32 v22, v13  }
0x196: {  	[tilespmem:s16+$0x0] =	vst v10;
	v60 =	vmul.f32 v52, v47;
	v15 =	vadd.f32 v51, v15;
	v14 =	vadd.f32 v56, v14  }
0x197: {  	s14 =	sadd.s32 $0x2, s14;
	[tilespmem:s16+$0x10] =	vst v11;
	v61 =	vmul.f32 v54, v4;
	v12 =	vadd.f32 v53, v12;
	v13 =	vadd.f32 v26, v13  }
0x198: {  	p1 =	slt.u32 s14, $0x1E;
	[tilespmem:s16+$0x20] =	vst v5;
	v4 =	vmul.f32 v58, v4;
	v15 =	vadd.f32 v20, v15;
	v62 =	vadd.f32 v60, v14  }
.Ltmp1:
0x199: {  	[tilespmem:s16+$0x30] =	vst v6;
	v12 =	vadd.f32 v57, v12;
	v13 =	vadd.f32 v59, v13;
	(pc) =	sbr.rel @p1 .LBB2_5-.Ltmp1, $4  }
0x19a: {  	[tilespmem:s16+$0x40] =	vst v15;
	v4 =	vadd.f32 v4, v62  }
0x19b: {  	v63 =	vadd.f32 v61, v12;
	[tilespmem:s16+$0x50] =	vst v13  }
0x19c: {  	[tilespmem:s16+$0x70] =	vst v4  }
0x19d: {  	s15 =	sadd.s32 $0xA00, s15;
	[tilespmem:s16+$0x60] =	vst v63;
	s16 =	sadd.s32 $0x100, s16  }
0x19e: {  	s14 =	sshll.u32 s11, $0xA;
	p1 =	seq.s32 s11, $0x7  }
0x19f: {  	s14 =	sadd.s32 s14, s6;
	s15 =	smul.u32 @!p1 $0xA00, s11  }
0x1a0: {  	[hbm4b:s14+s2] =	stream.linear.scatter [tilespmem:s28], [sflag:$0x3], $0x1000, $0x38;
	[tilespmem:$0x1B6C0] =	vst v63  }
0x1a1: {  	s14 =	sshra.s32 @!p1 s15, $0x2  }
0x1a2: {  	s16 =	simm.s32 @!p1 $0x40;
	s17 =	simm.s32 @!p1 $0x5400;
	s15 =	sadd.s32 @!p1 $0x4280, s14  }
0x1a3: {  	[tilespmem:s17], [sflag:$0x1] =	stream.indirect.gather @!p1 [hbm4b:s3+s16], $0x80, s15, s16, $0xb8;
	[tilespmem:$0x1B6C0] =	vst v63  }
0x1a4: {  	s15 =	sadd.s32 @!p1 $0x42C0, s14;
	s17 =	simm.s32 @!p1 $0x7400  }
0x1a5: {  	[tilespmem:s17], [sflag:$0x1] =	stream.indirect.gather @!p1 [hbm4b:s3+s16], $0x80, s15, s16, $0xb8;
	[tilespmem:$0x1B6C0] =	vst v63  }
0x1a6: {  	s15 =	sadd.s32 @!p1 $0x4300, s14;
	s17 =	simm.s32 @!p1 $0x9400  }
0x1a7: {  	[tilespmem:s17], [sflag:$0x1] =	stream.indirect.gather @!p1 [hbm4b:s3+s16], $0x80, s15, s16, $0xb8;
	[tilespmem:$0x1B6C0] =	vst v63  }
0x1a8: {  	s15 =	sadd.s32 @!p1 $0x4340, s14;
	s17 =	simm.s32 @!p1 $0xB400  }
0x1a9: {  	[tilespmem:s17], [sflag:$0x1] =	stream.indirect.gather @!p1 [hbm4b:s3+s16], $0x80, s15, s16, $0xb8;
	[tilespmem:$0x1B6C0] =	vst v63  }
0x1aa: {  	s14 =	sadd.s32 @!p1 $0x4380, s14;
	s15 =	simm.s32 @!p1 $0xD400  }
0x1ab: {  	[tilespmem:s15], [sflag:$0x1] =	stream.indirect.gather @!p1 [hbm4b:s3+s16], $0x80, s14, s16, $0xb8;
	[tilespmem:$0x1B6C0] =	vst v63  }
0x1ac: {  	_ =	swait.ge [sflag:s29], $0x2000  }
0x1ad: {  	[sflag:s29] =	ssyncset.done $0x0  }
0x1ae: {  	[sflag:s29] =	ssyncadd.s32 $0xFFFFE000  }
0x1af: {  	_ =	swait.ge [sflag:s29], $0x2000  }
0x1b0: {  	[sflag:s29] =	ssyncset.done $0x0  }
0x1b1: {  	[sflag:s29] =	ssyncadd.s32 $0xFFFFE000  }
0x1b2: {  	_ =	swait.ge [sflag:s29], $0x2000  }
0x1b3: {  	[sflag:s29] =	ssyncset.done $0x0  }
0x1b4: {  	[sflag:s29] =	ssyncadd.s32 $0xFFFFE000  }
0x1b5: {  	_ =	swait.ge [sflag:s29], $0x2000  }
0x1b6: {  	[sflag:s29] =	ssyncset.done $0x0  }
0x1b7: {  	[sflag:s29] =	ssyncadd.s32 $0xFFFFE000  }
0x1b8: {  	_ =	swait.ge [sflag:s29], $0x2000  }
0x1b9: {  	[sflag:s29] =	ssyncset.done $0x0  }
0x1ba: {  	s14 =	simm.s32 @!p0 $0x4;
	[sflag:s29] =	ssyncadd.s32 $0xFFFFE000  }
0x1bb: {  	_ =	swait.ge @!p0 [sflag:s14], $0x1000  }
0x1bc: {  	s15 =	simm.s32 $0xFDB0;
	[sflag:s14] =	ssyncset.done @!p0 $0x0  }
0x1bd: {  	s16 =	simm.s32 $0x1A4F0;
	[sflag:s14] =	ssyncadd.s32 @!p0 $0xFFFFF000;
	s14 =	simm.s32 $0xFFFFFFFE  }
.LBB2_7:
0x1be: {  	v7 =	vld [tilespmem:s15+$0xFFFFF660]  }
0x1bf: {  	v8 =	vld [tilespmem:s15+$0xFFFFF670]  }
0x1c0: {  	v9 =	vld [tilespmem:s15+$0xFFFFF680]  }
0x1c1: {  	v10 =	vld [tilespmem:s15+$0xFFFFF6D0]  }
0x1c2: {  	v11 =	vld [tilespmem:s15+$0xFFFFF6E0]  }
0x1c3: {  	v12 =	vld [tilespmem:s15+$0xFFFFF6F0]  }
0x1c4: {  	v13 =	vld [tilespmem:s15+$0xFFFFF700]  }
0x1c5: {  	v14 =	vld [tilespmem:s15+$0xFFFFF750]  }
0x1c6: {  	v15 =	vld [tilespmem:s15+$0xFFFFF760]  }
0x1c7: {  	v16 =	vld [tilespmem:s15+$0xFFFFF770]  }
0x1c8: {  	v17 =	vld [tilespmem:s15+$0xFFFFF780]  }
0x1c9: {  	v18 =	vld [tilespmem:s15+$0xFFFFF7D0]  }
0x1ca: {  	v19 =	vld [tilespmem:s15+$0xFFFFF7E0]  }
0x1cb: {  	s17 =	sadd.s32 s14, s9;
	v20 =	vld [tilespmem:s15+$0xFFFFF7F0]  }
0x1cc: {  	v21 =	vld [tilespmem:s15+$0xFFFFF800];
	s17 =	sshll.u32 s17, $0x5  }
0x1cd: {  	v22 =	vld [tilespmem:s15+$0xFFFFF850];
	s18 =	sadd.s32 $0x440, s17  }
0x1ce: {  	v23 =	vld [tilespmem:s15+$0xFFFFF860];
	v4 =	vor.u32 s18, v2  }
0x1cf: {  	v24 =	vld [tilespmem:s15+$0xFFFFF870]  }
0x1d0: {  	v25 =	vld [tilespmem:s15+$0xFFFFF880]  }
0x1d1: {  	v26 =	vld [tilespmem:s15+$0xFFFFF8D0];
	v5 =	vor.u32 s18, v3  }
0x1d2: {  	v27 =	vld [tilespmem:s15+$0xFFFFF8E0]  }
0x1d3: {  	v6 =	vld.idx.msk [tilespmem:v4+s2+$0x0], $0xffff  }
0x1d4: {  	v28 =	vld [tilespmem:s15+$0xFFFFF8F0]  }
0x1d5: {  	v29 =	vld [tilespmem:s15+$0xFFFFF900]  }
0x1d6: {  	v4 =	vld.idx.msk [tilespmem:v5+s2+$0x0], $0xffff  }
0x1d7: {  	v5 =	vld [tilespmem:s15+$0xFFFFF650]  }
0x1d8: {  	v30 =	vld [tilespmem:s15+$0xFFFFF950];
	v32 =	vbroadcast v6, $0x0;
	v35 =	vbroadcast v6, $0x1  }
0x1d9: {  	v31 =	vld [tilespmem:s15+$0xFFFFF960];
	v39 =	vbroadcast v6, $0x2;
	v61 =	vbroadcast v6, $0x3  }
0x1da: {  	v33 =	vld [tilespmem:s15+$0xFFFFF970];
	v43 =	vbroadcast v6, $0x4;
	v46 =	vbroadcast v6, $0x5  }
0x1db: {  	v34 =	vld [tilespmem:s15+$0xFFFFF980];
	v51 =	vbroadcast v6, $0x6;
	v57 =	vbroadcast v6, $0x7  }
0x1dc: {  	v36 =	vld [tilespmem:s15+$0xFFFFF9D0];
	v5 =	vmul.f32 v5, v32;
	v7 =	vmul.f32 v7, v32  }
0x1dd: {  	v37 =	vld [tilespmem:s15+$0xFFFFF9E0];
	v8 =	vmul.f32 v8, v32;
	v10 =	vmul.f32 v10, v35  }
0x1de: {  	v38 =	vld [tilespmem:s15+$0xFFFFF9F0];
	v11 =	vmul.f32 v11, v35;
	v12 =	vmul.f32 v12, v35  }
0x1df: {  	v40 =	vld [tilespmem:s15+$0xFFFFFA00];
	v9 =	vmul.f32 v9, v32;
	v58 =	vmul.f32 v13, v35  }
0x1e0: {  	v52 =	vld [tilespmem:$0x1B440];
	v59 =	vmul.f32 v14, v39;
	v60 =	vmul.f32 v15, v39  }
0x1e1: {  	v54 =	vld [tilespmem:$0x1B450];
	v62 =	vmul.f32 v16, v39;
	v63 =	vmul.f32 v17, v39  }
0x1e2: {  	v13 =	vld [tilespmem:s15+$0xFFFFFA50];
	v39 =	vmul.f32 v18, v61;
	v41 =	vmul.f32 v19, v61  }
0x1e3: {  	v15 =	vld [tilespmem:s15+$0xFFFFFA70];
	v42 =	vmul.f32 v20, v61;
	v14 =	vmul.f32 v21, v61  }
0x1e4: {  	v17 =	vld [tilespmem:s15+$0xFFFFFA80];
	v44 =	vmul.f32 v22, v43;
	v45 =	vmul.f32 v23, v43  }
0x1e5: {  	v19 =	vld [tilespmem:s15+$0xFFFFFAD0];
	v47 =	vmul.f32 v24, v43;
	v20 =	vmul.f32 v25, v43  }
0x1e6: {  	v32 =	vld [tilespmem:s15+$0xFFFFFAE0];
	v48 =	vmul.f32 v26, v46;
	v49 =	vmul.f32 v27, v46  }
0x1e7: {  	v16 =	vld [tilespmem:$0x1B400];
	v50 =	vmul.f32 v28, v46;
	v53 =	vmul.f32 v29, v46  }
0x1e8: {  	v21 =	vld [tilespmem:$0x1B410];
	v55 =	vmul.f32 v30, v51;
	v56 =	vmul.f32 v31, v51  }
0x1e9: {  	v22 =	vld [tilespmem:$0x1B420];
	v25 =	vmul.f32 v34, v51;
	v35 =	vmul.f32 v40, v57  }
0x1ea: {  	v24 =	vld [tilespmem:$0x1B430];
	v43 =	vbroadcast v4, $0x0;
	v46 =	vbroadcast v4, $0x1;
	v5 =	vadd.f32 v10, v5  }
0x1eb: {  	v27 =	vld [tilespmem:$0x1B470];
	v7 =	vadd.f32 v11, v7;
	v9 =	vadd.f32 v58, v9;
	v58 =	vmul.f32 v33, v51  }
0x1ec: {  	v28 =	vld [tilespmem:$0x1B480];
	v8 =	vadd.f32 v12, v8;
	v52 =	vmul.f32 v52, v46;
	v54 =	vmul.f32 v54, v46  }
0x1ed: {  	v61 =	vld [tilespmem:$0x1B490];
	v5 =	vadd.f32 v59, v5;
	v7 =	vadd.f32 v60, v7;
	v59 =	vmul.f32 v36, v57  }
0x1ee: {  	v34 =	vld [tilespmem:$0x1B570];
	v8 =	vadd.f32 v62, v8;
	v60 =	vmul.f32 v37, v57;
	v62 =	vmul.f32 v38, v57  }
0x1ef: {  	v12 =	vld [tilespmem:s15+$0xFFFFFA60];
	v9 =	vadd.f32 v63, v9;
	v63 =	vbroadcast v6, $0x8;
	v6 =	vbroadcast v6, $0x9  }
0x1f0: {  	v33 =	vld [tilespmem:$0x1B4A0];
	v51 =	vmul.f32 v22, v43;
	v24 =	vmul.f32 v24, v43;
	v10 =	vadd.f32 v39, v5  }
0x1f1: {  	v36 =	vld [tilespmem:$0x1B4B0];
	v7 =	vadd.f32 v41, v7;
	v8 =	vadd.f32 v42, v8;
	v37 =	vmul.f32 v13, v63  }
0x1f2: {  	v38 =	vld [tilespmem:$0x1B4C0];
	v9 =	vadd.f32 v14, v9;
	v40 =	vmul.f32 v15, v63;
	v41 =	vmul.f32 v17, v63  }
0x1f3: {  	v5 =	vld [tilespmem:s15+$0xFFFFFAF0];
	v19 =	vmul.f32 v19, v6;
	v10 =	vadd.f32 v44, v10;
	v7 =	vadd.f32 v45, v7  }
0x1f4: {  	v57 =	vld [tilespmem:$0x1B540];
	v12 =	vmul.f32 v12, v63;
	v8 =	vadd.f32 v47, v8;
	v9 =	vadd.f32 v20, v9  }
0x1f5: {  	v39 =	vld [tilespmem:$0x1B4D0];
	v45 =	vmul.f32 v32, v6;
	v32 =	vbroadcast v4, $0x8;
	v10 =	vadd.f32 v48, v10  }
0x1f6: {  	v20 =	vld [tilespmem:$0x1B460];
	v7 =	vadd.f32 v49, v7;
	v8 =	vadd.f32 v50, v8;
	v48 =	vmul.f32 v16, v43  }
0x1f7: {  	v42 =	vld [tilespmem:$0x1B4E0];
	v9 =	vadd.f32 v53, v9;
	v49 =	vmul.f32 v21, v43;
	v43 =	vbroadcast v4, $0x5  }
0x1f8: {  	v63 =	vld [tilespmem:$0x1B560];
	v5 =	vmul.f32 v5, v6;
	v10 =	vadd.f32 v55, v10;
	v7 =	vadd.f32 v56, v7  }
0x1f9: {  	v44 =	vld [tilespmem:$0x1B4F0];
	v8 =	vadd.f32 v58, v8;
	v9 =	vadd.f32 v25, v9;
	v55 =	vbroadcast v4, $0x2  }
0x1fa: {  	v47 =	vld [tilespmem:$0x1B500];
	v58 =	vmul.f32 v27, v46;
	v21 =	vmul.f32 v57, v43;
	v10 =	vadd.f32 v59, v10  }
0x1fb: {  	v50 =	vld [tilespmem:$0x1B510];
	v20 =	vmul.f32 v20, v46;
	v7 =	vadd.f32 v60, v7;
	v8 =	vadd.f32 v62, v8  }
0x1fc: {  	v53 =	vld [tilespmem:$0x1B520];
	v9 =	vadd.f32 v35, v9;
	v59 =	vmul.f32 v28, v55;
	v61 =	vmul.f32 v61, v55  }
0x1fd: {  	v56 =	vld [tilespmem:$0x1B530];
	v62 =	vbroadcast v4, $0x3;
	v15 =	vadd.f32 v58, v24;
	v33 =	vmul.f32 v33, v55  }
0x1fe: {  	v46 =	vld [tilespmem:$0x1B5D0];
	v18 =	vmul.f32 v36, v55;
	v36 =	vbroadcast v4, $0x4;
	v10 =	vadd.f32 v37, v10  }
0x1ff: {  	v60 =	vld [tilespmem:$0x1B550];
	v58 =	vbroadcast v4, $0x7;
	v12 =	vadd.f32 v12, v7;
	v8 =	vadd.f32 v40, v8  }
0x200: {  	v35 =	vld [tilespmem:$0x1B580];
	v7 =	vadd.f32 v41, v9;
	v13 =	vmul.f32 v38, v62;
	v14 =	vmul.f32 v39, v62  }
0x201: {  	v9 =	vadd.f32 v52, v48;
	v37 =	vld [tilespmem:$0x1B590];
	v38 =	vmul.f32 v42, v62;
	v40 =	vmul.f32 v44, v62  }
0x202: {  	v15 =	vadd.f32 v18, v15;
	v39 =	vld [tilespmem:$0x1B5A0];
	v41 =	vmul.f32 v47, v36;
	v16 =	vmul.f32 v50, v36  }
0x203: {  	v42 =	vld [tilespmem:$0x1B5B0];
	v50 =	vbroadcast v4, $0x6;
	v52 =	vmul.f32 v63, v43;
	v10 =	vadd.f32 v19, v10  }
0x204: {  	v44 =	vld [tilespmem:$0x1B5C0];
	v47 =	vmul.f32 v56, v36;
	v11 =	vadd.f32 v45, v12;
	v12 =	vadd.f32 v54, v49  }
0x205: {  	v48 =	vld [tilespmem:$0x1B5E0];
	v19 =	vadd.f32 v20, v51;
	v9 =	vadd.f32 v59, v9;
	v45 =	vmul.f32 v53, v36  }
0x206: {  	v56 =	vld [tilespmem:$0x1B610];
	v54 =	vmul.f32 v34, v43;
	v31 =	vmul.f32 v46, v58;
	v5 =	vadd.f32 v5, v8  }
0x207: {  	v53 =	vld [tilespmem:$0x1B600];
	v49 =	vmul.f32 v60, v43;
	v55 =	vmul.f32 v35, v50;
	v12 =	vadd.f32 v61, v12  }
0x208: {  	v46 =	vld [tilespmem:s15+$0xFFFFFB00];
	v19 =	vadd.f32 v33, v19;
	v57 =	vmul.f32 v37, v50;
	v60 =	vmul.f32 v39, v50  }
0x209: {  	v51 =	vld [tilespmem:$0x1B5F0];
	v9 =	vadd.f32 v13, v9;
	v62 =	vmul.f32 v42, v50;
	v63 =	vmul.f32 v44, v58  }
0x20a: {  	v30 =	vld [tilespmem:$0x1B640];
	v34 =	vmul.f32 v48, v58;
	v37 =	vbroadcast v4, $0x9;
	v12 =	vadd.f32 v14, v12  }
0x20b: {  	v59 =	vld [tilespmem:$0x1B620];
	v4 =	vbroadcast v4, $0xA;
	v13 =	vadd.f32 v38, v19;
	v14 =	vadd.f32 v40, v15  }
0x20c: {  	v35 =	vld [tilespmem:$0x1B680];
	v9 =	vadd.f32 v41, v9;
	v20 =	vmul.f32 v56, v32;
	v36 =	vmul.f32 v53, v32  }
0x20d: {  	v33 =	vld [tilespmem:$0x1B650];
	v6 =	vmul.f32 v46, v6;
	v12 =	vadd.f32 v16, v12;
	v13 =	vadd.f32 v45, v13  }
0x20e: {  	v61 =	vld [tilespmem:$0x1B630];
	v39 =	vmul.f32 v51, v58;
	v14 =	vadd.f32 v47, v14;
	v9 =	vadd.f32 v21, v9  }
0x20f: {  	v42 =	vld [tilespmem:$0x1B670];
	v41 =	vmul.f32 v30, v37;
	v6 =	vadd.f32 v6, v7;
	v12 =	vadd.f32 v49, v12  }
0x210: {  	v38 =	vld [tilespmem:$0x1B660];
	v43 =	vmul.f32 v59, v32;
	v13 =	vadd.f32 v52, v13;
	v9 =	vadd.f32 v55, v9  }
0x211: {  	v40 =	vld [tilespmem:$0x1B690];
	v47 =	vmul.f32 v35, v4;
	v14 =	vadd.f32 v54, v14;
	v12 =	vadd.f32 v57, v12  }
0x212: {  	v44 =	vmul.f32 v33, v37;
	v13 =	vadd.f32 v60, v13;
	v9 =	vadd.f32 v63, v9  }
0x213: {  	v45 =	vld [tilespmem:$0x1B6A0];
	v48 =	vmul.f32 v61, v32;
	v14 =	vadd.f32 v62, v14;
	v12 =	vadd.f32 v31, v12  }
0x214: {  	v49 =	vld [tilespmem:$0x1B6B0];
	v52 =	vmul.f32 v42, v37;
	v13 =	vadd.f32 v34, v13;
	v9 =	vadd.f32 v36, v9  }
0x215: {  	v50 =	vmul.f32 v38, v37;
	v14 =	vadd.f32 v39, v14;
	v12 =	vadd.f32 v20, v12  }
0x216: {  	s17 =	sadd.s32 $0x460, s17;
	[tilespmem:s16+$0xFFFFFF10] =	vst v10;
	v51 =	vmul.f32 v40, v4;
	v9 =	vadd.f32 v41, v9;
	v13 =	vadd.f32 v43, v13  }
0x217: {  	[tilespmem:s16+$0xFFFFFF20] =	vst v11;
	v57 =	vor.u32 s17, v2;
	v14 =	vadd.f32 v48, v14;
	v12 =	vadd.f32 v44, v12  }
0x218: {  	[tilespmem:s16+$0xFFFFFF30] =	vst v5;
	v54 =	vmul.f32 v45, v4;
	v9 =	vadd.f32 v47, v9;
	v53 =	vadd.f32 v50, v13  }
0x219: {  	[tilespmem:s16+$0xFFFFFF40] =	vst v6;
	v4 =	vmul.f32 v49, v4;
	v55 =	vadd.f32 v52, v14;
	v12 =	vadd.f32 v51, v12  }
0x21a: {  	v5 =	vor.u32 s17, v3;
	[tilespmem:s16+$0xFFFFFF50] =	vst v9;
	v56 =	vadd.f32 v54, v53  }
0x21b: {  	v4 =	vadd.f32 v4, v55;
	[tilespmem:s16+$0xFFFFFF60] =	vst v12  }
0x21c: {  	[tilespmem:s16+$0xFFFFFF70] =	vst v56  }
0x21d: {  	[tilespmem:s16+$0xFFFFFF80] =	vst v4  }
0x21e: {  	v6 =	vld.idx.msk [tilespmem:v57+s2+$0x0], $0xffff  }
0x21f: {  	v4 =	vld.idx.msk [tilespmem:v5+s2+$0x0], $0xffff  }
0x220: {  	v5 =	vld [tilespmem:s15+$0xFFFFFB50]  }
0x221: {  	v58 =	vld [tilespmem:s15+$0xFFFFFB60]  }
0x222: {  	v59 =	vld [tilespmem:s15+$0xFFFFFB70]  }
0x223: {  	v9 =	vld [tilespmem:s15+$0xFFFFFB80]  }
0x224: {  	v60 =	vld [tilespmem:s15+$0xFFFFFBD0]  }
0x225: {  	v11 =	vld [tilespmem:s15+$0xFFFFFBE0]  }
0x226: {  	v12 =	vld [tilespmem:s15+$0xFFFFFBF0]  }
0x227: {  	v61 =	vld [tilespmem:s15+$0xFFFFFC00]  }
0x228: {  	v62 =	vld [tilespmem:s15+$0xFFFFFC50]  }
0x229: {  	v63 =	vld [tilespmem:s15+$0xFFFFFC60]  }
0x22a: {  	v44 =	vld [tilespmem:s15+$0xFFFFFC70]  }
0x22b: {  	v45 =	vld [tilespmem:s15+$0xFFFFFC80]  }
0x22c: {  	v46 =	vld [tilespmem:s15+$0xFFFFFCD0]  }
0x22d: {  	v47 =	vld [tilespmem:s15+$0xFFFFFCE0]  }
0x22e: {  	v48 =	vld [tilespmem:s15+$0xFFFFFCF0]  }
0x22f: {  	v49 =	vld [tilespmem:s15+$0xFFFFFD00]  }
0x230: {  	v50 =	vld [tilespmem:s15+$0xFFFFFD50]  }
0x231: {  	v51 =	vld [tilespmem:s15+$0xFFFFFD60]  }
0x232: {  	v52 =	vld [tilespmem:s15+$0xFFFFFD70]  }
0x233: {  	v53 =	vld [tilespmem:s15+$0xFFFFFD80]  }
0x234: {  	v54 =	vld [tilespmem:s15+$0xFFFFFDD0]  }
0x235: {  	v55 =	vld [tilespmem:s15+$0xFFFFFDE0]  }
0x236: {  	v28 =	vld [tilespmem:s15+$0xFFFFFDF0]  }
0x237: {  	v29 =	vld [tilespmem:s15+$0xFFFFFE00]  }
0x238: {  	v30 =	vld [tilespmem:s15+$0xFFFFFE50]  }
0x239: {  	v31 =	vld [tilespmem:s15+$0xFFFFFE60];
	v56 =	vbroadcast v6, $0x0  }
0x23a: {  	v32 =	vld [tilespmem:s15+$0xFFFFFE70]  }
0x23b: {  	v34 =	vld [tilespmem:s15+$0xFFFFFE80];
	v57 =	vbroadcast v6, $0x1;
	v5 =	vmul.f32 v5, v56  }
0x23c: {  	v36 =	vld [tilespmem:s15+$0xFFFFFED0];
	v7 =	vmul.f32 v58, v56;
	v8 =	vmul.f32 v59, v56  }
0x23d: {  	v37 =	vld [tilespmem:s15+$0xFFFFFEE0];
	v10 =	vmul.f32 v60, v57;
	v11 =	vmul.f32 v11, v57  }
0x23e: {  	v38 =	vld [tilespmem:s15+$0xFFFFFEF0];
	v58 =	vbroadcast v6, $0x2;
	v9 =	vmul.f32 v9, v56  }
0x23f: {  	v40 =	vld [tilespmem:s15+$0xFFFFFF00];
	v59 =	vmul.f32 v12, v57;
	v60 =	vmul.f32 v61, v57  }
0x240: {  	v14 =	vld [tilespmem:s15+$0xFFFFFF60];
	v61 =	vmul.f32 v62, v58;
	v62 =	vmul.f32 v63, v58  }
0x241: {  	v33 =	vld [tilespmem:s15+$0xFFFFFF70];
	v63 =	vbroadcast v6, $0x3;
	v35 =	vmul.f32 v44, v58  }
0x242: {  	v13 =	vld [tilespmem:s15+$0xFFFFFF80];
	v41 =	vmul.f32 v45, v58;
	v44 =	vbroadcast v6, $0x4  }
0x243: {  	v17 =	vld [tilespmem:s15+$0xFFFFFFD0];
	v42 =	vmul.f32 v46, v63;
	v43 =	vmul.f32 v47, v63  }
0x244: {  	v19 =	vld [tilespmem:s15+$0xFFFFFFE0];
	v5 =	vadd.f32 v10, v5;
	v46 =	vmul.f32 v48, v63;
	v47 =	vmul.f32 v49, v63  }
0x245: {  	v20 =	vld [tilespmem:$0x1B400];
	v7 =	vadd.f32 v11, v7;
	v48 =	vmul.f32 v50, v44;
	v49 =	vmul.f32 v51, v44  }
0x246: {  	v22 =	vld [tilespmem:$0x1B410];
	v8 =	vadd.f32 v59, v8;
	v50 =	vbroadcast v6, $0x5;
	v51 =	vmul.f32 v52, v44  }
0x247: {  	v15 =	vld [tilespmem:$0x1B420];
	v5 =	vadd.f32 v61, v5;
	v52 =	vmul.f32 v53, v44;
	v61 =	vbroadcast v6, $0x7  }
0x248: {  	v23 =	vld [tilespmem:$0x1B430];
	v9 =	vadd.f32 v60, v9;
	v53 =	vmul.f32 v54, v50;
	v54 =	vmul.f32 v55, v50  }
0x249: {  	v18 =	vld [tilespmem:$0x1B450];
	v7 =	vadd.f32 v62, v7;
	v55 =	vbroadcast v6, $0x6;
	v57 =	vmul.f32 v28, v50  }
0x24a: {  	v26 =	vld [tilespmem:$0x1B460];
	v8 =	vadd.f32 v35, v8;
	v58 =	vmul.f32 v29, v50;
	v35 =	vmul.f32 v36, v61  }
0x24b: {  	v12 =	vld [tilespmem:s15+$0xFFFFFF50];
	v9 =	vadd.f32 v41, v9;
	v36 =	vmul.f32 v37, v61;
	v37 =	vbroadcast v6, $0x8  }
0x24c: {  	v56 =	vld [tilespmem:$0x1B440];
	v45 =	vadd.f32 v42, v5;
	v39 =	vmul.f32 v38, v61;
	v42 =	vmul.f32 v40, v61  }
0x24d: {  	v63 =	vld [tilespmem:$0x1B480];
	v9 =	vadd.f32 v47, v9;
	v6 =	vbroadcast v6, $0x9;
	v47 =	vbroadcast v4, $0x0  }
0x24e: {  	v41 =	vld [tilespmem:$0x1B4B0];
	v50 =	vbroadcast v4, $0x1;
	v59 =	vmul.f32 v30, v55  }
0x24f: {  	v44 =	vld [tilespmem:$0x1B4D0];
	v7 =	vadd.f32 v43, v7;
	v60 =	vmul.f32 v31, v55;
	v62 =	vmul.f32 v32, v55  }
0x250: {  	v5 =	vld [tilespmem:s15+$0xFFFFFFF0];
	v8 =	vadd.f32 v46, v8;
	v34 =	vmul.f32 v34, v55;
	v12 =	vmul.f32 v12, v37  }
0x251: {  	v28 =	vld [tilespmem:$0x1B470];
	v10 =	vadd.f32 v48, v45;
	v14 =	vmul.f32 v14, v37;
	v45 =	vmul.f32 v33, v37  }
0x252: {  	v29 =	vld [tilespmem:$0x1B490];
	v7 =	vadd.f32 v49, v7;
	v46 =	vmul.f32 v17, v6;
	v49 =	vmul.f32 v19, v6  }
0x253: {  	v43 =	vld [tilespmem:$0x1B4C0];
	v9 =	vadd.f32 v52, v9;
	v52 =	vmul.f32 v20, v47;
	v55 =	vmul.f32 v15, v47  }
0x254: {  	v38 =	vld [tilespmem:$0x1B560];
	v8 =	vadd.f32 v51, v8;
	v56 =	vmul.f32 v56, v50;
	v17 =	vmul.f32 v23, v47  }
0x255: {  	v40 =	vld [tilespmem:$0x1B570];
	v61 =	vmul.f32 v26, v50;
	v10 =	vadd.f32 v53, v10;
	v7 =	vadd.f32 v54, v7  }
0x256: {  	v31 =	vld [tilespmem:$0x1B4A0];
	v8 =	vadd.f32 v57, v8;
	v9 =	vadd.f32 v58, v9;
	v53 =	vmul.f32 v22, v47  }
0x257: {  	v48 =	vld [tilespmem:$0x1B4F0];
	v58 =	vmul.f32 v18, v50;
	v15 =	vadd.f32 v56, v52;
	v52 =	vbroadcast v4, $0x5  }
0x258: {  	v51 =	vld [tilespmem:$0x1B500];
	v19 =	vmul.f32 v28, v50;
	v10 =	vadd.f32 v59, v10;
	v7 =	vadd.f32 v60, v7  }
0x259: {  	v33 =	vld [tilespmem:$0x1B610];
	v8 =	vadd.f32 v62, v8;
	v9 =	vadd.f32 v34, v9;
	v59 =	vbroadcast v4, $0x2  }
0x25a: {  	v54 =	vld [tilespmem:$0x1B510];
	v5 =	vmul.f32 v5, v6;
	v17 =	vadd.f32 v19, v17;
	v10 =	vadd.f32 v35, v10  }
0x25b: {  	v57 =	vld [tilespmem:$0x1B520];
	v16 =	vadd.f32 v39, v8;
	v8 =	vmul.f32 v13, v37;
	v63 =	vmul.f32 v63, v59  }
0x25c: {  	v47 =	vld [tilespmem:$0x1B5A0];
	v11 =	vadd.f32 v36, v7;
	v36 =	vmul.f32 v29, v59;
	v37 =	vbroadcast v4, $0x3  }
0x25d: {  	v50 =	vld [tilespmem:$0x1B5B0];
	v7 =	vadd.f32 v42, v9;
	v39 =	vmul.f32 v31, v59;
	v41 =	vmul.f32 v41, v59  }
0x25e: {  	v60 =	vld [tilespmem:$0x1B530];
	v59 =	vbroadcast v4, $0x6;
	v10 =	vadd.f32 v12, v10;
	v11 =	vadd.f32 v14, v11  }
0x25f: {  	v62 =	vld [tilespmem:$0x1B540];
	v9 =	vadd.f32 v45, v16;
	v14 =	vadd.f32 v58, v53;
	v42 =	vmul.f32 v43, v37  }
0x260: {  	v13 =	vld [tilespmem:$0x1B4E0];
	v12 =	vadd.f32 v61, v55;
	v44 =	vmul.f32 v44, v37;
	v45 =	vbroadcast v4, $0x4  }
0x261: {  	v35 =	vld [tilespmem:$0x1B550];
	v15 =	vadd.f32 v63, v15;
	v48 =	vmul.f32 v48, v37;
	v61 =	vmul.f32 v38, v52  }
0x262: {  	v43 =	vld [tilespmem:$0x1B580];
	v16 =	vadd.f32 v41, v17;
	v63 =	vmul.f32 v40, v52;
	v17 =	vmul.f32 v47, v59  }
0x263: {  	v53 =	vld [tilespmem:$0x1B5C0];
	v38 =	vmul.f32 v50, v59;
	v47 =	vbroadcast v4, $0x9;
	v7 =	vadd.f32 v8, v7  }
0x264: {  	v55 =	vld [tilespmem:$0x1B5D0];
	v23 =	vmul.f32 v62, v52;
	v10 =	vadd.f32 v46, v10;
	v11 =	vadd.f32 v49, v11  }
0x265: {  	v40 =	vld [tilespmem:$0x1B640];
	v14 =	vadd.f32 v36, v14;
	v12 =	vadd.f32 v39, v12;
	v49 =	vmul.f32 v51, v45  }
0x266: {  	v62 =	vld [tilespmem:$0x1B600];
	v15 =	vadd.f32 v42, v15;
	v51 =	vmul.f32 v54, v45;
	v54 =	vmul.f32 v57, v45  }
0x267: {  	v46 =	vld [tilespmem:$0x1B590];
	v16 =	vadd.f32 v48, v16;
	v56 =	vmul.f32 v60, v45;
	v42 =	vbroadcast v4, $0x8  }
0x268: {  	v57 =	vld [tilespmem:$0x1B5E0];
	v5 =	vadd.f32 v5, v9;
	v13 =	vmul.f32 v13, v37;
	v58 =	vmul.f32 v35, v52  }
0x269: {  	v60 =	vld [tilespmem:$0x1B5F0];
	v35 =	vbroadcast v4, $0x7;
	v4 =	vbroadcast v4, $0xA;
	v14 =	vadd.f32 v44, v14  }
0x26a: {  	v36 =	vld [tilespmem:$0x1B620];
	v15 =	vadd.f32 v49, v15;
	v22 =	vmul.f32 v33, v42;
	v32 =	vmul.f32 v43, v59  }
0x26b: {  	v45 =	vld [tilespmem:$0x1B680];
	v12 =	vadd.f32 v13, v12;
	v39 =	vmul.f32 v53, v35;
	v41 =	vmul.f32 v55, v35  }
0x26c: {  	v48 =	vld [tilespmem:$0x1B660];
	v13 =	vadd.f32 v51, v14;
	v14 =	vadd.f32 v56, v16;
	v51 =	vmul.f32 v40, v47  }
0x26d: {  	v55 =	vld [tilespmem:s15+$0x0];
	v15 =	vadd.f32 v23, v15;
	v34 =	vmul.f32 v46, v59;
	v44 =	vmul.f32 v57, v35  }
0x26e: {  	v50 =	vld [tilespmem:$0x1B690];
	v12 =	vadd.f32 v54, v12;
	v46 =	vmul.f32 v62, v42;
	v49 =	vmul.f32 v60, v35  }
0x26f: {  	v37 =	vld [tilespmem:$0x1B630];
	v53 =	vmul.f32 v36, v42;
	v13 =	vadd.f32 v58, v13;
	v15 =	vadd.f32 v32, v15  }
0x270: {  	v43 =	vld [tilespmem:$0x1B650];
	v20 =	vmul.f32 v45, v4;
	v14 =	vadd.f32 v63, v14;
	v12 =	vadd.f32 v61, v12  }
0x271: {  	v52 =	vld [tilespmem:$0x1B670];
	v57 =	vmul.f32 v48, v47;
	v13 =	vadd.f32 v34, v13;
	v15 =	vadd.f32 v39, v15  }
0x272: {  	v54 =	vld [tilespmem:$0x1B6A0];
	v14 =	vadd.f32 v38, v14;
	v6 =	vmul.f32 v55, v6;
	v12 =	vadd.f32 v17, v12  }
0x273: {  	v59 =	vmul.f32 v50, v4;
	v58 =	vld [tilespmem:$0x1B6B0];
	v13 =	vadd.f32 v41, v13;
	v15 =	vadd.f32 v46, v15  }
0x274: {  	v56 =	vmul.f32 v37, v42;
	v14 =	vadd.f32 v49, v14;
	v6 =	vadd.f32 v6, v7  }
0x275: {  	v26 =	vmul.f32 v43, v47;
	v12 =	vadd.f32 v44, v12;
	v13 =	vadd.f32 v22, v13  }
0x276: {  	[tilespmem:s16+$0xFFFFFF90] =	vst v10;
	v60 =	vmul.f32 v52, v47;
	v15 =	vadd.f32 v51, v15;
	v14 =	vadd.f32 v56, v14  }
0x277: {  	s14 =	sadd.s32 $0x2, s14;
	[tilespmem:s16+$0xFFFFFFA0] =	vst v11;
	v61 =	vmul.f32 v54, v4;
	v12 =	vadd.f32 v53, v12;
	v13 =	vadd.f32 v26, v13  }
0x278: {  	p0 =	slt.u32 s14, $0x1E;
	[tilespmem:s16+$0xFFFFFFB0] =	vst v5;
	v4 =	vmul.f32 v58, v4;
	v15 =	vadd.f32 v20, v15;
	v62 =	vadd.f32 v60, v14  }
.Ltmp2:
0x279: {  	[tilespmem:s16+$0xFFFFFFC0] =	vst v6;
	v12 =	vadd.f32 v57, v12;
	v13 =	vadd.f32 v59, v13;
	(pc) =	sbr.rel @p0 .LBB2_7-.Ltmp2, $4  }
0x27a: {  	[tilespmem:s16+$0xFFFFFFD0] =	vst v15;
	v4 =	vadd.f32 v4, v62  }
0x27b: {  	v63 =	vadd.f32 v61, v12;
	[tilespmem:s16+$0xFFFFFFE0] =	vst v13  }
0x27c: {  	[tilespmem:s16+$0x0] =	vst v4  }
0x27d: {  	s15 =	sadd.s32 $0xA00, s15;
	[tilespmem:s16+$0xFFFFFFF0] =	vst v63;
	s16 =	sadd.s32 $0x100, s16  }
0x27e: {  	s11 =	sadd.s32 $0x1, s11  }
0x27f: {  	p0 =	sne.s32 s11, $0x8  }
.Ltmp3:
0x280: {  	_ = 	snop;
	(pc) =	sbr.rel @p0 .LBB2_4-.Ltmp3, $4  }
0x281: {  	_ = 	snop  }
0x282: {  	s12 =	sshll.u32 s12, $0x9  }
0x283: {  	s9 =	sadd.s32 $0x40, s9;
	s12 =	sadd.s32 s12, s6  }
0x284: {  	[hbm4b:s12+s2] =	stream.linear.scatter [tilespmem:s30], [sflag:$0x4], $0x1000, $0x38;
	[tilespmem:$0x1B6C0] =	vst v63  }
0x285: {  	s0 =	sadd.s32 $0x1, s0  }
0x286: {  	_ =	swait.ge [sflag:s31], $0x1000;
	p0 =	sne.s32 s0, s7  }
.Ltmp4:
0x287: {  	[sflag:s31] =	ssyncset.done $0x0;
	(pc) =	sbr.rel @p0 .LBB2_1-.Ltmp4, $4  }
0x288: {  	[sflag:s31] =	ssyncadd.s32 $0xFFFFF000  }
0x289: {  	_ =	swait.ge [sflag:s1], $0x1000  }
0x28a: {  	[sflag:s1] =	ssyncset.done $0x0  }
0x28b: {  	[sflag:s1] =	ssyncadd.s32 $0xFFFFF000  }
0x28c: {  	_ =	sfence.sel $0x180000  }
0x28d: {  	[bflag:$0x0] =	sbarrier.arrive $0xFFFF  }
0x28e: {  	_ =	strace $0x90000047  }
0x28f: {  	s0 =	stileid.u32;
	[bflag:$0x2] =	sbarrier.arrive $0xFFFF  }
0x290: {  	p0 =	sne.s32 s0, $0x0;
	s0 =	rddreg [dreg:$0x2]  }
0x291: {  	s0 =	sadd.s32 @!p0 $0x100000, s0  }
0x292: {  	[sflag:s0] =	ssyncadd.tile.s32 @!p0 $0x1;
	_ =	shalt  }
.Lfunc_end2:
_tile_overlayer_lowered:
.L_overlay_start_2:
0x293: {  	(tag) =	ssettag $0x2  }
0x294: {  	s0 =	rddreg [dreg:$0x0];
	s2 =	stileid.u32  }
0x295: {  	s1 =	rddreg [dreg:$0x1];
	p0 =	sne.s32 s2, $0x0  }
0x296: {  	s3 =	rddreg [dreg:$0x2];
	[bflag:$0x3] =	sbarrier.arrive $0xFFFF;
	s2 =	simm.s32 @!p0 $0x1C05  }
0x297: {  	[timem:s3], [sflag:s2] =	dma.local @!p0 [hbm:s0], s1  }
0x298: {  	s0 =	simm.s32 @!p0 $0x5  }
0x299: {  	_ =	swait.ge @!p0 [sflag:s0], s1  }
0x29a: {  	s1 =	ssub.s32 @!p0 $0x0, s1;
	[sflag:s0] =	ssyncset.done @!p0 $0x0  }
0x29b: {  	[sflag:s0] =	ssyncadd.s32 @!p0 s1  }
0x29c: {  	[bflag:$0x3] =	sbarrier.arrive $0xFFFF  }
0x29d: {  	_ =	shalt  }

</sc_bundles>
